<compile_context>
chip_gen: v7x
topology: tpu7x:2x2x1
jax: 0.10.2.dev20260603
libtpu: 0.0.44.dev20260713+nightly
codegen_flags: <defaults>
</compile_context>

<pallas_src>
import jax
import jax.numpy as jnp
from jax import lax
from jax.experimental import pallas as pl
from jax.experimental.pallas import tpu as pltpu
from jax.experimental.pallas import tpu_sc as plsc

N = 10000
E = 160000
D = 256
DH = 128
NS = 16
N_PAD = 10240
STRIPE = N_PAD // NS
ROWS_PAD = 1280
TRIPS = ROWS_PAD // NS
HALF = TRIPS // 2
BM = 512
GRID_M = -(-N // BM)

_MESH = plsc.VectorSubcoreMesh(core_axis_name="c", subcore_axis_name="s")



def _agg_body(y0, y1, src2d, dst2d, zeros, mode, out0, out1,
              src_v, dst_v, rows_a, rows_b, mode_v, sem_a, sem_b,
              acc):
    cid = lax.axis_index("c")
    sid = lax.axis_index("s")
    stripe = pl.multiple_of(sid * STRIPE, 8)
    rbase = pl.multiple_of(sid * TRIPS, 8)

    pltpu.sync_copy(mode, mode_v)
    pltpu.sync_copy(zeros, acc.at[pl.ds(stripe, STRIPE)])
    plsc.subcore_barrier()
    is_deg = mode_v[...][0] == 1

    def run(y_hbm):
        bufs = (rows_a, rows_b)
        sems = (sem_a, sem_b)
        for h in range(2):
            hbase = pl.multiple_of(rbase + h * HALF, 8)
            pltpu.sync_copy(src2d.at[pl.ds(hbase, HALF)], src_v)
            pltpu.sync_copy(dst2d.at[pl.ds(hbase, HALF)], dst_v)
            pltpu.async_copy(y_hbm.at[src_v.at[0]], bufs[0], sems[0])

            def body(i, carry):
                for b in range(2):
                    t = 2 * i + b

                    @pl.when(t + 1 < HALF)
                    def _():
                        pltpu.async_copy(y_hbm.at[src_v.at[t + 1]],
                                         bufs[1 - b], sems[1 - b])

                    pltpu.make_async_copy(y_hbm.at[src_v.at[t]],
                                          bufs[b], sems[b]).wait()
                    pltpu.sync_copy(bufs[b], acc.at[dst_v.at[t]], add=True)
                return carry

            lax.fori_loop(0, HALF // 2, body, 0)

    @pl.when(is_deg)
    def _():
        wid = sid * 2 + cid
        wbase = pl.multiple_of(wid * (ROWS_PAD // 32), 8)
        pltpu.sync_copy(y0.at[pl.ds(0, DH)], rows_a)
        pltpu.sync_copy(dst2d.at[pl.ds(wbase, ROWS_PAD // 32)], dst_v)

        def body(i, carry):
            pltpu.sync_copy(rows_a, acc.at[dst_v.at[i]], add=True)
            return carry

        lax.fori_loop(0, ROWS_PAD // 32, body, 0)

    @pl.when(jnp.logical_and(jnp.logical_not(is_deg), cid == 0))
    def _():
        run(y0)

    @pl.when(jnp.logical_and(jnp.logical_not(is_deg), cid == 1))
    def _():
        run(y1)

    plsc.subcore_barrier()

    @pl.when(cid == 0)
    def _():
        pltpu.sync_copy(acc.at[pl.ds(stripe, STRIPE)],
                        out0.at[pl.ds(stripe, STRIPE)])

    @pl.when(cid == 1)
    def _():
        pltpu.sync_copy(acc.at[pl.ds(stripe, STRIPE)],
                        out1.at[pl.ds(stripe, STRIPE)])


_agg_call = pl.kernel(
    _agg_body,
    out_type=[jax.ShapeDtypeStruct((N_PAD, DH), jnp.float32)] * 2,
    mesh=_MESH,
    name="gcn_sc_agg",
    scratch_types=[
        pltpu.VMEM((HALF, DH), jnp.int32),
        pltpu.VMEM((HALF, DH), jnp.int32),
        pltpu.VMEM((DH, DH), jnp.float32),
        pltpu.VMEM((DH, DH), jnp.float32),
        pltpu.VMEM((16,), jnp.int32),
        pltpu.SemaphoreType.DMA,
        pltpu.SemaphoreType.DMA,
        pltpu.VMEM_SHARED((N_PAD, DH), jnp.float32),
    ],
)



def _mm_body(x_ref, w_ref, o_ref):
    o_ref[...] = jnp.dot(x_ref[...], w_ref[...],
                         preferred_element_type=jnp.float32)


_mm_call = pl.pallas_call(
    _mm_body,
    grid=(GRID_M,),
    in_specs=[
        pl.BlockSpec((BM, D), lambda i: (i, 0)),
        pl.BlockSpec((D, D), lambda i: (0, 0)),
    ],
    out_specs=pl.BlockSpec((BM, D), lambda i: (i, 0)),
    out_shape=jax.ShapeDtypeStruct((N, D), jnp.float32),
)


def _scale_body(xw_ref, dg0_ref, dg1_ref, y0_ref, y1_ref, dinv_ref):
    deg = dg0_ref[...][:, 0:1] + dg1_ref[...][:, 0:1]
    dinv1 = lax.rsqrt(deg + 1.0)
    y = xw_ref[...] * dinv1
    y0_ref[...] = y[:, :DH]
    y1_ref[...] = y[:, DH:]
    dinv_ref[...] = jnp.broadcast_to(dinv1, (BM, 16))


_scale_call = pl.pallas_call(
    _scale_body,
    grid=(GRID_M,),
    in_specs=[
        pl.BlockSpec((BM, D), lambda i: (i, 0)),
        pl.BlockSpec((BM, DH), lambda i: (i, 0)),
        pl.BlockSpec((BM, DH), lambda i: (i, 0)),
    ],
    out_specs=[
        pl.BlockSpec((BM, DH), lambda i: (i, 0)),
        pl.BlockSpec((BM, DH), lambda i: (i, 0)),
        pl.BlockSpec((BM, 16), lambda i: (i, 0)),
    ],
    out_shape=[
        jax.ShapeDtypeStruct((N, DH), jnp.float32),
        jax.ShapeDtypeStruct((N, DH), jnp.float32),
        jax.ShapeDtypeStruct((N, 16), jnp.float32),
    ],
)


def _layer2_body(a0_ref, a1_ref, y0_ref, y1_ref, dinv_ref, b1_ref, w2_ref,
                 o0_ref, o1_ref):
    dinv1 = dinv_ref[...][:, 0:1]
    z = jnp.concatenate([a0_ref[...] + y0_ref[...],
                         a1_ref[...] + y1_ref[...]], axis=1)
    h = jnp.maximum(z * dinv1 + b1_ref[...], 0.0)
    y2 = jnp.dot(h, w2_ref[...], preferred_element_type=jnp.float32) * dinv1
    o0_ref[...] = y2[:, :DH]
    o1_ref[...] = y2[:, DH:]


_layer2_call = pl.pallas_call(
    _layer2_body,
    grid=(GRID_M,),
    in_specs=[
        pl.BlockSpec((BM, DH), lambda i: (i, 0)),
        pl.BlockSpec((BM, DH), lambda i: (i, 0)),
        pl.BlockSpec((BM, DH), lambda i: (i, 0)),
        pl.BlockSpec((BM, DH), lambda i: (i, 0)),
        pl.BlockSpec((BM, 16), lambda i: (i, 0)),
        pl.BlockSpec((1, D), lambda i: (0, 0)),
        pl.BlockSpec((D, D), lambda i: (0, 0)),
    ],
    out_specs=[
        pl.BlockSpec((BM, DH), lambda i: (i, 0)),
        pl.BlockSpec((BM, DH), lambda i: (i, 0)),
    ],
    out_shape=[
        jax.ShapeDtypeStruct((N, DH), jnp.float32),
        jax.ShapeDtypeStruct((N, DH), jnp.float32),
    ],
)


def _final_body(a0_ref, a1_ref, y0_ref, y1_ref, dinv_ref, b2_ref, o_ref):
    dinv1 = dinv_ref[...][:, 0:1]
    z = jnp.concatenate([a0_ref[...] + y0_ref[...],
                         a1_ref[...] + y1_ref[...]], axis=1)
    o_ref[...] = z * dinv1 + b2_ref[...]


_final_call = pl.pallas_call(
    _final_body,
    grid=(GRID_M,),
    in_specs=[
        pl.BlockSpec((BM, DH), lambda i: (i, 0)),
        pl.BlockSpec((BM, DH), lambda i: (i, 0)),
        pl.BlockSpec((BM, DH), lambda i: (i, 0)),
        pl.BlockSpec((BM, DH), lambda i: (i, 0)),
        pl.BlockSpec((BM, 16), lambda i: (i, 0)),
        pl.BlockSpec((1, D), lambda i: (0, 0)),
    ],
    out_specs=pl.BlockSpec((BM, D), lambda i: (i, 0)),
    out_shape=jax.ShapeDtypeStruct((N, D), jnp.float32),
)



@jax.jit
def kernel(x, edge_index, W1, b1, W2, b2):
    src = edge_index[0].astype(jnp.int32)
    dst = edge_index[1].astype(jnp.int32)
    pad = ROWS_PAD * DH - E
    src2d = jnp.concatenate([src, jnp.zeros((pad,), jnp.int32)]).reshape(
        ROWS_PAD, DH)
    dst2d = jnp.concatenate([dst, jnp.full((pad,), N, jnp.int32)]).reshape(
        ROWS_PAD, DH)
    zeros = jnp.zeros((STRIPE, DH), jnp.float32)
    dummy = jnp.ones((N, DH), jnp.float32)
    mode_deg = jnp.ones((16,), jnp.int32)
    mode_agg = jnp.zeros((16,), jnp.int32)

    dg0, dg1 = _agg_call(dummy, dummy, src2d, dst2d, zeros,
                         mode_deg)
    xw1 = _mm_call(x, W1)
    y0, y1, dinv16 = _scale_call(xw1, dg0, dg1)
    a0, a1 = _agg_call(y0, y1, src2d, dst2d, zeros,
                       mode_agg)
    z0, z1 = _layer2_call(a0, a1, y0, y1, dinv16,
                          b1.reshape(1, D), W2)
    c0, c1 = _agg_call(z0, z1, src2d, dst2d, zeros,
                       mode_agg)
    return _final_call(c0, c1, z0, z1, dinv16, b2.reshape(1, D))

# --- scband reference (transcript-rebuilt; emitter-appended) ---
"""Pipeline reference for scband-gcn-88338887344525 (READ-ONLY COPY).

The authoritative reference and input builder live on the scoring server;
editing this copy changes nothing except your own understanding.
"""

import jax, jax.numpy as jnp
import numpy as np

N = 10000
E = 160000
D_IN = 256
D_HID = 256
D_OUT = 256


def setup_inputs(seed: int = 0) -> dict:
    key = jax.random.key(seed)
    k1, k2, k3, k4, k5, k6 = jax.random.split(key, 6)
    x = jax.random.normal(k1, (N, D_IN), dtype=jnp.float32)
    edge_index = jax.random.randint(k2, (2, E), 0, N)
    W1 = jax.random.normal(k3, (D_IN, D_HID), dtype=jnp.float32) * (1.0 / np.sqrt(D_IN))
    b1 = jnp.zeros((D_HID,), dtype=jnp.float32)
    W2 = jax.random.normal(k4, (D_HID, D_OUT), dtype=jnp.float32) * (1.0 / np.sqrt(D_HID))
    b2 = jnp.zeros((D_OUT,), dtype=jnp.float32)
    return {"x": x, "edge_index": edge_index, "W1": W1, "b1": b1, "W2": W2, "b2": b2}


def _gcn_conv(x, W, b, edge_index):
    # PyG GCNConv: D^{-1/2} (A + I) D^{-1/2} X W + b
    n = x.shape[0]
    src = edge_index[0]
    dst = edge_index[1]
    loop = jnp.arange(n, dtype=src.dtype)
    src = jnp.concatenate([src, loop])
    dst = jnp.concatenate([dst, loop])
    deg = jax.ops.segment_sum(jnp.ones(src.shape[0], dtype=x.dtype), dst, num_segments=n)
    dinv = jnp.where(deg > 0, 1.0 / jnp.sqrt(deg), 0.0)
    norm = dinv[src] * dinv[dst]
    xw = x @ W
    msg = xw[src] * norm[:, None]
    out = jax.ops.segment_sum(msg, dst, num_segments=n)
    return out + b


def reference(x, edge_index, W1, b1, W2, b2):
    h = jax.nn.relu(_gcn_conv(x, W1, b1, edge_index))
    # dropout(p=0.2) is identity in eval mode (self.training=False)
    out = _gcn_conv(h, W2, b2, edge_index)
    return out

if __name__ == "__main__":
    import jax
    _d = setup_inputs()
    print(jax.jit(kernel)(*tuple(_d.values())))

</pallas_src>

<mosaic_0001>
#map = affine_map<(d0, d1) -> (0, 0)>
#map1 = affine_map<(d0, d1) -> (0)>
module attributes {stable_mosaic.version = 14 : i64} {
  func.func @gcn_sc_agg(%arg0: i32, %arg1: i32, %arg2: memref<10000x128xf32, #tpu.memory_space<hbm>>, %arg3: memref<10000x128xf32, #tpu.memory_space<hbm>>, %arg4: memref<1280x128xi32, #tpu.memory_space<hbm>>, %arg5: memref<1280x128xi32, #tpu.memory_space<hbm>>, %arg6: memref<640x128xf32, #tpu.memory_space<hbm>>, %arg7: memref<16xi32, #tpu.memory_space<hbm>>, %arg8: memref<10240x128xf32, #tpu.memory_space<hbm>>, %arg9: memref<10240x128xf32, #tpu.memory_space<hbm>>, %arg10: memref<40x128xi32, #tpu.memory_space<vmem>>, %arg11: memref<40x128xi32, #tpu.memory_space<vmem>>, %arg12: memref<128x128xf32, #tpu.memory_space<vmem>>, %arg13: memref<128x128xf32, #tpu.memory_space<vmem>>, %arg14: memref<16xi32, #tpu.memory_space<vmem>>, %arg15: memref<!tpu.dma_semaphore, #tpu.memory_space<semaphore_mem>>, %arg16: memref<!tpu.dma_semaphore, #tpu.memory_space<semaphore_mem>>, %arg17: memref<10240x128xf32, #tpu.memory_space<vmem_shared>>) attributes {dimension_semantics = [#tpu.dimension_semantics<core_parallel>, #tpu.dimension_semantics<subcore_parallel>], iteration_bounds = array<i64: 2, 16>, scalar_prefetch = 0 : i64, scratch_operands = 8 : i64, tpu.core_type = #tpu.core_type<sc_vector_subcore>, window_params = [{transform_indices = #map}, {transform_indices = #map}, {transform_indices = #map}, {transform_indices = #map}, {transform_indices = #map}, {transform_indices = #map1}, {transform_indices = #map}, {transform_indices = #map}]} {
    %mul3A = arith.constant 640 : i32
    %mul3A_0 = arith.muli %arg1, %mul3A : i32
    %multiple_of3A = tpu.assume_multiple %mul3A_0, 8 : i32
    %mul3A_1 = arith.constant 80 : i32
    %mul3A_2 = arith.muli %arg1, %mul3A_1 : i32
    %multiple_of3A_3 = tpu.assume_multiple %mul3A_2, 8 : i32
    "tpu.region"() ({
      %run_scoped3A = tpu.sem_alloc : memref<!tpu.dma_semaphore, #tpu.memory_space<semaphore_mem>>
      tpu.enqueue_dma source(%arg7 : memref<16xi32, #tpu.memory_space<hbm>>) target(%arg14 : memref<16xi32, #tpu.memory_space<vmem>>) target_semaphore(%run_scoped3A : memref<!tpu.dma_semaphore, #tpu.memory_space<semaphore_mem>>)
      tpu.wait_dma2 semaphore(%run_scoped3A : memref<!tpu.dma_semaphore, #tpu.memory_space<semaphore_mem>>) src(%arg7 : memref<16xi32, #tpu.memory_space<hbm>>) dst(%arg14 : memref<16xi32, #tpu.memory_space<vmem>>)
      tpu.yield
    }) : () -> ()
    "tpu.region"() ({
      %run_scoped3A = tpu.sem_alloc : memref<!tpu.dma_semaphore, #tpu.memory_space<semaphore_mem>>
      %dma_start3A = arith.constant 0 : i32
      %dma_start3A_33 = tpu.memref_slice %arg17[%multiple_of3A, %dma_start3A] : memref<10240x128xf32, #tpu.memory_space<vmem_shared>> -> memref<640x128xf32, #tpu.memory_space<vmem_shared>>
      tpu.enqueue_dma source(%arg6 : memref<640x128xf32, #tpu.memory_space<hbm>>) target(%dma_start3A_33 : memref<640x128xf32, #tpu.memory_space<vmem_shared>>) target_semaphore(%run_scoped3A : memref<!tpu.dma_semaphore, #tpu.memory_space<semaphore_mem>>)
      %dma_wait3A = arith.constant 0 : i32
      %dma_wait3A_34 = tpu.memref_slice %arg17[%multiple_of3A, %dma_wait3A] : memref<10240x128xf32, #tpu.memory_space<vmem_shared>> -> memref<640x128xf32, #tpu.memory_space<vmem_shared>>
      tpu.wait_dma2 semaphore(%run_scoped3A : memref<!tpu.dma_semaphore, #tpu.memory_space<semaphore_mem>>) src(%arg6 : memref<640x128xf32, #tpu.memory_space<hbm>>) dst(%dma_wait3A_34 : memref<640x128xf32, #tpu.memory_space<vmem_shared>>)
      tpu.yield
    }) : () -> ()
    %barrier3A = arith.constant 0 : index
    tpu.barrier barrier_id(%barrier3A)
    %get3A = arith.constant 0 : index
    %get3A_4 = tpu.vector_load %arg14[%get3A] {strides = array<i32>} : memref<16xi32, #tpu.memory_space<vmem>>, vector<16xi32>,
    %get3A_5 = vector.shape_cast %get3A_4 : vector<16xi32> to vector<16xi32>
    %slice3A = vector.extract_strided_slice %get3A_5 {offsets = [0], sizes = [1], strides = [1]} : vector<16xi32> to vector<1xi32>
    %squeeze3A = vector.extract %slice3A[0] : i32 from vector<1xi32>
    %eq3A = arith.constant 1 : i32
    %eq3A_6 = arith.cmpi eq, %squeeze3A, %eq3A : i32
    %convert_element_type3A = arith.extui %eq3A_6 : i1 to i32
    %cond3A = arith.constant 0 : i32
    %cond3A_7 = arith.cmpi ne, %convert_element_type3A, %cond3A : i32
    scf.if %cond3A_7 {
      %mul3A_33 = arith.constant 2 : i32
      %mul3A_34 = arith.muli %arg1, %mul3A_33 : i32
      %add3A = arith.addi %mul3A_34, %arg0 : i32
      %mul3A_35 = arith.constant 40 : i32
      %mul3A_36 = arith.muli %add3A, %mul3A_35 : i32
      %multiple_of3A_37 = tpu.assume_multiple %mul3A_36, 8 : i32
      "tpu.region"() ({
        %run_scoped3A = tpu.sem_alloc : memref<!tpu.dma_semaphore, #tpu.memory_space<semaphore_mem>>
        %dma_start3A = arith.constant 0 : i32
        %dma_start3A_43 = arith.constant 0 : i32
        %dma_start3A_44 = tpu.memref_slice %arg2[%dma_start3A, %dma_start3A_43] : memref<10000x128xf32, #tpu.memory_space<hbm>> -> memref<128x128xf32, #tpu.memory_space<hbm>>
        %dma_start3A_45 = arith.constant 0 : i32
        %dma_start3A_46 = arith.constant 0 : i32
        %dma_start3A_47 = tpu.memref_slice %arg2[%dma_start3A_45, %dma_start3A_46] : memref<10000x128xf32, #tpu.memory_space<hbm>> -> memref<128x128xf32, #tpu.memory_space<hbm>>
        tpu.enqueue_dma source(%dma_start3A_47 : memref<128x128xf32, #tpu.memory_space<hbm>>) target(%arg12 : memref<128x128xf32, #tpu.memory_space<vmem>>) target_semaphore(%run_scoped3A : memref<!tpu.dma_semaphore, #tpu.memory_space<semaphore_mem>>)
        %dma_wait3A = arith.constant 0 : i32
        %dma_wait3A_48 = arith.constant 0 : i32
        %dma_wait3A_49 = tpu.memref_slice %arg2[%dma_wait3A, %dma_wait3A_48] : memref<10000x128xf32, #tpu.memory_space<hbm>> -> memref<128x128xf32, #tpu.memory_space<hbm>>
        %dma_wait3A_50 = arith.constant 0 : i32
        %dma_wait3A_51 = arith.constant 0 : i32
        %dma_wait3A_52 = tpu.memref_slice %arg2[%dma_wait3A_50, %dma_wait3A_51] : memref<10000x128xf32, #tpu.memory_space<hbm>> -> memref<128x128xf32, #tpu.memory_space<hbm>>
        tpu.wait_dma2 semaphore(%run_scoped3A : memref<!tpu.dma_semaphore, #tpu.memory_space<semaphore_mem>>) src(%dma_wait3A_52 : memref<128x128xf32, #tpu.memory_space<hbm>>) dst(%arg12 : memref<128x128xf32, #tpu.memory_space<vmem>>)
        tpu.yield
      }) : () -> ()
      "tpu.region"() ({
        %run_scoped3A = tpu.sem_alloc : memref<!tpu.dma_semaphore, #tpu.memory_space<semaphore_mem>>
        %dma_start3A = arith.constant 0 : i32
        %dma_start3A_43 = tpu.memref_slice %arg5[%multiple_of3A_37, %dma_start3A] : memref<1280x128xi32, #tpu.memory_space<hbm>> -> memref<40x128xi32, #tpu.memory_space<hbm>>
        %dma_start3A_44 = arith.constant 0 : i32
        %dma_start3A_45 = tpu.memref_slice %arg5[%multiple_of3A_37, %dma_start3A_44] : memref<1280x128xi32, #tpu.memory_space<hbm>> -> memref<40x128xi32, #tpu.memory_space<hbm>>
        tpu.enqueue_dma source(%dma_start3A_45 : memref<40x128xi32, #tpu.memory_space<hbm>>) target(%arg11 : memref<40x128xi32, #tpu.memory_space<vmem>>) target_semaphore(%run_scoped3A : memref<!tpu.dma_semaphore, #tpu.memory_space<semaphore_mem>>)
        %dma_wait3A = arith.constant 0 : i32
        %dma_wait3A_46 = tpu.memref_slice %arg5[%multiple_of3A_37, %dma_wait3A] : memref<1280x128xi32, #tpu.memory_space<hbm>> -> memref<40x128xi32, #tpu.memory_space<hbm>>
        %dma_wait3A_47 = arith.constant 0 : i32
        %dma_wait3A_48 = tpu.memref_slice %arg5[%multiple_of3A_37, %dma_wait3A_47] : memref<1280x128xi32, #tpu.memory_space<hbm>> -> memref<40x128xi32, #tpu.memory_space<hbm>>
        tpu.wait_dma2 semaphore(%run_scoped3A : memref<!tpu.dma_semaphore, #tpu.memory_space<semaphore_mem>>) src(%dma_wait3A_48 : memref<40x128xi32, #tpu.memory_space<hbm>>) dst(%arg11 : memref<40x128xi32, #tpu.memory_space<vmem>>)
        tpu.yield
      }) : () -> ()
      %scan3A = arith.constant 0 : i32
      %scan3A_38 = arith.constant 0 : i32
      %scan3A_39 = arith.constant 40 : i32
      %scan3A_40 = arith.addi %scan3A_38, %scan3A_39 : i32
      %scan3A_41 = arith.constant 1 : i32
      scf.for %scan3A_43 = %scan3A_38 to %scan3A_40 step %scan3A_41  : i32 {
        "tpu.region"() ({
          %run_scoped3A = tpu.sem_alloc : memref<!tpu.dma_semaphore, #tpu.memory_space<semaphore_mem>>
          %dma_start3A = arith.constant 0 : i32
          %dma_start3A_44 = tpu.memref_slice %arg11[%scan3A_43, %dma_start3A] : memref<40x128xi32, #tpu.memory_space<vmem>> -> memref<1x128xi32, #tpu.memory_space<vmem>>
          %dma_start3A_45 = tpu.memref_squeeze %dma_start3A_44 : memref<1x128xi32, #tpu.memory_space<vmem>> -> memref<128xi32, #tpu.memory_space<vmem>>
          %dma_start3A_46 = arith.constant 0 : i32
          %dma_start3A_47 = arith.constant 0 : i32
          %dma_start3A_48 = tpu.memref_slice %arg17[%dma_start3A_46, %dma_start3A_47] : memref<10240x128xf32, #tpu.memory_space<vmem_shared>> -> memref<10240x128xf32, #tpu.memory_space<vmem_shared>>
          tpu.enqueue_indirect_dma source(%arg12 : memref<128x128xf32, #tpu.memory_space<vmem>>) target(%dma_start3A_48 : memref<10240x128xf32, #tpu.memory_space<vmem_shared>>) offsets(%dma_start3A_45 : memref<128xi32, #tpu.memory_space<vmem>>) semaphore(%run_scoped3A : memref<!tpu.dma_semaphore, #tpu.memory_space<semaphore_mem>>) {add = true}
          %dma_wait3A = arith.constant 0 : i32
          %dma_wait3A_49 = tpu.memref_slice %arg11[%scan3A_43, %dma_wait3A] : memref<40x128xi32, #tpu.memory_space<vmem>> -> memref<1x128xi32, #tpu.memory_space<vmem>>
          %dma_wait3A_50 = tpu.memref_squeeze %dma_wait3A_49 : memref<1x128xi32, #tpu.memory_space<vmem>> -> memref<128xi32, #tpu.memory_space<vmem>>
          %dma_wait3A_51 = arith.constant 0 : i32
          %dma_wait3A_52 = arith.constant 0 : i32
          %dma_wait3A_53 = tpu.memref_slice %arg17[%dma_wait3A_51, %dma_wait3A_52] : memref<10240x128xf32, #tpu.memory_space<vmem_shared>> -> memref<10240x128xf32, #tpu.memory_space<vmem_shared>>
          tpu.wait_indirect_dma semaphore(%run_scoped3A : memref<!tpu.dma_semaphore, #tpu.memory_space<semaphore_mem>>) src(%arg12 : memref<128x128xf32, #tpu.memory_space<vmem>>) dst(%dma_wait3A_53 : memref<10240x128xf32, #tpu.memory_space<vmem_shared>>)
          tpu.yield
        }) : () -> ()
      }
      %scan3A_42 = arith.constant 40 : i32
    } else {
    }
    %not3A = arith.constant true
    %not3A_8 = arith.xori %eq3A_6, %not3A : i1
    %eq3A_9 = arith.constant 0 : i32
    %eq3A_10 = arith.cmpi eq, %arg0, %eq3A_9 : i32
    %and3A = arith.andi %not3A_8, %eq3A_10 : i1
    %convert_element_type3A_11 = arith.extui %and3A : i1 to i32
    %cond3A_12 = arith.constant 0 : i32
    %cond3A_13 = arith.cmpi ne, %convert_element_type3A_11, %cond3A_12 : i32
    scf.if %cond3A_13 {
      %add3A = arith.constant 0 : i32
      %add3A_33 = arith.addi %multiple_of3A_3, %add3A : i32
      %multiple_of3A_34 = tpu.assume_multiple %add3A_33, 8 : i32
      "tpu.region"() ({
        %run_scoped3A = tpu.sem_alloc : memref<!tpu.dma_semaphore, #tpu.memory_space<semaphore_mem>>
        %dma_start3A_62 = arith.constant 0 : i32
        %dma_start3A_63 = tpu.memref_slice %arg4[%multiple_of3A_34, %dma_start3A_62] : memref<1280x128xi32, #tpu.memory_space<hbm>> -> memref<40x128xi32, #tpu.memory_space<hbm>>
        %dma_start3A_64 = arith.constant 0 : i32
        %dma_start3A_65 = tpu.memref_slice %arg4[%multiple_of3A_34, %dma_start3A_64] : memref<1280x128xi32, #tpu.memory_space<hbm>> -> memref<40x128xi32, #tpu.memory_space<hbm>>
        tpu.enqueue_dma source(%dma_start3A_65 : memref<40x128xi32, #tpu.memory_space<hbm>>) target(%arg10 : memref<40x128xi32, #tpu.memory_space<vmem>>) target_semaphore(%run_scoped3A : memref<!tpu.dma_semaphore, #tpu.memory_space<semaphore_mem>>)
        %dma_wait3A = arith.constant 0 : i32
        %dma_wait3A_66 = tpu.memref_slice %arg4[%multiple_of3A_34, %dma_wait3A] : memref<1280x128xi32, #tpu.memory_space<hbm>> -> memref<40x128xi32, #tpu.memory_space<hbm>>
        %dma_wait3A_67 = arith.constant 0 : i32
        %dma_wait3A_68 = tpu.memref_slice %arg4[%multiple_of3A_34, %dma_wait3A_67] : memref<1280x128xi32, #tpu.memory_space<hbm>> -> memref<40x128xi32, #tpu.memory_space<hbm>>
        tpu.wait_dma2 semaphore(%run_scoped3A : memref<!tpu.dma_semaphore, #tpu.memory_space<semaphore_mem>>) src(%dma_wait3A_68 : memref<40x128xi32, #tpu.memory_space<hbm>>) dst(%arg10 : memref<40x128xi32, #tpu.memory_space<vmem>>)
        tpu.yield
      }) : () -> ()
      "tpu.region"() ({
        %run_scoped3A = tpu.sem_alloc : memref<!tpu.dma_semaphore, #tpu.memory_space<semaphore_mem>>
        %dma_start3A_62 = arith.constant 0 : i32
        %dma_start3A_63 = tpu.memref_slice %arg5[%multiple_of3A_34, %dma_start3A_62] : memref<1280x128xi32, #tpu.memory_space<hbm>> -> memref<40x128xi32, #tpu.memory_space<hbm>>
        %dma_start3A_64 = arith.constant 0 : i32
        %dma_start3A_65 = tpu.memref_slice %arg5[%multiple_of3A_34, %dma_start3A_64] : memref<1280x128xi32, #tpu.memory_space<hbm>> -> memref<40x128xi32, #tpu.memory_space<hbm>>
        tpu.enqueue_dma source(%dma_start3A_65 : memref<40x128xi32, #tpu.memory_space<hbm>>) target(%arg11 : memref<40x128xi32, #tpu.memory_space<vmem>>) target_semaphore(%run_scoped3A : memref<!tpu.dma_semaphore, #tpu.memory_space<semaphore_mem>>)
        %dma_wait3A = arith.constant 0 : i32
        %dma_wait3A_66 = tpu.memref_slice %arg5[%multiple_of3A_34, %dma_wait3A] : memref<1280x128xi32, #tpu.memory_space<hbm>> -> memref<40x128xi32, #tpu.memory_space<hbm>>
        %dma_wait3A_67 = arith.constant 0 : i32
        %dma_wait3A_68 = tpu.memref_slice %arg5[%multiple_of3A_34, %dma_wait3A_67] : memref<1280x128xi32, #tpu.memory_space<hbm>> -> memref<40x128xi32, #tpu.memory_space<hbm>>
        tpu.wait_dma2 semaphore(%run_scoped3A : memref<!tpu.dma_semaphore, #tpu.memory_space<semaphore_mem>>) src(%dma_wait3A_68 : memref<40x128xi32, #tpu.memory_space<hbm>>) dst(%arg11 : memref<40x128xi32, #tpu.memory_space<vmem>>)
        tpu.yield
      }) : () -> ()
      %dma_start3A = arith.constant 0 : i32
      %dma_start3A_35 = arith.constant 0 : i32
      %dma_start3A_36 = tpu.memref_slice %arg10[%dma_start3A, %dma_start3A_35] : memref<40x128xi32, #tpu.memory_space<vmem>> -> memref<1x128xi32, #tpu.memory_space<vmem>>
      %dma_start3A_37 = tpu.memref_squeeze %dma_start3A_36 : memref<1x128xi32, #tpu.memory_space<vmem>> -> memref<128xi32, #tpu.memory_space<vmem>>
      %dma_start3A_38 = arith.constant 0 : i32
      %dma_start3A_39 = arith.constant 0 : i32
      %dma_start3A_40 = tpu.memref_slice %arg2[%dma_start3A_38, %dma_start3A_39] : memref<10000x128xf32, #tpu.memory_space<hbm>> -> memref<10000x128xf32, #tpu.memory_space<hbm>>
      tpu.enqueue_indirect_dma source(%dma_start3A_40 : memref<10000x128xf32, #tpu.memory_space<hbm>>) target(%arg12 : memref<128x128xf32, #tpu.memory_space<vmem>>) offsets(%dma_start3A_37 : memref<128xi32, #tpu.memory_space<vmem>>) semaphore(%arg15 : memref<!tpu.dma_semaphore, #tpu.memory_space<semaphore_mem>>)
      %scan3A = arith.constant 0 : i32
      %scan3A_41 = arith.constant 0 : i32
      %scan3A_42 = arith.constant 20 : i32
      %scan3A_43 = arith.addi %scan3A_41, %scan3A_42 : i32
      %scan3A_44 = arith.constant 1 : i32
      scf.for %scan3A_62 = %scan3A_41 to %scan3A_43 step %scan3A_44  : i32 {
        %mul3A_63 = arith.constant 2 : i32
        %mul3A_64 = arith.muli %mul3A_63, %scan3A_62 : i32
        %add3A_65 = arith.constant 0 : i32
        %add3A_66 = arith.addi %mul3A_64, %add3A_65 : i32
        %add3A_67 = arith.constant 1 : i32
        %add3A_68 = arith.addi %add3A_66, %add3A_67 : i32
        %lt3A = arith.constant 40 : i32
        %lt3A_69 = arith.cmpi slt, %add3A_68, %lt3A : i32
        %convert_element_type3A_70 = arith.extui %lt3A_69 : i1 to i32
        %cond3A_71 = arith.constant 0 : i32
        %cond3A_72 = arith.cmpi ne, %convert_element_type3A_70, %cond3A_71 : i32
        scf.if %cond3A_72 {
          %add3A_95 = arith.constant 1 : i32
          %add3A_96 = arith.addi %add3A_66, %add3A_95 : i32
          %dma_start3A_97 = arith.constant 0 : i32
          %dma_start3A_98 = tpu.memref_slice %arg10[%add3A_96, %dma_start3A_97] : memref<40x128xi32, #tpu.memory_space<vmem>> -> memref<1x128xi32, #tpu.memory_space<vmem>>
          %dma_start3A_99 = tpu.memref_squeeze %dma_start3A_98 : memref<1x128xi32, #tpu.memory_space<vmem>> -> memref<128xi32, #tpu.memory_space<vmem>>
          %dma_start3A_100 = arith.constant 0 : i32
          %dma_start3A_101 = arith.constant 0 : i32
          %dma_start3A_102 = tpu.memref_slice %arg2[%dma_start3A_100, %dma_start3A_101] : memref<10000x128xf32, #tpu.memory_space<hbm>> -> memref<10000x128xf32, #tpu.memory_space<hbm>>
          tpu.enqueue_indirect_dma source(%dma_start3A_102 : memref<10000x128xf32, #tpu.memory_space<hbm>>) target(%arg13 : memref<128x128xf32, #tpu.memory_space<vmem>>) offsets(%dma_start3A_99 : memref<128xi32, #tpu.memory_space<vmem>>) semaphore(%arg16 : memref<!tpu.dma_semaphore, #tpu.memory_space<semaphore_mem>>)
        } else {
        }
        %dma_wait3A = arith.constant 0 : i32
        %dma_wait3A_73 = tpu.memref_slice %arg10[%add3A_66, %dma_wait3A] : memref<40x128xi32, #tpu.memory_space<vmem>> -> memref<1x128xi32, #tpu.memory_space<vmem>>
        %dma_wait3A_74 = tpu.memref_squeeze %dma_wait3A_73 : memref<1x128xi32, #tpu.memory_space<vmem>> -> memref<128xi32, #tpu.memory_space<vmem>>
        %dma_wait3A_75 = arith.constant 0 : i32
        %dma_wait3A_76 = arith.constant 0 : i32
        %dma_wait3A_77 = tpu.memref_slice %arg2[%dma_wait3A_75, %dma_wait3A_76] : memref<10000x128xf32, #tpu.memory_space<hbm>> -> memref<10000x128xf32, #tpu.memory_space<hbm>>
        tpu.wait_indirect_dma semaphore(%arg15 : memref<!tpu.dma_semaphore, #tpu.memory_space<semaphore_mem>>) src(%dma_wait3A_77 : memref<10000x128xf32, #tpu.memory_space<hbm>>) dst(%arg12 : memref<128x128xf32, #tpu.memory_space<vmem>>)
        "tpu.region"() ({
          %run_scoped3A = tpu.sem_alloc : memref<!tpu.dma_semaphore, #tpu.memory_space<semaphore_mem>>
          %dma_start3A_95 = arith.constant 0 : i32
          %dma_start3A_96 = tpu.memref_slice %arg11[%add3A_66, %dma_start3A_95] : memref<40x128xi32, #tpu.memory_space<vmem>> -> memref<1x128xi32, #tpu.memory_space<vmem>>
          %dma_start3A_97 = tpu.memref_squeeze %dma_start3A_96 : memref<1x128xi32, #tpu.memory_space<vmem>> -> memref<128xi32, #tpu.memory_space<vmem>>
          %dma_start3A_98 = arith.constant 0 : i32
          %dma_start3A_99 = arith.constant 0 : i32
          %dma_start3A_100 = tpu.memref_slice %arg17[%dma_start3A_98, %dma_start3A_99] : memref<10240x128xf32, #tpu.memory_space<vmem_shared>> -> memref<10240x128xf32, #tpu.memory_space<vmem_shared>>
          tpu.enqueue_indirect_dma source(%arg12 : memref<128x128xf32, #tpu.memory_space<vmem>>) target(%dma_start3A_100 : memref<10240x128xf32, #tpu.memory_space<vmem_shared>>) offsets(%dma_start3A_97 : memref<128xi32, #tpu.memory_space<vmem>>) semaphore(%run_scoped3A : memref<!tpu.dma_semaphore, #tpu.memory_space<semaphore_mem>>) {add = true}
          %dma_wait3A_101 = arith.constant 0 : i32
          %dma_wait3A_102 = tpu.memref_slice %arg11[%add3A_66, %dma_wait3A_101] : memref<40x128xi32, #tpu.memory_space<vmem>> -> memref<1x128xi32, #tpu.memory_space<vmem>>
          %dma_wait3A_103 = tpu.memref_squeeze %dma_wait3A_102 : memref<1x128xi32, #tpu.memory_space<vmem>> -> memref<128xi32, #tpu.memory_space<vmem>>
          %dma_wait3A_104 = arith.constant 0 : i32
          %dma_wait3A_105 = arith.constant 0 : i32
          %dma_wait3A_106 = tpu.memref_slice %arg17[%dma_wait3A_104, %dma_wait3A_105] : memref<10240x128xf32, #tpu.memory_space<vmem_shared>> -> memref<10240x128xf32, #tpu.memory_space<vmem_shared>>
          tpu.wait_indirect_dma semaphore(%run_scoped3A : memref<!tpu.dma_semaphore, #tpu.memory_space<semaphore_mem>>) src(%arg12 : memref<128x128xf32, #tpu.memory_space<vmem>>) dst(%dma_wait3A_106 : memref<10240x128xf32, #tpu.memory_space<vmem_shared>>)
          tpu.yield
        }) : () -> ()
        %mul3A_78 = arith.constant 2 : i32
        %mul3A_79 = arith.muli %mul3A_78, %scan3A_62 : i32
        %add3A_80 = arith.constant 1 : i32
        %add3A_81 = arith.addi %mul3A_79, %add3A_80 : i32
        %add3A_82 = arith.constant 1 : i32
        %add3A_83 = arith.addi %add3A_81, %add3A_82 : i32
        %lt3A_84 = arith.constant 40 : i32
        %lt3A_85 = arith.cmpi slt, %add3A_83, %lt3A_84 : i32
        %convert_element_type3A_86 = arith.extui %lt3A_85 : i1 to i32
        %cond3A_87 = arith.constant 0 : i32
        %cond3A_88 = arith.cmpi ne, %convert_element_type3A_86, %cond3A_87 : i32
        scf.if %cond3A_88 {
          %add3A_95 = arith.constant 1 : i32
          %add3A_96 = arith.addi %add3A_81, %add3A_95 : i32
          %dma_start3A_97 = arith.constant 0 : i32
          %dma_start3A_98 = tpu.memref_slice %arg10[%add3A_96, %dma_start3A_97] : memref<40x128xi32, #tpu.memory_space<vmem>> -> memref<1x128xi32, #tpu.memory_space<vmem>>
          %dma_start3A_99 = tpu.memref_squeeze %dma_start3A_98 : memref<1x128xi32, #tpu.memory_space<vmem>> -> memref<128xi32, #tpu.memory_space<vmem>>
          %dma_start3A_100 = arith.constant 0 : i32
          %dma_start3A_101 = arith.constant 0 : i32
          %dma_start3A_102 = tpu.memref_slice %arg2[%dma_start3A_100, %dma_start3A_101] : memref<10000x128xf32, #tpu.memory_space<hbm>> -> memref<10000x128xf32, #tpu.memory_space<hbm>>
          tpu.enqueue_indirect_dma source(%dma_start3A_102 : memref<10000x128xf32, #tpu.memory_space<hbm>>) target(%arg12 : memref<128x128xf32, #tpu.memory_space<vmem>>) offsets(%dma_start3A_99 : memref<128xi32, #tpu.memory_space<vmem>>) semaphore(%arg15 : memref<!tpu.dma_semaphore, #tpu.memory_space<semaphore_mem>>)
        } else {
        }
        %dma_wait3A_89 = arith.constant 0 : i32
        %dma_wait3A_90 = tpu.memref_slice %arg10[%add3A_81, %dma_wait3A_89] : memref<40x128xi32, #tpu.memory_space<vmem>> -> memref<1x128xi32, #tpu.memory_space<vmem>>
        %dma_wait3A_91 = tpu.memref_squeeze %dma_wait3A_90 : memref<1x128xi32, #tpu.memory_space<vmem>> -> memref<128xi32, #tpu.memory_space<vmem>>
        %dma_wait3A_92 = arith.constant 0 : i32
        %dma_wait3A_93 = arith.constant 0 : i32
        %dma_wait3A_94 = tpu.memref_slice %arg2[%dma_wait3A_92, %dma_wait3A_93] : memref<10000x128xf32, #tpu.memory_space<hbm>> -> memref<10000x128xf32, #tpu.memory_space<hbm>>
        tpu.wait_indirect_dma semaphore(%arg16 : memref<!tpu.dma_semaphore, #tpu.memory_space<semaphore_mem>>) src(%dma_wait3A_94 : memref<10000x128xf32, #tpu.memory_space<hbm>>) dst(%arg13 : memref<128x128xf32, #tpu.memory_space<vmem>>)
        "tpu.region"() ({
          %run_scoped3A = tpu.sem_alloc : memref<!tpu.dma_semaphore, #tpu.memory_space<semaphore_mem>>
          %dma_start3A_95 = arith.constant 0 : i32
          %dma_start3A_96 = tpu.memref_slice %arg11[%add3A_81, %dma_start3A_95] : memref<40x128xi32, #tpu.memory_space<vmem>> -> memref<1x128xi32, #tpu.memory_space<vmem>>
          %dma_start3A_97 = tpu.memref_squeeze %dma_start3A_96 : memref<1x128xi32, #tpu.memory_space<vmem>> -> memref<128xi32, #tpu.memory_space<vmem>>
          %dma_start3A_98 = arith.constant 0 : i32
          %dma_start3A_99 = arith.constant 0 : i32
          %dma_start3A_100 = tpu.memref_slice %arg17[%dma_start3A_98, %dma_start3A_99] : memref<10240x128xf32, #tpu.memory_space<vmem_shared>> -> memref<10240x128xf32, #tpu.memory_space<vmem_shared>>
          tpu.enqueue_indirect_dma source(%arg13 : memref<128x128xf32, #tpu.memory_space<vmem>>) target(%dma_start3A_100 : memref<10240x128xf32, #tpu.memory_space<vmem_shared>>) offsets(%dma_start3A_97 : memref<128xi32, #tpu.memory_space<vmem>>) semaphore(%run_scoped3A : memref<!tpu.dma_semaphore, #tpu.memory_space<semaphore_mem>>) {add = true}
          %dma_wait3A_101 = arith.constant 0 : i32
          %dma_wait3A_102 = tpu.memref_slice %arg11[%add3A_81, %dma_wait3A_101] : memref<40x128xi32, #tpu.memory_space<vmem>> -> memref<1x128xi32, #tpu.memory_space<vmem>>
          %dma_wait3A_103 = tpu.memref_squeeze %dma_wait3A_102 : memref<1x128xi32, #tpu.memory_space<vmem>> -> memref<128xi32, #tpu.memory_space<vmem>>
          %dma_wait3A_104 = arith.constant 0 : i32
          %dma_wait3A_105 = arith.constant 0 : i32
          %dma_wait3A_106 = tpu.memref_slice %arg17[%dma_wait3A_104, %dma_wait3A_105] : memref<10240x128xf32, #tpu.memory_space<vmem_shared>> -> memref<10240x128xf32, #tpu.memory_space<vmem_shared>>
          tpu.wait_indirect_dma semaphore(%run_scoped3A : memref<!tpu.dma_semaphore, #tpu.memory_space<semaphore_mem>>) src(%arg13 : memref<128x128xf32, #tpu.memory_space<vmem>>) dst(%dma_wait3A_106 : memref<10240x128xf32, #tpu.memory_space<vmem_shared>>)
          tpu.yield
        }) : () -> ()
      }
      %scan3A_45 = arith.constant 20 : i32
      %add3A_46 = arith.constant 40 : i32
      %add3A_47 = arith.addi %multiple_of3A_3, %add3A_46 : i32
      %multiple_of3A_48 = tpu.assume_multiple %add3A_47, 8 : i32
      "tpu.region"() ({
        %run_scoped3A = tpu.sem_alloc : memref<!tpu.dma_semaphore, #tpu.memory_space<semaphore_mem>>
        %dma_start3A_62 = arith.constant 0 : i32
        %dma_start3A_63 = tpu.memref_slice %arg4[%multiple_of3A_48, %dma_start3A_62] : memref<1280x128xi32, #tpu.memory_space<hbm>> -> memref<40x128xi32, #tpu.memory_space<hbm>>
        %dma_start3A_64 = arith.constant 0 : i32
        %dma_start3A_65 = tpu.memref_slice %arg4[%multiple_of3A_48, %dma_start3A_64] : memref<1280x128xi32, #tpu.memory_space<hbm>> -> memref<40x128xi32, #tpu.memory_space<hbm>>
        tpu.enqueue_dma source(%dma_start3A_65 : memref<40x128xi32, #tpu.memory_space<hbm>>) target(%arg10 : memref<40x128xi32, #tpu.memory_space<vmem>>) target_semaphore(%run_scoped3A : memref<!tpu.dma_semaphore, #tpu.memory_space<semaphore_mem>>)
        %dma_wait3A = arith.constant 0 : i32
        %dma_wait3A_66 = tpu.memref_slice %arg4[%multiple_of3A_48, %dma_wait3A] : memref<1280x128xi32, #tpu.memory_space<hbm>> -> memref<40x128xi32, #tpu.memory_space<hbm>>
        %dma_wait3A_67 = arith.constant 0 : i32
        %dma_wait3A_68 = tpu.memref_slice %arg4[%multiple_of3A_48, %dma_wait3A_67] : memref<1280x128xi32, #tpu.memory_space<hbm>> -> memref<40x128xi32, #tpu.memory_space<hbm>>
        tpu.wait_dma2 semaphore(%run_scoped3A : memref<!tpu.dma_semaphore, #tpu.memory_space<semaphore_mem>>) src(%dma_wait3A_68 : memref<40x128xi32, #tpu.memory_space<hbm>>) dst(%arg10 : memref<40x128xi32, #tpu.memory_space<vmem>>)
        tpu.yield
      }) : () -> ()
      "tpu.region"() ({
        %run_scoped3A = tpu.sem_alloc : memref<!tpu.dma_semaphore, #tpu.memory_space<semaphore_mem>>
        %dma_start3A_62 = arith.constant 0 : i32
        %dma_start3A_63 = tpu.memref_slice %arg5[%multiple_of3A_48, %dma_start3A_62] : memref<1280x128xi32, #tpu.memory_space<hbm>> -> memref<40x128xi32, #tpu.memory_space<hbm>>
        %dma_start3A_64 = arith.constant 0 : i32
        %dma_start3A_65 = tpu.memref_slice %arg5[%multiple_of3A_48, %dma_start3A_64] : memref<1280x128xi32, #tpu.memory_space<hbm>> -> memref<40x128xi32, #tpu.memory_space<hbm>>
        tpu.enqueue_dma source(%dma_start3A_65 : memref<40x128xi32, #tpu.memory_space<hbm>>) target(%arg11 : memref<40x128xi32, #tpu.memory_space<vmem>>) target_semaphore(%run_scoped3A : memref<!tpu.dma_semaphore, #tpu.memory_space<semaphore_mem>>)
        %dma_wait3A = arith.constant 0 : i32
        %dma_wait3A_66 = tpu.memref_slice %arg5[%multiple_of3A_48, %dma_wait3A] : memref<1280x128xi32, #tpu.memory_space<hbm>> -> memref<40x128xi32, #tpu.memory_space<hbm>>
        %dma_wait3A_67 = arith.constant 0 : i32
        %dma_wait3A_68 = tpu.memref_slice %arg5[%multiple_of3A_48, %dma_wait3A_67] : memref<1280x128xi32, #tpu.memory_space<hbm>> -> memref<40x128xi32, #tpu.memory_space<hbm>>
        tpu.wait_dma2 semaphore(%run_scoped3A : memref<!tpu.dma_semaphore, #tpu.memory_space<semaphore_mem>>) src(%dma_wait3A_68 : memref<40x128xi32, #tpu.memory_space<hbm>>) dst(%arg11 : memref<40x128xi32, #tpu.memory_space<vmem>>)
        tpu.yield
      }) : () -> ()
      %dma_start3A_49 = arith.constant 0 : i32
      %dma_start3A_50 = arith.constant 0 : i32
      %dma_start3A_51 = tpu.memref_slice %arg10[%dma_start3A_49, %dma_start3A_50] : memref<40x128xi32, #tpu.memory_space<vmem>> -> memref<1x128xi32, #tpu.memory_space<vmem>>
      %dma_start3A_52 = tpu.memref_squeeze %dma_start3A_51 : memref<1x128xi32, #tpu.memory_space<vmem>> -> memref<128xi32, #tpu.memory_space<vmem>>
      %dma_start3A_53 = arith.constant 0 : i32
      %dma_start3A_54 = arith.constant 0 : i32
      %dma_start3A_55 = tpu.memref_slice %arg2[%dma_start3A_53, %dma_start3A_54] : memref<10000x128xf32, #tpu.memory_space<hbm>> -> memref<10000x128xf32, #tpu.memory_space<hbm>>
      tpu.enqueue_indirect_dma source(%dma_start3A_55 : memref<10000x128xf32, #tpu.memory_space<hbm>>) target(%arg12 : memref<128x128xf32, #tpu.memory_space<vmem>>) offsets(%dma_start3A_52 : memref<128xi32, #tpu.memory_space<vmem>>) semaphore(%arg15 : memref<!tpu.dma_semaphore, #tpu.memory_space<semaphore_mem>>)
      %scan3A_56 = arith.constant 0 : i32
      %scan3A_57 = arith.constant 0 : i32
      %scan3A_58 = arith.constant 20 : i32
      %scan3A_59 = arith.addi %scan3A_57, %scan3A_58 : i32
      %scan3A_60 = arith.constant 1 : i32
      scf.for %scan3A_62 = %scan3A_57 to %scan3A_59 step %scan3A_60  : i32 {
        %mul3A_63 = arith.constant 2 : i32
        %mul3A_64 = arith.muli %mul3A_63, %scan3A_62 : i32
        %add3A_65 = arith.constant 0 : i32
        %add3A_66 = arith.addi %mul3A_64, %add3A_65 : i32
        %add3A_67 = arith.constant 1 : i32
        %add3A_68 = arith.addi %add3A_66, %add3A_67 : i32
        %lt3A = arith.constant 40 : i32
        %lt3A_69 = arith.cmpi slt, %add3A_68, %lt3A : i32
        %convert_element_type3A_70 = arith.extui %lt3A_69 : i1 to i32
        %cond3A_71 = arith.constant 0 : i32
        %cond3A_72 = arith.cmpi ne, %convert_element_type3A_70, %cond3A_71 : i32
        scf.if %cond3A_72 {
          %add3A_95 = arith.constant 1 : i32
          %add3A_96 = arith.addi %add3A_66, %add3A_95 : i32
          %dma_start3A_97 = arith.constant 0 : i32
          %dma_start3A_98 = tpu.memref_slice %arg10[%add3A_96, %dma_start3A_97] : memref<40x128xi32, #tpu.memory_space<vmem>> -> memref<1x128xi32, #tpu.memory_space<vmem>>
          %dma_start3A_99 = tpu.memref_squeeze %dma_start3A_98 : memref<1x128xi32, #tpu.memory_space<vmem>> -> memref<128xi32, #tpu.memory_space<vmem>>
          %dma_start3A_100 = arith.constant 0 : i32
          %dma_start3A_101 = arith.constant 0 : i32
          %dma_start3A_102 = tpu.memref_slice %arg2[%dma_start3A_100, %dma_start3A_101] : memref<10000x128xf32, #tpu.memory_space<hbm>> -> memref<10000x128xf32, #tpu.memory_space<hbm>>
          tpu.enqueue_indirect_dma source(%dma_start3A_102 : memref<10000x128xf32, #tpu.memory_space<hbm>>) target(%arg13 : memref<128x128xf32, #tpu.memory_space<vmem>>) offsets(%dma_start3A_99 : memref<128xi32, #tpu.memory_space<vmem>>) semaphore(%arg16 : memref<!tpu.dma_semaphore, #tpu.memory_space<semaphore_mem>>)
        } else {
        }
        %dma_wait3A = arith.constant 0 : i32
        %dma_wait3A_73 = tpu.memref_slice %arg10[%add3A_66, %dma_wait3A] : memref<40x128xi32, #tpu.memory_space<vmem>> -> memref<1x128xi32, #tpu.memory_space<vmem>>
        %dma_wait3A_74 = tpu.memref_squeeze %dma_wait3A_73 : memref<1x128xi32, #tpu.memory_space<vmem>> -> memref<128xi32, #tpu.memory_space<vmem>>
        %dma_wait3A_75 = arith.constant 0 : i32
        %dma_wait3A_76 = arith.constant 0 : i32
        %dma_wait3A_77 = tpu.memref_slice %arg2[%dma_wait3A_75, %dma_wait3A_76] : memref<10000x128xf32, #tpu.memory_space<hbm>> -> memref<10000x128xf32, #tpu.memory_space<hbm>>
        tpu.wait_indirect_dma semaphore(%arg15 : memref<!tpu.dma_semaphore, #tpu.memory_space<semaphore_mem>>) src(%dma_wait3A_77 : memref<10000x128xf32, #tpu.memory_space<hbm>>) dst(%arg12 : memref<128x128xf32, #tpu.memory_space<vmem>>)
        "tpu.region"() ({
          %run_scoped3A = tpu.sem_alloc : memref<!tpu.dma_semaphore, #tpu.memory_space<semaphore_mem>>
          %dma_start3A_95 = arith.constant 0 : i32
          %dma_start3A_96 = tpu.memref_slice %arg11[%add3A_66, %dma_start3A_95] : memref<40x128xi32, #tpu.memory_space<vmem>> -> memref<1x128xi32, #tpu.memory_space<vmem>>
          %dma_start3A_97 = tpu.memref_squeeze %dma_start3A_96 : memref<1x128xi32, #tpu.memory_space<vmem>> -> memref<128xi32, #tpu.memory_space<vmem>>
          %dma_start3A_98 = arith.constant 0 : i32
          %dma_start3A_99 = arith.constant 0 : i32
          %dma_start3A_100 = tpu.memref_slice %arg17[%dma_start3A_98, %dma_start3A_99] : memref<10240x128xf32, #tpu.memory_space<vmem_shared>> -> memref<10240x128xf32, #tpu.memory_space<vmem_shared>>
          tpu.enqueue_indirect_dma source(%arg12 : memref<128x128xf32, #tpu.memory_space<vmem>>) target(%dma_start3A_100 : memref<10240x128xf32, #tpu.memory_space<vmem_shared>>) offsets(%dma_start3A_97 : memref<128xi32, #tpu.memory_space<vmem>>) semaphore(%run_scoped3A : memref<!tpu.dma_semaphore, #tpu.memory_space<semaphore_mem>>) {add = true}
          %dma_wait3A_101 = arith.constant 0 : i32
          %dma_wait3A_102 = tpu.memref_slice %arg11[%add3A_66, %dma_wait3A_101] : memref<40x128xi32, #tpu.memory_space<vmem>> -> memref<1x128xi32, #tpu.memory_space<vmem>>
          %dma_wait3A_103 = tpu.memref_squeeze %dma_wait3A_102 : memref<1x128xi32, #tpu.memory_space<vmem>> -> memref<128xi32, #tpu.memory_space<vmem>>
          %dma_wait3A_104 = arith.constant 0 : i32
          %dma_wait3A_105 = arith.constant 0 : i32
          %dma_wait3A_106 = tpu.memref_slice %arg17[%dma_wait3A_104, %dma_wait3A_105] : memref<10240x128xf32, #tpu.memory_space<vmem_shared>> -> memref<10240x128xf32, #tpu.memory_space<vmem_shared>>
          tpu.wait_indirect_dma semaphore(%run_scoped3A : memref<!tpu.dma_semaphore, #tpu.memory_space<semaphore_mem>>) src(%arg12 : memref<128x128xf32, #tpu.memory_space<vmem>>) dst(%dma_wait3A_106 : memref<10240x128xf32, #tpu.memory_space<vmem_shared>>)
          tpu.yield
        }) : () -> ()
        %mul3A_78 = arith.constant 2 : i32
        %mul3A_79 = arith.muli %mul3A_78, %scan3A_62 : i32
        %add3A_80 = arith.constant 1 : i32
        %add3A_81 = arith.addi %mul3A_79, %add3A_80 : i32
        %add3A_82 = arith.constant 1 : i32
        %add3A_83 = arith.addi %add3A_81, %add3A_82 : i32
        %lt3A_84 = arith.constant 40 : i32
        %lt3A_85 = arith.cmpi slt, %add3A_83, %lt3A_84 : i32
        %convert_element_type3A_86 = arith.extui %lt3A_85 : i1 to i32
        %cond3A_87 = arith.constant 0 : i32
        %cond3A_88 = arith.cmpi ne, %convert_element_type3A_86, %cond3A_87 : i32
        scf.if %cond3A_88 {
          %add3A_95 = arith.constant 1 : i32
          %add3A_96 = arith.addi %add3A_81, %add3A_95 : i32
          %dma_start3A_97 = arith.constant 0 : i32
          %dma_start3A_98 = tpu.memref_slice %arg10[%add3A_96, %dma_start3A_97] : memref<40x128xi32, #tpu.memory_space<vmem>> -> memref<1x128xi32, #tpu.memory_space<vmem>>
          %dma_start3A_99 = tpu.memref_squeeze %dma_start3A_98 : memref<1x128xi32, #tpu.memory_space<vmem>> -> memref<128xi32, #tpu.memory_space<vmem>>
          %dma_start3A_100 = arith.constant 0 : i32
          %dma_start3A_101 = arith.constant 0 : i32
          %dma_start3A_102 = tpu.memref_slice %arg2[%dma_start3A_100, %dma_start3A_101] : memref<10000x128xf32, #tpu.memory_space<hbm>> -> memref<10000x128xf32, #tpu.memory_space<hbm>>
          tpu.enqueue_indirect_dma source(%dma_start3A_102 : memref<10000x128xf32, #tpu.memory_space<hbm>>) target(%arg12 : memref<128x128xf32, #tpu.memory_space<vmem>>) offsets(%dma_start3A_99 : memref<128xi32, #tpu.memory_space<vmem>>) semaphore(%arg15 : memref<!tpu.dma_semaphore, #tpu.memory_space<semaphore_mem>>)
        } else {
        }
        %dma_wait3A_89 = arith.constant 0 : i32
        %dma_wait3A_90 = tpu.memref_slice %arg10[%add3A_81, %dma_wait3A_89] : memref<40x128xi32, #tpu.memory_space<vmem>> -> memref<1x128xi32, #tpu.memory_space<vmem>>
        %dma_wait3A_91 = tpu.memref_squeeze %dma_wait3A_90 : memref<1x128xi32, #tpu.memory_space<vmem>> -> memref<128xi32, #tpu.memory_space<vmem>>
        %dma_wait3A_92 = arith.constant 0 : i32
        %dma_wait3A_93 = arith.constant 0 : i32
        %dma_wait3A_94 = tpu.memref_slice %arg2[%dma_wait3A_92, %dma_wait3A_93] : memref<10000x128xf32, #tpu.memory_space<hbm>> -> memref<10000x128xf32, #tpu.memory_space<hbm>>
        tpu.wait_indirect_dma semaphore(%arg16 : memref<!tpu.dma_semaphore, #tpu.memory_space<semaphore_mem>>) src(%dma_wait3A_94 : memref<10000x128xf32, #tpu.memory_space<hbm>>) dst(%arg13 : memref<128x128xf32, #tpu.memory_space<vmem>>)
        "tpu.region"() ({
          %run_scoped3A = tpu.sem_alloc : memref<!tpu.dma_semaphore, #tpu.memory_space<semaphore_mem>>
          %dma_start3A_95 = arith.constant 0 : i32
          %dma_start3A_96 = tpu.memref_slice %arg11[%add3A_81, %dma_start3A_95] : memref<40x128xi32, #tpu.memory_space<vmem>> -> memref<1x128xi32, #tpu.memory_space<vmem>>
          %dma_start3A_97 = tpu.memref_squeeze %dma_start3A_96 : memref<1x128xi32, #tpu.memory_space<vmem>> -> memref<128xi32, #tpu.memory_space<vmem>>
          %dma_start3A_98 = arith.constant 0 : i32
          %dma_start3A_99 = arith.constant 0 : i32
          %dma_start3A_100 = tpu.memref_slice %arg17[%dma_start3A_98, %dma_start3A_99] : memref<10240x128xf32, #tpu.memory_space<vmem_shared>> -> memref<10240x128xf32, #tpu.memory_space<vmem_shared>>
          tpu.enqueue_indirect_dma source(%arg13 : memref<128x128xf32, #tpu.memory_space<vmem>>) target(%dma_start3A_100 : memref<10240x128xf32, #tpu.memory_space<vmem_shared>>) offsets(%dma_start3A_97 : memref<128xi32, #tpu.memory_space<vmem>>) semaphore(%run_scoped3A : memref<!tpu.dma_semaphore, #tpu.memory_space<semaphore_mem>>) {add = true}
          %dma_wait3A_101 = arith.constant 0 : i32
          %dma_wait3A_102 = tpu.memref_slice %arg11[%add3A_81, %dma_wait3A_101] : memref<40x128xi32, #tpu.memory_space<vmem>> -> memref<1x128xi32, #tpu.memory_space<vmem>>
          %dma_wait3A_103 = tpu.memref_squeeze %dma_wait3A_102 : memref<1x128xi32, #tpu.memory_space<vmem>> -> memref<128xi32, #tpu.memory_space<vmem>>
          %dma_wait3A_104 = arith.constant 0 : i32
          %dma_wait3A_105 = arith.constant 0 : i32
          %dma_wait3A_106 = tpu.memref_slice %arg17[%dma_wait3A_104, %dma_wait3A_105] : memref<10240x128xf32, #tpu.memory_space<vmem_shared>> -> memref<10240x128xf32, #tpu.memory_space<vmem_shared>>
          tpu.wait_indirect_dma semaphore(%run_scoped3A : memref<!tpu.dma_semaphore, #tpu.memory_space<semaphore_mem>>) src(%arg13 : memref<128x128xf32, #tpu.memory_space<vmem>>) dst(%dma_wait3A_106 : memref<10240x128xf32, #tpu.memory_space<vmem_shared>>)
          tpu.yield
        }) : () -> ()
      }
      %scan3A_61 = arith.constant 20 : i32
    } else {
    }
    %not3A_14 = arith.constant true
    %not3A_15 = arith.xori %eq3A_6, %not3A_14 : i1
    %eq3A_16 = arith.constant 1 : i32
    %eq3A_17 = arith.cmpi eq, %arg0, %eq3A_16 : i32
    %and3A_18 = arith.andi %not3A_15, %eq3A_17 : i1
    %convert_element_type3A_19 = arith.extui %and3A_18 : i1 to i32
    %cond3A_20 = arith.constant 0 : i32
    %cond3A_21 = arith.cmpi ne, %convert_element_type3A_19, %cond3A_20 : i32
    scf.if %cond3A_21 {
      %add3A = arith.constant 0 : i32
      %add3A_33 = arith.addi %multiple_of3A_3, %add3A : i32
      %multiple_of3A_34 = tpu.assume_multiple %add3A_33, 8 : i32
      "tpu.region"() ({
        %run_scoped3A = tpu.sem_alloc : memref<!tpu.dma_semaphore, #tpu.memory_space<semaphore_mem>>
        %dma_start3A_62 = arith.constant 0 : i32
        %dma_start3A_63 = tpu.memref_slice %arg4[%multiple_of3A_34, %dma_start3A_62] : memref<1280x128xi32, #tpu.memory_space<hbm>> -> memref<40x128xi32, #tpu.memory_space<hbm>>
        %dma_start3A_64 = arith.constant 0 : i32
        %dma_start3A_65 = tpu.memref_slice %arg4[%multiple_of3A_34, %dma_start3A_64] : memref<1280x128xi32, #tpu.memory_space<hbm>> -> memref<40x128xi32, #tpu.memory_space<hbm>>
        tpu.enqueue_dma source(%dma_start3A_65 : memref<40x128xi32, #tpu.memory_space<hbm>>) target(%arg10 : memref<40x128xi32, #tpu.memory_space<vmem>>) target_semaphore(%run_scoped3A : memref<!tpu.dma_semaphore, #tpu.memory_space<semaphore_mem>>)
        %dma_wait3A = arith.constant 0 : i32
        %dma_wait3A_66 = tpu.memref_slice %arg4[%multiple_of3A_34, %dma_wait3A] : memref<1280x128xi32, #tpu.memory_space<hbm>> -> memref<40x128xi32, #tpu.memory_space<hbm>>
        %dma_wait3A_67 = arith.constant 0 : i32
        %dma_wait3A_68 = tpu.memref_slice %arg4[%multiple_of3A_34, %dma_wait3A_67] : memref<1280x128xi32, #tpu.memory_space<hbm>> -> memref<40x128xi32, #tpu.memory_space<hbm>>
        tpu.wait_dma2 semaphore(%run_scoped3A : memref<!tpu.dma_semaphore, #tpu.memory_space<semaphore_mem>>) src(%dma_wait3A_68 : memref<40x128xi32, #tpu.memory_space<hbm>>) dst(%arg10 : memref<40x128xi32, #tpu.memory_space<vmem>>)
        tpu.yield
      }) : () -> ()
      "tpu.region"() ({
        %run_scoped3A = tpu.sem_alloc : memref<!tpu.dma_semaphore, #tpu.memory_space<semaphore_mem>>
        %dma_start3A_62 = arith.constant 0 : i32
        %dma_start3A_63 = tpu.memref_slice %arg5[%multiple_of3A_34, %dma_start3A_62] : memref<1280x128xi32, #tpu.memory_space<hbm>> -> memref<40x128xi32, #tpu.memory_space<hbm>>
        %dma_start3A_64 = arith.constant 0 : i32
        %dma_start3A_65 = tpu.memref_slice %arg5[%multiple_of3A_34, %dma_start3A_64] : memref<1280x128xi32, #tpu.memory_space<hbm>> -> memref<40x128xi32, #tpu.memory_space<hbm>>
        tpu.enqueue_dma source(%dma_start3A_65 : memref<40x128xi32, #tpu.memory_space<hbm>>) target(%arg11 : memref<40x128xi32, #tpu.memory_space<vmem>>) target_semaphore(%run_scoped3A : memref<!tpu.dma_semaphore, #tpu.memory_space<semaphore_mem>>)
        %dma_wait3A = arith.constant 0 : i32
        %dma_wait3A_66 = tpu.memref_slice %arg5[%multiple_of3A_34, %dma_wait3A] : memref<1280x128xi32, #tpu.memory_space<hbm>> -> memref<40x128xi32, #tpu.memory_space<hbm>>
        %dma_wait3A_67 = arith.constant 0 : i32
        %dma_wait3A_68 = tpu.memref_slice %arg5[%multiple_of3A_34, %dma_wait3A_67] : memref<1280x128xi32, #tpu.memory_space<hbm>> -> memref<40x128xi32, #tpu.memory_space<hbm>>
        tpu.wait_dma2 semaphore(%run_scoped3A : memref<!tpu.dma_semaphore, #tpu.memory_space<semaphore_mem>>) src(%dma_wait3A_68 : memref<40x128xi32, #tpu.memory_space<hbm>>) dst(%arg11 : memref<40x128xi32, #tpu.memory_space<vmem>>)
        tpu.yield
      }) : () -> ()
      %dma_start3A = arith.constant 0 : i32
      %dma_start3A_35 = arith.constant 0 : i32
      %dma_start3A_36 = tpu.memref_slice %arg10[%dma_start3A, %dma_start3A_35] : memref<40x128xi32, #tpu.memory_space<vmem>> -> memref<1x128xi32, #tpu.memory_space<vmem>>
      %dma_start3A_37 = tpu.memref_squeeze %dma_start3A_36 : memref<1x128xi32, #tpu.memory_space<vmem>> -> memref<128xi32, #tpu.memory_space<vmem>>
      %dma_start3A_38 = arith.constant 0 : i32
      %dma_start3A_39 = arith.constant 0 : i32
      %dma_start3A_40 = tpu.memref_slice %arg3[%dma_start3A_38, %dma_start3A_39] : memref<10000x128xf32, #tpu.memory_space<hbm>> -> memref<10000x128xf32, #tpu.memory_space<hbm>>
      tpu.enqueue_indirect_dma source(%dma_start3A_40 : memref<10000x128xf32, #tpu.memory_space<hbm>>) target(%arg12 : memref<128x128xf32, #tpu.memory_space<vmem>>) offsets(%dma_start3A_37 : memref<128xi32, #tpu.memory_space<vmem>>) semaphore(%arg15 : memref<!tpu.dma_semaphore, #tpu.memory_space<semaphore_mem>>)
      %scan3A = arith.constant 0 : i32
      %scan3A_41 = arith.constant 0 : i32
      %scan3A_42 = arith.constant 20 : i32
      %scan3A_43 = arith.addi %scan3A_41, %scan3A_42 : i32
      %scan3A_44 = arith.constant 1 : i32
      scf.for %scan3A_62 = %scan3A_41 to %scan3A_43 step %scan3A_44  : i32 {
        %mul3A_63 = arith.constant 2 : i32
        %mul3A_64 = arith.muli %mul3A_63, %scan3A_62 : i32
        %add3A_65 = arith.constant 0 : i32
        %add3A_66 = arith.addi %mul3A_64, %add3A_65 : i32
        %add3A_67 = arith.constant 1 : i32
        %add3A_68 = arith.addi %add3A_66, %add3A_67 : i32
        %lt3A = arith.constant 40 : i32
        %lt3A_69 = arith.cmpi slt, %add3A_68, %lt3A : i32
        %convert_element_type3A_70 = arith.extui %lt3A_69 : i1 to i32
        %cond3A_71 = arith.constant 0 : i32
        %cond3A_72 = arith.cmpi ne, %convert_element_type3A_70, %cond3A_71 : i32
        scf.if %cond3A_72 {
          %add3A_95 = arith.constant 1 : i32
          %add3A_96 = arith.addi %add3A_66, %add3A_95 : i32
          %dma_start3A_97 = arith.constant 0 : i32
          %dma_start3A_98 = tpu.memref_slice %arg10[%add3A_96, %dma_start3A_97] : memref<40x128xi32, #tpu.memory_space<vmem>> -> memref<1x128xi32, #tpu.memory_space<vmem>>
          %dma_start3A_99 = tpu.memref_squeeze %dma_start3A_98 : memref<1x128xi32, #tpu.memory_space<vmem>> -> memref<128xi32, #tpu.memory_space<vmem>>
          %dma_start3A_100 = arith.constant 0 : i32
          %dma_start3A_101 = arith.constant 0 : i32
          %dma_start3A_102 = tpu.memref_slice %arg3[%dma_start3A_100, %dma_start3A_101] : memref<10000x128xf32, #tpu.memory_space<hbm>> -> memref<10000x128xf32, #tpu.memory_space<hbm>>
          tpu.enqueue_indirect_dma source(%dma_start3A_102 : memref<10000x128xf32, #tpu.memory_space<hbm>>) target(%arg13 : memref<128x128xf32, #tpu.memory_space<vmem>>) offsets(%dma_start3A_99 : memref<128xi32, #tpu.memory_space<vmem>>) semaphore(%arg16 : memref<!tpu.dma_semaphore, #tpu.memory_space<semaphore_mem>>)
        } else {
        }
        %dma_wait3A = arith.constant 0 : i32
        %dma_wait3A_73 = tpu.memref_slice %arg10[%add3A_66, %dma_wait3A] : memref<40x128xi32, #tpu.memory_space<vmem>> -> memref<1x128xi32, #tpu.memory_space<vmem>>
        %dma_wait3A_74 = tpu.memref_squeeze %dma_wait3A_73 : memref<1x128xi32, #tpu.memory_space<vmem>> -> memref<128xi32, #tpu.memory_space<vmem>>
        %dma_wait3A_75 = arith.constant 0 : i32
        %dma_wait3A_76 = arith.constant 0 : i32
        %dma_wait3A_77 = tpu.memref_slice %arg3[%dma_wait3A_75, %dma_wait3A_76] : memref<10000x128xf32, #tpu.memory_space<hbm>> -> memref<10000x128xf32, #tpu.memory_space<hbm>>
        tpu.wait_indirect_dma semaphore(%arg15 : memref<!tpu.dma_semaphore, #tpu.memory_space<semaphore_mem>>) src(%dma_wait3A_77 : memref<10000x128xf32, #tpu.memory_space<hbm>>) dst(%arg12 : memref<128x128xf32, #tpu.memory_space<vmem>>)
        "tpu.region"() ({
          %run_scoped3A = tpu.sem_alloc : memref<!tpu.dma_semaphore, #tpu.memory_space<semaphore_mem>>
          %dma_start3A_95 = arith.constant 0 : i32
          %dma_start3A_96 = tpu.memref_slice %arg11[%add3A_66, %dma_start3A_95] : memref<40x128xi32, #tpu.memory_space<vmem>> -> memref<1x128xi32, #tpu.memory_space<vmem>>
          %dma_start3A_97 = tpu.memref_squeeze %dma_start3A_96 : memref<1x128xi32, #tpu.memory_space<vmem>> -> memref<128xi32, #tpu.memory_space<vmem>>
          %dma_start3A_98 = arith.constant 0 : i32
          %dma_start3A_99 = arith.constant 0 : i32
          %dma_start3A_100 = tpu.memref_slice %arg17[%dma_start3A_98, %dma_start3A_99] : memref<10240x128xf32, #tpu.memory_space<vmem_shared>> -> memref<10240x128xf32, #tpu.memory_space<vmem_shared>>
          tpu.enqueue_indirect_dma source(%arg12 : memref<128x128xf32, #tpu.memory_space<vmem>>) target(%dma_start3A_100 : memref<10240x128xf32, #tpu.memory_space<vmem_shared>>) offsets(%dma_start3A_97 : memref<128xi32, #tpu.memory_space<vmem>>) semaphore(%run_scoped3A : memref<!tpu.dma_semaphore, #tpu.memory_space<semaphore_mem>>) {add = true}
          %dma_wait3A_101 = arith.constant 0 : i32
          %dma_wait3A_102 = tpu.memref_slice %arg11[%add3A_66, %dma_wait3A_101] : memref<40x128xi32, #tpu.memory_space<vmem>> -> memref<1x128xi32, #tpu.memory_space<vmem>>
          %dma_wait3A_103 = tpu.memref_squeeze %dma_wait3A_102 : memref<1x128xi32, #tpu.memory_space<vmem>> -> memref<128xi32, #tpu.memory_space<vmem>>
          %dma_wait3A_104 = arith.constant 0 : i32
          %dma_wait3A_105 = arith.constant 0 : i32
          %dma_wait3A_106 = tpu.memref_slice %arg17[%dma_wait3A_104, %dma_wait3A_105] : memref<10240x128xf32, #tpu.memory_space<vmem_shared>> -> memref<10240x128xf32, #tpu.memory_space<vmem_shared>>
          tpu.wait_indirect_dma semaphore(%run_scoped3A : memref<!tpu.dma_semaphore, #tpu.memory_space<semaphore_mem>>) src(%arg12 : memref<128x128xf32, #tpu.memory_space<vmem>>) dst(%dma_wait3A_106 : memref<10240x128xf32, #tpu.memory_space<vmem_shared>>)
          tpu.yield
        }) : () -> ()
        %mul3A_78 = arith.constant 2 : i32
        %mul3A_79 = arith.muli %mul3A_78, %scan3A_62 : i32
        %add3A_80 = arith.constant 1 : i32
        %add3A_81 = arith.addi %mul3A_79, %add3A_80 : i32
        %add3A_82 = arith.constant 1 : i32
        %add3A_83 = arith.addi %add3A_81, %add3A_82 : i32
        %lt3A_84 = arith.constant 40 : i32
        %lt3A_85 = arith.cmpi slt, %add3A_83, %lt3A_84 : i32
        %convert_element_type3A_86 = arith.extui %lt3A_85 : i1 to i32
        %cond3A_87 = arith.constant 0 : i32
        %cond3A_88 = arith.cmpi ne, %convert_element_type3A_86, %cond3A_87 : i32
        scf.if %cond3A_88 {
          %add3A_95 = arith.constant 1 : i32
          %add3A_96 = arith.addi %add3A_81, %add3A_95 : i32
          %dma_start3A_97 = arith.constant 0 : i32
          %dma_start3A_98 = tpu.memref_slice %arg10[%add3A_96, %dma_start3A_97] : memref<40x128xi32, #tpu.memory_space<vmem>> -> memref<1x128xi32, #tpu.memory_space<vmem>>
          %dma_start3A_99 = tpu.memref_squeeze %dma_start3A_98 : memref<1x128xi32, #tpu.memory_space<vmem>> -> memref<128xi32, #tpu.memory_space<vmem>>
          %dma_start3A_100 = arith.constant 0 : i32
          %dma_start3A_101 = arith.constant 0 : i32
          %dma_start3A_102 = tpu.memref_slice %arg3[%dma_start3A_100, %dma_start3A_101] : memref<10000x128xf32, #tpu.memory_space<hbm>> -> memref<10000x128xf32, #tpu.memory_space<hbm>>
          tpu.enqueue_indirect_dma source(%dma_start3A_102 : memref<10000x128xf32, #tpu.memory_space<hbm>>) target(%arg12 : memref<128x128xf32, #tpu.memory_space<vmem>>) offsets(%dma_start3A_99 : memref<128xi32, #tpu.memory_space<vmem>>) semaphore(%arg15 : memref<!tpu.dma_semaphore, #tpu.memory_space<semaphore_mem>>)
        } else {
        }
        %dma_wait3A_89 = arith.constant 0 : i32
        %dma_wait3A_90 = tpu.memref_slice %arg10[%add3A_81, %dma_wait3A_89] : memref<40x128xi32, #tpu.memory_space<vmem>> -> memref<1x128xi32, #tpu.memory_space<vmem>>
        %dma_wait3A_91 = tpu.memref_squeeze %dma_wait3A_90 : memref<1x128xi32, #tpu.memory_space<vmem>> -> memref<128xi32, #tpu.memory_space<vmem>>
        %dma_wait3A_92 = arith.constant 0 : i32
        %dma_wait3A_93 = arith.constant 0 : i32
        %dma_wait3A_94 = tpu.memref_slice %arg3[%dma_wait3A_92, %dma_wait3A_93] : memref<10000x128xf32, #tpu.memory_space<hbm>> -> memref<10000x128xf32, #tpu.memory_space<hbm>>
        tpu.wait_indirect_dma semaphore(%arg16 : memref<!tpu.dma_semaphore, #tpu.memory_space<semaphore_mem>>) src(%dma_wait3A_94 : memref<10000x128xf32, #tpu.memory_space<hbm>>) dst(%arg13 : memref<128x128xf32, #tpu.memory_space<vmem>>)
        "tpu.region"() ({
          %run_scoped3A = tpu.sem_alloc : memref<!tpu.dma_semaphore, #tpu.memory_space<semaphore_mem>>
          %dma_start3A_95 = arith.constant 0 : i32
          %dma_start3A_96 = tpu.memref_slice %arg11[%add3A_81, %dma_start3A_95] : memref<40x128xi32, #tpu.memory_space<vmem>> -> memref<1x128xi32, #tpu.memory_space<vmem>>
          %dma_start3A_97 = tpu.memref_squeeze %dma_start3A_96 : memref<1x128xi32, #tpu.memory_space<vmem>> -> memref<128xi32, #tpu.memory_space<vmem>>
          %dma_start3A_98 = arith.constant 0 : i32
          %dma_start3A_99 = arith.constant 0 : i32
          %dma_start3A_100 = tpu.memref_slice %arg17[%dma_start3A_98, %dma_start3A_99] : memref<10240x128xf32, #tpu.memory_space<vmem_shared>> -> memref<10240x128xf32, #tpu.memory_space<vmem_shared>>
          tpu.enqueue_indirect_dma source(%arg13 : memref<128x128xf32, #tpu.memory_space<vmem>>) target(%dma_start3A_100 : memref<10240x128xf32, #tpu.memory_space<vmem_shared>>) offsets(%dma_start3A_97 : memref<128xi32, #tpu.memory_space<vmem>>) semaphore(%run_scoped3A : memref<!tpu.dma_semaphore, #tpu.memory_space<semaphore_mem>>) {add = true}
          %dma_wait3A_101 = arith.constant 0 : i32
          %dma_wait3A_102 = tpu.memref_slice %arg11[%add3A_81, %dma_wait3A_101] : memref<40x128xi32, #tpu.memory_space<vmem>> -> memref<1x128xi32, #tpu.memory_space<vmem>>
          %dma_wait3A_103 = tpu.memref_squeeze %dma_wait3A_102 : memref<1x128xi32, #tpu.memory_space<vmem>> -> memref<128xi32, #tpu.memory_space<vmem>>
          %dma_wait3A_104 = arith.constant 0 : i32
          %dma_wait3A_105 = arith.constant 0 : i32
          %dma_wait3A_106 = tpu.memref_slice %arg17[%dma_wait3A_104, %dma_wait3A_105] : memref<10240x128xf32, #tpu.memory_space<vmem_shared>> -> memref<10240x128xf32, #tpu.memory_space<vmem_shared>>
          tpu.wait_indirect_dma semaphore(%run_scoped3A : memref<!tpu.dma_semaphore, #tpu.memory_space<semaphore_mem>>) src(%arg13 : memref<128x128xf32, #tpu.memory_space<vmem>>) dst(%dma_wait3A_106 : memref<10240x128xf32, #tpu.memory_space<vmem_shared>>)
          tpu.yield
        }) : () -> ()
      }
      %scan3A_45 = arith.constant 20 : i32
      %add3A_46 = arith.constant 40 : i32
      %add3A_47 = arith.addi %multiple_of3A_3, %add3A_46 : i32
      %multiple_of3A_48 = tpu.assume_multiple %add3A_47, 8 : i32
      "tpu.region"() ({
        %run_scoped3A = tpu.sem_alloc : memref<!tpu.dma_semaphore, #tpu.memory_space<semaphore_mem>>
        %dma_start3A_62 = arith.constant 0 : i32
        %dma_start3A_63 = tpu.memref_slice %arg4[%multiple_of3A_48, %dma_start3A_62] : memref<1280x128xi32, #tpu.memory_space<hbm>> -> memref<40x128xi32, #tpu.memory_space<hbm>>
        %dma_start3A_64 = arith.constant 0 : i32
        %dma_start3A_65 = tpu.memref_slice %arg4[%multiple_of3A_48, %dma_start3A_64] : memref<1280x128xi32, #tpu.memory_space<hbm>> -> memref<40x128xi32, #tpu.memory_space<hbm>>
        tpu.enqueue_dma source(%dma_start3A_65 : memref<40x128xi32, #tpu.memory_space<hbm>>) target(%arg10 : memref<40x128xi32, #tpu.memory_space<vmem>>) target_semaphore(%run_scoped3A : memref<!tpu.dma_semaphore, #tpu.memory_space<semaphore_mem>>)
        %dma_wait3A = arith.constant 0 : i32
        %dma_wait3A_66 = tpu.memref_slice %arg4[%multiple_of3A_48, %dma_wait3A] : memref<1280x128xi32, #tpu.memory_space<hbm>> -> memref<40x128xi32, #tpu.memory_space<hbm>>
        %dma_wait3A_67 = arith.constant 0 : i32
        %dma_wait3A_68 = tpu.memref_slice %arg4[%multiple_of3A_48, %dma_wait3A_67] : memref<1280x128xi32, #tpu.memory_space<hbm>> -> memref<40x128xi32, #tpu.memory_space<hbm>>
        tpu.wait_dma2 semaphore(%run_scoped3A : memref<!tpu.dma_semaphore, #tpu.memory_space<semaphore_mem>>) src(%dma_wait3A_68 : memref<40x128xi32, #tpu.memory_space<hbm>>) dst(%arg10 : memref<40x128xi32, #tpu.memory_space<vmem>>)
        tpu.yield
      }) : () -> ()
      "tpu.region"() ({
        %run_scoped3A = tpu.sem_alloc : memref<!tpu.dma_semaphore, #tpu.memory_space<semaphore_mem>>
        %dma_start3A_62 = arith.constant 0 : i32
        %dma_start3A_63 = tpu.memref_slice %arg5[%multiple_of3A_48, %dma_start3A_62] : memref<1280x128xi32, #tpu.memory_space<hbm>> -> memref<40x128xi32, #tpu.memory_space<hbm>>
        %dma_start3A_64 = arith.constant 0 : i32
        %dma_start3A_65 = tpu.memref_slice %arg5[%multiple_of3A_48, %dma_start3A_64] : memref<1280x128xi32, #tpu.memory_space<hbm>> -> memref<40x128xi32, #tpu.memory_space<hbm>>
        tpu.enqueue_dma source(%dma_start3A_65 : memref<40x128xi32, #tpu.memory_space<hbm>>) target(%arg11 : memref<40x128xi32, #tpu.memory_space<vmem>>) target_semaphore(%run_scoped3A : memref<!tpu.dma_semaphore, #tpu.memory_space<semaphore_mem>>)
        %dma_wait3A = arith.constant 0 : i32
        %dma_wait3A_66 = tpu.memref_slice %arg5[%multiple_of3A_48, %dma_wait3A] : memref<1280x128xi32, #tpu.memory_space<hbm>> -> memref<40x128xi32, #tpu.memory_space<hbm>>
        %dma_wait3A_67 = arith.constant 0 : i32
        %dma_wait3A_68 = tpu.memref_slice %arg5[%multiple_of3A_48, %dma_wait3A_67] : memref<1280x128xi32, #tpu.memory_space<hbm>> -> memref<40x128xi32, #tpu.memory_space<hbm>>
        tpu.wait_dma2 semaphore(%run_scoped3A : memref<!tpu.dma_semaphore, #tpu.memory_space<semaphore_mem>>) src(%dma_wait3A_68 : memref<40x128xi32, #tpu.memory_space<hbm>>) dst(%arg11 : memref<40x128xi32, #tpu.memory_space<vmem>>)
        tpu.yield
      }) : () -> ()
      %dma_start3A_49 = arith.constant 0 : i32
      %dma_start3A_50 = arith.constant 0 : i32
      %dma_start3A_51 = tpu.memref_slice %arg10[%dma_start3A_49, %dma_start3A_50] : memref<40x128xi32, #tpu.memory_space<vmem>> -> memref<1x128xi32, #tpu.memory_space<vmem>>
      %dma_start3A_52 = tpu.memref_squeeze %dma_start3A_51 : memref<1x128xi32, #tpu.memory_space<vmem>> -> memref<128xi32, #tpu.memory_space<vmem>>
      %dma_start3A_53 = arith.constant 0 : i32
      %dma_start3A_54 = arith.constant 0 : i32
      %dma_start3A_55 = tpu.memref_slice %arg3[%dma_start3A_53, %dma_start3A_54] : memref<10000x128xf32, #tpu.memory_space<hbm>> -> memref<10000x128xf32, #tpu.memory_space<hbm>>
      tpu.enqueue_indirect_dma source(%dma_start3A_55 : memref<10000x128xf32, #tpu.memory_space<hbm>>) target(%arg12 : memref<128x128xf32, #tpu.memory_space<vmem>>) offsets(%dma_start3A_52 : memref<128xi32, #tpu.memory_space<vmem>>) semaphore(%arg15 : memref<!tpu.dma_semaphore, #tpu.memory_space<semaphore_mem>>)
      %scan3A_56 = arith.constant 0 : i32
      %scan3A_57 = arith.constant 0 : i32
      %scan3A_58 = arith.constant 20 : i32
      %scan3A_59 = arith.addi %scan3A_57, %scan3A_58 : i32
      %scan3A_60 = arith.constant 1 : i32
      scf.for %scan3A_62 = %scan3A_57 to %scan3A_59 step %scan3A_60  : i32 {
        %mul3A_63 = arith.constant 2 : i32
        %mul3A_64 = arith.muli %mul3A_63, %scan3A_62 : i32
        %add3A_65 = arith.constant 0 : i32
        %add3A_66 = arith.addi %mul3A_64, %add3A_65 : i32
        %add3A_67 = arith.constant 1 : i32
        %add3A_68 = arith.addi %add3A_66, %add3A_67 : i32
        %lt3A = arith.constant 40 : i32
        %lt3A_69 = arith.cmpi slt, %add3A_68, %lt3A : i32
        %convert_element_type3A_70 = arith.extui %lt3A_69 : i1 to i32
        %cond3A_71 = arith.constant 0 : i32
        %cond3A_72 = arith.cmpi ne, %convert_element_type3A_70, %cond3A_71 : i32
        scf.if %cond3A_72 {
          %add3A_95 = arith.constant 1 : i32
          %add3A_96 = arith.addi %add3A_66, %add3A_95 : i32
          %dma_start3A_97 = arith.constant 0 : i32
          %dma_start3A_98 = tpu.memref_slice %arg10[%add3A_96, %dma_start3A_97] : memref<40x128xi32, #tpu.memory_space<vmem>> -> memref<1x128xi32, #tpu.memory_space<vmem>>
          %dma_start3A_99 = tpu.memref_squeeze %dma_start3A_98 : memref<1x128xi32, #tpu.memory_space<vmem>> -> memref<128xi32, #tpu.memory_space<vmem>>
          %dma_start3A_100 = arith.constant 0 : i32
          %dma_start3A_101 = arith.constant 0 : i32
          %dma_start3A_102 = tpu.memref_slice %arg3[%dma_start3A_100, %dma_start3A_101] : memref<10000x128xf32, #tpu.memory_space<hbm>> -> memref<10000x128xf32, #tpu.memory_space<hbm>>
          tpu.enqueue_indirect_dma source(%dma_start3A_102 : memref<10000x128xf32, #tpu.memory_space<hbm>>) target(%arg13 : memref<128x128xf32, #tpu.memory_space<vmem>>) offsets(%dma_start3A_99 : memref<128xi32, #tpu.memory_space<vmem>>) semaphore(%arg16 : memref<!tpu.dma_semaphore, #tpu.memory_space<semaphore_mem>>)
        } else {
        }
        %dma_wait3A = arith.constant 0 : i32
        %dma_wait3A_73 = tpu.memref_slice %arg10[%add3A_66, %dma_wait3A] : memref<40x128xi32, #tpu.memory_space<vmem>> -> memref<1x128xi32, #tpu.memory_space<vmem>>
        %dma_wait3A_74 = tpu.memref_squeeze %dma_wait3A_73 : memref<1x128xi32, #tpu.memory_space<vmem>> -> memref<128xi32, #tpu.memory_space<vmem>>
        %dma_wait3A_75 = arith.constant 0 : i32
        %dma_wait3A_76 = arith.constant 0 : i32
        %dma_wait3A_77 = tpu.memref_slice %arg3[%dma_wait3A_75, %dma_wait3A_76] : memref<10000x128xf32, #tpu.memory_space<hbm>> -> memref<10000x128xf32, #tpu.memory_space<hbm>>
        tpu.wait_indirect_dma semaphore(%arg15 : memref<!tpu.dma_semaphore, #tpu.memory_space<semaphore_mem>>) src(%dma_wait3A_77 : memref<10000x128xf32, #tpu.memory_space<hbm>>) dst(%arg12 : memref<128x128xf32, #tpu.memory_space<vmem>>)
        "tpu.region"() ({
          %run_scoped3A = tpu.sem_alloc : memref<!tpu.dma_semaphore, #tpu.memory_space<semaphore_mem>>
          %dma_start3A_95 = arith.constant 0 : i32
          %dma_start3A_96 = tpu.memref_slice %arg11[%add3A_66, %dma_start3A_95] : memref<40x128xi32, #tpu.memory_space<vmem>> -> memref<1x128xi32, #tpu.memory_space<vmem>>
          %dma_start3A_97 = tpu.memref_squeeze %dma_start3A_96 : memref<1x128xi32, #tpu.memory_space<vmem>> -> memref<128xi32, #tpu.memory_space<vmem>>
          %dma_start3A_98 = arith.constant 0 : i32
          %dma_start3A_99 = arith.constant 0 : i32
          %dma_start3A_100 = tpu.memref_slice %arg17[%dma_start3A_98, %dma_start3A_99] : memref<10240x128xf32, #tpu.memory_space<vmem_shared>> -> memref<10240x128xf32, #tpu.memory_space<vmem_shared>>
          tpu.enqueue_indirect_dma source(%arg12 : memref<128x128xf32, #tpu.memory_space<vmem>>) target(%dma_start3A_100 : memref<10240x128xf32, #tpu.memory_space<vmem_shared>>) offsets(%dma_start3A_97 : memref<128xi32, #tpu.memory_space<vmem>>) semaphore(%run_scoped3A : memref<!tpu.dma_semaphore, #tpu.memory_space<semaphore_mem>>) {add = true}
          %dma_wait3A_101 = arith.constant 0 : i32
          %dma_wait3A_102 = tpu.memref_slice %arg11[%add3A_66, %dma_wait3A_101] : memref<40x128xi32, #tpu.memory_space<vmem>> -> memref<1x128xi32, #tpu.memory_space<vmem>>
          %dma_wait3A_103 = tpu.memref_squeeze %dma_wait3A_102 : memref<1x128xi32, #tpu.memory_space<vmem>> -> memref<128xi32, #tpu.memory_space<vmem>>
          %dma_wait3A_104 = arith.constant 0 : i32
          %dma_wait3A_105 = arith.constant 0 : i32
          %dma_wait3A_106 = tpu.memref_slice %arg17[%dma_wait3A_104, %dma_wait3A_105] : memref<10240x128xf32, #tpu.memory_space<vmem_shared>> -> memref<10240x128xf32, #tpu.memory_space<vmem_shared>>
          tpu.wait_indirect_dma semaphore(%run_scoped3A : memref<!tpu.dma_semaphore, #tpu.memory_space<semaphore_mem>>) src(%arg12 : memref<128x128xf32, #tpu.memory_space<vmem>>) dst(%dma_wait3A_106 : memref<10240x128xf32, #tpu.memory_space<vmem_shared>>)
          tpu.yield
        }) : () -> ()
        %mul3A_78 = arith.constant 2 : i32
        %mul3A_79 = arith.muli %mul3A_78, %scan3A_62 : i32
        %add3A_80 = arith.constant 1 : i32
        %add3A_81 = arith.addi %mul3A_79, %add3A_80 : i32
        %add3A_82 = arith.constant 1 : i32
        %add3A_83 = arith.addi %add3A_81, %add3A_82 : i32
        %lt3A_84 = arith.constant 40 : i32
        %lt3A_85 = arith.cmpi slt, %add3A_83, %lt3A_84 : i32
        %convert_element_type3A_86 = arith.extui %lt3A_85 : i1 to i32
        %cond3A_87 = arith.constant 0 : i32
        %cond3A_88 = arith.cmpi ne, %convert_element_type3A_86, %cond3A_87 : i32
        scf.if %cond3A_88 {
          %add3A_95 = arith.constant 1 : i32
          %add3A_96 = arith.addi %add3A_81, %add3A_95 : i32
          %dma_start3A_97 = arith.constant 0 : i32
          %dma_start3A_98 = tpu.memref_slice %arg10[%add3A_96, %dma_start3A_97] : memref<40x128xi32, #tpu.memory_space<vmem>> -> memref<1x128xi32, #tpu.memory_space<vmem>>
          %dma_start3A_99 = tpu.memref_squeeze %dma_start3A_98 : memref<1x128xi32, #tpu.memory_space<vmem>> -> memref<128xi32, #tpu.memory_space<vmem>>
          %dma_start3A_100 = arith.constant 0 : i32
          %dma_start3A_101 = arith.constant 0 : i32
          %dma_start3A_102 = tpu.memref_slice %arg3[%dma_start3A_100, %dma_start3A_101] : memref<10000x128xf32, #tpu.memory_space<hbm>> -> memref<10000x128xf32, #tpu.memory_space<hbm>>
          tpu.enqueue_indirect_dma source(%dma_start3A_102 : memref<10000x128xf32, #tpu.memory_space<hbm>>) target(%arg12 : memref<128x128xf32, #tpu.memory_space<vmem>>) offsets(%dma_start3A_99 : memref<128xi32, #tpu.memory_space<vmem>>) semaphore(%arg15 : memref<!tpu.dma_semaphore, #tpu.memory_space<semaphore_mem>>)
        } else {
        }
        %dma_wait3A_89 = arith.constant 0 : i32
        %dma_wait3A_90 = tpu.memref_slice %arg10[%add3A_81, %dma_wait3A_89] : memref<40x128xi32, #tpu.memory_space<vmem>> -> memref<1x128xi32, #tpu.memory_space<vmem>>
        %dma_wait3A_91 = tpu.memref_squeeze %dma_wait3A_90 : memref<1x128xi32, #tpu.memory_space<vmem>> -> memref<128xi32, #tpu.memory_space<vmem>>
        %dma_wait3A_92 = arith.constant 0 : i32
        %dma_wait3A_93 = arith.constant 0 : i32
        %dma_wait3A_94 = tpu.memref_slice %arg3[%dma_wait3A_92, %dma_wait3A_93] : memref<10000x128xf32, #tpu.memory_space<hbm>> -> memref<10000x128xf32, #tpu.memory_space<hbm>>
        tpu.wait_indirect_dma semaphore(%arg16 : memref<!tpu.dma_semaphore, #tpu.memory_space<semaphore_mem>>) src(%dma_wait3A_94 : memref<10000x128xf32, #tpu.memory_space<hbm>>) dst(%arg13 : memref<128x128xf32, #tpu.memory_space<vmem>>)
        "tpu.region"() ({
          %run_scoped3A = tpu.sem_alloc : memref<!tpu.dma_semaphore, #tpu.memory_space<semaphore_mem>>
          %dma_start3A_95 = arith.constant 0 : i32
          %dma_start3A_96 = tpu.memref_slice %arg11[%add3A_81, %dma_start3A_95] : memref<40x128xi32, #tpu.memory_space<vmem>> -> memref<1x128xi32, #tpu.memory_space<vmem>>
          %dma_start3A_97 = tpu.memref_squeeze %dma_start3A_96 : memref<1x128xi32, #tpu.memory_space<vmem>> -> memref<128xi32, #tpu.memory_space<vmem>>
          %dma_start3A_98 = arith.constant 0 : i32
          %dma_start3A_99 = arith.constant 0 : i32
          %dma_start3A_100 = tpu.memref_slice %arg17[%dma_start3A_98, %dma_start3A_99] : memref<10240x128xf32, #tpu.memory_space<vmem_shared>> -> memref<10240x128xf32, #tpu.memory_space<vmem_shared>>
          tpu.enqueue_indirect_dma source(%arg13 : memref<128x128xf32, #tpu.memory_space<vmem>>) target(%dma_start3A_100 : memref<10240x128xf32, #tpu.memory_space<vmem_shared>>) offsets(%dma_start3A_97 : memref<128xi32, #tpu.memory_space<vmem>>) semaphore(%run_scoped3A : memref<!tpu.dma_semaphore, #tpu.memory_space<semaphore_mem>>) {add = true}
          %dma_wait3A_101 = arith.constant 0 : i32
          %dma_wait3A_102 = tpu.memref_slice %arg11[%add3A_81, %dma_wait3A_101] : memref<40x128xi32, #tpu.memory_space<vmem>> -> memref<1x128xi32, #tpu.memory_space<vmem>>
          %dma_wait3A_103 = tpu.memref_squeeze %dma_wait3A_102 : memref<1x128xi32, #tpu.memory_space<vmem>> -> memref<128xi32, #tpu.memory_space<vmem>>
          %dma_wait3A_104 = arith.constant 0 : i32
          %dma_wait3A_105 = arith.constant 0 : i32
          %dma_wait3A_106 = tpu.memref_slice %arg17[%dma_wait3A_104, %dma_wait3A_105] : memref<10240x128xf32, #tpu.memory_space<vmem_shared>> -> memref<10240x128xf32, #tpu.memory_space<vmem_shared>>
          tpu.wait_indirect_dma semaphore(%run_scoped3A : memref<!tpu.dma_semaphore, #tpu.memory_space<semaphore_mem>>) src(%arg13 : memref<128x128xf32, #tpu.memory_space<vmem>>) dst(%dma_wait3A_106 : memref<10240x128xf32, #tpu.memory_space<vmem_shared>>)
          tpu.yield
        }) : () -> ()
      }
      %scan3A_61 = arith.constant 20 : i32
    } else {
    }
    %barrier3A_22 = arith.constant 0 : index
    tpu.barrier barrier_id(%barrier3A_22)
    %eq3A_23 = arith.constant 0 : i32
    %eq3A_24 = arith.cmpi eq, %arg0, %eq3A_23 : i32
    %convert_element_type3A_25 = arith.extui %eq3A_24 : i1 to i32
    %cond3A_26 = arith.constant 0 : i32
    %cond3A_27 = arith.cmpi ne, %convert_element_type3A_25, %cond3A_26 : i32
    scf.if %cond3A_27 {
      "tpu.region"() ({
        %run_scoped3A = tpu.sem_alloc : memref<!tpu.dma_semaphore, #tpu.memory_space<semaphore_mem>>
        %dma_start3A = arith.constant 0 : i32
        %dma_start3A_33 = tpu.memref_slice %arg8[%multiple_of3A, %dma_start3A] : memref<10240x128xf32, #tpu.memory_space<hbm>> -> memref<640x128xf32, #tpu.memory_space<hbm>>
        %dma_start3A_34 = arith.constant 0 : i32
        %dma_start3A_35 = tpu.memref_slice %arg17[%multiple_of3A, %dma_start3A_34] : memref<10240x128xf32, #tpu.memory_space<vmem_shared>> -> memref<640x128xf32, #tpu.memory_space<vmem_shared>>
        tpu.enqueue_dma source(%dma_start3A_35 : memref<640x128xf32, #tpu.memory_space<vmem_shared>>) target(%dma_start3A_33 : memref<640x128xf32, #tpu.memory_space<hbm>>) target_semaphore(%run_scoped3A : memref<!tpu.dma_semaphore, #tpu.memory_space<semaphore_mem>>)
        %dma_wait3A = arith.constant 0 : i32
        %dma_wait3A_36 = tpu.memref_slice %arg8[%multiple_of3A, %dma_wait3A] : memref<10240x128xf32, #tpu.memory_space<hbm>> -> memref<640x128xf32, #tpu.memory_space<hbm>>
        %dma_wait3A_37 = arith.constant 0 : i32
        %dma_wait3A_38 = tpu.memref_slice %arg17[%multiple_of3A, %dma_wait3A_37] : memref<10240x128xf32, #tpu.memory_space<vmem_shared>> -> memref<640x128xf32, #tpu.memory_space<vmem_shared>>
        tpu.wait_dma2 semaphore(%run_scoped3A : memref<!tpu.dma_semaphore, #tpu.memory_space<semaphore_mem>>) src(%dma_wait3A_38 : memref<640x128xf32, #tpu.memory_space<vmem_shared>>) dst(%dma_wait3A_36 : memref<640x128xf32, #tpu.memory_space<hbm>>)
        tpu.yield
      }) : () -> ()
    } else {
    }
    %eq3A_28 = arith.constant 1 : i32
    %eq3A_29 = arith.cmpi eq, %arg0, %eq3A_28 : i32
    %convert_element_type3A_30 = arith.extui %eq3A_29 : i1 to i32
    %cond3A_31 = arith.constant 0 : i32
    %cond3A_32 = arith.cmpi ne, %convert_element_type3A_30, %cond3A_31 : i32
    scf.if %cond3A_32 {
      "tpu.region"() ({
        %run_scoped3A = tpu.sem_alloc : memref<!tpu.dma_semaphore, #tpu.memory_space<semaphore_mem>>
        %dma_start3A = arith.constant 0 : i32
        %dma_start3A_33 = tpu.memref_slice %arg9[%multiple_of3A, %dma_start3A] : memref<10240x128xf32, #tpu.memory_space<hbm>> -> memref<640x128xf32, #tpu.memory_space<hbm>>
        %dma_start3A_34 = arith.constant 0 : i32
        %dma_start3A_35 = tpu.memref_slice %arg17[%multiple_of3A, %dma_start3A_34] : memref<10240x128xf32, #tpu.memory_space<vmem_shared>> -> memref<640x128xf32, #tpu.memory_space<vmem_shared>>
        tpu.enqueue_dma source(%dma_start3A_35 : memref<640x128xf32, #tpu.memory_space<vmem_shared>>) target(%dma_start3A_33 : memref<640x128xf32, #tpu.memory_space<hbm>>) target_semaphore(%run_scoped3A : memref<!tpu.dma_semaphore, #tpu.memory_space<semaphore_mem>>)
        %dma_wait3A = arith.constant 0 : i32
        %dma_wait3A_36 = tpu.memref_slice %arg9[%multiple_of3A, %dma_wait3A] : memref<10240x128xf32, #tpu.memory_space<hbm>> -> memref<640x128xf32, #tpu.memory_space<hbm>>
        %dma_wait3A_37 = arith.constant 0 : i32
        %dma_wait3A_38 = tpu.memref_slice %arg17[%multiple_of3A, %dma_wait3A_37] : memref<10240x128xf32, #tpu.memory_space<vmem_shared>> -> memref<640x128xf32, #tpu.memory_space<vmem_shared>>
        tpu.wait_dma2 semaphore(%run_scoped3A : memref<!tpu.dma_semaphore, #tpu.memory_space<semaphore_mem>>) src(%dma_wait3A_38 : memref<640x128xf32, #tpu.memory_space<vmem_shared>>) dst(%dma_wait3A_36 : memref<640x128xf32, #tpu.memory_space<hbm>>)
        tpu.yield
      }) : () -> ()
    } else {
    }
    return
  }
}

#map = affine_map<(d0, d1) -> (0, 0)>
#map1 = affine_map<(d0, d1) -> (0)>
module attributes {stable_mosaic.version = 14 : i64} {
  func.func @gcn_sc_agg(%arg0: i32, %arg1: i32, %arg2: memref<10000x128xf32, #tpu.memory_space<hbm>>, %arg3: memref<10000x128xf32, #tpu.memory_space<hbm>>, %arg4: memref<1280x128xi32, #tpu.memory_space<hbm>>, %arg5: memref<1280x128xi32, #tpu.memory_space<hbm>>, %arg6: memref<640x128xf32, #tpu.memory_space<hbm>>, %arg7: memref<16xi32, #tpu.memory_space<hbm>>, %arg8: memref<10240x128xf32, #tpu.memory_space<hbm>>, %arg9: memref<10240x128xf32, #tpu.memory_space<hbm>>, %arg10: memref<40x128xi32, #tpu.memory_space<vmem>>, %arg11: memref<40x128xi32, #tpu.memory_space<vmem>>, %arg12: memref<128x128xf32, #tpu.memory_space<vmem>>, %arg13: memref<128x128xf32, #tpu.memory_space<vmem>>, %arg14: memref<16xi32, #tpu.memory_space<vmem>>, %arg15: memref<!tpu.dma_semaphore, #tpu.memory_space<semaphore_mem>>, %arg16: memref<!tpu.dma_semaphore, #tpu.memory_space<semaphore_mem>>, %arg17: memref<10240x128xf32, #tpu.memory_space<vmem_shared>>) attributes {dimension_semantics = [#tpu.dimension_semantics<core_parallel>, #tpu.dimension_semantics<subcore_parallel>], iteration_bounds = array<i64: 2, 16>, scalar_prefetch = 0 : i64, scratch_operands = 8 : i64, tpu.core_type = #tpu.core_type<sc_vector_subcore>, window_params = [{transform_indices = #map}, {transform_indices = #map}, {transform_indices = #map}, {transform_indices = #map}, {transform_indices = #map}, {transform_indices = #map1}, {transform_indices = #map}, {transform_indices = #map}]} {
    %mul3A = arith.constant 640 : i32
    %mul3A_0 = arith.muli %arg1, %mul3A : i32
    %multiple_of3A = tpu.assume_multiple %mul3A_0, 8 : i32
    %mul3A_1 = arith.constant 80 : i32
    %mul3A_2 = arith.muli %arg1, %mul3A_1 : i32
    %multiple_of3A_3 = tpu.assume_multiple %mul3A_2, 8 : i32
    "tpu.region"() ({
      %run_scoped3A = tpu.sem_alloc : memref<!tpu.dma_semaphore, #tpu.memory_space<semaphore_mem>>
      tpu.enqueue_dma source(%arg7 : memref<16xi32, #tpu.memory_space<hbm>>) target(%arg14 : memref<16xi32, #tpu.memory_space<vmem>>) target_semaphore(%run_scoped3A : memref<!tpu.dma_semaphore, #tpu.memory_space<semaphore_mem>>)
      tpu.wait_dma2 semaphore(%run_scoped3A : memref<!tpu.dma_semaphore, #tpu.memory_space<semaphore_mem>>) src(%arg7 : memref<16xi32, #tpu.memory_space<hbm>>) dst(%arg14 : memref<16xi32, #tpu.memory_space<vmem>>)
      tpu.yield
    }) : () -> ()
    "tpu.region"() ({
      %run_scoped3A = tpu.sem_alloc : memref<!tpu.dma_semaphore, #tpu.memory_space<semaphore_mem>>
      %dma_start3A = arith.constant 0 : i32
      %dma_start3A_33 = tpu.memref_slice %arg17[%multiple_of3A, %dma_start3A] : memref<10240x128xf32, #tpu.memory_space<vmem_shared>> -> memref<640x128xf32, #tpu.memory_space<vmem_shared>>
      tpu.enqueue_dma source(%arg6 : memref<640x128xf32, #tpu.memory_space<hbm>>) target(%dma_start3A_33 : memref<640x128xf32, #tpu.memory_space<vmem_shared>>) target_semaphore(%run_scoped3A : memref<!tpu.dma_semaphore, #tpu.memory_space<semaphore_mem>>)
      %dma_wait3A = arith.constant 0 : i32
      %dma_wait3A_34 = tpu.memref_slice %arg17[%multiple_of3A, %dma_wait3A] : memref<10240x128xf32, #tpu.memory_space<vmem_shared>> -> memref<640x128xf32, #tpu.memory_space<vmem_shared>>
      tpu.wait_dma2 semaphore(%run_scoped3A : memref<!tpu.dma_semaphore, #tpu.memory_space<semaphore_mem>>) src(%arg6 : memref<640x128xf32, #tpu.memory_space<hbm>>) dst(%dma_wait3A_34 : memref<640x128xf32, #tpu.memory_space<vmem_shared>>)
      tpu.yield
    }) : () -> ()
    %barrier3A = arith.constant 0 : index
    tpu.barrier barrier_id(%barrier3A)
    %get3A = arith.constant 0 : index
    %get3A_4 = tpu.vector_load %arg14[%get3A] {strides = array<i32>} : memref<16xi32, #tpu.memory_space<vmem>>, vector<16xi32>,
    %get3A_5 = vector.shape_cast %get3A_4 : vector<16xi32> to vector<16xi32>
    %slice3A = vector.extract_strided_slice %get3A_5 {offsets = [0], sizes = [1], strides = [1]} : vector<16xi32> to vector<1xi32>
    %squeeze3A = vector.extract %slice3A[0] : i32 from vector<1xi32>
    %eq3A = arith.constant 1 : i32
    %eq3A_6 = arith.cmpi eq, %squeeze3A, %eq3A : i32
    %convert_element_type3A = arith.extui %eq3A_6 : i1 to i32
    %cond3A = arith.constant 0 : i32
    %cond3A_7 = arith.cmpi ne, %convert_element_type3A, %cond3A : i32
    scf.if %cond3A_7 {
      %mul3A_33 = arith.constant 2 : i32
      %mul3A_34 = arith.muli %arg1, %mul3A_33 : i32
      %add3A = arith.addi %mul3A_34, %arg0 : i32
      %mul3A_35 = arith.constant 40 : i32
      %mul3A_36 = arith.muli %add3A, %mul3A_35 : i32
      %multiple_of3A_37 = tpu.assume_multiple %mul3A_36, 8 : i32
      "tpu.region"() ({
        %run_scoped3A = tpu.sem_alloc : memref<!tpu.dma_semaphore, #tpu.memory_space<semaphore_mem>>
        %dma_start3A = arith.constant 0 : i32
        %dma_start3A_43 = arith.constant 0 : i32
        %dma_start3A_44 = tpu.memref_slice %arg2[%dma_start3A, %dma_start3A_43] : memref<10000x128xf32, #tpu.memory_space<hbm>> -> memref<128x128xf32, #tpu.memory_space<hbm>>
        %dma_start3A_45 = arith.constant 0 : i32
        %dma_start3A_46 = arith.constant 0 : i32
        %dma_start3A_47 = tpu.memref_slice %arg2[%dma_start3A_45, %dma_start3A_46] : memref<10000x128xf32, #tpu.memory_space<hbm>> -> memref<128x128xf32, #tpu.memory_space<hbm>>
        tpu.enqueue_dma source(%dma_start3A_47 : memref<128x128xf32, #tpu.memory_space<hbm>>) target(%arg12 : memref<128x128xf32, #tpu.memory_space<vmem>>) target_semaphore(%run_scoped3A : memref<!tpu.dma_semaphore, #tpu.memory_space<semaphore_mem>>)
        %dma_wait3A = arith.constant 0 : i32
        %dma_wait3A_48 = arith.constant 0 : i32
        %dma_wait3A_49 = tpu.memref_slice %arg2[%dma_wait3A, %dma_wait3A_48] : memref<10000x128xf32, #tpu.memory_space<hbm>> -> memref<128x128xf32, #tpu.memory_space<hbm>>
        %dma_wait3A_50 = arith.constant 0 : i32
        %dma_wait3A_51 = arith.constant 0 : i32
        %dma_wait3A_52 = tpu.memref_slice %arg2[%dma_wait3A_50, %dma_wait3A_51] : memref<10000x128xf32, #tpu.memory_space<hbm>> -> memref<128x128xf32, #tpu.memory_space<hbm>>
        tpu.wait_dma2 semaphore(%run_scoped3A : memref<!tpu.dma_semaphore, #tpu.memory_space<semaphore_mem>>) src(%dma_wait3A_52 : memref<128x128xf32, #tpu.memory_space<hbm>>) dst(%arg12 : memref<128x128xf32, #tpu.memory_space<vmem>>)
        tpu.yield
      }) : () -> ()
      "tpu.region"() ({
        %run_scoped3A = tpu.sem_alloc : memref<!tpu.dma_semaphore, #tpu.memory_space<semaphore_mem>>
        %dma_start3A = arith.constant 0 : i32
        %dma_start3A_43 = tpu.memref_slice %arg5[%multiple_of3A_37, %dma_start3A] : memref<1280x128xi32, #tpu.memory_space<hbm>> -> memref<40x128xi32, #tpu.memory_space<hbm>>
        %dma_start3A_44 = arith.constant 0 : i32
        %dma_start3A_45 = tpu.memref_slice %arg5[%multiple_of3A_37, %dma_start3A_44] : memref<1280x128xi32, #tpu.memory_space<hbm>> -> memref<40x128xi32, #tpu.memory_space<hbm>>
        tpu.enqueue_dma source(%dma_start3A_45 : memref<40x128xi32, #tpu.memory_space<hbm>>) target(%arg11 : memref<40x128xi32, #tpu.memory_space<vmem>>) target_semaphore(%run_scoped3A : memref<!tpu.dma_semaphore, #tpu.memory_space<semaphore_mem>>)
        %dma_wait3A = arith.constant 0 : i32
        %dma_wait3A_46 = tpu.memref_slice %arg5[%multiple_of3A_37, %dma_wait3A] : memref<1280x128xi32, #tpu.memory_space<hbm>> -> memref<40x128xi32, #tpu.memory_space<hbm>>
        %dma_wait3A_47 = arith.constant 0 : i32
        %dma_wait3A_48 = tpu.memref_slice %arg5[%multiple_of3A_37, %dma_wait3A_47] : memref<1280x128xi32, #tpu.memory_space<hbm>> -> memref<40x128xi32, #tpu.memory_space<hbm>>
        tpu.wait_dma2 semaphore(%run_scoped3A : memref<!tpu.dma_semaphore, #tpu.memory_space<semaphore_mem>>) src(%dma_wait3A_48 : memref<40x128xi32, #tpu.memory_space<hbm>>) dst(%arg11 : memref<40x128xi32, #tpu.memory_space<vmem>>)
        tpu.yield
      }) : () -> ()
      %scan3A = arith.constant 0 : i32
      %scan3A_38 = arith.constant 0 : i32
      %scan3A_39 = arith.constant 40 : i32
      %scan3A_40 = arith.addi %scan3A_38, %scan3A_39 : i32
      %scan3A_41 = arith.constant 1 : i32
      scf.for %scan3A_43 = %scan3A_38 to %scan3A_40 step %scan3A_41  : i32 {
        "tpu.region"() ({
          %run_scoped3A = tpu.sem_alloc : memref<!tpu.dma_semaphore, #tpu.memory_space<semaphore_mem>>
          %dma_start3A = arith.constant 0 : i32
          %dma_start3A_44 = tpu.memref_slice %arg11[%scan3A_43, %dma_start3A] : memref<40x128xi32, #tpu.memory_space<vmem>> -> memref<1x128xi32, #tpu.memory_space<vmem>>
          %dma_start3A_45 = tpu.memref_squeeze %dma_start3A_44 : memref<1x128xi32, #tpu.memory_space<vmem>> -> memref<128xi32, #tpu.memory_space<vmem>>
          %dma_start3A_46 = arith.constant 0 : i32
          %dma_start3A_47 = arith.constant 0 : i32
          %dma_start3A_48 = tpu.memref_slice %arg17[%dma_start3A_46, %dma_start3A_47] : memref<10240x128xf32, #tpu.memory_space<vmem_shared>> -> memref<10240x128xf32, #tpu.memory_space<vmem_shared>>
          tpu.enqueue_indirect_dma source(%arg12 : memref<128x128xf32, #tpu.memory_space<vmem>>) target(%dma_start3A_48 : memref<10240x128xf32, #tpu.memory_space<vmem_shared>>) offsets(%dma_start3A_45 : memref<128xi32, #tpu.memory_space<vmem>>) semaphore(%run_scoped3A : memref<!tpu.dma_semaphore, #tpu.memory_space<semaphore_mem>>) {add = true}
          %dma_wait3A = arith.constant 0 : i32
          %dma_wait3A_49 = tpu.memref_slice %arg11[%scan3A_43, %dma_wait3A] : memref<40x128xi32, #tpu.memory_space<vmem>> -> memref<1x128xi32, #tpu.memory_space<vmem>>
          %dma_wait3A_50 = tpu.memref_squeeze %dma_wait3A_49 : memref<1x128xi32, #tpu.memory_space<vmem>> -> memref<128xi32, #tpu.memory_space<vmem>>
          %dma_wait3A_51 = arith.constant 0 : i32
          %dma_wait3A_52 = arith.constant 0 : i32
          %dma_wait3A_53 = tpu.memref_slice %arg17[%dma_wait3A_51, %dma_wait3A_52] : memref<10240x128xf32, #tpu.memory_space<vmem_shared>> -> memref<10240x128xf32, #tpu.memory_space<vmem_shared>>
          tpu.wait_indirect_dma semaphore(%run_scoped3A : memref<!tpu.dma_semaphore, #tpu.memory_space<semaphore_mem>>) src(%arg12 : memref<128x128xf32, #tpu.memory_space<vmem>>) dst(%dma_wait3A_53 : memref<10240x128xf32, #tpu.memory_space<vmem_shared>>)
          tpu.yield
        }) : () -> ()
      }
      %scan3A_42 = arith.constant 40 : i32
    } else {
    }
    %not3A = arith.constant true
    %not3A_8 = arith.xori %eq3A_6, %not3A : i1
    %eq3A_9 = arith.constant 0 : i32
    %eq3A_10 = arith.cmpi eq, %arg0, %eq3A_9 : i32
    %and3A = arith.andi %not3A_8, %eq3A_10 : i1
    %convert_element_type3A_11 = arith.extui %and3A : i1 to i32
    %cond3A_12 = arith.constant 0 : i32
    %cond3A_13 = arith.cmpi ne, %convert_element_type3A_11, %cond3A_12 : i32
    scf.if %cond3A_13 {
      %add3A = arith.constant 0 : i32
      %add3A_33 = arith.addi %multiple_of3A_3, %add3A : i32
      %multiple_of3A_34 = tpu.assume_multiple %add3A_33, 8 : i32
      "tpu.region"() ({
        %run_scoped3A = tpu.sem_alloc : memref<!tpu.dma_semaphore, #tpu.memory_space<semaphore_mem>>
        %dma_start3A_62 = arith.constant 0 : i32
        %dma_start3A_63 = tpu.memref_slice %arg4[%multiple_of3A_34, %dma_start3A_62] : memref<1280x128xi32, #tpu.memory_space<hbm>> -> memref<40x128xi32, #tpu.memory_space<hbm>>
        %dma_start3A_64 = arith.constant 0 : i32
        %dma_start3A_65 = tpu.memref_slice %arg4[%multiple_of3A_34, %dma_start3A_64] : memref<1280x128xi32, #tpu.memory_space<hbm>> -> memref<40x128xi32, #tpu.memory_space<hbm>>
        tpu.enqueue_dma source(%dma_start3A_65 : memref<40x128xi32, #tpu.memory_space<hbm>>) target(%arg10 : memref<40x128xi32, #tpu.memory_space<vmem>>) target_semaphore(%run_scoped3A : memref<!tpu.dma_semaphore, #tpu.memory_space<semaphore_mem>>)
        %dma_wait3A = arith.constant 0 : i32
        %dma_wait3A_66 = tpu.memref_slice %arg4[%multiple_of3A_34, %dma_wait3A] : memref<1280x128xi32, #tpu.memory_space<hbm>> -> memref<40x128xi32, #tpu.memory_space<hbm>>
        %dma_wait3A_67 = arith.constant 0 : i32
        %dma_wait3A_68 = tpu.memref_slice %arg4[%multiple_of3A_34, %dma_wait3A_67] : memref<1280x128xi32, #tpu.memory_space<hbm>> -> memref<40x128xi32, #tpu.memory_space<hbm>>
        tpu.wait_dma2 semaphore(%run_scoped3A : memref<!tpu.dma_semaphore, #tpu.memory_space<semaphore_mem>>) src(%dma_wait3A_68 : memref<40x128xi32, #tpu.memory_space<hbm>>) dst(%arg10 : memref<40x128xi32, #tpu.memory_space<vmem>>)
        tpu.yield
      }) : () -> ()
      "tpu.region"() ({
        %run_scoped3A = tpu.sem_alloc : memref<!tpu.dma_semaphore, #tpu.memory_space<semaphore_mem>>
        %dma_start3A_62 = arith.constant 0 : i32
        %dma_start3A_63 = tpu.memref_slice %arg5[%multiple_of3A_34, %dma_start3A_62] : memref<1280x128xi32, #tpu.memory_space<hbm>> -> memref<40x128xi32, #tpu.memory_space<hbm>>
        %dma_start3A_64 = arith.constant 0 : i32
        %dma_start3A_65 = tpu.memref_slice %arg5[%multiple_of3A_34, %dma_start3A_64] : memref<1280x128xi32, #tpu.memory_space<hbm>> -> memref<40x128xi32, #tpu.memory_space<hbm>>
        tpu.enqueue_dma source(%dma_start3A_65 : memref<40x128xi32, #tpu.memory_space<hbm>>) target(%arg11 : memref<40x128xi32, #tpu.memory_space<vmem>>) target_semaphore(%run_scoped3A : memref<!tpu.dma_semaphore, #tpu.memory_space<semaphore_mem>>)
        %dma_wait3A = arith.constant 0 : i32
        %dma_wait3A_66 = tpu.memref_slice %arg5[%multiple_of3A_34, %dma_wait3A] : memref<1280x128xi32, #tpu.memory_space<hbm>> -> memref<40x128xi32, #tpu.memory_space<hbm>>
        %dma_wait3A_67 = arith.constant 0 : i32
        %dma_wait3A_68 = tpu.memref_slice %arg5[%multiple_of3A_34, %dma_wait3A_67] : memref<1280x128xi32, #tpu.memory_space<hbm>> -> memref<40x128xi32, #tpu.memory_space<hbm>>
        tpu.wait_dma2 semaphore(%run_scoped3A : memref<!tpu.dma_semaphore, #tpu.memory_space<semaphore_mem>>) src(%dma_wait3A_68 : memref<40x128xi32, #tpu.memory_space<hbm>>) dst(%arg11 : memref<40x128xi32, #tpu.memory_space<vmem>>)
        tpu.yield
      }) : () -> ()
      %dma_start3A = arith.constant 0 : i32
      %dma_start3A_35 = arith.constant 0 : i32
      %dma_start3A_36 = tpu.memref_slice %arg10[%dma_start3A, %dma_start3A_35] : memref<40x128xi32, #tpu.memory_space<vmem>> -> memref<1x128xi32, #tpu.memory_space<vmem>>
      %dma_start3A_37 = tpu.memref_squeeze %dma_start3A_36 : memref<1x128xi32, #tpu.memory_space<vmem>> -> memref<128xi32, #tpu.memory_space<vmem>>
      %dma_start3A_38 = arith.constant 0 : i32
      %dma_start3A_39 = arith.constant 0 : i32
      %dma_start3A_40 = tpu.memref_slice %arg2[%dma_start3A_38, %dma_start3A_39] : memref<10000x128xf32, #tpu.memory_space<hbm>> -> memref<10000x128xf32, #tpu.memory_space<hbm>>
      tpu.enqueue_indirect_dma source(%dma_start3A_40 : memref<10000x128xf32, #tpu.memory_space<hbm>>) target(%arg12 : memref<128x128xf32, #tpu.memory_space<vmem>>) offsets(%dma_start3A_37 : memref<128xi32, #tpu.memory_space<vmem>>) semaphore(%arg15 : memref<!tpu.dma_semaphore, #tpu.memory_space<semaphore_mem>>)
      %scan3A = arith.constant 0 : i32
      %scan3A_41 = arith.constant 0 : i32
      %scan3A_42 = arith.constant 20 : i32
      %scan3A_43 = arith.addi %scan3A_41, %scan3A_42 : i32
      %scan3A_44 = arith.constant 1 : i32
      scf.for %scan3A_62 = %scan3A_41 to %scan3A_43 step %scan3A_44  : i32 {
        %mul3A_63 = arith.constant 2 : i32
        %mul3A_64 = arith.muli %mul3A_63, %scan3A_62 : i32
        %add3A_65 = arith.constant 0 : i32
        %add3A_66 = arith.addi %mul3A_64, %add3A_65 : i32
        %add3A_67 = arith.constant 1 : i32
        %add3A_68 = arith.addi %add3A_66, %add3A_67 : i32
        %lt3A = arith.constant 40 : i32
        %lt3A_69 = arith.cmpi slt, %add3A_68, %lt3A : i32
        %convert_element_type3A_70 = arith.extui %lt3A_69 : i1 to i32
        %cond3A_71 = arith.constant 0 : i32
        %cond3A_72 = arith.cmpi ne, %convert_element_type3A_70, %cond3A_71 : i32
        scf.if %cond3A_72 {
          %add3A_95 = arith.constant 1 : i32
          %add3A_96 = arith.addi %add3A_66, %add3A_95 : i32
          %dma_start3A_97 = arith.constant 0 : i32
          %dma_start3A_98 = tpu.memref_slice %arg10[%add3A_96, %dma_start3A_97] : memref<40x128xi32, #tpu.memory_space<vmem>> -> memref<1x128xi32, #tpu.memory_space<vmem>>
          %dma_start3A_99 = tpu.memref_squeeze %dma_start3A_98 : memref<1x128xi32, #tpu.memory_space<vmem>> -> memref<128xi32, #tpu.memory_space<vmem>>
          %dma_start3A_100 = arith.constant 0 : i32
          %dma_start3A_101 = arith.constant 0 : i32
          %dma_start3A_102 = tpu.memref_slice %arg2[%dma_start3A_100, %dma_start3A_101] : memref<10000x128xf32, #tpu.memory_space<hbm>> -> memref<10000x128xf32, #tpu.memory_space<hbm>>
          tpu.enqueue_indirect_dma source(%dma_start3A_102 : memref<10000x128xf32, #tpu.memory_space<hbm>>) target(%arg13 : memref<128x128xf32, #tpu.memory_space<vmem>>) offsets(%dma_start3A_99 : memref<128xi32, #tpu.memory_space<vmem>>) semaphore(%arg16 : memref<!tpu.dma_semaphore, #tpu.memory_space<semaphore_mem>>)
        } else {
        }
        %dma_wait3A = arith.constant 0 : i32
        %dma_wait3A_73 = tpu.memref_slice %arg10[%add3A_66, %dma_wait3A] : memref<40x128xi32, #tpu.memory_space<vmem>> -> memref<1x128xi32, #tpu.memory_space<vmem>>
        %dma_wait3A_74 = tpu.memref_squeeze %dma_wait3A_73 : memref<1x128xi32, #tpu.memory_space<vmem>> -> memref<128xi32, #tpu.memory_space<vmem>>
        %dma_wait3A_75 = arith.constant 0 : i32
        %dma_wait3A_76 = arith.constant 0 : i32
        %dma_wait3A_77 = tpu.memref_slice %arg2[%dma_wait3A_75, %dma_wait3A_76] : memref<10000x128xf32, #tpu.memory_space<hbm>> -> memref<10000x128xf32, #tpu.memory_space<hbm>>
        tpu.wait_indirect_dma semaphore(%arg15 : memref<!tpu.dma_semaphore, #tpu.memory_space<semaphore_mem>>) src(%dma_wait3A_77 : memref<10000x128xf32, #tpu.memory_space<hbm>>) dst(%arg12 : memref<128x128xf32, #tpu.memory_space<vmem>>)
        "tpu.region"() ({
          %run_scoped3A = tpu.sem_alloc : memref<!tpu.dma_semaphore, #tpu.memory_space<semaphore_mem>>
          %dma_start3A_95 = arith.constant 0 : i32
          %dma_start3A_96 = tpu.memref_slice %arg11[%add3A_66, %dma_start3A_95] : memref<40x128xi32, #tpu.memory_space<vmem>> -> memref<1x128xi32, #tpu.memory_space<vmem>>
          %dma_start3A_97 = tpu.memref_squeeze %dma_start3A_96 : memref<1x128xi32, #tpu.memory_space<vmem>> -> memref<128xi32, #tpu.memory_space<vmem>>
          %dma_start3A_98 = arith.constant 0 : i32
          %dma_start3A_99 = arith.constant 0 : i32
          %dma_start3A_100 = tpu.memref_slice %arg17[%dma_start3A_98, %dma_start3A_99] : memref<10240x128xf32, #tpu.memory_space<vmem_shared>> -> memref<10240x128xf32, #tpu.memory_space<vmem_shared>>
          tpu.enqueue_indirect_dma source(%arg12 : memref<128x128xf32, #tpu.memory_space<vmem>>) target(%dma_start3A_100 : memref<10240x128xf32, #tpu.memory_space<vmem_shared>>) offsets(%dma_start3A_97 : memref<128xi32, #tpu.memory_space<vmem>>) semaphore(%run_scoped3A : memref<!tpu.dma_semaphore, #tpu.memory_space<semaphore_mem>>) {add = true}
          %dma_wait3A_101 = arith.constant 0 : i32
          %dma_wait3A_102 = tpu.memref_slice %arg11[%add3A_66, %dma_wait3A_101] : memref<40x128xi32, #tpu.memory_space<vmem>> -> memref<1x128xi32, #tpu.memory_space<vmem>>
          %dma_wait3A_103 = tpu.memref_squeeze %dma_wait3A_102 : memref<1x128xi32, #tpu.memory_space<vmem>> -> memref<128xi32, #tpu.memory_space<vmem>>
          %dma_wait3A_104 = arith.constant 0 : i32
          %dma_wait3A_105 = arith.constant 0 : i32
          %dma_wait3A_106 = tpu.memref_slice %arg17[%dma_wait3A_104, %dma_wait3A_105] : memref<10240x128xf32, #tpu.memory_space<vmem_shared>> -> memref<10240x128xf32, #tpu.memory_space<vmem_shared>>
          tpu.wait_indirect_dma semaphore(%run_scoped3A : memref<!tpu.dma_semaphore, #tpu.memory_space<semaphore_mem>>) src(%arg12 : memref<128x128xf32, #tpu.memory_space<vmem>>) dst(%dma_wait3A_106 : memref<10240x128xf32, #tpu.memory_space<vmem_shared>>)
          tpu.yield
        }) : () -> ()
        %mul3A_78 = arith.constant 2 : i32
        %mul3A_79 = arith.muli %mul3A_78, %scan3A_62 : i32
        %add3A_80 = arith.constant 1 : i32
        %add3A_81 = arith.addi %mul3A_79, %add3A_80 : i32
        %add3A_82 = arith.constant 1 : i32
        %add3A_83 = arith.addi %add3A_81, %add3A_82 : i32
        %lt3A_84 = arith.constant 40 : i32
        %lt3A_85 = arith.cmpi slt, %add3A_83, %lt3A_84 : i32
        %convert_element_type3A_86 = arith.extui %lt3A_85 : i1 to i32
        %cond3A_87 = arith.constant 0 : i32
        %cond3A_88 = arith.cmpi ne, %convert_element_type3A_86, %cond3A_87 : i32
        scf.if %cond3A_88 {
          %add3A_95 = arith.constant 1 : i32
          %add3A_96 = arith.addi %add3A_81, %add3A_95 : i32
          %dma_start3A_97 = arith.constant 0 : i32
          %dma_start3A_98 = tpu.memref_slice %arg10[%add3A_96, %dma_start3A_97] : memref<40x128xi32, #tpu.memory_space<vmem>> -> memref<1x128xi32, #tpu.memory_space<vmem>>
          %dma_start3A_99 = tpu.memref_squeeze %dma_start3A_98 : memref<1x128xi32, #tpu.memory_space<vmem>> -> memref<128xi32, #tpu.memory_space<vmem>>
          %dma_start3A_100 = arith.constant 0 : i32
          %dma_start3A_101 = arith.constant 0 : i32
          %dma_start3A_102 = tpu.memref_slice %arg2[%dma_start3A_100, %dma_start3A_101] : memref<10000x128xf32, #tpu.memory_space<hbm>> -> memref<10000x128xf32, #tpu.memory_space<hbm>>
          tpu.enqueue_indirect_dma source(%dma_start3A_102 : memref<10000x128xf32, #tpu.memory_space<hbm>>) target(%arg12 : memref<128x128xf32, #tpu.memory_space<vmem>>) offsets(%dma_start3A_99 : memref<128xi32, #tpu.memory_space<vmem>>) semaphore(%arg15 : memref<!tpu.dma_semaphore, #tpu.memory_space<semaphore_mem>>)
        } else {
        }
        %dma_wait3A_89 = arith.constant 0 : i32
        %dma_wait3A_90 = tpu.memref_slice %arg10[%add3A_81, %dma_wait3A_89] : memref<40x128xi32, #tpu.memory_space<vmem>> -> memref<1x128xi32, #tpu.memory_space<vmem>>
        %dma_wait3A_91 = tpu.memref_squeeze %dma_wait3A_90 : memref<1x128xi32, #tpu.memory_space<vmem>> -> memref<128xi32, #tpu.memory_space<vmem>>
        %dma_wait3A_92 = arith.constant 0 : i32
        %dma_wait3A_93 = arith.constant 0 : i32
        %dma_wait3A_94 = tpu.memref_slice %arg2[%dma_wait3A_92, %dma_wait3A_93] : memref<10000x128xf32, #tpu.memory_space<hbm>> -> memref<10000x128xf32, #tpu.memory_space<hbm>>
        tpu.wait_indirect_dma semaphore(%arg16 : memref<!tpu.dma_semaphore, #tpu.memory_space<semaphore_mem>>) src(%dma_wait3A_94 : memref<10000x128xf32, #tpu.memory_space<hbm>>) dst(%arg13 : memref<128x128xf32, #tpu.memory_space<vmem>>)
        "tpu.region"() ({
          %run_scoped3A = tpu.sem_alloc : memref<!tpu.dma_semaphore, #tpu.memory_space<semaphore_mem>>
          %dma_start3A_95 = arith.constant 0 : i32
          %dma_start3A_96 = tpu.memref_slice %arg11[%add3A_81, %dma_start3A_95] : memref<40x128xi32, #tpu.memory_space<vmem>> -> memref<1x128xi32, #tpu.memory_space<vmem>>
          %dma_start3A_97 = tpu.memref_squeeze %dma_start3A_96 : memref<1x128xi32, #tpu.memory_space<vmem>> -> memref<128xi32, #tpu.memory_space<vmem>>
          %dma_start3A_98 = arith.constant 0 : i32
          %dma_start3A_99 = arith.constant 0 : i32
          %dma_start3A_100 = tpu.memref_slice %arg17[%dma_start3A_98, %dma_start3A_99] : memref<10240x128xf32, #tpu.memory_space<vmem_shared>> -> memref<10240x128xf32, #tpu.memory_space<vmem_shared>>
          tpu.enqueue_indirect_dma source(%arg13 : memref<128x128xf32, #tpu.memory_space<vmem>>) target(%dma_start3A_100 : memref<10240x128xf32, #tpu.memory_space<vmem_shared>>) offsets(%dma_start3A_97 : memref<128xi32, #tpu.memory_space<vmem>>) semaphore(%run_scoped3A : memref<!tpu.dma_semaphore, #tpu.memory_space<semaphore_mem>>) {add = true}
          %dma_wait3A_101 = arith.constant 0 : i32
          %dma_wait3A_102 = tpu.memref_slice %arg11[%add3A_81, %dma_wait3A_101] : memref<40x128xi32, #tpu.memory_space<vmem>> -> memref<1x128xi32, #tpu.memory_space<vmem>>
          %dma_wait3A_103 = tpu.memref_squeeze %dma_wait3A_102 : memref<1x128xi32, #tpu.memory_space<vmem>> -> memref<128xi32, #tpu.memory_space<vmem>>
          %dma_wait3A_104 = arith.constant 0 : i32
          %dma_wait3A_105 = arith.constant 0 : i32
          %dma_wait3A_106 = tpu.memref_slice %arg17[%dma_wait3A_104, %dma_wait3A_105] : memref<10240x128xf32, #tpu.memory_space<vmem_shared>> -> memref<10240x128xf32, #tpu.memory_space<vmem_shared>>
          tpu.wait_indirect_dma semaphore(%run_scoped3A : memref<!tpu.dma_semaphore, #tpu.memory_space<semaphore_mem>>) src(%arg13 : memref<128x128xf32, #tpu.memory_space<vmem>>) dst(%dma_wait3A_106 : memref<10240x128xf32, #tpu.memory_space<vmem_shared>>)
          tpu.yield
        }) : () -> ()
      }
      %scan3A_45 = arith.constant 20 : i32
      %add3A_46 = arith.constant 40 : i32
      %add3A_47 = arith.addi %multiple_of3A_3, %add3A_46 : i32
      %multiple_of3A_48 = tpu.assume_multiple %add3A_47, 8 : i32
      "tpu.region"() ({
        %run_scoped3A = tpu.sem_alloc : memref<!tpu.dma_semaphore, #tpu.memory_space<semaphore_mem>>
        %dma_start3A_62 = arith.constant 0 : i32
        %dma_start3A_63 = tpu.memref_slice %arg4[%multiple_of3A_48, %dma_start3A_62] : memref<1280x128xi32, #tpu.memory_space<hbm>> -> memref<40x128xi32, #tpu.memory_space<hbm>>
        %dma_start3A_64 = arith.constant 0 : i32
        %dma_start3A_65 = tpu.memref_slice %arg4[%multiple_of3A_48, %dma_start3A_64] : memref<1280x128xi32, #tpu.memory_space<hbm>> -> memref<40x128xi32, #tpu.memory_space<hbm>>
        tpu.enqueue_dma source(%dma_start3A_65 : memref<40x128xi32, #tpu.memory_space<hbm>>) target(%arg10 : memref<40x128xi32, #tpu.memory_space<vmem>>) target_semaphore(%run_scoped3A : memref<!tpu.dma_semaphore, #tpu.memory_space<semaphore_mem>>)
        %dma_wait3A = arith.constant 0 : i32
        %dma_wait3A_66 = tpu.memref_slice %arg4[%multiple_of3A_48, %dma_wait3A] : memref<1280x128xi32, #tpu.memory_space<hbm>> -> memref<40x128xi32, #tpu.memory_space<hbm>>
        %dma_wait3A_67 = arith.constant 0 : i32
        %dma_wait3A_68 = tpu.memref_slice %arg4[%multiple_of3A_48, %dma_wait3A_67] : memref<1280x128xi32, #tpu.memory_space<hbm>> -> memref<40x128xi32, #tpu.memory_space<hbm>>
        tpu.wait_dma2 semaphore(%run_scoped3A : memref<!tpu.dma_semaphore, #tpu.memory_space<semaphore_mem>>) src(%dma_wait3A_68 : memref<40x128xi32, #tpu.memory_space<hbm>>) dst(%arg10 : memref<40x128xi32, #tpu.memory_space<vmem>>)
        tpu.yield
      }) : () -> ()
      "tpu.region"() ({
        %run_scoped3A = tpu.sem_alloc : memref<!tpu.dma_semaphore, #tpu.memory_space<semaphore_mem>>
        %dma_start3A_62 = arith.constant 0 : i32
        %dma_start3A_63 = tpu.memref_slice %arg5[%multiple_of3A_48, %dma_start3A_62] : memref<1280x128xi32, #tpu.memory_space<hbm>> -> memref<40x128xi32, #tpu.memory_space<hbm>>
        %dma_start3A_64 = arith.constant 0 : i32
        %dma_start3A_65 = tpu.memref_slice %arg5[%multiple_of3A_48, %dma_start3A_64] : memref<1280x128xi32, #tpu.memory_space<hbm>> -> memref<40x128xi32, #tpu.memory_space<hbm>>
        tpu.enqueue_dma source(%dma_start3A_65 : memref<40x128xi32, #tpu.memory_space<hbm>>) target(%arg11 : memref<40x128xi32, #tpu.memory_space<vmem>>) target_semaphore(%run_scoped3A : memref<!tpu.dma_semaphore, #tpu.memory_space<semaphore_mem>>)
        %dma_wait3A = arith.constant 0 : i32
        %dma_wait3A_66 = tpu.memref_slice %arg5[%multiple_of3A_48, %dma_wait3A] : memref<1280x128xi32, #tpu.memory_space<hbm>> -> memref<40x128xi32, #tpu.memory_space<hbm>>
        %dma_wait3A_67 = arith.constant 0 : i32
        %dma_wait3A_68 = tpu.memref_slice %arg5[%multiple_of3A_48, %dma_wait3A_67] : memref<1280x128xi32, #tpu.memory_space<hbm>> -> memref<40x128xi32, #tpu.memory_space<hbm>>
        tpu.wait_dma2 semaphore(%run_scoped3A : memref<!tpu.dma_semaphore, #tpu.memory_space<semaphore_mem>>) src(%dma_wait3A_68 : memref<40x128xi32, #tpu.memory_space<hbm>>) dst(%arg11 : memref<40x128xi32, #tpu.memory_space<vmem>>)
        tpu.yield
      }) : () -> ()
      %dma_start3A_49 = arith.constant 0 : i32
      %dma_start3A_50 = arith.constant 0 : i32
      %dma_start3A_51 = tpu.memref_slice %arg10[%dma_start3A_49, %dma_start3A_50] : memref<40x128xi32, #tpu.memory_space<vmem>> -> memref<1x128xi32, #tpu.memory_space<vmem>>
      %dma_start3A_52 = tpu.memref_squeeze %dma_start3A_51 : memref<1x128xi32, #tpu.memory_space<vmem>> -> memref<128xi32, #tpu.memory_space<vmem>>
      %dma_start3A_53 = arith.constant 0 : i32
      %dma_start3A_54 = arith.constant 0 : i32
      %dma_start3A_55 = tpu.memref_slice %arg2[%dma_start3A_53, %dma_start3A_54] : memref<10000x128xf32, #tpu.memory_space<hbm>> -> memref<10000x128xf32, #tpu.memory_space<hbm>>
      tpu.enqueue_indirect_dma source(%dma_start3A_55 : memref<10000x128xf32, #tpu.memory_space<hbm>>) target(%arg12 : memref<128x128xf32, #tpu.memory_space<vmem>>) offsets(%dma_start3A_52 : memref<128xi32, #tpu.memory_space<vmem>>) semaphore(%arg15 : memref<!tpu.dma_semaphore, #tpu.memory_space<semaphore_mem>>)
      %scan3A_56 = arith.constant 0 : i32
      %scan3A_57 = arith.constant 0 : i32
      %scan3A_58 = arith.constant 20 : i32
      %scan3A_59 = arith.addi %scan3A_57, %scan3A_58 : i32
      %scan3A_60 = arith.constant 1 : i32
      scf.for %scan3A_62 = %scan3A_57 to %scan3A_59 step %scan3A_60  : i32 {
        %mul3A_63 = arith.constant 2 : i32
        %mul3A_64 = arith.muli %mul3A_63, %scan3A_62 : i32
        %add3A_65 = arith.constant 0 : i32
        %add3A_66 = arith.addi %mul3A_64, %add3A_65 : i32
        %add3A_67 = arith.constant 1 : i32
        %add3A_68 = arith.addi %add3A_66, %add3A_67 : i32
        %lt3A = arith.constant 40 : i32
        %lt3A_69 = arith.cmpi slt, %add3A_68, %lt3A : i32
        %convert_element_type3A_70 = arith.extui %lt3A_69 : i1 to i32
        %cond3A_71 = arith.constant 0 : i32
        %cond3A_72 = arith.cmpi ne, %convert_element_type3A_70, %cond3A_71 : i32
        scf.if %cond3A_72 {
          %add3A_95 = arith.constant 1 : i32
          %add3A_96 = arith.addi %add3A_66, %add3A_95 : i32
          %dma_start3A_97 = arith.constant 0 : i32
          %dma_start3A_98 = tpu.memref_slice %arg10[%add3A_96, %dma_start3A_97] : memref<40x128xi32, #tpu.memory_space<vmem>> -> memref<1x128xi32, #tpu.memory_space<vmem>>
          %dma_start3A_99 = tpu.memref_squeeze %dma_start3A_98 : memref<1x128xi32, #tpu.memory_space<vmem>> -> memref<128xi32, #tpu.memory_space<vmem>>
          %dma_start3A_100 = arith.constant 0 : i32
          %dma_start3A_101 = arith.constant 0 : i32
          %dma_start3A_102 = tpu.memref_slice %arg2[%dma_start3A_100, %dma_start3A_101] : memref<10000x128xf32, #tpu.memory_space<hbm>> -> memref<10000x128xf32, #tpu.memory_space<hbm>>
          tpu.enqueue_indirect_dma source(%dma_start3A_102 : memref<10000x128xf32, #tpu.memory_space<hbm>>) target(%arg13 : memref<128x128xf32, #tpu.memory_space<vmem>>) offsets(%dma_start3A_99 : memref<128xi32, #tpu.memory_space<vmem>>) semaphore(%arg16 : memref<!tpu.dma_semaphore, #tpu.memory_space<semaphore_mem>>)
        } else {
        }
        %dma_wait3A = arith.constant 0 : i32
        %dma_wait3A_73 = tpu.memref_slice %arg10[%add3A_66, %dma_wait3A] : memref<40x128xi32, #tpu.memory_space<vmem>> -> memref<1x128xi32, #tpu.memory_space<vmem>>
        %dma_wait3A_74 = tpu.memref_squeeze %dma_wait3A_73 : memref<1x128xi32, #tpu.memory_space<vmem>> -> memref<128xi32, #tpu.memory_space<vmem>>
        %dma_wait3A_75 = arith.constant 0 : i32
        %dma_wait3A_76 = arith.constant 0 : i32
        %dma_wait3A_77 = tpu.memref_slice %arg2[%dma_wait3A_75, %dma_wait3A_76] : memref<10000x128xf32, #tpu.memory_space<hbm>> -> memref<10000x128xf32, #tpu.memory_space<hbm>>
        tpu.wait_indirect_dma semaphore(%arg15 : memref<!tpu.dma_semaphore, #tpu.memory_space<semaphore_mem>>) src(%dma_wait3A_77 : memref<10000x128xf32, #tpu.memory_space<hbm>>) dst(%arg12 : memref<128x128xf32, #tpu.memory_space<vmem>>)
        "tpu.region"() ({
          %run_scoped3A = tpu.sem_alloc : memref<!tpu.dma_semaphore, #tpu.memory_space<semaphore_mem>>
          %dma_start3A_95 = arith.constant 0 : i32
          %dma_start3A_96 = tpu.memref_slice %arg11[%add3A_66, %dma_start3A_95] : memref<40x128xi32, #tpu.memory_space<vmem>> -> memref<1x128xi32, #tpu.memory_space<vmem>>
          %dma_start3A_97 = tpu.memref_squeeze %dma_start3A_96 : memref<1x128xi32, #tpu.memory_space<vmem>> -> memref<128xi32, #tpu.memory_space<vmem>>
          %dma_start3A_98 = arith.constant 0 : i32
          %dma_start3A_99 = arith.constant 0 : i32
          %dma_start3A_100 = tpu.memref_slice %arg17[%dma_start3A_98, %dma_start3A_99] : memref<10240x128xf32, #tpu.memory_space<vmem_shared>> -> memref<10240x128xf32, #tpu.memory_space<vmem_shared>>
          tpu.enqueue_indirect_dma source(%arg12 : memref<128x128xf32, #tpu.memory_space<vmem>>) target(%dma_start3A_100 : memref<10240x128xf32, #tpu.memory_space<vmem_shared>>) offsets(%dma_start3A_97 : memref<128xi32, #tpu.memory_space<vmem>>) semaphore(%run_scoped3A : memref<!tpu.dma_semaphore, #tpu.memory_space<semaphore_mem>>) {add = true}
          %dma_wait3A_101 = arith.constant 0 : i32
          %dma_wait3A_102 = tpu.memref_slice %arg11[%add3A_66, %dma_wait3A_101] : memref<40x128xi32, #tpu.memory_space<vmem>> -> memref<1x128xi32, #tpu.memory_space<vmem>>
          %dma_wait3A_103 = tpu.memref_squeeze %dma_wait3A_102 : memref<1x128xi32, #tpu.memory_space<vmem>> -> memref<128xi32, #tpu.memory_space<vmem>>
          %dma_wait3A_104 = arith.constant 0 : i32
          %dma_wait3A_105 = arith.constant 0 : i32
          %dma_wait3A_106 = tpu.memref_slice %arg17[%dma_wait3A_104, %dma_wait3A_105] : memref<10240x128xf32, #tpu.memory_space<vmem_shared>> -> memref<10240x128xf32, #tpu.memory_space<vmem_shared>>
          tpu.wait_indirect_dma semaphore(%run_scoped3A : memref<!tpu.dma_semaphore, #tpu.memory_space<semaphore_mem>>) src(%arg12 : memref<128x128xf32, #tpu.memory_space<vmem>>) dst(%dma_wait3A_106 : memref<10240x128xf32, #tpu.memory_space<vmem_shared>>)
          tpu.yield
        }) : () -> ()
        %mul3A_78 = arith.constant 2 : i32
        %mul3A_79 = arith.muli %mul3A_78, %scan3A_62 : i32
        %add3A_80 = arith.constant 1 : i32
        %add3A_81 = arith.addi %mul3A_79, %add3A_80 : i32
        %add3A_82 = arith.constant 1 : i32
        %add3A_83 = arith.addi %add3A_81, %add3A_82 : i32
        %lt3A_84 = arith.constant 40 : i32
        %lt3A_85 = arith.cmpi slt, %add3A_83, %lt3A_84 : i32
        %convert_element_type3A_86 = arith.extui %lt3A_85 : i1 to i32
        %cond3A_87 = arith.constant 0 : i32
        %cond3A_88 = arith.cmpi ne, %convert_element_type3A_86, %cond3A_87 : i32
        scf.if %cond3A_88 {
          %add3A_95 = arith.constant 1 : i32
          %add3A_96 = arith.addi %add3A_81, %add3A_95 : i32
          %dma_start3A_97 = arith.constant 0 : i32
          %dma_start3A_98 = tpu.memref_slice %arg10[%add3A_96, %dma_start3A_97] : memref<40x128xi32, #tpu.memory_space<vmem>> -> memref<1x128xi32, #tpu.memory_space<vmem>>
          %dma_start3A_99 = tpu.memref_squeeze %dma_start3A_98 : memref<1x128xi32, #tpu.memory_space<vmem>> -> memref<128xi32, #tpu.memory_space<vmem>>
          %dma_start3A_100 = arith.constant 0 : i32
          %dma_start3A_101 = arith.constant 0 : i32
          %dma_start3A_102 = tpu.memref_slice %arg2[%dma_start3A_100, %dma_start3A_101] : memref<10000x128xf32, #tpu.memory_space<hbm>> -> memref<10000x128xf32, #tpu.memory_space<hbm>>
          tpu.enqueue_indirect_dma source(%dma_start3A_102 : memref<10000x128xf32, #tpu.memory_space<hbm>>) target(%arg12 : memref<128x128xf32, #tpu.memory_space<vmem>>) offsets(%dma_start3A_99 : memref<128xi32, #tpu.memory_space<vmem>>) semaphore(%arg15 : memref<!tpu.dma_semaphore, #tpu.memory_space<semaphore_mem>>)
        } else {
        }
        %dma_wait3A_89 = arith.constant 0 : i32
        %dma_wait3A_90 = tpu.memref_slice %arg10[%add3A_81, %dma_wait3A_89] : memref<40x128xi32, #tpu.memory_space<vmem>> -> memref<1x128xi32, #tpu.memory_space<vmem>>
        %dma_wait3A_91 = tpu.memref_squeeze %dma_wait3A_90 : memref<1x128xi32, #tpu.memory_space<vmem>> -> memref<128xi32, #tpu.memory_space<vmem>>
        %dma_wait3A_92 = arith.constant 0 : i32
        %dma_wait3A_93 = arith.constant 0 : i32
        %dma_wait3A_94 = tpu.memref_slice %arg2[%dma_wait3A_92, %dma_wait3A_93] : memref<10000x128xf32, #tpu.memory_space<hbm>> -> memref<10000x128xf32, #tpu.memory_space<hbm>>
        tpu.wait_indirect_dma semaphore(%arg16 : memref<!tpu.dma_semaphore, #tpu.memory_space<semaphore_mem>>) src(%dma_wait3A_94 : memref<10000x128xf32, #tpu.memory_space<hbm>>) dst(%arg13 : memref<128x128xf32, #tpu.memory_space<vmem>>)
        "tpu.region"() ({
          %run_scoped3A = tpu.sem_alloc : memref<!tpu.dma_semaphore, #tpu.memory_space<semaphore_mem>>
          %dma_start3A_95 = arith.constant 0 : i32
          %dma_start3A_96 = tpu.memref_slice %arg11[%add3A_81, %dma_start3A_95] : memref<40x128xi32, #tpu.memory_space<vmem>> -> memref<1x128xi32, #tpu.memory_space<vmem>>
          %dma_start3A_97 = tpu.memref_squeeze %dma_start3A_96 : memref<1x128xi32, #tpu.memory_space<vmem>> -> memref<128xi32, #tpu.memory_space<vmem>>
          %dma_start3A_98 = arith.constant 0 : i32
          %dma_start3A_99 = arith.constant 0 : i32
          %dma_start3A_100 = tpu.memref_slice %arg17[%dma_start3A_98, %dma_start3A_99] : memref<10240x128xf32, #tpu.memory_space<vmem_shared>> -> memref<10240x128xf32, #tpu.memory_space<vmem_shared>>
          tpu.enqueue_indirect_dma source(%arg13 : memref<128x128xf32, #tpu.memory_space<vmem>>) target(%dma_start3A_100 : memref<10240x128xf32, #tpu.memory_space<vmem_shared>>) offsets(%dma_start3A_97 : memref<128xi32, #tpu.memory_space<vmem>>) semaphore(%run_scoped3A : memref<!tpu.dma_semaphore, #tpu.memory_space<semaphore_mem>>) {add = true}
          %dma_wait3A_101 = arith.constant 0 : i32
          %dma_wait3A_102 = tpu.memref_slice %arg11[%add3A_81, %dma_wait3A_101] : memref<40x128xi32, #tpu.memory_space<vmem>> -> memref<1x128xi32, #tpu.memory_space<vmem>>
          %dma_wait3A_103 = tpu.memref_squeeze %dma_wait3A_102 : memref<1x128xi32, #tpu.memory_space<vmem>> -> memref<128xi32, #tpu.memory_space<vmem>>
          %dma_wait3A_104 = arith.constant 0 : i32
          %dma_wait3A_105 = arith.constant 0 : i32
          %dma_wait3A_106 = tpu.memref_slice %arg17[%dma_wait3A_104, %dma_wait3A_105] : memref<10240x128xf32, #tpu.memory_space<vmem_shared>> -> memref<10240x128xf32, #tpu.memory_space<vmem_shared>>
          tpu.wait_indirect_dma semaphore(%run_scoped3A : memref<!tpu.dma_semaphore, #tpu.memory_space<semaphore_mem>>) src(%arg13 : memref<128x128xf32, #tpu.memory_space<vmem>>) dst(%dma_wait3A_106 : memref<10240x128xf32, #tpu.memory_space<vmem_shared>>)
          tpu.yield
        }) : () -> ()
      }
      %scan3A_61 = arith.constant 20 : i32
    } else {
    }
    %not3A_14 = arith.constant true
    %not3A_15 = arith.xori %eq3A_6, %not3A_14 : i1
    %eq3A_16 = arith.constant 1 : i32
    %eq3A_17 = arith.cmpi eq, %arg0, %eq3A_16 : i32
    %and3A_18 = arith.andi %not3A_15, %eq3A_17 : i1
    %convert_element_type3A_19 = arith.extui %and3A_18 : i1 to i32
    %cond3A_20 = arith.constant 0 : i32
    %cond3A_21 = arith.cmpi ne, %convert_element_type3A_19, %cond3A_20 : i32
    scf.if %cond3A_21 {
      %add3A = arith.constant 0 : i32
      %add3A_33 = arith.addi %multiple_of3A_3, %add3A : i32
      %multiple_of3A_34 = tpu.assume_multiple %add3A_33, 8 : i32
      "tpu.region"() ({
        %run_scoped3A = tpu.sem_alloc : memref<!tpu.dma_semaphore, #tpu.memory_space<semaphore_mem>>
        %dma_start3A_62 = arith.constant 0 : i32
        %dma_start3A_63 = tpu.memref_slice %arg4[%multiple_of3A_34, %dma_start3A_62] : memref<1280x128xi32, #tpu.memory_space<hbm>> -> memref<40x128xi32, #tpu.memory_space<hbm>>
        %dma_start3A_64 = arith.constant 0 : i32
        %dma_start3A_65 = tpu.memref_slice %arg4[%multiple_of3A_34, %dma_start3A_64] : memref<1280x128xi32, #tpu.memory_space<hbm>> -> memref<40x128xi32, #tpu.memory_space<hbm>>
        tpu.enqueue_dma source(%dma_start3A_65 : memref<40x128xi32, #tpu.memory_space<hbm>>) target(%arg10 : memref<40x128xi32, #tpu.memory_space<vmem>>) target_semaphore(%run_scoped3A : memref<!tpu.dma_semaphore, #tpu.memory_space<semaphore_mem>>)
        %dma_wait3A = arith.constant 0 : i32
        %dma_wait3A_66 = tpu.memref_slice %arg4[%multiple_of3A_34, %dma_wait3A] : memref<1280x128xi32, #tpu.memory_space<hbm>> -> memref<40x128xi32, #tpu.memory_space<hbm>>
        %dma_wait3A_67 = arith.constant 0 : i32
        %dma_wait3A_68 = tpu.memref_slice %arg4[%multiple_of3A_34, %dma_wait3A_67] : memref<1280x128xi32, #tpu.memory_space<hbm>> -> memref<40x128xi32, #tpu.memory_space<hbm>>
        tpu.wait_dma2 semaphore(%run_scoped3A : memref<!tpu.dma_semaphore, #tpu.memory_space<semaphore_mem>>) src(%dma_wait3A_68 : memref<40x128xi32, #tpu.memory_space<hbm>>) dst(%arg10 : memref<40x128xi32, #tpu.memory_space<vmem>>)
        tpu.yield
      }) : () -> ()
      "tpu.region"() ({
        %run_scoped3A = tpu.sem_alloc : memref<!tpu.dma_semaphore, #tpu.memory_space<semaphore_mem>>
        %dma_start3A_62 = arith.constant 0 : i32
        %dma_start3A_63 = tpu.memref_slice %arg5[%multiple_of3A_34, %dma_start3A_62] : memref<1280x128xi32, #tpu.memory_space<hbm>> -> memref<40x128xi32, #tpu.memory_space<hbm>>
        %dma_start3A_64 = arith.constant 0 : i32
        %dma_start3A_65 = tpu.memref_slice %arg5[%multiple_of3A_34, %dma_start3A_64] : memref<1280x128xi32, #tpu.memory_space<hbm>> -> memref<40x128xi32, #tpu.memory_space<hbm>>
        tpu.enqueue_dma source(%dma_start3A_65 : memref<40x128xi32, #tpu.memory_space<hbm>>) target(%arg11 : memref<40x128xi32, #tpu.memory_space<vmem>>) target_semaphore(%run_scoped3A : memref<!tpu.dma_semaphore, #tpu.memory_space<semaphore_mem>>)
        %dma_wait3A = arith.constant 0 : i32
        %dma_wait3A_66 = tpu.memref_slice %arg5[%multiple_of3A_34, %dma_wait3A] : memref<1280x128xi32, #tpu.memory_space<hbm>> -> memref<40x128xi32, #tpu.memory_space<hbm>>
        %dma_wait3A_67 = arith.constant 0 : i32
        %dma_wait3A_68 = tpu.memref_slice %arg5[%multiple_of3A_34, %dma_wait3A_67] : memref<1280x128xi32, #tpu.memory_space<hbm>> -> memref<40x128xi32, #tpu.memory_space<hbm>>
        tpu.wait_dma2 semaphore(%run_scoped3A : memref<!tpu.dma_semaphore, #tpu.memory_space<semaphore_mem>>) src(%dma_wait3A_68 : memref<40x128xi32, #tpu.memory_space<hbm>>) dst(%arg11 : memref<40x128xi32, #tpu.memory_space<vmem>>)
        tpu.yield
      }) : () -> ()
      %dma_start3A = arith.constant 0 : i32
      %dma_start3A_35 = arith.constant 0 : i32
      %dma_start3A_36 = tpu.memref_slice %arg10[%dma_start3A, %dma_start3A_35] : memref<40x128xi32, #tpu.memory_space<vmem>> -> memref<1x128xi32, #tpu.memory_space<vmem>>
      %dma_start3A_37 = tpu.memref_squeeze %dma_start3A_36 : memref<1x128xi32, #tpu.memory_space<vmem>> -> memref<128xi32, #tpu.memory_space<vmem>>
      %dma_start3A_38 = arith.constant 0 : i32
      %dma_start3A_39 = arith.constant 0 : i32
      %dma_start3A_40 = tpu.memref_slice %arg3[%dma_start3A_38, %dma_start3A_39] : memref<10000x128xf32, #tpu.memory_space<hbm>> -> memref<10000x128xf32, #tpu.memory_space<hbm>>
      tpu.enqueue_indirect_dma source(%dma_start3A_40 : memref<10000x128xf32, #tpu.memory_space<hbm>>) target(%arg12 : memref<128x128xf32, #tpu.memory_space<vmem>>) offsets(%dma_start3A_37 : memref<128xi32, #tpu.memory_space<vmem>>) semaphore(%arg15 : memref<!tpu.dma_semaphore, #tpu.memory_space<semaphore_mem>>)
      %scan3A = arith.constant 0 : i32
      %scan3A_41 = arith.constant 0 : i32
      %scan3A_42 = arith.constant 20 : i32
      %scan3A_43 = arith.addi %scan3A_41, %scan3A_42 : i32
      %scan3A_44 = arith.constant 1 : i32
      scf.for %scan3A_62 = %scan3A_41 to %scan3A_43 step %scan3A_44  : i32 {
        %mul3A_63 = arith.constant 2 : i32
        %mul3A_64 = arith.muli %mul3A_63, %scan3A_62 : i32
        %add3A_65 = arith.constant 0 : i32
        %add3A_66 = arith.addi %mul3A_64, %add3A_65 : i32
        %add3A_67 = arith.constant 1 : i32
        %add3A_68 = arith.addi %add3A_66, %add3A_67 : i32
        %lt3A = arith.constant 40 : i32
        %lt3A_69 = arith.cmpi slt, %add3A_68, %lt3A : i32
        %convert_element_type3A_70 = arith.extui %lt3A_69 : i1 to i32
        %cond3A_71 = arith.constant 0 : i32
        %cond3A_72 = arith.cmpi ne, %convert_element_type3A_70, %cond3A_71 : i32
        scf.if %cond3A_72 {
          %add3A_95 = arith.constant 1 : i32
          %add3A_96 = arith.addi %add3A_66, %add3A_95 : i32
          %dma_start3A_97 = arith.constant 0 : i32
          %dma_start3A_98 = tpu.memref_slice %arg10[%add3A_96, %dma_start3A_97] : memref<40x128xi32, #tpu.memory_space<vmem>> -> memref<1x128xi32, #tpu.memory_space<vmem>>
          %dma_start3A_99 = tpu.memref_squeeze %dma_start3A_98 : memref<1x128xi32, #tpu.memory_space<vmem>> -> memref<128xi32, #tpu.memory_space<vmem>>
          %dma_start3A_100 = arith.constant 0 : i32
          %dma_start3A_101 = arith.constant 0 : i32
          %dma_start3A_102 = tpu.memref_slice %arg3[%dma_start3A_100, %dma_start3A_101] : memref<10000x128xf32, #tpu.memory_space<hbm>> -> memref<10000x128xf32, #tpu.memory_space<hbm>>
          tpu.enqueue_indirect_dma source(%dma_start3A_102 : memref<10000x128xf32, #tpu.memory_space<hbm>>) target(%arg13 : memref<128x128xf32, #tpu.memory_space<vmem>>) offsets(%dma_start3A_99 : memref<128xi32, #tpu.memory_space<vmem>>) semaphore(%arg16 : memref<!tpu.dma_semaphore, #tpu.memory_space<semaphore_mem>>)
        } else {
        }
        %dma_wait3A = arith.constant 0 : i32
        %dma_wait3A_73 = tpu.memref_slice %arg10[%add3A_66, %dma_wait3A] : memref<40x128xi32, #tpu.memory_space<vmem>> -> memref<1x128xi32, #tpu.memory_space<vmem>>
        %dma_wait3A_74 = tpu.memref_squeeze %dma_wait3A_73 : memref<1x128xi32, #tpu.memory_space<vmem>> -> memref<128xi32, #tpu.memory_space<vmem>>
        %dma_wait3A_75 = arith.constant 0 : i32
        %dma_wait3A_76 = arith.constant 0 : i32
        %dma_wait3A_77 = tpu.memref_slice %arg3[%dma_wait3A_75, %dma_wait3A_76] : memref<10000x128xf32, #tpu.memory_space<hbm>> -> memref<10000x128xf32, #tpu.memory_space<hbm>>
        tpu.wait_indirect_dma semaphore(%arg15 : memref<!tpu.dma_semaphore, #tpu.memory_space<semaphore_mem>>) src(%dma_wait3A_77 : memref<10000x128xf32, #tpu.memory_space<hbm>>) dst(%arg12 : memref<128x128xf32, #tpu.memory_space<vmem>>)
        "tpu.region"() ({
          %run_scoped3A = tpu.sem_alloc : memref<!tpu.dma_semaphore, #tpu.memory_space<semaphore_mem>>
          %dma_start3A_95 = arith.constant 0 : i32
          %dma_start3A_96 = tpu.memref_slice %arg11[%add3A_66, %dma_start3A_95] : memref<40x128xi32, #tpu.memory_space<vmem>> -> memref<1x128xi32, #tpu.memory_space<vmem>>
          %dma_start3A_97 = tpu.memref_squeeze %dma_start3A_96 : memref<1x128xi32, #tpu.memory_space<vmem>> -> memref<128xi32, #tpu.memory_space<vmem>>
          %dma_start3A_98 = arith.constant 0 : i32
          %dma_start3A_99 = arith.constant 0 : i32
          %dma_start3A_100 = tpu.memref_slice %arg17[%dma_start3A_98, %dma_start3A_99] : memref<10240x128xf32, #tpu.memory_space<vmem_shared>> -> memref<10240x128xf32, #tpu.memory_space<vmem_shared>>
          tpu.enqueue_indirect_dma source(%arg12 : memref<128x128xf32, #tpu.memory_space<vmem>>) target(%dma_start3A_100 : memref<10240x128xf32, #tpu.memory_space<vmem_shared>>) offsets(%dma_start3A_97 : memref<128xi32, #tpu.memory_space<vmem>>) semaphore(%run_scoped3A : memref<!tpu.dma_semaphore, #tpu.memory_space<semaphore_mem>>) {add = true}
          %dma_wait3A_101 = arith.constant 0 : i32
          %dma_wait3A_102 = tpu.memref_slice %arg11[%add3A_66, %dma_wait3A_101] : memref<40x128xi32, #tpu.memory_space<vmem>> -> memref<1x128xi32, #tpu.memory_space<vmem>>
          %dma_wait3A_103 = tpu.memref_squeeze %dma_wait3A_102 : memref<1x128xi32, #tpu.memory_space<vmem>> -> memref<128xi32, #tpu.memory_space<vmem>>
          %dma_wait3A_104 = arith.constant 0 : i32
          %dma_wait3A_105 = arith.constant 0 : i32
          %dma_wait3A_106 = tpu.memref_slice %arg17[%dma_wait3A_104, %dma_wait3A_105] : memref<10240x128xf32, #tpu.memory_space<vmem_shared>> -> memref<10240x128xf32, #tpu.memory_space<vmem_shared>>
          tpu.wait_indirect_dma semaphore(%run_scoped3A : memref<!tpu.dma_semaphore, #tpu.memory_space<semaphore_mem>>) src(%arg12 : memref<128x128xf32, #tpu.memory_space<vmem>>) dst(%dma_wait3A_106 : memref<10240x128xf32, #tpu.memory_space<vmem_shared>>)
          tpu.yield
        }) : () -> ()
        %mul3A_78 = arith.constant 2 : i32
        %mul3A_79 = arith.muli %mul3A_78, %scan3A_62 : i32
        %add3A_80 = arith.constant 1 : i32
        %add3A_81 = arith.addi %mul3A_79, %add3A_80 : i32
        %add3A_82 = arith.constant 1 : i32
        %add3A_83 = arith.addi %add3A_81, %add3A_82 : i32
        %lt3A_84 = arith.constant 40 : i32
        %lt3A_85 = arith.cmpi slt, %add3A_83, %lt3A_84 : i32
        %convert_element_type3A_86 = arith.extui %lt3A_85 : i1 to i32
        %cond3A_87 = arith.constant 0 : i32
        %cond3A_88 = arith.cmpi ne, %convert_element_type3A_86, %cond3A_87 : i32
        scf.if %cond3A_88 {
          %add3A_95 = arith.constant 1 : i32
          %add3A_96 = arith.addi %add3A_81, %add3A_95 : i32
          %dma_start3A_97 = arith.constant 0 : i32
          %dma_start3A_98 = tpu.memref_slice %arg10[%add3A_96, %dma_start3A_97] : memref<40x128xi32, #tpu.memory_space<vmem>> -> memref<1x128xi32, #tpu.memory_space<vmem>>
          %dma_start3A_99 = tpu.memref_squeeze %dma_start3A_98 : memref<1x128xi32, #tpu.memory_space<vmem>> -> memref<128xi32, #tpu.memory_space<vmem>>
          %dma_start3A_100 = arith.constant 0 : i32
          %dma_start3A_101 = arith.constant 0 : i32
          %dma_start3A_102 = tpu.memref_slice %arg3[%dma_start3A_100, %dma_start3A_101] : memref<10000x128xf32, #tpu.memory_space<hbm>> -> memref<10000x128xf32, #tpu.memory_space<hbm>>
          tpu.enqueue_indirect_dma source(%dma_start3A_102 : memref<10000x128xf32, #tpu.memory_space<hbm>>) target(%arg12 : memref<128x128xf32, #tpu.memory_space<vmem>>) offsets(%dma_start3A_99 : memref<128xi32, #tpu.memory_space<vmem>>) semaphore(%arg15 : memref<!tpu.dma_semaphore, #tpu.memory_space<semaphore_mem>>)
        } else {
        }
        %dma_wait3A_89 = arith.constant 0 : i32
        %dma_wait3A_90 = tpu.memref_slice %arg10[%add3A_81, %dma_wait3A_89] : memref<40x128xi32, #tpu.memory_space<vmem>> -> memref<1x128xi32, #tpu.memory_space<vmem>>
        %dma_wait3A_91 = tpu.memref_squeeze %dma_wait3A_90 : memref<1x128xi32, #tpu.memory_space<vmem>> -> memref<128xi32, #tpu.memory_space<vmem>>
        %dma_wait3A_92 = arith.constant 0 : i32
        %dma_wait3A_93 = arith.constant 0 : i32
        %dma_wait3A_94 = tpu.memref_slice %arg3[%dma_wait3A_92, %dma_wait3A_93] : memref<10000x128xf32, #tpu.memory_space<hbm>> -> memref<10000x128xf32, #tpu.memory_space<hbm>>
        tpu.wait_indirect_dma semaphore(%arg16 : memref<!tpu.dma_semaphore, #tpu.memory_space<semaphore_mem>>) src(%dma_wait3A_94 : memref<10000x128xf32, #tpu.memory_space<hbm>>) dst(%arg13 : memref<128x128xf32, #tpu.memory_space<vmem>>)
        "tpu.region"() ({
          %run_scoped3A = tpu.sem_alloc : memref<!tpu.dma_semaphore, #tpu.memory_space<semaphore_mem>>
          %dma_start3A_95 = arith.constant 0 : i32
          %dma_start3A_96 = tpu.memref_slice %arg11[%add3A_81, %dma_start3A_95] : memref<40x128xi32, #tpu.memory_space<vmem>> -> memref<1x128xi32, #tpu.memory_space<vmem>>
          %dma_start3A_97 = tpu.memref_squeeze %dma_start3A_96 : memref<1x128xi32, #tpu.memory_space<vmem>> -> memref<128xi32, #tpu.memory_space<vmem>>
          %dma_start3A_98 = arith.constant 0 : i32
          %dma_start3A_99 = arith.constant 0 : i32
          %dma_start3A_100 = tpu.memref_slice %arg17[%dma_start3A_98, %dma_start3A_99] : memref<10240x128xf32, #tpu.memory_space<vmem_shared>> -> memref<10240x128xf32, #tpu.memory_space<vmem_shared>>
          tpu.enqueue_indirect_dma source(%arg13 : memref<128x128xf32, #tpu.memory_space<vmem>>) target(%dma_start3A_100 : memref<10240x128xf32, #tpu.memory_space<vmem_shared>>) offsets(%dma_start3A_97 : memref<128xi32, #tpu.memory_space<vmem>>) semaphore(%run_scoped3A : memref<!tpu.dma_semaphore, #tpu.memory_space<semaphore_mem>>) {add = true}
          %dma_wait3A_101 = arith.constant 0 : i32
          %dma_wait3A_102 = tpu.memref_slice %arg11[%add3A_81, %dma_wait3A_101] : memref<40x128xi32, #tpu.memory_space<vmem>> -> memref<1x128xi32, #tpu.memory_space<vmem>>
          %dma_wait3A_103 = tpu.memref_squeeze %dma_wait3A_102 : memref<1x128xi32, #tpu.memory_space<vmem>> -> memref<128xi32, #tpu.memory_space<vmem>>
          %dma_wait3A_104 = arith.constant 0 : i32
          %dma_wait3A_105 = arith.constant 0 : i32
          %dma_wait3A_106 = tpu.memref_slice %arg17[%dma_wait3A_104, %dma_wait3A_105] : memref<10240x128xf32, #tpu.memory_space<vmem_shared>> -> memref<10240x128xf32, #tpu.memory_space<vmem_shared>>
          tpu.wait_indirect_dma semaphore(%run_scoped3A : memref<!tpu.dma_semaphore, #tpu.memory_space<semaphore_mem>>) src(%arg13 : memref<128x128xf32, #tpu.memory_space<vmem>>) dst(%dma_wait3A_106 : memref<10240x128xf32, #tpu.memory_space<vmem_shared>>)
          tpu.yield
        }) : () -> ()
      }
      %scan3A_45 = arith.constant 20 : i32
      %add3A_46 = arith.constant 40 : i32
      %add3A_47 = arith.addi %multiple_of3A_3, %add3A_46 : i32
      %multiple_of3A_48 = tpu.assume_multiple %add3A_47, 8 : i32
      "tpu.region"() ({
        %run_scoped3A = tpu.sem_alloc : memref<!tpu.dma_semaphore, #tpu.memory_space<semaphore_mem>>
        %dma_start3A_62 = arith.constant 0 : i32
        %dma_start3A_63 = tpu.memref_slice %arg4[%multiple_of3A_48, %dma_start3A_62] : memref<1280x128xi32, #tpu.memory_space<hbm>> -> memref<40x128xi32, #tpu.memory_space<hbm>>
        %dma_start3A_64 = arith.constant 0 : i32
        %dma_start3A_65 = tpu.memref_slice %arg4[%multiple_of3A_48, %dma_start3A_64] : memref<1280x128xi32, #tpu.memory_space<hbm>> -> memref<40x128xi32, #tpu.memory_space<hbm>>
        tpu.enqueue_dma source(%dma_start3A_65 : memref<40x128xi32, #tpu.memory_space<hbm>>) target(%arg10 : memref<40x128xi32, #tpu.memory_space<vmem>>) target_semaphore(%run_scoped3A : memref<!tpu.dma_semaphore, #tpu.memory_space<semaphore_mem>>)
        %dma_wait3A = arith.constant 0 : i32
        %dma_wait3A_66 = tpu.memref_slice %arg4[%multiple_of3A_48, %dma_wait3A] : memref<1280x128xi32, #tpu.memory_space<hbm>> -> memref<40x128xi32, #tpu.memory_space<hbm>>
        %dma_wait3A_67 = arith.constant 0 : i32
        %dma_wait3A_68 = tpu.memref_slice %arg4[%multiple_of3A_48, %dma_wait3A_67] : memref<1280x128xi32, #tpu.memory_space<hbm>> -> memref<40x128xi32, #tpu.memory_space<hbm>>
        tpu.wait_dma2 semaphore(%run_scoped3A : memref<!tpu.dma_semaphore, #tpu.memory_space<semaphore_mem>>) src(%dma_wait3A_68 : memref<40x128xi32, #tpu.memory_space<hbm>>) dst(%arg10 : memref<40x128xi32, #tpu.memory_space<vmem>>)
        tpu.yield
      }) : () -> ()
      "tpu.region"() ({
        %run_scoped3A = tpu.sem_alloc : memref<!tpu.dma_semaphore, #tpu.memory_space<semaphore_mem>>
        %dma_start3A_62 = arith.constant 0 : i32
        %dma_start3A_63 = tpu.memref_slice %arg5[%multiple_of3A_48, %dma_start3A_62] : memref<1280x128xi32, #tpu.memory_space<hbm>> -> memref<40x128xi32, #tpu.memory_space<hbm>>
        %dma_start3A_64 = arith.constant 0 : i32
        %dma_start3A_65 = tpu.memref_slice %arg5[%multiple_of3A_48, %dma_start3A_64] : memref<1280x128xi32, #tpu.memory_space<hbm>> -> memref<40x128xi32, #tpu.memory_space<hbm>>
        tpu.enqueue_dma source(%dma_start3A_65 : memref<40x128xi32, #tpu.memory_space<hbm>>) target(%arg11 : memref<40x128xi32, #tpu.memory_space<vmem>>) target_semaphore(%run_scoped3A : memref<!tpu.dma_semaphore, #tpu.memory_space<semaphore_mem>>)
        %dma_wait3A = arith.constant 0 : i32
        %dma_wait3A_66 = tpu.memref_slice %arg5[%multiple_of3A_48, %dma_wait3A] : memref<1280x128xi32, #tpu.memory_space<hbm>> -> memref<40x128xi32, #tpu.memory_space<hbm>>
        %dma_wait3A_67 = arith.constant 0 : i32
        %dma_wait3A_68 = tpu.memref_slice %arg5[%multiple_of3A_48, %dma_wait3A_67] : memref<1280x128xi32, #tpu.memory_space<hbm>> -> memref<40x128xi32, #tpu.memory_space<hbm>>
        tpu.wait_dma2 semaphore(%run_scoped3A : memref<!tpu.dma_semaphore, #tpu.memory_space<semaphore_mem>>) src(%dma_wait3A_68 : memref<40x128xi32, #tpu.memory_space<hbm>>) dst(%arg11 : memref<40x128xi32, #tpu.memory_space<vmem>>)
        tpu.yield
      }) : () -> ()
      %dma_start3A_49 = arith.constant 0 : i32
      %dma_start3A_50 = arith.constant 0 : i32
      %dma_start3A_51 = tpu.memref_slice %arg10[%dma_start3A_49, %dma_start3A_50] : memref<40x128xi32, #tpu.memory_space<vmem>> -> memref<1x128xi32, #tpu.memory_space<vmem>>
      %dma_start3A_52 = tpu.memref_squeeze %dma_start3A_51 : memref<1x128xi32, #tpu.memory_space<vmem>> -> memref<128xi32, #tpu.memory_space<vmem>>
      %dma_start3A_53 = arith.constant 0 : i32
      %dma_start3A_54 = arith.constant 0 : i32
      %dma_start3A_55 = tpu.memref_slice %arg3[%dma_start3A_53, %dma_start3A_54] : memref<10000x128xf32, #tpu.memory_space<hbm>> -> memref<10000x128xf32, #tpu.memory_space<hbm>>
      tpu.enqueue_indirect_dma source(%dma_start3A_55 : memref<10000x128xf32, #tpu.memory_space<hbm>>) target(%arg12 : memref<128x128xf32, #tpu.memory_space<vmem>>) offsets(%dma_start3A_52 : memref<128xi32, #tpu.memory_space<vmem>>) semaphore(%arg15 : memref<!tpu.dma_semaphore, #tpu.memory_space<semaphore_mem>>)
      %scan3A_56 = arith.constant 0 : i32
      %scan3A_57 = arith.constant 0 : i32
      %scan3A_58 = arith.constant 20 : i32
      %scan3A_59 = arith.addi %scan3A_57, %scan3A_58 : i32
      %scan3A_60 = arith.constant 1 : i32
      scf.for %scan3A_62 = %scan3A_57 to %scan3A_59 step %scan3A_60  : i32 {
        %mul3A_63 = arith.constant 2 : i32
        %mul3A_64 = arith.muli %mul3A_63, %scan3A_62 : i32
        %add3A_65 = arith.constant 0 : i32
        %add3A_66 = arith.addi %mul3A_64, %add3A_65 : i32
        %add3A_67 = arith.constant 1 : i32
        %add3A_68 = arith.addi %add3A_66, %add3A_67 : i32
        %lt3A = arith.constant 40 : i32
        %lt3A_69 = arith.cmpi slt, %add3A_68, %lt3A : i32
        %convert_element_type3A_70 = arith.extui %lt3A_69 : i1 to i32
        %cond3A_71 = arith.constant 0 : i32
        %cond3A_72 = arith.cmpi ne, %convert_element_type3A_70, %cond3A_71 : i32
        scf.if %cond3A_72 {
          %add3A_95 = arith.constant 1 : i32
          %add3A_96 = arith.addi %add3A_66, %add3A_95 : i32
          %dma_start3A_97 = arith.constant 0 : i32
          %dma_start3A_98 = tpu.memref_slice %arg10[%add3A_96, %dma_start3A_97] : memref<40x128xi32, #tpu.memory_space<vmem>> -> memref<1x128xi32, #tpu.memory_space<vmem>>
          %dma_start3A_99 = tpu.memref_squeeze %dma_start3A_98 : memref<1x128xi32, #tpu.memory_space<vmem>> -> memref<128xi32, #tpu.memory_space<vmem>>
          %dma_start3A_100 = arith.constant 0 : i32
          %dma_start3A_101 = arith.constant 0 : i32
          %dma_start3A_102 = tpu.memref_slice %arg3[%dma_start3A_100, %dma_start3A_101] : memref<10000x128xf32, #tpu.memory_space<hbm>> -> memref<10000x128xf32, #tpu.memory_space<hbm>>
          tpu.enqueue_indirect_dma source(%dma_start3A_102 : memref<10000x128xf32, #tpu.memory_space<hbm>>) target(%arg13 : memref<128x128xf32, #tpu.memory_space<vmem>>) offsets(%dma_start3A_99 : memref<128xi32, #tpu.memory_space<vmem>>) semaphore(%arg16 : memref<!tpu.dma_semaphore, #tpu.memory_space<semaphore_mem>>)
        } else {
        }
        %dma_wait3A = arith.constant 0 : i32
        %dma_wait3A_73 = tpu.memref_slice %arg10[%add3A_66, %dma_wait3A] : memref<40x128xi32, #tpu.memory_space<vmem>> -> memref<1x128xi32, #tpu.memory_space<vmem>>
        %dma_wait3A_74 = tpu.memref_squeeze %dma_wait3A_73 : memref<1x128xi32, #tpu.memory_space<vmem>> -> memref<128xi32, #tpu.memory_space<vmem>>
        %dma_wait3A_75 = arith.constant 0 : i32
        %dma_wait3A_76 = arith.constant 0 : i32
        %dma_wait3A_77 = tpu.memref_slice %arg3[%dma_wait3A_75, %dma_wait3A_76] : memref<10000x128xf32, #tpu.memory_space<hbm>> -> memref<10000x128xf32, #tpu.memory_space<hbm>>
        tpu.wait_indirect_dma semaphore(%arg15 : memref<!tpu.dma_semaphore, #tpu.memory_space<semaphore_mem>>) src(%dma_wait3A_77 : memref<10000x128xf32, #tpu.memory_space<hbm>>) dst(%arg12 : memref<128x128xf32, #tpu.memory_space<vmem>>)
        "tpu.region"() ({
          %run_scoped3A = tpu.sem_alloc : memref<!tpu.dma_semaphore, #tpu.memory_space<semaphore_mem>>
          %dma_start3A_95 = arith.constant 0 : i32
          %dma_start3A_96 = tpu.memref_slice %arg11[%add3A_66, %dma_start3A_95] : memref<40x128xi32, #tpu.memory_space<vmem>> -> memref<1x128xi32, #tpu.memory_space<vmem>>
          %dma_start3A_97 = tpu.memref_squeeze %dma_start3A_96 : memref<1x128xi32, #tpu.memory_space<vmem>> -> memref<128xi32, #tpu.memory_space<vmem>>
          %dma_start3A_98 = arith.constant 0 : i32
          %dma_start3A_99 = arith.constant 0 : i32
          %dma_start3A_100 = tpu.memref_slice %arg17[%dma_start3A_98, %dma_start3A_99] : memref<10240x128xf32, #tpu.memory_space<vmem_shared>> -> memref<10240x128xf32, #tpu.memory_space<vmem_shared>>
          tpu.enqueue_indirect_dma source(%arg12 : memref<128x128xf32, #tpu.memory_space<vmem>>) target(%dma_start3A_100 : memref<10240x128xf32, #tpu.memory_space<vmem_shared>>) offsets(%dma_start3A_97 : memref<128xi32, #tpu.memory_space<vmem>>) semaphore(%run_scoped3A : memref<!tpu.dma_semaphore, #tpu.memory_space<semaphore_mem>>) {add = true}
          %dma_wait3A_101 = arith.constant 0 : i32
          %dma_wait3A_102 = tpu.memref_slice %arg11[%add3A_66, %dma_wait3A_101] : memref<40x128xi32, #tpu.memory_space<vmem>> -> memref<1x128xi32, #tpu.memory_space<vmem>>
          %dma_wait3A_103 = tpu.memref_squeeze %dma_wait3A_102 : memref<1x128xi32, #tpu.memory_space<vmem>> -> memref<128xi32, #tpu.memory_space<vmem>>
          %dma_wait3A_104 = arith.constant 0 : i32
          %dma_wait3A_105 = arith.constant 0 : i32
          %dma_wait3A_106 = tpu.memref_slice %arg17[%dma_wait3A_104, %dma_wait3A_105] : memref<10240x128xf32, #tpu.memory_space<vmem_shared>> -> memref<10240x128xf32, #tpu.memory_space<vmem_shared>>
          tpu.wait_indirect_dma semaphore(%run_scoped3A : memref<!tpu.dma_semaphore, #tpu.memory_space<semaphore_mem>>) src(%arg12 : memref<128x128xf32, #tpu.memory_space<vmem>>) dst(%dma_wait3A_106 : memref<10240x128xf32, #tpu.memory_space<vmem_shared>>)
          tpu.yield
        }) : () -> ()
        %mul3A_78 = arith.constant 2 : i32
        %mul3A_79 = arith.muli %mul3A_78, %scan3A_62 : i32
        %add3A_80 = arith.constant 1 : i32
        %add3A_81 = arith.addi %mul3A_79, %add3A_80 : i32
        %add3A_82 = arith.constant 1 : i32
        %add3A_83 = arith.addi %add3A_81, %add3A_82 : i32
        %lt3A_84 = arith.constant 40 : i32
        %lt3A_85 = arith.cmpi slt, %add3A_83, %lt3A_84 : i32
        %convert_element_type3A_86 = arith.extui %lt3A_85 : i1 to i32
        %cond3A_87 = arith.constant 0 : i32
        %cond3A_88 = arith.cmpi ne, %convert_element_type3A_86, %cond3A_87 : i32
        scf.if %cond3A_88 {
          %add3A_95 = arith.constant 1 : i32
          %add3A_96 = arith.addi %add3A_81, %add3A_95 : i32
          %dma_start3A_97 = arith.constant 0 : i32
          %dma_start3A_98 = tpu.memref_slice %arg10[%add3A_96, %dma_start3A_97] : memref<40x128xi32, #tpu.memory_space<vmem>> -> memref<1x128xi32, #tpu.memory_space<vmem>>
          %dma_start3A_99 = tpu.memref_squeeze %dma_start3A_98 : memref<1x128xi32, #tpu.memory_space<vmem>> -> memref<128xi32, #tpu.memory_space<vmem>>
          %dma_start3A_100 = arith.constant 0 : i32
          %dma_start3A_101 = arith.constant 0 : i32
          %dma_start3A_102 = tpu.memref_slice %arg3[%dma_start3A_100, %dma_start3A_101] : memref<10000x128xf32, #tpu.memory_space<hbm>> -> memref<10000x128xf32, #tpu.memory_space<hbm>>
          tpu.enqueue_indirect_dma source(%dma_start3A_102 : memref<10000x128xf32, #tpu.memory_space<hbm>>) target(%arg12 : memref<128x128xf32, #tpu.memory_space<vmem>>) offsets(%dma_start3A_99 : memref<128xi32, #tpu.memory_space<vmem>>) semaphore(%arg15 : memref<!tpu.dma_semaphore, #tpu.memory_space<semaphore_mem>>)
        } else {
        }
        %dma_wait3A_89 = arith.constant 0 : i32
        %dma_wait3A_90 = tpu.memref_slice %arg10[%add3A_81, %dma_wait3A_89] : memref<40x128xi32, #tpu.memory_space<vmem>> -> memref<1x128xi32, #tpu.memory_space<vmem>>
        %dma_wait3A_91 = tpu.memref_squeeze %dma_wait3A_90 : memref<1x128xi32, #tpu.memory_space<vmem>> -> memref<128xi32, #tpu.memory_space<vmem>>
        %dma_wait3A_92 = arith.constant 0 : i32
        %dma_wait3A_93 = arith.constant 0 : i32
        %dma_wait3A_94 = tpu.memref_slice %arg3[%dma_wait3A_92, %dma_wait3A_93] : memref<10000x128xf32, #tpu.memory_space<hbm>> -> memref<10000x128xf32, #tpu.memory_space<hbm>>
        tpu.wait_indirect_dma semaphore(%arg16 : memref<!tpu.dma_semaphore, #tpu.memory_space<semaphore_mem>>) src(%dma_wait3A_94 : memref<10000x128xf32, #tpu.memory_space<hbm>>) dst(%arg13 : memref<128x128xf32, #tpu.memory_space<vmem>>)
        "tpu.region"() ({
          %run_scoped3A = tpu.sem_alloc : memref<!tpu.dma_semaphore, #tpu.memory_space<semaphore_mem>>
          %dma_start3A_95 = arith.constant 0 : i32
          %dma_start3A_96 = tpu.memref_slice %arg11[%add3A_81, %dma_start3A_95] : memref<40x128xi32, #tpu.memory_space<vmem>> -> memref<1x128xi32, #tpu.memory_space<vmem>>
          %dma_start3A_97 = tpu.memref_squeeze %dma_start3A_96 : memref<1x128xi32, #tpu.memory_space<vmem>> -> memref<128xi32, #tpu.memory_space<vmem>>
          %dma_start3A_98 = arith.constant 0 : i32
          %dma_start3A_99 = arith.constant 0 : i32
          %dma_start3A_100 = tpu.memref_slice %arg17[%dma_start3A_98, %dma_start3A_99] : memref<10240x128xf32, #tpu.memory_space<vmem_shared>> -> memref<10240x128xf32, #tpu.memory_space<vmem_shared>>
          tpu.enqueue_indirect_dma source(%arg13 : memref<128x128xf32, #tpu.memory_space<vmem>>) target(%dma_start3A_100 : memref<10240x128xf32, #tpu.memory_space<vmem_shared>>) offsets(%dma_start3A_97 : memref<128xi32, #tpu.memory_space<vmem>>) semaphore(%run_scoped3A : memref<!tpu.dma_semaphore, #tpu.memory_space<semaphore_mem>>) {add = true}
          %dma_wait3A_101 = arith.constant 0 : i32
          %dma_wait3A_102 = tpu.memref_slice %arg11[%add3A_81, %dma_wait3A_101] : memref<40x128xi32, #tpu.memory_space<vmem>> -> memref<1x128xi32, #tpu.memory_space<vmem>>
          %dma_wait3A_103 = tpu.memref_squeeze %dma_wait3A_102 : memref<1x128xi32, #tpu.memory_space<vmem>> -> memref<128xi32, #tpu.memory_space<vmem>>
          %dma_wait3A_104 = arith.constant 0 : i32
          %dma_wait3A_105 = arith.constant 0 : i32
          %dma_wait3A_106 = tpu.memref_slice %arg17[%dma_wait3A_104, %dma_wait3A_105] : memref<10240x128xf32, #tpu.memory_space<vmem_shared>> -> memref<10240x128xf32, #tpu.memory_space<vmem_shared>>
          tpu.wait_indirect_dma semaphore(%run_scoped3A : memref<!tpu.dma_semaphore, #tpu.memory_space<semaphore_mem>>) src(%arg13 : memref<128x128xf32, #tpu.memory_space<vmem>>) dst(%dma_wait3A_106 : memref<10240x128xf32, #tpu.memory_space<vmem_shared>>)
          tpu.yield
        }) : () -> ()
      }
      %scan3A_61 = arith.constant 20 : i32
    } else {
    }
    %barrier3A_22 = arith.constant 0 : index
    tpu.barrier barrier_id(%barrier3A_22)
    %eq3A_23 = arith.constant 0 : i32
    %eq3A_24 = arith.cmpi eq, %arg0, %eq3A_23 : i32
    %convert_element_type3A_25 = arith.extui %eq3A_24 : i1 to i32
    %cond3A_26 = arith.constant 0 : i32
    %cond3A_27 = arith.cmpi ne, %convert_element_type3A_25, %cond3A_26 : i32
    scf.if %cond3A_27 {
      "tpu.region"() ({
        %run_scoped3A = tpu.sem_alloc : memref<!tpu.dma_semaphore, #tpu.memory_space<semaphore_mem>>
        %dma_start3A = arith.constant 0 : i32
        %dma_start3A_33 = tpu.memref_slice %arg8[%multiple_of3A, %dma_start3A] : memref<10240x128xf32, #tpu.memory_space<hbm>> -> memref<640x128xf32, #tpu.memory_space<hbm>>
        %dma_start3A_34 = arith.constant 0 : i32
        %dma_start3A_35 = tpu.memref_slice %arg17[%multiple_of3A, %dma_start3A_34] : memref<10240x128xf32, #tpu.memory_space<vmem_shared>> -> memref<640x128xf32, #tpu.memory_space<vmem_shared>>
        tpu.enqueue_dma source(%dma_start3A_35 : memref<640x128xf32, #tpu.memory_space<vmem_shared>>) target(%dma_start3A_33 : memref<640x128xf32, #tpu.memory_space<hbm>>) target_semaphore(%run_scoped3A : memref<!tpu.dma_semaphore, #tpu.memory_space<semaphore_mem>>)
        %dma_wait3A = arith.constant 0 : i32
        %dma_wait3A_36 = tpu.memref_slice %arg8[%multiple_of3A, %dma_wait3A] : memref<10240x128xf32, #tpu.memory_space<hbm>> -> memref<640x128xf32, #tpu.memory_space<hbm>>
        %dma_wait3A_37 = arith.constant 0 : i32
        %dma_wait3A_38 = tpu.memref_slice %arg17[%multiple_of3A, %dma_wait3A_37] : memref<10240x128xf32, #tpu.memory_space<vmem_shared>> -> memref<640x128xf32, #tpu.memory_space<vmem_shared>>
        tpu.wait_dma2 semaphore(%run_scoped3A : memref<!tpu.dma_semaphore, #tpu.memory_space<semaphore_mem>>) src(%dma_wait3A_38 : memref<640x128xf32, #tpu.memory_space<vmem_shared>>) dst(%dma_wait3A_36 : memref<640x128xf32, #tpu.memory_space<hbm>>)
        tpu.yield
      }) : () -> ()
    } else {
    }
    %eq3A_28 = arith.constant 1 : i32
    %eq3A_29 = arith.cmpi eq, %arg0, %eq3A_28 : i32
    %convert_element_type3A_30 = arith.extui %eq3A_29 : i1 to i32
    %cond3A_31 = arith.constant 0 : i32
    %cond3A_32 = arith.cmpi ne, %convert_element_type3A_30, %cond3A_31 : i32
    scf.if %cond3A_32 {
      "tpu.region"() ({
        %run_scoped3A = tpu.sem_alloc : memref<!tpu.dma_semaphore, #tpu.memory_space<semaphore_mem>>
        %dma_start3A = arith.constant 0 : i32
        %dma_start3A_33 = tpu.memref_slice %arg9[%multiple_of3A, %dma_start3A] : memref<10240x128xf32, #tpu.memory_space<hbm>> -> memref<640x128xf32, #tpu.memory_space<hbm>>
        %dma_start3A_34 = arith.constant 0 : i32
        %dma_start3A_35 = tpu.memref_slice %arg17[%multiple_of3A, %dma_start3A_34] : memref<10240x128xf32, #tpu.memory_space<vmem_shared>> -> memref<640x128xf32, #tpu.memory_space<vmem_shared>>
        tpu.enqueue_dma source(%dma_start3A_35 : memref<640x128xf32, #tpu.memory_space<vmem_shared>>) target(%dma_start3A_33 : memref<640x128xf32, #tpu.memory_space<hbm>>) target_semaphore(%run_scoped3A : memref<!tpu.dma_semaphore, #tpu.memory_space<semaphore_mem>>)
        %dma_wait3A = arith.constant 0 : i32
        %dma_wait3A_36 = tpu.memref_slice %arg9[%multiple_of3A, %dma_wait3A] : memref<10240x128xf32, #tpu.memory_space<hbm>> -> memref<640x128xf32, #tpu.memory_space<hbm>>
        %dma_wait3A_37 = arith.constant 0 : i32
        %dma_wait3A_38 = tpu.memref_slice %arg17[%multiple_of3A, %dma_wait3A_37] : memref<10240x128xf32, #tpu.memory_space<vmem_shared>> -> memref<640x128xf32, #tpu.memory_space<vmem_shared>>
        tpu.wait_dma2 semaphore(%run_scoped3A : memref<!tpu.dma_semaphore, #tpu.memory_space<semaphore_mem>>) src(%dma_wait3A_38 : memref<640x128xf32, #tpu.memory_space<vmem_shared>>) dst(%dma_wait3A_36 : memref<640x128xf32, #tpu.memory_space<hbm>>)
        tpu.yield
      }) : () -> ()
    } else {
    }
    return
  }
}

#map = affine_map<(d0, d1) -> (0, 0)>
#map1 = affine_map<(d0, d1) -> (0)>
module attributes {stable_mosaic.version = 14 : i64} {
  func.func @gcn_sc_agg(%arg0: i32, %arg1: i32, %arg2: memref<10000x128xf32, #tpu.memory_space<hbm>>, %arg3: memref<10000x128xf32, #tpu.memory_space<hbm>>, %arg4: memref<1280x128xi32, #tpu.memory_space<hbm>>, %arg5: memref<1280x128xi32, #tpu.memory_space<hbm>>, %arg6: memref<640x128xf32, #tpu.memory_space<hbm>>, %arg7: memref<16xi32, #tpu.memory_space<hbm>>, %arg8: memref<10240x128xf32, #tpu.memory_space<hbm>>, %arg9: memref<10240x128xf32, #tpu.memory_space<hbm>>, %arg10: memref<40x128xi32, #tpu.memory_space<vmem>>, %arg11: memref<40x128xi32, #tpu.memory_space<vmem>>, %arg12: memref<128x128xf32, #tpu.memory_space<vmem>>, %arg13: memref<128x128xf32, #tpu.memory_space<vmem>>, %arg14: memref<16xi32, #tpu.memory_space<vmem>>, %arg15: memref<!tpu.dma_semaphore, #tpu.memory_space<semaphore_mem>>, %arg16: memref<!tpu.dma_semaphore, #tpu.memory_space<semaphore_mem>>, %arg17: memref<10240x128xf32, #tpu.memory_space<vmem_shared>>) attributes {dimension_semantics = [#tpu.dimension_semantics<core_parallel>, #tpu.dimension_semantics<subcore_parallel>], iteration_bounds = array<i64: 2, 16>, scalar_prefetch = 0 : i64, scratch_operands = 8 : i64, tpu.core_type = #tpu.core_type<sc_vector_subcore>, window_params = [{transform_indices = #map}, {transform_indices = #map}, {transform_indices = #map}, {transform_indices = #map}, {transform_indices = #map}, {transform_indices = #map1}, {transform_indices = #map}, {transform_indices = #map}]} {
    %mul3A = arith.constant 640 : i32
    %mul3A_0 = arith.muli %arg1, %mul3A : i32
    %multiple_of3A = tpu.assume_multiple %mul3A_0, 8 : i32
    %mul3A_1 = arith.constant 80 : i32
    %mul3A_2 = arith.muli %arg1, %mul3A_1 : i32
    %multiple_of3A_3 = tpu.assume_multiple %mul3A_2, 8 : i32
    "tpu.region"() ({
      %run_scoped3A = tpu.sem_alloc : memref<!tpu.dma_semaphore, #tpu.memory_space<semaphore_mem>>
      tpu.enqueue_dma source(%arg7 : memref<16xi32, #tpu.memory_space<hbm>>) target(%arg14 : memref<16xi32, #tpu.memory_space<vmem>>) target_semaphore(%run_scoped3A : memref<!tpu.dma_semaphore, #tpu.memory_space<semaphore_mem>>)
      tpu.wait_dma2 semaphore(%run_scoped3A : memref<!tpu.dma_semaphore, #tpu.memory_space<semaphore_mem>>) src(%arg7 : memref<16xi32, #tpu.memory_space<hbm>>) dst(%arg14 : memref<16xi32, #tpu.memory_space<vmem>>)
      tpu.yield
    }) : () -> ()
    "tpu.region"() ({
      %run_scoped3A = tpu.sem_alloc : memref<!tpu.dma_semaphore, #tpu.memory_space<semaphore_mem>>
      %dma_start3A = arith.constant 0 : i32
      %dma_start3A_33 = tpu.memref_slice %arg17[%multiple_of3A, %dma_start3A] : memref<10240x128xf32, #tpu.memory_space<vmem_shared>> -> memref<640x128xf32, #tpu.memory_space<vmem_shared>>
      tpu.enqueue_dma source(%arg6 : memref<640x128xf32, #tpu.memory_space<hbm>>) target(%dma_start3A_33 : memref<640x128xf32, #tpu.memory_space<vmem_shared>>) target_semaphore(%run_scoped3A : memref<!tpu.dma_semaphore, #tpu.memory_space<semaphore_mem>>)
      %dma_wait3A = arith.constant 0 : i32
      %dma_wait3A_34 = tpu.memref_slice %arg17[%multiple_of3A, %dma_wait3A] : memref<10240x128xf32, #tpu.memory_space<vmem_shared>> -> memref<640x128xf32, #tpu.memory_space<vmem_shared>>
      tpu.wait_dma2 semaphore(%run_scoped3A : memref<!tpu.dma_semaphore, #tpu.memory_space<semaphore_mem>>) src(%arg6 : memref<640x128xf32, #tpu.memory_space<hbm>>) dst(%dma_wait3A_34 : memref<640x128xf32, #tpu.memory_space<vmem_shared>>)
      tpu.yield
    }) : () -> ()
    %barrier3A = arith.constant 0 : index
    tpu.barrier barrier_id(%barrier3A)
    %get3A = arith.constant 0 : index
    %get3A_4 = tpu.vector_load %arg14[%get3A] {strides = array<i32>} : memref<16xi32, #tpu.memory_space<vmem>>, vector<16xi32>,
    %get3A_5 = vector.shape_cast %get3A_4 : vector<16xi32> to vector<16xi32>
    %slice3A = vector.extract_strided_slice %get3A_5 {offsets = [0], sizes = [1], strides = [1]} : vector<16xi32> to vector<1xi32>
    %squeeze3A = vector.extract %slice3A[0] : i32 from vector<1xi32>
    %eq3A = arith.constant 1 : i32
    %eq3A_6 = arith.cmpi eq, %squeeze3A, %eq3A : i32
    %convert_element_type3A = arith.extui %eq3A_6 : i1 to i32
    %cond3A = arith.constant 0 : i32
    %cond3A_7 = arith.cmpi ne, %convert_element_type3A, %cond3A : i32
    scf.if %cond3A_7 {
      %mul3A_33 = arith.constant 2 : i32
      %mul3A_34 = arith.muli %arg1, %mul3A_33 : i32
      %add3A = arith.addi %mul3A_34, %arg0 : i32
      %mul3A_35 = arith.constant 40 : i32
      %mul3A_36 = arith.muli %add3A, %mul3A_35 : i32
      %multiple_of3A_37 = tpu.assume_multiple %mul3A_36, 8 : i32
      "tpu.region"() ({
        %run_scoped3A = tpu.sem_alloc : memref<!tpu.dma_semaphore, #tpu.memory_space<semaphore_mem>>
        %dma_start3A = arith.constant 0 : i32
        %dma_start3A_43 = arith.constant 0 : i32
        %dma_start3A_44 = tpu.memref_slice %arg2[%dma_start3A, %dma_start3A_43] : memref<10000x128xf32, #tpu.memory_space<hbm>> -> memref<128x128xf32, #tpu.memory_space<hbm>>
        %dma_start3A_45 = arith.constant 0 : i32
        %dma_start3A_46 = arith.constant 0 : i32
        %dma_start3A_47 = tpu.memref_slice %arg2[%dma_start3A_45, %dma_start3A_46] : memref<10000x128xf32, #tpu.memory_space<hbm>> -> memref<128x128xf32, #tpu.memory_space<hbm>>
        tpu.enqueue_dma source(%dma_start3A_47 : memref<128x128xf32, #tpu.memory_space<hbm>>) target(%arg12 : memref<128x128xf32, #tpu.memory_space<vmem>>) target_semaphore(%run_scoped3A : memref<!tpu.dma_semaphore, #tpu.memory_space<semaphore_mem>>)
        %dma_wait3A = arith.constant 0 : i32
        %dma_wait3A_48 = arith.constant 0 : i32
        %dma_wait3A_49 = tpu.memref_slice %arg2[%dma_wait3A, %dma_wait3A_48] : memref<10000x128xf32, #tpu.memory_space<hbm>> -> memref<128x128xf32, #tpu.memory_space<hbm>>
        %dma_wait3A_50 = arith.constant 0 : i32
        %dma_wait3A_51 = arith.constant 0 : i32
        %dma_wait3A_52 = tpu.memref_slice %arg2[%dma_wait3A_50, %dma_wait3A_51] : memref<10000x128xf32, #tpu.memory_space<hbm>> -> memref<128x128xf32, #tpu.memory_space<hbm>>
        tpu.wait_dma2 semaphore(%run_scoped3A : memref<!tpu.dma_semaphore, #tpu.memory_space<semaphore_mem>>) src(%dma_wait3A_52 : memref<128x128xf32, #tpu.memory_space<hbm>>) dst(%arg12 : memref<128x128xf32, #tpu.memory_space<vmem>>)
        tpu.yield
      }) : () -> ()
      "tpu.region"() ({
        %run_scoped3A = tpu.sem_alloc : memref<!tpu.dma_semaphore, #tpu.memory_space<semaphore_mem>>
        %dma_start3A = arith.constant 0 : i32
        %dma_start3A_43 = tpu.memref_slice %arg5[%multiple_of3A_37, %dma_start3A] : memref<1280x128xi32, #tpu.memory_space<hbm>> -> memref<40x128xi32, #tpu.memory_space<hbm>>
        %dma_start3A_44 = arith.constant 0 : i32
        %dma_start3A_45 = tpu.memref_slice %arg5[%multiple_of3A_37, %dma_start3A_44] : memref<1280x128xi32, #tpu.memory_space<hbm>> -> memref<40x128xi32, #tpu.memory_space<hbm>>
        tpu.enqueue_dma source(%dma_start3A_45 : memref<40x128xi32, #tpu.memory_space<hbm>>) target(%arg11 : memref<40x128xi32, #tpu.memory_space<vmem>>) target_semaphore(%run_scoped3A : memref<!tpu.dma_semaphore, #tpu.memory_space<semaphore_mem>>)
        %dma_wait3A = arith.constant 0 : i32
        %dma_wait3A_46 = tpu.memref_slice %arg5[%multiple_of3A_37, %dma_wait3A] : memref<1280x128xi32, #tpu.memory_space<hbm>> -> memref<40x128xi32, #tpu.memory_space<hbm>>
        %dma_wait3A_47 = arith.constant 0 : i32
        %dma_wait3A_48 = tpu.memref_slice %arg5[%multiple_of3A_37, %dma_wait3A_47] : memref<1280x128xi32, #tpu.memory_space<hbm>> -> memref<40x128xi32, #tpu.memory_space<hbm>>
        tpu.wait_dma2 semaphore(%run_scoped3A : memref<!tpu.dma_semaphore, #tpu.memory_space<semaphore_mem>>) src(%dma_wait3A_48 : memref<40x128xi32, #tpu.memory_space<hbm>>) dst(%arg11 : memref<40x128xi32, #tpu.memory_space<vmem>>)
        tpu.yield
      }) : () -> ()
      %scan3A = arith.constant 0 : i32
      %scan3A_38 = arith.constant 0 : i32
      %scan3A_39 = arith.constant 40 : i32
      %scan3A_40 = arith.addi %scan3A_38, %scan3A_39 : i32
      %scan3A_41 = arith.constant 1 : i32
      scf.for %scan3A_43 = %scan3A_38 to %scan3A_40 step %scan3A_41  : i32 {
        "tpu.region"() ({
          %run_scoped3A = tpu.sem_alloc : memref<!tpu.dma_semaphore, #tpu.memory_space<semaphore_mem>>
          %dma_start3A = arith.constant 0 : i32
          %dma_start3A_44 = tpu.memref_slice %arg11[%scan3A_43, %dma_start3A] : memref<40x128xi32, #tpu.memory_space<vmem>> -> memref<1x128xi32, #tpu.memory_space<vmem>>
          %dma_start3A_45 = tpu.memref_squeeze %dma_start3A_44 : memref<1x128xi32, #tpu.memory_space<vmem>> -> memref<128xi32, #tpu.memory_space<vmem>>
          %dma_start3A_46 = arith.constant 0 : i32
          %dma_start3A_47 = arith.constant 0 : i32
          %dma_start3A_48 = tpu.memref_slice %arg17[%dma_start3A_46, %dma_start3A_47] : memref<10240x128xf32, #tpu.memory_space<vmem_shared>> -> memref<10240x128xf32, #tpu.memory_space<vmem_shared>>
          tpu.enqueue_indirect_dma source(%arg12 : memref<128x128xf32, #tpu.memory_space<vmem>>) target(%dma_start3A_48 : memref<10240x128xf32, #tpu.memory_space<vmem_shared>>) offsets(%dma_start3A_45 : memref<128xi32, #tpu.memory_space<vmem>>) semaphore(%run_scoped3A : memref<!tpu.dma_semaphore, #tpu.memory_space<semaphore_mem>>) {add = true}
          %dma_wait3A = arith.constant 0 : i32
          %dma_wait3A_49 = tpu.memref_slice %arg11[%scan3A_43, %dma_wait3A] : memref<40x128xi32, #tpu.memory_space<vmem>> -> memref<1x128xi32, #tpu.memory_space<vmem>>
          %dma_wait3A_50 = tpu.memref_squeeze %dma_wait3A_49 : memref<1x128xi32, #tpu.memory_space<vmem>> -> memref<128xi32, #tpu.memory_space<vmem>>
          %dma_wait3A_51 = arith.constant 0 : i32
          %dma_wait3A_52 = arith.constant 0 : i32
          %dma_wait3A_53 = tpu.memref_slice %arg17[%dma_wait3A_51, %dma_wait3A_52] : memref<10240x128xf32, #tpu.memory_space<vmem_shared>> -> memref<10240x128xf32, #tpu.memory_space<vmem_shared>>
          tpu.wait_indirect_dma semaphore(%run_scoped3A : memref<!tpu.dma_semaphore, #tpu.memory_space<semaphore_mem>>) src(%arg12 : memref<128x128xf32, #tpu.memory_space<vmem>>) dst(%dma_wait3A_53 : memref<10240x128xf32, #tpu.memory_space<vmem_shared>>)
          tpu.yield
        }) : () -> ()
      }
      %scan3A_42 = arith.constant 40 : i32
    } else {
    }
    %not3A = arith.constant true
    %not3A_8 = arith.xori %eq3A_6, %not3A : i1
    %eq3A_9 = arith.constant 0 : i32
    %eq3A_10 = arith.cmpi eq, %arg0, %eq3A_9 : i32
    %and3A = arith.andi %not3A_8, %eq3A_10 : i1
    %convert_element_type3A_11 = arith.extui %and3A : i1 to i32
    %cond3A_12 = arith.constant 0 : i32
    %cond3A_13 = arith.cmpi ne, %convert_element_type3A_11, %cond3A_12 : i32
    scf.if %cond3A_13 {
      %add3A = arith.constant 0 : i32
      %add3A_33 = arith.addi %multiple_of3A_3, %add3A : i32
      %multiple_of3A_34 = tpu.assume_multiple %add3A_33, 8 : i32
      "tpu.region"() ({
        %run_scoped3A = tpu.sem_alloc : memref<!tpu.dma_semaphore, #tpu.memory_space<semaphore_mem>>
        %dma_start3A_62 = arith.constant 0 : i32
        %dma_start3A_63 = tpu.memref_slice %arg4[%multiple_of3A_34, %dma_start3A_62] : memref<1280x128xi32, #tpu.memory_space<hbm>> -> memref<40x128xi32, #tpu.memory_space<hbm>>
        %dma_start3A_64 = arith.constant 0 : i32
        %dma_start3A_65 = tpu.memref_slice %arg4[%multiple_of3A_34, %dma_start3A_64] : memref<1280x128xi32, #tpu.memory_space<hbm>> -> memref<40x128xi32, #tpu.memory_space<hbm>>
        tpu.enqueue_dma source(%dma_start3A_65 : memref<40x128xi32, #tpu.memory_space<hbm>>) target(%arg10 : memref<40x128xi32, #tpu.memory_space<vmem>>) target_semaphore(%run_scoped3A : memref<!tpu.dma_semaphore, #tpu.memory_space<semaphore_mem>>)
        %dma_wait3A = arith.constant 0 : i32
        %dma_wait3A_66 = tpu.memref_slice %arg4[%multiple_of3A_34, %dma_wait3A] : memref<1280x128xi32, #tpu.memory_space<hbm>> -> memref<40x128xi32, #tpu.memory_space<hbm>>
        %dma_wait3A_67 = arith.constant 0 : i32
        %dma_wait3A_68 = tpu.memref_slice %arg4[%multiple_of3A_34, %dma_wait3A_67] : memref<1280x128xi32, #tpu.memory_space<hbm>> -> memref<40x128xi32, #tpu.memory_space<hbm>>
        tpu.wait_dma2 semaphore(%run_scoped3A : memref<!tpu.dma_semaphore, #tpu.memory_space<semaphore_mem>>) src(%dma_wait3A_68 : memref<40x128xi32, #tpu.memory_space<hbm>>) dst(%arg10 : memref<40x128xi32, #tpu.memory_space<vmem>>)
        tpu.yield
      }) : () -> ()
      "tpu.region"() ({
        %run_scoped3A = tpu.sem_alloc : memref<!tpu.dma_semaphore, #tpu.memory_space<semaphore_mem>>
        %dma_start3A_62 = arith.constant 0 : i32
        %dma_start3A_63 = tpu.memref_slice %arg5[%multiple_of3A_34, %dma_start3A_62] : memref<1280x128xi32, #tpu.memory_space<hbm>> -> memref<40x128xi32, #tpu.memory_space<hbm>>
        %dma_start3A_64 = arith.constant 0 : i32
        %dma_start3A_65 = tpu.memref_slice %arg5[%multiple_of3A_34, %dma_start3A_64] : memref<1280x128xi32, #tpu.memory_space<hbm>> -> memref<40x128xi32, #tpu.memory_space<hbm>>
        tpu.enqueue_dma source(%dma_start3A_65 : memref<40x128xi32, #tpu.memory_space<hbm>>) target(%arg11 : memref<40x128xi32, #tpu.memory_space<vmem>>) target_semaphore(%run_scoped3A : memref<!tpu.dma_semaphore, #tpu.memory_space<semaphore_mem>>)
        %dma_wait3A = arith.constant 0 : i32
        %dma_wait3A_66 = tpu.memref_slice %arg5[%multiple_of3A_34, %dma_wait3A] : memref<1280x128xi32, #tpu.memory_space<hbm>> -> memref<40x128xi32, #tpu.memory_space<hbm>>
        %dma_wait3A_67 = arith.constant 0 : i32
        %dma_wait3A_68 = tpu.memref_slice %arg5[%multiple_of3A_34, %dma_wait3A_67] : memref<1280x128xi32, #tpu.memory_space<hbm>> -> memref<40x128xi32, #tpu.memory_space<hbm>>
        tpu.wait_dma2 semaphore(%run_scoped3A : memref<!tpu.dma_semaphore, #tpu.memory_space<semaphore_mem>>) src(%dma_wait3A_68 : memref<40x128xi32, #tpu.memory_space<hbm>>) dst(%arg11 : memref<40x128xi32, #tpu.memory_space<vmem>>)
        tpu.yield
      }) : () -> ()
      %dma_start3A = arith.constant 0 : i32
      %dma_start3A_35 = arith.constant 0 : i32
      %dma_start3A_36 = tpu.memref_slice %arg10[%dma_start3A, %dma_start3A_35] : memref<40x128xi32, #tpu.memory_space<vmem>> -> memref<1x128xi32, #tpu.memory_space<vmem>>
      %dma_start3A_37 = tpu.memref_squeeze %dma_start3A_36 : memref<1x128xi32, #tpu.memory_space<vmem>> -> memref<128xi32, #tpu.memory_space<vmem>>
      %dma_start3A_38 = arith.constant 0 : i32
      %dma_start3A_39 = arith.constant 0 : i32
      %dma_start3A_40 = tpu.memref_slice %arg2[%dma_start3A_38, %dma_start3A_39] : memref<10000x128xf32, #tpu.memory_space<hbm>> -> memref<10000x128xf32, #tpu.memory_space<hbm>>
      tpu.enqueue_indirect_dma source(%dma_start3A_40 : memref<10000x128xf32, #tpu.memory_space<hbm>>) target(%arg12 : memref<128x128xf32, #tpu.memory_space<vmem>>) offsets(%dma_start3A_37 : memref<128xi32, #tpu.memory_space<vmem>>) semaphore(%arg15 : memref<!tpu.dma_semaphore, #tpu.memory_space<semaphore_mem>>)
      %scan3A = arith.constant 0 : i32
      %scan3A_41 = arith.constant 0 : i32
      %scan3A_42 = arith.constant 20 : i32
      %scan3A_43 = arith.addi %scan3A_41, %scan3A_42 : i32
      %scan3A_44 = arith.constant 1 : i32
      scf.for %scan3A_62 = %scan3A_41 to %scan3A_43 step %scan3A_44  : i32 {
        %mul3A_63 = arith.constant 2 : i32
        %mul3A_64 = arith.muli %mul3A_63, %scan3A_62 : i32
        %add3A_65 = arith.constant 0 : i32
        %add3A_66 = arith.addi %mul3A_64, %add3A_65 : i32
        %add3A_67 = arith.constant 1 : i32
        %add3A_68 = arith.addi %add3A_66, %add3A_67 : i32
        %lt3A = arith.constant 40 : i32
        %lt3A_69 = arith.cmpi slt, %add3A_68, %lt3A : i32
        %convert_element_type3A_70 = arith.extui %lt3A_69 : i1 to i32
        %cond3A_71 = arith.constant 0 : i32
        %cond3A_72 = arith.cmpi ne, %convert_element_type3A_70, %cond3A_71 : i32
        scf.if %cond3A_72 {
          %add3A_95 = arith.constant 1 : i32
          %add3A_96 = arith.addi %add3A_66, %add3A_95 : i32
          %dma_start3A_97 = arith.constant 0 : i32
          %dma_start3A_98 = tpu.memref_slice %arg10[%add3A_96, %dma_start3A_97] : memref<40x128xi32, #tpu.memory_space<vmem>> -> memref<1x128xi32, #tpu.memory_space<vmem>>
          %dma_start3A_99 = tpu.memref_squeeze %dma_start3A_98 : memref<1x128xi32, #tpu.memory_space<vmem>> -> memref<128xi32, #tpu.memory_space<vmem>>
          %dma_start3A_100 = arith.constant 0 : i32
          %dma_start3A_101 = arith.constant 0 : i32
          %dma_start3A_102 = tpu.memref_slice %arg2[%dma_start3A_100, %dma_start3A_101] : memref<10000x128xf32, #tpu.memory_space<hbm>> -> memref<10000x128xf32, #tpu.memory_space<hbm>>
          tpu.enqueue_indirect_dma source(%dma_start3A_102 : memref<10000x128xf32, #tpu.memory_space<hbm>>) target(%arg13 : memref<128x128xf32, #tpu.memory_space<vmem>>) offsets(%dma_start3A_99 : memref<128xi32, #tpu.memory_space<vmem>>) semaphore(%arg16 : memref<!tpu.dma_semaphore, #tpu.memory_space<semaphore_mem>>)
        } else {
        }
        %dma_wait3A = arith.constant 0 : i32
        %dma_wait3A_73 = tpu.memref_slice %arg10[%add3A_66, %dma_wait3A] : memref<40x128xi32, #tpu.memory_space<vmem>> -> memref<1x128xi32, #tpu.memory_space<vmem>>
        %dma_wait3A_74 = tpu.memref_squeeze %dma_wait3A_73 : memref<1x128xi32, #tpu.memory_space<vmem>> -> memref<128xi32, #tpu.memory_space<vmem>>
        %dma_wait3A_75 = arith.constant 0 : i32
        %dma_wait3A_76 = arith.constant 0 : i32
        %dma_wait3A_77 = tpu.memref_slice %arg2[%dma_wait3A_75, %dma_wait3A_76] : memref<10000x128xf32, #tpu.memory_space<hbm>> -> memref<10000x128xf32, #tpu.memory_space<hbm>>
        tpu.wait_indirect_dma semaphore(%arg15 : memref<!tpu.dma_semaphore, #tpu.memory_space<semaphore_mem>>) src(%dma_wait3A_77 : memref<10000x128xf32, #tpu.memory_space<hbm>>) dst(%arg12 : memref<128x128xf32, #tpu.memory_space<vmem>>)
        "tpu.region"() ({
          %run_scoped3A = tpu.sem_alloc : memref<!tpu.dma_semaphore, #tpu.memory_space<semaphore_mem>>
          %dma_start3A_95 = arith.constant 0 : i32
          %dma_start3A_96 = tpu.memref_slice %arg11[%add3A_66, %dma_start3A_95] : memref<40x128xi32, #tpu.memory_space<vmem>> -> memref<1x128xi32, #tpu.memory_space<vmem>>
          %dma_start3A_97 = tpu.memref_squeeze %dma_start3A_96 : memref<1x128xi32, #tpu.memory_space<vmem>> -> memref<128xi32, #tpu.memory_space<vmem>>
          %dma_start3A_98 = arith.constant 0 : i32
          %dma_start3A_99 = arith.constant 0 : i32
          %dma_start3A_100 = tpu.memref_slice %arg17[%dma_start3A_98, %dma_start3A_99] : memref<10240x128xf32, #tpu.memory_space<vmem_shared>> -> memref<10240x128xf32, #tpu.memory_space<vmem_shared>>
          tpu.enqueue_indirect_dma source(%arg12 : memref<128x128xf32, #tpu.memory_space<vmem>>) target(%dma_start3A_100 : memref<10240x128xf32, #tpu.memory_space<vmem_shared>>) offsets(%dma_start3A_97 : memref<128xi32, #tpu.memory_space<vmem>>) semaphore(%run_scoped3A : memref<!tpu.dma_semaphore, #tpu.memory_space<semaphore_mem>>) {add = true}
          %dma_wait3A_101 = arith.constant 0 : i32
          %dma_wait3A_102 = tpu.memref_slice %arg11[%add3A_66, %dma_wait3A_101] : memref<40x128xi32, #tpu.memory_space<vmem>> -> memref<1x128xi32, #tpu.memory_space<vmem>>
          %dma_wait3A_103 = tpu.memref_squeeze %dma_wait3A_102 : memref<1x128xi32, #tpu.memory_space<vmem>> -> memref<128xi32, #tpu.memory_space<vmem>>
          %dma_wait3A_104 = arith.constant 0 : i32
          %dma_wait3A_105 = arith.constant 0 : i32
          %dma_wait3A_106 = tpu.memref_slice %arg17[%dma_wait3A_104, %dma_wait3A_105] : memref<10240x128xf32, #tpu.memory_space<vmem_shared>> -> memref<10240x128xf32, #tpu.memory_space<vmem_shared>>
          tpu.wait_indirect_dma semaphore(%run_scoped3A : memref<!tpu.dma_semaphore, #tpu.memory_space<semaphore_mem>>) src(%arg12 : memref<128x128xf32, #tpu.memory_space<vmem>>) dst(%dma_wait3A_106 : memref<10240x128xf32, #tpu.memory_space<vmem_shared>>)
          tpu.yield
        }) : () -> ()
        %mul3A_78 = arith.constant 2 : i32
        %mul3A_79 = arith.muli %mul3A_78, %scan3A_62 : i32
        %add3A_80 = arith.constant 1 : i32
        %add3A_81 = arith.addi %mul3A_79, %add3A_80 : i32
        %add3A_82 = arith.constant 1 : i32
        %add3A_83 = arith.addi %add3A_81, %add3A_82 : i32
        %lt3A_84 = arith.constant 40 : i32
        %lt3A_85 = arith.cmpi slt, %add3A_83, %lt3A_84 : i32
        %convert_element_type3A_86 = arith.extui %lt3A_85 : i1 to i32
        %cond3A_87 = arith.constant 0 : i32
        %cond3A_88 = arith.cmpi ne, %convert_element_type3A_86, %cond3A_87 : i32
        scf.if %cond3A_88 {
          %add3A_95 = arith.constant 1 : i32
          %add3A_96 = arith.addi %add3A_81, %add3A_95 : i32
          %dma_start3A_97 = arith.constant 0 : i32
          %dma_start3A_98 = tpu.memref_slice %arg10[%add3A_96, %dma_start3A_97] : memref<40x128xi32, #tpu.memory_space<vmem>> -> memref<1x128xi32, #tpu.memory_space<vmem>>
          %dma_start3A_99 = tpu.memref_squeeze %dma_start3A_98 : memref<1x128xi32, #tpu.memory_space<vmem>> -> memref<128xi32, #tpu.memory_space<vmem>>
          %dma_start3A_100 = arith.constant 0 : i32
          %dma_start3A_101 = arith.constant 0 : i32
          %dma_start3A_102 = tpu.memref_slice %arg2[%dma_start3A_100, %dma_start3A_101] : memref<10000x128xf32, #tpu.memory_space<hbm>> -> memref<10000x128xf32, #tpu.memory_space<hbm>>
          tpu.enqueue_indirect_dma source(%dma_start3A_102 : memref<10000x128xf32, #tpu.memory_space<hbm>>) target(%arg12 : memref<128x128xf32, #tpu.memory_space<vmem>>) offsets(%dma_start3A_99 : memref<128xi32, #tpu.memory_space<vmem>>) semaphore(%arg15 : memref<!tpu.dma_semaphore, #tpu.memory_space<semaphore_mem>>)
        } else {
        }
        %dma_wait3A_89 = arith.constant 0 : i32
        %dma_wait3A_90 = tpu.memref_slice %arg10[%add3A_81, %dma_wait3A_89] : memref<40x128xi32, #tpu.memory_space<vmem>> -> memref<1x128xi32, #tpu.memory_space<vmem>>
        %dma_wait3A_91 = tpu.memref_squeeze %dma_wait3A_90 : memref<1x128xi32, #tpu.memory_space<vmem>> -> memref<128xi32, #tpu.memory_space<vmem>>
        %dma_wait3A_92 = arith.constant 0 : i32
        %dma_wait3A_93 = arith.constant 0 : i32
        %dma_wait3A_94 = tpu.memref_slice %arg2[%dma_wait3A_92, %dma_wait3A_93] : memref<10000x128xf32, #tpu.memory_space<hbm>> -> memref<10000x128xf32, #tpu.memory_space<hbm>>
        tpu.wait_indirect_dma semaphore(%arg16 : memref<!tpu.dma_semaphore, #tpu.memory_space<semaphore_mem>>) src(%dma_wait3A_94 : memref<10000x128xf32, #tpu.memory_space<hbm>>) dst(%arg13 : memref<128x128xf32, #tpu.memory_space<vmem>>)
        "tpu.region"() ({
          %run_scoped3A = tpu.sem_alloc : memref<!tpu.dma_semaphore, #tpu.memory_space<semaphore_mem>>
          %dma_start3A_95 = arith.constant 0 : i32
          %dma_start3A_96 = tpu.memref_slice %arg11[%add3A_81, %dma_start3A_95] : memref<40x128xi32, #tpu.memory_space<vmem>> -> memref<1x128xi32, #tpu.memory_space<vmem>>
          %dma_start3A_97 = tpu.memref_squeeze %dma_start3A_96 : memref<1x128xi32, #tpu.memory_space<vmem>> -> memref<128xi32, #tpu.memory_space<vmem>>
          %dma_start3A_98 = arith.constant 0 : i32
          %dma_start3A_99 = arith.constant 0 : i32
          %dma_start3A_100 = tpu.memref_slice %arg17[%dma_start3A_98, %dma_start3A_99] : memref<10240x128xf32, #tpu.memory_space<vmem_shared>> -> memref<10240x128xf32, #tpu.memory_space<vmem_shared>>
          tpu.enqueue_indirect_dma source(%arg13 : memref<128x128xf32, #tpu.memory_space<vmem>>) target(%dma_start3A_100 : memref<10240x128xf32, #tpu.memory_space<vmem_shared>>) offsets(%dma_start3A_97 : memref<128xi32, #tpu.memory_space<vmem>>) semaphore(%run_scoped3A : memref<!tpu.dma_semaphore, #tpu.memory_space<semaphore_mem>>) {add = true}
          %dma_wait3A_101 = arith.constant 0 : i32
          %dma_wait3A_102 = tpu.memref_slice %arg11[%add3A_81, %dma_wait3A_101] : memref<40x128xi32, #tpu.memory_space<vmem>> -> memref<1x128xi32, #tpu.memory_space<vmem>>
          %dma_wait3A_103 = tpu.memref_squeeze %dma_wait3A_102 : memref<1x128xi32, #tpu.memory_space<vmem>> -> memref<128xi32, #tpu.memory_space<vmem>>
          %dma_wait3A_104 = arith.constant 0 : i32
          %dma_wait3A_105 = arith.constant 0 : i32
          %dma_wait3A_106 = tpu.memref_slice %arg17[%dma_wait3A_104, %dma_wait3A_105] : memref<10240x128xf32, #tpu.memory_space<vmem_shared>> -> memref<10240x128xf32, #tpu.memory_space<vmem_shared>>
          tpu.wait_indirect_dma semaphore(%run_scoped3A : memref<!tpu.dma_semaphore, #tpu.memory_space<semaphore_mem>>) src(%arg13 : memref<128x128xf32, #tpu.memory_space<vmem>>) dst(%dma_wait3A_106 : memref<10240x128xf32, #tpu.memory_space<vmem_shared>>)
          tpu.yield
        }) : () -> ()
      }
      %scan3A_45 = arith.constant 20 : i32
      %add3A_46 = arith.constant 40 : i32
      %add3A_47 = arith.addi %multiple_of3A_3, %add3A_46 : i32
      %multiple_of3A_48 = tpu.assume_multiple %add3A_47, 8 : i32
      "tpu.region"() ({
        %run_scoped3A = tpu.sem_alloc : memref<!tpu.dma_semaphore, #tpu.memory_space<semaphore_mem>>
        %dma_start3A_62 = arith.constant 0 : i32
        %dma_start3A_63 = tpu.memref_slice %arg4[%multiple_of3A_48, %dma_start3A_62] : memref<1280x128xi32, #tpu.memory_space<hbm>> -> memref<40x128xi32, #tpu.memory_space<hbm>>
        %dma_start3A_64 = arith.constant 0 : i32
        %dma_start3A_65 = tpu.memref_slice %arg4[%multiple_of3A_48, %dma_start3A_64] : memref<1280x128xi32, #tpu.memory_space<hbm>> -> memref<40x128xi32, #tpu.memory_space<hbm>>
        tpu.enqueue_dma source(%dma_start3A_65 : memref<40x128xi32, #tpu.memory_space<hbm>>) target(%arg10 : memref<40x128xi32, #tpu.memory_space<vmem>>) target_semaphore(%run_scoped3A : memref<!tpu.dma_semaphore, #tpu.memory_space<semaphore_mem>>)
        %dma_wait3A = arith.constant 0 : i32
        %dma_wait3A_66 = tpu.memref_slice %arg4[%multiple_of3A_48, %dma_wait3A] : memref<1280x128xi32, #tpu.memory_space<hbm>> -> memref<40x128xi32, #tpu.memory_space<hbm>>
        %dma_wait3A_67 = arith.constant 0 : i32
        %dma_wait3A_68 = tpu.memref_slice %arg4[%multiple_of3A_48, %dma_wait3A_67] : memref<1280x128xi32, #tpu.memory_space<hbm>> -> memref<40x128xi32, #tpu.memory_space<hbm>>
        tpu.wait_dma2 semaphore(%run_scoped3A : memref<!tpu.dma_semaphore, #tpu.memory_space<semaphore_mem>>) src(%dma_wait3A_68 : memref<40x128xi32, #tpu.memory_space<hbm>>) dst(%arg10 : memref<40x128xi32, #tpu.memory_space<vmem>>)
        tpu.yield
      }) : () -> ()
      "tpu.region"() ({
        %run_scoped3A = tpu.sem_alloc : memref<!tpu.dma_semaphore, #tpu.memory_space<semaphore_mem>>
        %dma_start3A_62 = arith.constant 0 : i32
        %dma_start3A_63 = tpu.memref_slice %arg5[%multiple_of3A_48, %dma_start3A_62] : memref<1280x128xi32, #tpu.memory_space<hbm>> -> memref<40x128xi32, #tpu.memory_space<hbm>>
        %dma_start3A_64 = arith.constant 0 : i32
        %dma_start3A_65 = tpu.memref_slice %arg5[%multiple_of3A_48, %dma_start3A_64] : memref<1280x128xi32, #tpu.memory_space<hbm>> -> memref<40x128xi32, #tpu.memory_space<hbm>>
        tpu.enqueue_dma source(%dma_start3A_65 : memref<40x128xi32, #tpu.memory_space<hbm>>) target(%arg11 : memref<40x128xi32, #tpu.memory_space<vmem>>) target_semaphore(%run_scoped3A : memref<!tpu.dma_semaphore, #tpu.memory_space<semaphore_mem>>)
        %dma_wait3A = arith.constant 0 : i32
        %dma_wait3A_66 = tpu.memref_slice %arg5[%multiple_of3A_48, %dma_wait3A] : memref<1280x128xi32, #tpu.memory_space<hbm>> -> memref<40x128xi32, #tpu.memory_space<hbm>>
        %dma_wait3A_67 = arith.constant 0 : i32
        %dma_wait3A_68 = tpu.memref_slice %arg5[%multiple_of3A_48, %dma_wait3A_67] : memref<1280x128xi32, #tpu.memory_space<hbm>> -> memref<40x128xi32, #tpu.memory_space<hbm>>
        tpu.wait_dma2 semaphore(%run_scoped3A : memref<!tpu.dma_semaphore, #tpu.memory_space<semaphore_mem>>) src(%dma_wait3A_68 : memref<40x128xi32, #tpu.memory_space<hbm>>) dst(%arg11 : memref<40x128xi32, #tpu.memory_space<vmem>>)
        tpu.yield
      }) : () -> ()
      %dma_start3A_49 = arith.constant 0 : i32
      %dma_start3A_50 = arith.constant 0 : i32
      %dma_start3A_51 = tpu.memref_slice %arg10[%dma_start3A_49, %dma_start3A_50] : memref<40x128xi32, #tpu.memory_space<vmem>> -> memref<1x128xi32, #tpu.memory_space<vmem>>
      %dma_start3A_52 = tpu.memref_squeeze %dma_start3A_51 : memref<1x128xi32, #tpu.memory_space<vmem>> -> memref<128xi32, #tpu.memory_space<vmem>>
      %dma_start3A_53 = arith.constant 0 : i32
      %dma_start3A_54 = arith.constant 0 : i32
      %dma_start3A_55 = tpu.memref_slice %arg2[%dma_start3A_53, %dma_start3A_54] : memref<10000x128xf32, #tpu.memory_space<hbm>> -> memref<10000x128xf32, #tpu.memory_space<hbm>>
      tpu.enqueue_indirect_dma source(%dma_start3A_55 : memref<10000x128xf32, #tpu.memory_space<hbm>>) target(%arg12 : memref<128x128xf32, #tpu.memory_space<vmem>>) offsets(%dma_start3A_52 : memref<128xi32, #tpu.memory_space<vmem>>) semaphore(%arg15 : memref<!tpu.dma_semaphore, #tpu.memory_space<semaphore_mem>>)
      %scan3A_56 = arith.constant 0 : i32
      %scan3A_57 = arith.constant 0 : i32
      %scan3A_58 = arith.constant 20 : i32
      %scan3A_59 = arith.addi %scan3A_57, %scan3A_58 : i32
      %scan3A_60 = arith.constant 1 : i32
      scf.for %scan3A_62 = %scan3A_57 to %scan3A_59 step %scan3A_60  : i32 {
        %mul3A_63 = arith.constant 2 : i32
        %mul3A_64 = arith.muli %mul3A_63, %scan3A_62 : i32
        %add3A_65 = arith.constant 0 : i32
        %add3A_66 = arith.addi %mul3A_64, %add3A_65 : i32
        %add3A_67 = arith.constant 1 : i32
        %add3A_68 = arith.addi %add3A_66, %add3A_67 : i32
        %lt3A = arith.constant 40 : i32
        %lt3A_69 = arith.cmpi slt, %add3A_68, %lt3A : i32
        %convert_element_type3A_70 = arith.extui %lt3A_69 : i1 to i32
        %cond3A_71 = arith.constant 0 : i32
        %cond3A_72 = arith.cmpi ne, %convert_element_type3A_70, %cond3A_71 : i32
        scf.if %cond3A_72 {
          %add3A_95 = arith.constant 1 : i32
          %add3A_96 = arith.addi %add3A_66, %add3A_95 : i32
          %dma_start3A_97 = arith.constant 0 : i32
          %dma_start3A_98 = tpu.memref_slice %arg10[%add3A_96, %dma_start3A_97] : memref<40x128xi32, #tpu.memory_space<vmem>> -> memref<1x128xi32, #tpu.memory_space<vmem>>
          %dma_start3A_99 = tpu.memref_squeeze %dma_start3A_98 : memref<1x128xi32, #tpu.memory_space<vmem>> -> memref<128xi32, #tpu.memory_space<vmem>>
          %dma_start3A_100 = arith.constant 0 : i32
          %dma_start3A_101 = arith.constant 0 : i32
          %dma_start3A_102 = tpu.memref_slice %arg2[%dma_start3A_100, %dma_start3A_101] : memref<10000x128xf32, #tpu.memory_space<hbm>> -> memref<10000x128xf32, #tpu.memory_space<hbm>>
          tpu.enqueue_indirect_dma source(%dma_start3A_102 : memref<10000x128xf32, #tpu.memory_space<hbm>>) target(%arg13 : memref<128x128xf32, #tpu.memory_space<vmem>>) offsets(%dma_start3A_99 : memref<128xi32, #tpu.memory_space<vmem>>) semaphore(%arg16 : memref<!tpu.dma_semaphore, #tpu.memory_space<semaphore_mem>>)
        } else {
        }
        %dma_wait3A = arith.constant 0 : i32
        %dma_wait3A_73 = tpu.memref_slice %arg10[%add3A_66, %dma_wait3A] : memref<40x128xi32, #tpu.memory_space<vmem>> -> memref<1x128xi32, #tpu.memory_space<vmem>>
        %dma_wait3A_74 = tpu.memref_squeeze %dma_wait3A_73 : memref<1x128xi32, #tpu.memory_space<vmem>> -> memref<128xi32, #tpu.memory_space<vmem>>
        %dma_wait3A_75 = arith.constant 0 : i32
        %dma_wait3A_76 = arith.constant 0 : i32
        %dma_wait3A_77 = tpu.memref_slice %arg2[%dma_wait3A_75, %dma_wait3A_76] : memref<10000x128xf32, #tpu.memory_space<hbm>> -> memref<10000x128xf32, #tpu.memory_space<hbm>>
        tpu.wait_indirect_dma semaphore(%arg15 : memref<!tpu.dma_semaphore, #tpu.memory_space<semaphore_mem>>) src(%dma_wait3A_77 : memref<10000x128xf32, #tpu.memory_space<hbm>>) dst(%arg12 : memref<128x128xf32, #tpu.memory_space<vmem>>)
        "tpu.region"() ({
          %run_scoped3A = tpu.sem_alloc : memref<!tpu.dma_semaphore, #tpu.memory_space<semaphore_mem>>
          %dma_start3A_95 = arith.constant 0 : i32
          %dma_start3A_96 = tpu.memref_slice %arg11[%add3A_66, %dma_start3A_95] : memref<40x128xi32, #tpu.memory_space<vmem>> -> memref<1x128xi32, #tpu.memory_space<vmem>>
          %dma_start3A_97 = tpu.memref_squeeze %dma_start3A_96 : memref<1x128xi32, #tpu.memory_space<vmem>> -> memref<128xi32, #tpu.memory_space<vmem>>
          %dma_start3A_98 = arith.constant 0 : i32
          %dma_start3A_99 = arith.constant 0 : i32
          %dma_start3A_100 = tpu.memref_slice %arg17[%dma_start3A_98, %dma_start3A_99] : memref<10240x128xf32, #tpu.memory_space<vmem_shared>> -> memref<10240x128xf32, #tpu.memory_space<vmem_shared>>
          tpu.enqueue_indirect_dma source(%arg12 : memref<128x128xf32, #tpu.memory_space<vmem>>) target(%dma_start3A_100 : memref<10240x128xf32, #tpu.memory_space<vmem_shared>>) offsets(%dma_start3A_97 : memref<128xi32, #tpu.memory_space<vmem>>) semaphore(%run_scoped3A : memref<!tpu.dma_semaphore, #tpu.memory_space<semaphore_mem>>) {add = true}
          %dma_wait3A_101 = arith.constant 0 : i32
          %dma_wait3A_102 = tpu.memref_slice %arg11[%add3A_66, %dma_wait3A_101] : memref<40x128xi32, #tpu.memory_space<vmem>> -> memref<1x128xi32, #tpu.memory_space<vmem>>
          %dma_wait3A_103 = tpu.memref_squeeze %dma_wait3A_102 : memref<1x128xi32, #tpu.memory_space<vmem>> -> memref<128xi32, #tpu.memory_space<vmem>>
          %dma_wait3A_104 = arith.constant 0 : i32
          %dma_wait3A_105 = arith.constant 0 : i32
          %dma_wait3A_106 = tpu.memref_slice %arg17[%dma_wait3A_104, %dma_wait3A_105] : memref<10240x128xf32, #tpu.memory_space<vmem_shared>> -> memref<10240x128xf32, #tpu.memory_space<vmem_shared>>
          tpu.wait_indirect_dma semaphore(%run_scoped3A : memref<!tpu.dma_semaphore, #tpu.memory_space<semaphore_mem>>) src(%arg12 : memref<128x128xf32, #tpu.memory_space<vmem>>) dst(%dma_wait3A_106 : memref<10240x128xf32, #tpu.memory_space<vmem_shared>>)
          tpu.yield
        }) : () -> ()
        %mul3A_78 = arith.constant 2 : i32
        %mul3A_79 = arith.muli %mul3A_78, %scan3A_62 : i32
        %add3A_80 = arith.constant 1 : i32
        %add3A_81 = arith.addi %mul3A_79, %add3A_80 : i32
        %add3A_82 = arith.constant 1 : i32
        %add3A_83 = arith.addi %add3A_81, %add3A_82 : i32
        %lt3A_84 = arith.constant 40 : i32
        %lt3A_85 = arith.cmpi slt, %add3A_83, %lt3A_84 : i32
        %convert_element_type3A_86 = arith.extui %lt3A_85 : i1 to i32
        %cond3A_87 = arith.constant 0 : i32
        %cond3A_88 = arith.cmpi ne, %convert_element_type3A_86, %cond3A_87 : i32
        scf.if %cond3A_88 {
          %add3A_95 = arith.constant 1 : i32
          %add3A_96 = arith.addi %add3A_81, %add3A_95 : i32
          %dma_start3A_97 = arith.constant 0 : i32
          %dma_start3A_98 = tpu.memref_slice %arg10[%add3A_96, %dma_start3A_97] : memref<40x128xi32, #tpu.memory_space<vmem>> -> memref<1x128xi32, #tpu.memory_space<vmem>>
          %dma_start3A_99 = tpu.memref_squeeze %dma_start3A_98 : memref<1x128xi32, #tpu.memory_space<vmem>> -> memref<128xi32, #tpu.memory_space<vmem>>
          %dma_start3A_100 = arith.constant 0 : i32
          %dma_start3A_101 = arith.constant 0 : i32
          %dma_start3A_102 = tpu.memref_slice %arg2[%dma_start3A_100, %dma_start3A_101] : memref<10000x128xf32, #tpu.memory_space<hbm>> -> memref<10000x128xf32, #tpu.memory_space<hbm>>
          tpu.enqueue_indirect_dma source(%dma_start3A_102 : memref<10000x128xf32, #tpu.memory_space<hbm>>) target(%arg12 : memref<128x128xf32, #tpu.memory_space<vmem>>) offsets(%dma_start3A_99 : memref<128xi32, #tpu.memory_space<vmem>>) semaphore(%arg15 : memref<!tpu.dma_semaphore, #tpu.memory_space<semaphore_mem>>)
        } else {
        }
        %dma_wait3A_89 = arith.constant 0 : i32
        %dma_wait3A_90 = tpu.memref_slice %arg10[%add3A_81, %dma_wait3A_89] : memref<40x128xi32, #tpu.memory_space<vmem>> -> memref<1x128xi32, #tpu.memory_space<vmem>>
        %dma_wait3A_91 = tpu.memref_squeeze %dma_wait3A_90 : memref<1x128xi32, #tpu.memory_space<vmem>> -> memref<128xi32, #tpu.memory_space<vmem>>
        %dma_wait3A_92 = arith.constant 0 : i32
        %dma_wait3A_93 = arith.constant 0 : i32
        %dma_wait3A_94 = tpu.memref_slice %arg2[%dma_wait3A_92, %dma_wait3A_93] : memref<10000x128xf32, #tpu.memory_space<hbm>> -> memref<10000x128xf32, #tpu.memory_space<hbm>>
        tpu.wait_indirect_dma semaphore(%arg16 : memref<!tpu.dma_semaphore, #tpu.memory_space<semaphore_mem>>) src(%dma_wait3A_94 : memref<10000x128xf32, #tpu.memory_space<hbm>>) dst(%arg13 : memref<128x128xf32, #tpu.memory_space<vmem>>)
        "tpu.region"() ({
          %run_scoped3A = tpu.sem_alloc : memref<!tpu.dma_semaphore, #tpu.memory_space<semaphore_mem>>
          %dma_start3A_95 = arith.constant 0 : i32
          %dma_start3A_96 = tpu.memref_slice %arg11[%add3A_81, %dma_start3A_95] : memref<40x128xi32, #tpu.memory_space<vmem>> -> memref<1x128xi32, #tpu.memory_space<vmem>>
          %dma_start3A_97 = tpu.memref_squeeze %dma_start3A_96 : memref<1x128xi32, #tpu.memory_space<vmem>> -> memref<128xi32, #tpu.memory_space<vmem>>
          %dma_start3A_98 = arith.constant 0 : i32
          %dma_start3A_99 = arith.constant 0 : i32
          %dma_start3A_100 = tpu.memref_slice %arg17[%dma_start3A_98, %dma_start3A_99] : memref<10240x128xf32, #tpu.memory_space<vmem_shared>> -> memref<10240x128xf32, #tpu.memory_space<vmem_shared>>
          tpu.enqueue_indirect_dma source(%arg13 : memref<128x128xf32, #tpu.memory_space<vmem>>) target(%dma_start3A_100 : memref<10240x128xf32, #tpu.memory_space<vmem_shared>>) offsets(%dma_start3A_97 : memref<128xi32, #tpu.memory_space<vmem>>) semaphore(%run_scoped3A : memref<!tpu.dma_semaphore, #tpu.memory_space<semaphore_mem>>) {add = true}
          %dma_wait3A_101 = arith.constant 0 : i32
          %dma_wait3A_102 = tpu.memref_slice %arg11[%add3A_81, %dma_wait3A_101] : memref<40x128xi32, #tpu.memory_space<vmem>> -> memref<1x128xi32, #tpu.memory_space<vmem>>
          %dma_wait3A_103 = tpu.memref_squeeze %dma_wait3A_102 : memref<1x128xi32, #tpu.memory_space<vmem>> -> memref<128xi32, #tpu.memory_space<vmem>>
          %dma_wait3A_104 = arith.constant 0 : i32
          %dma_wait3A_105 = arith.constant 0 : i32
          %dma_wait3A_106 = tpu.memref_slice %arg17[%dma_wait3A_104, %dma_wait3A_105] : memref<10240x128xf32, #tpu.memory_space<vmem_shared>> -> memref<10240x128xf32, #tpu.memory_space<vmem_shared>>
          tpu.wait_indirect_dma semaphore(%run_scoped3A : memref<!tpu.dma_semaphore, #tpu.memory_space<semaphore_mem>>) src(%arg13 : memref<128x128xf32, #tpu.memory_space<vmem>>) dst(%dma_wait3A_106 : memref<10240x128xf32, #tpu.memory_space<vmem_shared>>)
          tpu.yield
        }) : () -> ()
      }
      %scan3A_61 = arith.constant 20 : i32
    } else {
    }
    %not3A_14 = arith.constant true
    %not3A_15 = arith.xori %eq3A_6, %not3A_14 : i1
    %eq3A_16 = arith.constant 1 : i32
    %eq3A_17 = arith.cmpi eq, %arg0, %eq3A_16 : i32
    %and3A_18 = arith.andi %not3A_15, %eq3A_17 : i1
    %convert_element_type3A_19 = arith.extui %and3A_18 : i1 to i32
    %cond3A_20 = arith.constant 0 : i32
    %cond3A_21 = arith.cmpi ne, %convert_element_type3A_19, %cond3A_20 : i32
    scf.if %cond3A_21 {
      %add3A = arith.constant 0 : i32
      %add3A_33 = arith.addi %multiple_of3A_3, %add3A : i32
      %multiple_of3A_34 = tpu.assume_multiple %add3A_33, 8 : i32
      "tpu.region"() ({
        %run_scoped3A = tpu.sem_alloc : memref<!tpu.dma_semaphore, #tpu.memory_space<semaphore_mem>>
        %dma_start3A_62 = arith.constant 0 : i32
        %dma_start3A_63 = tpu.memref_slice %arg4[%multiple_of3A_34, %dma_start3A_62] : memref<1280x128xi32, #tpu.memory_space<hbm>> -> memref<40x128xi32, #tpu.memory_space<hbm>>
        %dma_start3A_64 = arith.constant 0 : i32
        %dma_start3A_65 = tpu.memref_slice %arg4[%multiple_of3A_34, %dma_start3A_64] : memref<1280x128xi32, #tpu.memory_space<hbm>> -> memref<40x128xi32, #tpu.memory_space<hbm>>
        tpu.enqueue_dma source(%dma_start3A_65 : memref<40x128xi32, #tpu.memory_space<hbm>>) target(%arg10 : memref<40x128xi32, #tpu.memory_space<vmem>>) target_semaphore(%run_scoped3A : memref<!tpu.dma_semaphore, #tpu.memory_space<semaphore_mem>>)
        %dma_wait3A = arith.constant 0 : i32
        %dma_wait3A_66 = tpu.memref_slice %arg4[%multiple_of3A_34, %dma_wait3A] : memref<1280x128xi32, #tpu.memory_space<hbm>> -> memref<40x128xi32, #tpu.memory_space<hbm>>
        %dma_wait3A_67 = arith.constant 0 : i32
        %dma_wait3A_68 = tpu.memref_slice %arg4[%multiple_of3A_34, %dma_wait3A_67] : memref<1280x128xi32, #tpu.memory_space<hbm>> -> memref<40x128xi32, #tpu.memory_space<hbm>>
        tpu.wait_dma2 semaphore(%run_scoped3A : memref<!tpu.dma_semaphore, #tpu.memory_space<semaphore_mem>>) src(%dma_wait3A_68 : memref<40x128xi32, #tpu.memory_space<hbm>>) dst(%arg10 : memref<40x128xi32, #tpu.memory_space<vmem>>)
        tpu.yield
      }) : () -> ()
      "tpu.region"() ({
        %run_scoped3A = tpu.sem_alloc : memref<!tpu.dma_semaphore, #tpu.memory_space<semaphore_mem>>
        %dma_start3A_62 = arith.constant 0 : i32
        %dma_start3A_63 = tpu.memref_slice %arg5[%multiple_of3A_34, %dma_start3A_62] : memref<1280x128xi32, #tpu.memory_space<hbm>> -> memref<40x128xi32, #tpu.memory_space<hbm>>
        %dma_start3A_64 = arith.constant 0 : i32
        %dma_start3A_65 = tpu.memref_slice %arg5[%multiple_of3A_34, %dma_start3A_64] : memref<1280x128xi32, #tpu.memory_space<hbm>> -> memref<40x128xi32, #tpu.memory_space<hbm>>
        tpu.enqueue_dma source(%dma_start3A_65 : memref<40x128xi32, #tpu.memory_space<hbm>>) target(%arg11 : memref<40x128xi32, #tpu.memory_space<vmem>>) target_semaphore(%run_scoped3A : memref<!tpu.dma_semaphore, #tpu.memory_space<semaphore_mem>>)
        %dma_wait3A = arith.constant 0 : i32
        %dma_wait3A_66 = tpu.memref_slice %arg5[%multiple_of3A_34, %dma_wait3A] : memref<1280x128xi32, #tpu.memory_space<hbm>> -> memref<40x128xi32, #tpu.memory_space<hbm>>
        %dma_wait3A_67 = arith.constant 0 : i32
        %dma_wait3A_68 = tpu.memref_slice %arg5[%multiple_of3A_34, %dma_wait3A_67] : memref<1280x128xi32, #tpu.memory_space<hbm>> -> memref<40x128xi32, #tpu.memory_space<hbm>>
        tpu.wait_dma2 semaphore(%run_scoped3A : memref<!tpu.dma_semaphore, #tpu.memory_space<semaphore_mem>>) src(%dma_wait3A_68 : memref<40x128xi32, #tpu.memory_space<hbm>>) dst(%arg11 : memref<40x128xi32, #tpu.memory_space<vmem>>)
        tpu.yield
      }) : () -> ()
      %dma_start3A = arith.constant 0 : i32
      %dma_start3A_35 = arith.constant 0 : i32
      %dma_start3A_36 = tpu.memref_slice %arg10[%dma_start3A, %dma_start3A_35] : memref<40x128xi32, #tpu.memory_space<vmem>> -> memref<1x128xi32, #tpu.memory_space<vmem>>
      %dma_start3A_37 = tpu.memref_squeeze %dma_start3A_36 : memref<1x128xi32, #tpu.memory_space<vmem>> -> memref<128xi32, #tpu.memory_space<vmem>>
      %dma_start3A_38 = arith.constant 0 : i32
      %dma_start3A_39 = arith.constant 0 : i32
      %dma_start3A_40 = tpu.memref_slice %arg3[%dma_start3A_38, %dma_start3A_39] : memref<10000x128xf32, #tpu.memory_space<hbm>> -> memref<10000x128xf32, #tpu.memory_space<hbm>>
      tpu.enqueue_indirect_dma source(%dma_start3A_40 : memref<10000x128xf32, #tpu.memory_space<hbm>>) target(%arg12 : memref<128x128xf32, #tpu.memory_space<vmem>>) offsets(%dma_start3A_37 : memref<128xi32, #tpu.memory_space<vmem>>) semaphore(%arg15 : memref<!tpu.dma_semaphore, #tpu.memory_space<semaphore_mem>>)
      %scan3A = arith.constant 0 : i32
      %scan3A_41 = arith.constant 0 : i32
      %scan3A_42 = arith.constant 20 : i32
      %scan3A_43 = arith.addi %scan3A_41, %scan3A_42 : i32
      %scan3A_44 = arith.constant 1 : i32
      scf.for %scan3A_62 = %scan3A_41 to %scan3A_43 step %scan3A_44  : i32 {
        %mul3A_63 = arith.constant 2 : i32
        %mul3A_64 = arith.muli %mul3A_63, %scan3A_62 : i32
        %add3A_65 = arith.constant 0 : i32
        %add3A_66 = arith.addi %mul3A_64, %add3A_65 : i32
        %add3A_67 = arith.constant 1 : i32
        %add3A_68 = arith.addi %add3A_66, %add3A_67 : i32
        %lt3A = arith.constant 40 : i32
        %lt3A_69 = arith.cmpi slt, %add3A_68, %lt3A : i32
        %convert_element_type3A_70 = arith.extui %lt3A_69 : i1 to i32
        %cond3A_71 = arith.constant 0 : i32
        %cond3A_72 = arith.cmpi ne, %convert_element_type3A_70, %cond3A_71 : i32
        scf.if %cond3A_72 {
          %add3A_95 = arith.constant 1 : i32
          %add3A_96 = arith.addi %add3A_66, %add3A_95 : i32
          %dma_start3A_97 = arith.constant 0 : i32
          %dma_start3A_98 = tpu.memref_slice %arg10[%add3A_96, %dma_start3A_97] : memref<40x128xi32, #tpu.memory_space<vmem>> -> memref<1x128xi32, #tpu.memory_space<vmem>>
          %dma_start3A_99 = tpu.memref_squeeze %dma_start3A_98 : memref<1x128xi32, #tpu.memory_space<vmem>> -> memref<128xi32, #tpu.memory_space<vmem>>
          %dma_start3A_100 = arith.constant 0 : i32
          %dma_start3A_101 = arith.constant 0 : i32
          %dma_start3A_102 = tpu.memref_slice %arg3[%dma_start3A_100, %dma_start3A_101] : memref<10000x128xf32, #tpu.memory_space<hbm>> -> memref<10000x128xf32, #tpu.memory_space<hbm>>
          tpu.enqueue_indirect_dma source(%dma_start3A_102 : memref<10000x128xf32, #tpu.memory_space<hbm>>) target(%arg13 : memref<128x128xf32, #tpu.memory_space<vmem>>) offsets(%dma_start3A_99 : memref<128xi32, #tpu.memory_space<vmem>>) semaphore(%arg16 : memref<!tpu.dma_semaphore, #tpu.memory_space<semaphore_mem>>)
        } else {
        }
        %dma_wait3A = arith.constant 0 : i32
        %dma_wait3A_73 = tpu.memref_slice %arg10[%add3A_66, %dma_wait3A] : memref<40x128xi32, #tpu.memory_space<vmem>> -> memref<1x128xi32, #tpu.memory_space<vmem>>
        %dma_wait3A_74 = tpu.memref_squeeze %dma_wait3A_73 : memref<1x128xi32, #tpu.memory_space<vmem>> -> memref<128xi32, #tpu.memory_space<vmem>>
        %dma_wait3A_75 = arith.constant 0 : i32
        %dma_wait3A_76 = arith.constant 0 : i32
        %dma_wait3A_77 = tpu.memref_slice %arg3[%dma_wait3A_75, %dma_wait3A_76] : memref<10000x128xf32, #tpu.memory_space<hbm>> -> memref<10000x128xf32, #tpu.memory_space<hbm>>
        tpu.wait_indirect_dma semaphore(%arg15 : memref<!tpu.dma_semaphore, #tpu.memory_space<semaphore_mem>>) src(%dma_wait3A_77 : memref<10000x128xf32, #tpu.memory_space<hbm>>) dst(%arg12 : memref<128x128xf32, #tpu.memory_space<vmem>>)
        "tpu.region"() ({
          %run_scoped3A = tpu.sem_alloc : memref<!tpu.dma_semaphore, #tpu.memory_space<semaphore_mem>>
          %dma_start3A_95 = arith.constant 0 : i32
          %dma_start3A_96 = tpu.memref_slice %arg11[%add3A_66, %dma_start3A_95] : memref<40x128xi32, #tpu.memory_space<vmem>> -> memref<1x128xi32, #tpu.memory_space<vmem>>
          %dma_start3A_97 = tpu.memref_squeeze %dma_start3A_96 : memref<1x128xi32, #tpu.memory_space<vmem>> -> memref<128xi32, #tpu.memory_space<vmem>>
          %dma_start3A_98 = arith.constant 0 : i32
          %dma_start3A_99 = arith.constant 0 : i32
          %dma_start3A_100 = tpu.memref_slice %arg17[%dma_start3A_98, %dma_start3A_99] : memref<10240x128xf32, #tpu.memory_space<vmem_shared>> -> memref<10240x128xf32, #tpu.memory_space<vmem_shared>>
          tpu.enqueue_indirect_dma source(%arg12 : memref<128x128xf32, #tpu.memory_space<vmem>>) target(%dma_start3A_100 : memref<10240x128xf32, #tpu.memory_space<vmem_shared>>) offsets(%dma_start3A_97 : memref<128xi32, #tpu.memory_space<vmem>>) semaphore(%run_scoped3A : memref<!tpu.dma_semaphore, #tpu.memory_space<semaphore_mem>>) {add = true}
          %dma_wait3A_101 = arith.constant 0 : i32
          %dma_wait3A_102 = tpu.memref_slice %arg11[%add3A_66, %dma_wait3A_101] : memref<40x128xi32, #tpu.memory_space<vmem>> -> memref<1x128xi32, #tpu.memory_space<vmem>>
          %dma_wait3A_103 = tpu.memref_squeeze %dma_wait3A_102 : memref<1x128xi32, #tpu.memory_space<vmem>> -> memref<128xi32, #tpu.memory_space<vmem>>
          %dma_wait3A_104 = arith.constant 0 : i32
          %dma_wait3A_105 = arith.constant 0 : i32
          %dma_wait3A_106 = tpu.memref_slice %arg17[%dma_wait3A_104, %dma_wait3A_105] : memref<10240x128xf32, #tpu.memory_space<vmem_shared>> -> memref<10240x128xf32, #tpu.memory_space<vmem_shared>>
          tpu.wait_indirect_dma semaphore(%run_scoped3A : memref<!tpu.dma_semaphore, #tpu.memory_space<semaphore_mem>>) src(%arg12 : memref<128x128xf32, #tpu.memory_space<vmem>>) dst(%dma_wait3A_106 : memref<10240x128xf32, #tpu.memory_space<vmem_shared>>)
          tpu.yield
        }) : () -> ()
        %mul3A_78 = arith.constant 2 : i32
        %mul3A_79 = arith.muli %mul3A_78, %scan3A_62 : i32
        %add3A_80 = arith.constant 1 : i32
        %add3A_81 = arith.addi %mul3A_79, %add3A_80 : i32
        %add3A_82 = arith.constant 1 : i32
        %add3A_83 = arith.addi %add3A_81, %add3A_82 : i32
        %lt3A_84 = arith.constant 40 : i32
        %lt3A_85 = arith.cmpi slt, %add3A_83, %lt3A_84 : i32
        %convert_element_type3A_86 = arith.extui %lt3A_85 : i1 to i32
        %cond3A_87 = arith.constant 0 : i32
        %cond3A_88 = arith.cmpi ne, %convert_element_type3A_86, %cond3A_87 : i32
        scf.if %cond3A_88 {
          %add3A_95 = arith.constant 1 : i32
          %add3A_96 = arith.addi %add3A_81, %add3A_95 : i32
          %dma_start3A_97 = arith.constant 0 : i32
          %dma_start3A_98 = tpu.memref_slice %arg10[%add3A_96, %dma_start3A_97] : memref<40x128xi32, #tpu.memory_space<vmem>> -> memref<1x128xi32, #tpu.memory_space<vmem>>
          %dma_start3A_99 = tpu.memref_squeeze %dma_start3A_98 : memref<1x128xi32, #tpu.memory_space<vmem>> -> memref<128xi32, #tpu.memory_space<vmem>>
          %dma_start3A_100 = arith.constant 0 : i32
          %dma_start3A_101 = arith.constant 0 : i32
          %dma_start3A_102 = tpu.memref_slice %arg3[%dma_start3A_100, %dma_start3A_101] : memref<10000x128xf32, #tpu.memory_space<hbm>> -> memref<10000x128xf32, #tpu.memory_space<hbm>>
          tpu.enqueue_indirect_dma source(%dma_start3A_102 : memref<10000x128xf32, #tpu.memory_space<hbm>>) target(%arg12 : memref<128x128xf32, #tpu.memory_space<vmem>>) offsets(%dma_start3A_99 : memref<128xi32, #tpu.memory_space<vmem>>) semaphore(%arg15 : memref<!tpu.dma_semaphore, #tpu.memory_space<semaphore_mem>>)
        } else {
        }
        %dma_wait3A_89 = arith.constant 0 : i32
        %dma_wait3A_90 = tpu.memref_slice %arg10[%add3A_81, %dma_wait3A_89] : memref<40x128xi32, #tpu.memory_space<vmem>> -> memref<1x128xi32, #tpu.memory_space<vmem>>
        %dma_wait3A_91 = tpu.memref_squeeze %dma_wait3A_90 : memref<1x128xi32, #tpu.memory_space<vmem>> -> memref<128xi32, #tpu.memory_space<vmem>>
        %dma_wait3A_92 = arith.constant 0 : i32
        %dma_wait3A_93 = arith.constant 0 : i32
        %dma_wait3A_94 = tpu.memref_slice %arg3[%dma_wait3A_92, %dma_wait3A_93] : memref<10000x128xf32, #tpu.memory_space<hbm>> -> memref<10000x128xf32, #tpu.memory_space<hbm>>
        tpu.wait_indirect_dma semaphore(%arg16 : memref<!tpu.dma_semaphore, #tpu.memory_space<semaphore_mem>>) src(%dma_wait3A_94 : memref<10000x128xf32, #tpu.memory_space<hbm>>) dst(%arg13 : memref<128x128xf32, #tpu.memory_space<vmem>>)
        "tpu.region"() ({
          %run_scoped3A = tpu.sem_alloc : memref<!tpu.dma_semaphore, #tpu.memory_space<semaphore_mem>>
          %dma_start3A_95 = arith.constant 0 : i32
          %dma_start3A_96 = tpu.memref_slice %arg11[%add3A_81, %dma_start3A_95] : memref<40x128xi32, #tpu.memory_space<vmem>> -> memref<1x128xi32, #tpu.memory_space<vmem>>
          %dma_start3A_97 = tpu.memref_squeeze %dma_start3A_96 : memref<1x128xi32, #tpu.memory_space<vmem>> -> memref<128xi32, #tpu.memory_space<vmem>>
          %dma_start3A_98 = arith.constant 0 : i32
          %dma_start3A_99 = arith.constant 0 : i32
          %dma_start3A_100 = tpu.memref_slice %arg17[%dma_start3A_98, %dma_start3A_99] : memref<10240x128xf32, #tpu.memory_space<vmem_shared>> -> memref<10240x128xf32, #tpu.memory_space<vmem_shared>>
          tpu.enqueue_indirect_dma source(%arg13 : memref<128x128xf32, #tpu.memory_space<vmem>>) target(%dma_start3A_100 : memref<10240x128xf32, #tpu.memory_space<vmem_shared>>) offsets(%dma_start3A_97 : memref<128xi32, #tpu.memory_space<vmem>>) semaphore(%run_scoped3A : memref<!tpu.dma_semaphore, #tpu.memory_space<semaphore_mem>>) {add = true}
          %dma_wait3A_101 = arith.constant 0 : i32
          %dma_wait3A_102 = tpu.memref_slice %arg11[%add3A_81, %dma_wait3A_101] : memref<40x128xi32, #tpu.memory_space<vmem>> -> memref<1x128xi32, #tpu.memory_space<vmem>>
          %dma_wait3A_103 = tpu.memref_squeeze %dma_wait3A_102 : memref<1x128xi32, #tpu.memory_space<vmem>> -> memref<128xi32, #tpu.memory_space<vmem>>
          %dma_wait3A_104 = arith.constant 0 : i32
          %dma_wait3A_105 = arith.constant 0 : i32
          %dma_wait3A_106 = tpu.memref_slice %arg17[%dma_wait3A_104, %dma_wait3A_105] : memref<10240x128xf32, #tpu.memory_space<vmem_shared>> -> memref<10240x128xf32, #tpu.memory_space<vmem_shared>>
          tpu.wait_indirect_dma semaphore(%run_scoped3A : memref<!tpu.dma_semaphore, #tpu.memory_space<semaphore_mem>>) src(%arg13 : memref<128x128xf32, #tpu.memory_space<vmem>>) dst(%dma_wait3A_106 : memref<10240x128xf32, #tpu.memory_space<vmem_shared>>)
          tpu.yield
        }) : () -> ()
      }
      %scan3A_45 = arith.constant 20 : i32
      %add3A_46 = arith.constant 40 : i32
      %add3A_47 = arith.addi %multiple_of3A_3, %add3A_46 : i32
      %multiple_of3A_48 = tpu.assume_multiple %add3A_47, 8 : i32
      "tpu.region"() ({
        %run_scoped3A = tpu.sem_alloc : memref<!tpu.dma_semaphore, #tpu.memory_space<semaphore_mem>>
        %dma_start3A_62 = arith.constant 0 : i32
        %dma_start3A_63 = tpu.memref_slice %arg4[%multiple_of3A_48, %dma_start3A_62] : memref<1280x128xi32, #tpu.memory_space<hbm>> -> memref<40x128xi32, #tpu.memory_space<hbm>>
        %dma_start3A_64 = arith.constant 0 : i32
        %dma_start3A_65 = tpu.memref_slice %arg4[%multiple_of3A_48, %dma_start3A_64] : memref<1280x128xi32, #tpu.memory_space<hbm>> -> memref<40x128xi32, #tpu.memory_space<hbm>>
        tpu.enqueue_dma source(%dma_start3A_65 : memref<40x128xi32, #tpu.memory_space<hbm>>) target(%arg10 : memref<40x128xi32, #tpu.memory_space<vmem>>) target_semaphore(%run_scoped3A : memref<!tpu.dma_semaphore, #tpu.memory_space<semaphore_mem>>)
        %dma_wait3A = arith.constant 0 : i32
        %dma_wait3A_66 = tpu.memref_slice %arg4[%multiple_of3A_48, %dma_wait3A] : memref<1280x128xi32, #tpu.memory_space<hbm>> -> memref<40x128xi32, #tpu.memory_space<hbm>>
        %dma_wait3A_67 = arith.constant 0 : i32
        %dma_wait3A_68 = tpu.memref_slice %arg4[%multiple_of3A_48, %dma_wait3A_67] : memref<1280x128xi32, #tpu.memory_space<hbm>> -> memref<40x128xi32, #tpu.memory_space<hbm>>
        tpu.wait_dma2 semaphore(%run_scoped3A : memref<!tpu.dma_semaphore, #tpu.memory_space<semaphore_mem>>) src(%dma_wait3A_68 : memref<40x128xi32, #tpu.memory_space<hbm>>) dst(%arg10 : memref<40x128xi32, #tpu.memory_space<vmem>>)
        tpu.yield
      }) : () -> ()
      "tpu.region"() ({
        %run_scoped3A = tpu.sem_alloc : memref<!tpu.dma_semaphore, #tpu.memory_space<semaphore_mem>>
        %dma_start3A_62 = arith.constant 0 : i32
        %dma_start3A_63 = tpu.memref_slice %arg5[%multiple_of3A_48, %dma_start3A_62] : memref<1280x128xi32, #tpu.memory_space<hbm>> -> memref<40x128xi32, #tpu.memory_space<hbm>>
        %dma_start3A_64 = arith.constant 0 : i32
        %dma_start3A_65 = tpu.memref_slice %arg5[%multiple_of3A_48, %dma_start3A_64] : memref<1280x128xi32, #tpu.memory_space<hbm>> -> memref<40x128xi32, #tpu.memory_space<hbm>>
        tpu.enqueue_dma source(%dma_start3A_65 : memref<40x128xi32, #tpu.memory_space<hbm>>) target(%arg11 : memref<40x128xi32, #tpu.memory_space<vmem>>) target_semaphore(%run_scoped3A : memref<!tpu.dma_semaphore, #tpu.memory_space<semaphore_mem>>)
        %dma_wait3A = arith.constant 0 : i32
        %dma_wait3A_66 = tpu.memref_slice %arg5[%multiple_of3A_48, %dma_wait3A] : memref<1280x128xi32, #tpu.memory_space<hbm>> -> memref<40x128xi32, #tpu.memory_space<hbm>>
        %dma_wait3A_67 = arith.constant 0 : i32
        %dma_wait3A_68 = tpu.memref_slice %arg5[%multiple_of3A_48, %dma_wait3A_67] : memref<1280x128xi32, #tpu.memory_space<hbm>> -> memref<40x128xi32, #tpu.memory_space<hbm>>
        tpu.wait_dma2 semaphore(%run_scoped3A : memref<!tpu.dma_semaphore, #tpu.memory_space<semaphore_mem>>) src(%dma_wait3A_68 : memref<40x128xi32, #tpu.memory_space<hbm>>) dst(%arg11 : memref<40x128xi32, #tpu.memory_space<vmem>>)
        tpu.yield
      }) : () -> ()
      %dma_start3A_49 = arith.constant 0 : i32
      %dma_start3A_50 = arith.constant 0 : i32
      %dma_start3A_51 = tpu.memref_slice %arg10[%dma_start3A_49, %dma_start3A_50] : memref<40x128xi32, #tpu.memory_space<vmem>> -> memref<1x128xi32, #tpu.memory_space<vmem>>
      %dma_start3A_52 = tpu.memref_squeeze %dma_start3A_51 : memref<1x128xi32, #tpu.memory_space<vmem>> -> memref<128xi32, #tpu.memory_space<vmem>>
      %dma_start3A_53 = arith.constant 0 : i32
      %dma_start3A_54 = arith.constant 0 : i32
      %dma_start3A_55 = tpu.memref_slice %arg3[%dma_start3A_53, %dma_start3A_54] : memref<10000x128xf32, #tpu.memory_space<hbm>> -> memref<10000x128xf32, #tpu.memory_space<hbm>>
      tpu.enqueue_indirect_dma source(%dma_start3A_55 : memref<10000x128xf32, #tpu.memory_space<hbm>>) target(%arg12 : memref<128x128xf32, #tpu.memory_space<vmem>>) offsets(%dma_start3A_52 : memref<128xi32, #tpu.memory_space<vmem>>) semaphore(%arg15 : memref<!tpu.dma_semaphore, #tpu.memory_space<semaphore_mem>>)
      %scan3A_56 = arith.constant 0 : i32
      %scan3A_57 = arith.constant 0 : i32
      %scan3A_58 = arith.constant 20 : i32
      %scan3A_59 = arith.addi %scan3A_57, %scan3A_58 : i32
      %scan3A_60 = arith.constant 1 : i32
      scf.for %scan3A_62 = %scan3A_57 to %scan3A_59 step %scan3A_60  : i32 {
        %mul3A_63 = arith.constant 2 : i32
        %mul3A_64 = arith.muli %mul3A_63, %scan3A_62 : i32
        %add3A_65 = arith.constant 0 : i32
        %add3A_66 = arith.addi %mul3A_64, %add3A_65 : i32
        %add3A_67 = arith.constant 1 : i32
        %add3A_68 = arith.addi %add3A_66, %add3A_67 : i32
        %lt3A = arith.constant 40 : i32
        %lt3A_69 = arith.cmpi slt, %add3A_68, %lt3A : i32
        %convert_element_type3A_70 = arith.extui %lt3A_69 : i1 to i32
        %cond3A_71 = arith.constant 0 : i32
        %cond3A_72 = arith.cmpi ne, %convert_element_type3A_70, %cond3A_71 : i32
        scf.if %cond3A_72 {
          %add3A_95 = arith.constant 1 : i32
          %add3A_96 = arith.addi %add3A_66, %add3A_95 : i32
          %dma_start3A_97 = arith.constant 0 : i32
          %dma_start3A_98 = tpu.memref_slice %arg10[%add3A_96, %dma_start3A_97] : memref<40x128xi32, #tpu.memory_space<vmem>> -> memref<1x128xi32, #tpu.memory_space<vmem>>
          %dma_start3A_99 = tpu.memref_squeeze %dma_start3A_98 : memref<1x128xi32, #tpu.memory_space<vmem>> -> memref<128xi32, #tpu.memory_space<vmem>>
          %dma_start3A_100 = arith.constant 0 : i32
          %dma_start3A_101 = arith.constant 0 : i32
          %dma_start3A_102 = tpu.memref_slice %arg3[%dma_start3A_100, %dma_start3A_101] : memref<10000x128xf32, #tpu.memory_space<hbm>> -> memref<10000x128xf32, #tpu.memory_space<hbm>>
          tpu.enqueue_indirect_dma source(%dma_start3A_102 : memref<10000x128xf32, #tpu.memory_space<hbm>>) target(%arg13 : memref<128x128xf32, #tpu.memory_space<vmem>>) offsets(%dma_start3A_99 : memref<128xi32, #tpu.memory_space<vmem>>) semaphore(%arg16 : memref<!tpu.dma_semaphore, #tpu.memory_space<semaphore_mem>>)
        } else {
        }
        %dma_wait3A = arith.constant 0 : i32
        %dma_wait3A_73 = tpu.memref_slice %arg10[%add3A_66, %dma_wait3A] : memref<40x128xi32, #tpu.memory_space<vmem>> -> memref<1x128xi32, #tpu.memory_space<vmem>>
        %dma_wait3A_74 = tpu.memref_squeeze %dma_wait3A_73 : memref<1x128xi32, #tpu.memory_space<vmem>> -> memref<128xi32, #tpu.memory_space<vmem>>
        %dma_wait3A_75 = arith.constant 0 : i32
        %dma_wait3A_76 = arith.constant 0 : i32
        %dma_wait3A_77 = tpu.memref_slice %arg3[%dma_wait3A_75, %dma_wait3A_76] : memref<10000x128xf32, #tpu.memory_space<hbm>> -> memref<10000x128xf32, #tpu.memory_space<hbm>>
        tpu.wait_indirect_dma semaphore(%arg15 : memref<!tpu.dma_semaphore, #tpu.memory_space<semaphore_mem>>) src(%dma_wait3A_77 : memref<10000x128xf32, #tpu.memory_space<hbm>>) dst(%arg12 : memref<128x128xf32, #tpu.memory_space<vmem>>)
        "tpu.region"() ({
          %run_scoped3A = tpu.sem_alloc : memref<!tpu.dma_semaphore, #tpu.memory_space<semaphore_mem>>
          %dma_start3A_95 = arith.constant 0 : i32
          %dma_start3A_96 = tpu.memref_slice %arg11[%add3A_66, %dma_start3A_95] : memref<40x128xi32, #tpu.memory_space<vmem>> -> memref<1x128xi32, #tpu.memory_space<vmem>>
          %dma_start3A_97 = tpu.memref_squeeze %dma_start3A_96 : memref<1x128xi32, #tpu.memory_space<vmem>> -> memref<128xi32, #tpu.memory_space<vmem>>
          %dma_start3A_98 = arith.constant 0 : i32
          %dma_start3A_99 = arith.constant 0 : i32
          %dma_start3A_100 = tpu.memref_slice %arg17[%dma_start3A_98, %dma_start3A_99] : memref<10240x128xf32, #tpu.memory_space<vmem_shared>> -> memref<10240x128xf32, #tpu.memory_space<vmem_shared>>
          tpu.enqueue_indirect_dma source(%arg12 : memref<128x128xf32, #tpu.memory_space<vmem>>) target(%dma_start3A_100 : memref<10240x128xf32, #tpu.memory_space<vmem_shared>>) offsets(%dma_start3A_97 : memref<128xi32, #tpu.memory_space<vmem>>) semaphore(%run_scoped3A : memref<!tpu.dma_semaphore, #tpu.memory_space<semaphore_mem>>) {add = true}
          %dma_wait3A_101 = arith.constant 0 : i32
          %dma_wait3A_102 = tpu.memref_slice %arg11[%add3A_66, %dma_wait3A_101] : memref<40x128xi32, #tpu.memory_space<vmem>> -> memref<1x128xi32, #tpu.memory_space<vmem>>
          %dma_wait3A_103 = tpu.memref_squeeze %dma_wait3A_102 : memref<1x128xi32, #tpu.memory_space<vmem>> -> memref<128xi32, #tpu.memory_space<vmem>>
          %dma_wait3A_104 = arith.constant 0 : i32
          %dma_wait3A_105 = arith.constant 0 : i32
          %dma_wait3A_106 = tpu.memref_slice %arg17[%dma_wait3A_104, %dma_wait3A_105] : memref<10240x128xf32, #tpu.memory_space<vmem_shared>> -> memref<10240x128xf32, #tpu.memory_space<vmem_shared>>
          tpu.wait_indirect_dma semaphore(%run_scoped3A : memref<!tpu.dma_semaphore, #tpu.memory_space<semaphore_mem>>) src(%arg12 : memref<128x128xf32, #tpu.memory_space<vmem>>) dst(%dma_wait3A_106 : memref<10240x128xf32, #tpu.memory_space<vmem_shared>>)
          tpu.yield
        }) : () -> ()
        %mul3A_78 = arith.constant 2 : i32
        %mul3A_79 = arith.muli %mul3A_78, %scan3A_62 : i32
        %add3A_80 = arith.constant 1 : i32
        %add3A_81 = arith.addi %mul3A_79, %add3A_80 : i32
        %add3A_82 = arith.constant 1 : i32
        %add3A_83 = arith.addi %add3A_81, %add3A_82 : i32
        %lt3A_84 = arith.constant 40 : i32
        %lt3A_85 = arith.cmpi slt, %add3A_83, %lt3A_84 : i32
        %convert_element_type3A_86 = arith.extui %lt3A_85 : i1 to i32
        %cond3A_87 = arith.constant 0 : i32
        %cond3A_88 = arith.cmpi ne, %convert_element_type3A_86, %cond3A_87 : i32
        scf.if %cond3A_88 {
          %add3A_95 = arith.constant 1 : i32
          %add3A_96 = arith.addi %add3A_81, %add3A_95 : i32
          %dma_start3A_97 = arith.constant 0 : i32
          %dma_start3A_98 = tpu.memref_slice %arg10[%add3A_96, %dma_start3A_97] : memref<40x128xi32, #tpu.memory_space<vmem>> -> memref<1x128xi32, #tpu.memory_space<vmem>>
          %dma_start3A_99 = tpu.memref_squeeze %dma_start3A_98 : memref<1x128xi32, #tpu.memory_space<vmem>> -> memref<128xi32, #tpu.memory_space<vmem>>
          %dma_start3A_100 = arith.constant 0 : i32
          %dma_start3A_101 = arith.constant 0 : i32
          %dma_start3A_102 = tpu.memref_slice %arg3[%dma_start3A_100, %dma_start3A_101] : memref<10000x128xf32, #tpu.memory_space<hbm>> -> memref<10000x128xf32, #tpu.memory_space<hbm>>
          tpu.enqueue_indirect_dma source(%dma_start3A_102 : memref<10000x128xf32, #tpu.memory_space<hbm>>) target(%arg12 : memref<128x128xf32, #tpu.memory_space<vmem>>) offsets(%dma_start3A_99 : memref<128xi32, #tpu.memory_space<vmem>>) semaphore(%arg15 : memref<!tpu.dma_semaphore, #tpu.memory_space<semaphore_mem>>)
        } else {
        }
        %dma_wait3A_89 = arith.constant 0 : i32
        %dma_wait3A_90 = tpu.memref_slice %arg10[%add3A_81, %dma_wait3A_89] : memref<40x128xi32, #tpu.memory_space<vmem>> -> memref<1x128xi32, #tpu.memory_space<vmem>>
        %dma_wait3A_91 = tpu.memref_squeeze %dma_wait3A_90 : memref<1x128xi32, #tpu.memory_space<vmem>> -> memref<128xi32, #tpu.memory_space<vmem>>
        %dma_wait3A_92 = arith.constant 0 : i32
        %dma_wait3A_93 = arith.constant 0 : i32
        %dma_wait3A_94 = tpu.memref_slice %arg3[%dma_wait3A_92, %dma_wait3A_93] : memref<10000x128xf32, #tpu.memory_space<hbm>> -> memref<10000x128xf32, #tpu.memory_space<hbm>>
        tpu.wait_indirect_dma semaphore(%arg16 : memref<!tpu.dma_semaphore, #tpu.memory_space<semaphore_mem>>) src(%dma_wait3A_94 : memref<10000x128xf32, #tpu.memory_space<hbm>>) dst(%arg13 : memref<128x128xf32, #tpu.memory_space<vmem>>)
        "tpu.region"() ({
          %run_scoped3A = tpu.sem_alloc : memref<!tpu.dma_semaphore, #tpu.memory_space<semaphore_mem>>
          %dma_start3A_95 = arith.constant 0 : i32
          %dma_start3A_96 = tpu.memref_slice %arg11[%add3A_81, %dma_start3A_95] : memref<40x128xi32, #tpu.memory_space<vmem>> -> memref<1x128xi32, #tpu.memory_space<vmem>>
          %dma_start3A_97 = tpu.memref_squeeze %dma_start3A_96 : memref<1x128xi32, #tpu.memory_space<vmem>> -> memref<128xi32, #tpu.memory_space<vmem>>
          %dma_start3A_98 = arith.constant 0 : i32
          %dma_start3A_99 = arith.constant 0 : i32
          %dma_start3A_100 = tpu.memref_slice %arg17[%dma_start3A_98, %dma_start3A_99] : memref<10240x128xf32, #tpu.memory_space<vmem_shared>> -> memref<10240x128xf32, #tpu.memory_space<vmem_shared>>
          tpu.enqueue_indirect_dma source(%arg13 : memref<128x128xf32, #tpu.memory_space<vmem>>) target(%dma_start3A_100 : memref<10240x128xf32, #tpu.memory_space<vmem_shared>>) offsets(%dma_start3A_97 : memref<128xi32, #tpu.memory_space<vmem>>) semaphore(%run_scoped3A : memref<!tpu.dma_semaphore, #tpu.memory_space<semaphore_mem>>) {add = true}
          %dma_wait3A_101 = arith.constant 0 : i32
          %dma_wait3A_102 = tpu.memref_slice %arg11[%add3A_81, %dma_wait3A_101] : memref<40x128xi32, #tpu.memory_space<vmem>> -> memref<1x128xi32, #tpu.memory_space<vmem>>
          %dma_wait3A_103 = tpu.memref_squeeze %dma_wait3A_102 : memref<1x128xi32, #tpu.memory_space<vmem>> -> memref<128xi32, #tpu.memory_space<vmem>>
          %dma_wait3A_104 = arith.constant 0 : i32
          %dma_wait3A_105 = arith.constant 0 : i32
          %dma_wait3A_106 = tpu.memref_slice %arg17[%dma_wait3A_104, %dma_wait3A_105] : memref<10240x128xf32, #tpu.memory_space<vmem_shared>> -> memref<10240x128xf32, #tpu.memory_space<vmem_shared>>
          tpu.wait_indirect_dma semaphore(%run_scoped3A : memref<!tpu.dma_semaphore, #tpu.memory_space<semaphore_mem>>) src(%arg13 : memref<128x128xf32, #tpu.memory_space<vmem>>) dst(%dma_wait3A_106 : memref<10240x128xf32, #tpu.memory_space<vmem_shared>>)
          tpu.yield
        }) : () -> ()
      }
      %scan3A_61 = arith.constant 20 : i32
    } else {
    }
    %barrier3A_22 = arith.constant 0 : index
    tpu.barrier barrier_id(%barrier3A_22)
    %eq3A_23 = arith.constant 0 : i32
    %eq3A_24 = arith.cmpi eq, %arg0, %eq3A_23 : i32
    %convert_element_type3A_25 = arith.extui %eq3A_24 : i1 to i32
    %cond3A_26 = arith.constant 0 : i32
    %cond3A_27 = arith.cmpi ne, %convert_element_type3A_25, %cond3A_26 : i32
    scf.if %cond3A_27 {
      "tpu.region"() ({
        %run_scoped3A = tpu.sem_alloc : memref<!tpu.dma_semaphore, #tpu.memory_space<semaphore_mem>>
        %dma_start3A = arith.constant 0 : i32
        %dma_start3A_33 = tpu.memref_slice %arg8[%multiple_of3A, %dma_start3A] : memref<10240x128xf32, #tpu.memory_space<hbm>> -> memref<640x128xf32, #tpu.memory_space<hbm>>
        %dma_start3A_34 = arith.constant 0 : i32
        %dma_start3A_35 = tpu.memref_slice %arg17[%multiple_of3A, %dma_start3A_34] : memref<10240x128xf32, #tpu.memory_space<vmem_shared>> -> memref<640x128xf32, #tpu.memory_space<vmem_shared>>
        tpu.enqueue_dma source(%dma_start3A_35 : memref<640x128xf32, #tpu.memory_space<vmem_shared>>) target(%dma_start3A_33 : memref<640x128xf32, #tpu.memory_space<hbm>>) target_semaphore(%run_scoped3A : memref<!tpu.dma_semaphore, #tpu.memory_space<semaphore_mem>>)
        %dma_wait3A = arith.constant 0 : i32
        %dma_wait3A_36 = tpu.memref_slice %arg8[%multiple_of3A, %dma_wait3A] : memref<10240x128xf32, #tpu.memory_space<hbm>> -> memref<640x128xf32, #tpu.memory_space<hbm>>
        %dma_wait3A_37 = arith.constant 0 : i32
        %dma_wait3A_38 = tpu.memref_slice %arg17[%multiple_of3A, %dma_wait3A_37] : memref<10240x128xf32, #tpu.memory_space<vmem_shared>> -> memref<640x128xf32, #tpu.memory_space<vmem_shared>>
        tpu.wait_dma2 semaphore(%run_scoped3A : memref<!tpu.dma_semaphore, #tpu.memory_space<semaphore_mem>>) src(%dma_wait3A_38 : memref<640x128xf32, #tpu.memory_space<vmem_shared>>) dst(%dma_wait3A_36 : memref<640x128xf32, #tpu.memory_space<hbm>>)
        tpu.yield
      }) : () -> ()
    } else {
    }
    %eq3A_28 = arith.constant 1 : i32
    %eq3A_29 = arith.cmpi eq, %arg0, %eq3A_28 : i32
    %convert_element_type3A_30 = arith.extui %eq3A_29 : i1 to i32
    %cond3A_31 = arith.constant 0 : i32
    %cond3A_32 = arith.cmpi ne, %convert_element_type3A_30, %cond3A_31 : i32
    scf.if %cond3A_32 {
      "tpu.region"() ({
        %run_scoped3A = tpu.sem_alloc : memref<!tpu.dma_semaphore, #tpu.memory_space<semaphore_mem>>
        %dma_start3A = arith.constant 0 : i32
        %dma_start3A_33 = tpu.memref_slice %arg9[%multiple_of3A, %dma_start3A] : memref<10240x128xf32, #tpu.memory_space<hbm>> -> memref<640x128xf32, #tpu.memory_space<hbm>>
        %dma_start3A_34 = arith.constant 0 : i32
        %dma_start3A_35 = tpu.memref_slice %arg17[%multiple_of3A, %dma_start3A_34] : memref<10240x128xf32, #tpu.memory_space<vmem_shared>> -> memref<640x128xf32, #tpu.memory_space<vmem_shared>>
        tpu.enqueue_dma source(%dma_start3A_35 : memref<640x128xf32, #tpu.memory_space<vmem_shared>>) target(%dma_start3A_33 : memref<640x128xf32, #tpu.memory_space<hbm>>) target_semaphore(%run_scoped3A : memref<!tpu.dma_semaphore, #tpu.memory_space<semaphore_mem>>)
        %dma_wait3A = arith.constant 0 : i32
        %dma_wait3A_36 = tpu.memref_slice %arg9[%multiple_of3A, %dma_wait3A] : memref<10240x128xf32, #tpu.memory_space<hbm>> -> memref<640x128xf32, #tpu.memory_space<hbm>>
        %dma_wait3A_37 = arith.constant 0 : i32
        %dma_wait3A_38 = tpu.memref_slice %arg17[%multiple_of3A, %dma_wait3A_37] : memref<10240x128xf32, #tpu.memory_space<vmem_shared>> -> memref<640x128xf32, #tpu.memory_space<vmem_shared>>
        tpu.wait_dma2 semaphore(%run_scoped3A : memref<!tpu.dma_semaphore, #tpu.memory_space<semaphore_mem>>) src(%dma_wait3A_38 : memref<640x128xf32, #tpu.memory_space<vmem_shared>>) dst(%dma_wait3A_36 : memref<640x128xf32, #tpu.memory_space<hbm>>)
        tpu.yield
      }) : () -> ()
    } else {
    }
    return
  }
}

module attributes {stable_mosaic.version = 14 : i64} {
  func.func @_mm_body(%arg0: i32, %arg1: memref<512x256xf32, #tpu.memory_space<vmem>>, %arg2: memref<256x256xf32, #tpu.memory_space<vmem>>, %arg3: memref<512x256xf32, #tpu.memory_space<vmem>>) attributes {dimension_semantics = [#tpu.dimension_semantics<arbitrary>], iteration_bounds = array<i64: 20>, scalar_prefetch = 0 : i64, scratch_operands = 0 : i64, tpu.core_type = #tpu.core_type<tc>, window_params = [{transform_indices = @transform_0, window_bounds = array<i64: 512, 256>}, {pipeline_mode = #tpu.pipeline_mode<synchronous>, transform_indices = @transform_1, window_bounds = array<i64: 256, 256>}, {transform_indices = @transform_2, window_bounds = array<i64: 512, 256>}]} {
    %get3A = arith.constant 0 : index
    %get3A_0 = arith.constant 0 : index
    %get3A_1 = vector.load %arg1[%get3A, %get3A_0] : memref<512x256xf32, #tpu.memory_space<vmem>>, vector<512x256xf32>
    %get3A_2 = arith.constant 0 : index
    %get3A_3 = arith.constant 0 : index
    %get3A_4 = vector.load %arg2[%get3A_2, %get3A_3] : memref<256x256xf32, #tpu.memory_space<vmem>>, vector<256x256xf32>
    %dot_general3A = arith.constant dense<0.000000e+00> : vector<512x256xf32>
    %dot_general3A_5 = tpu.matmul %get3A_1, %get3A_4, %dot_general3A {dimension_numbers = #tpu.dot_dimension_numbers<[1], [0], [0], [1], [0, 0, 1, 1], [], []>, transpose_lhs_hint = false} : vector<512x256xf32>, vector<256x256xf32>, vector<512x256xf32> -> vector<512x256xf32>
    %swap3A = arith.constant 0 : index
    %swap3A_6 = arith.constant 0 : index
    %swap3A_7 = vector.load %arg3[%swap3A, %swap3A_6] : memref<512x256xf32, #tpu.memory_space<vmem>>, vector<512x256xf32>
    tpu.vector_store %arg3[%swap3A, %swap3A_6], %dot_general3A_5 {strides = array<i32>} : memref<512x256xf32, #tpu.memory_space<vmem>>, vector<512x256xf32>,
    return
  }
  func.func @transform_0(%arg0: i32) -> (i32, i32) {
    %c0_i32 = arith.constant 0 : i32
    %c0_i32_0 = arith.constant 0 : i32
    return %arg0, %c0_i32 : i32, i32
  }
  func.func @transform_1(%arg0: i32) -> (i32, i32) {
    %c0_i32 = arith.constant 0 : i32
    %c0_i32_0 = arith.constant 0 : i32
    %c0_i32_1 = arith.constant 0 : i32
    return %c0_i32, %c0_i32_0 : i32, i32
  }
  func.func @transform_2(%arg0: i32) -> (i32, i32) {
    %c0_i32 = arith.constant 0 : i32
    %c0_i32_0 = arith.constant 0 : i32
    return %arg0, %c0_i32 : i32, i32
  }
}

module attributes {stable_mosaic.version = 14 : i64} {
  func.func @_scale_body(%arg0: i32, %arg1: memref<512x256xf32, #tpu.memory_space<vmem>>, %arg2: memref<512x128xf32, #tpu.memory_space<vmem>>, %arg3: memref<512x128xf32, #tpu.memory_space<vmem>>, %arg4: memref<512x128xf32, #tpu.memory_space<vmem>>, %arg5: memref<512x128xf32, #tpu.memory_space<vmem>>, %arg6: memref<512x16xf32, #tpu.memory_space<vmem>>) attributes {dimension_semantics = [#tpu.dimension_semantics<arbitrary>], iteration_bounds = array<i64: 20>, scalar_prefetch = 0 : i64, scratch_operands = 0 : i64, tpu.core_type = #tpu.core_type<tc>, window_params = [{transform_indices = @transform_0, window_bounds = array<i64: 512, 256>}, {transform_indices = @transform_1, window_bounds = array<i64: 512, 128>}, {transform_indices = @transform_2, window_bounds = array<i64: 512, 128>}, {transform_indices = @transform_3, window_bounds = array<i64: 512, 128>}, {transform_indices = @transform_4, window_bounds = array<i64: 512, 128>}, {transform_indices = @transform_5, window_bounds = array<i64: 512, 16>}]} {
    %get3A = arith.constant 0 : index
    %get3A_0 = arith.constant 0 : index
    %get3A_1 = vector.load %arg2[%get3A, %get3A_0] : memref<512x128xf32, #tpu.memory_space<vmem>>, vector<512x128xf32>
    %slice3A = vector.extract_strided_slice %get3A_1 {offsets = [0, 0], sizes = [512, 1], strides = [1, 1]} : vector<512x128xf32> to vector<512x1xf32>
    %get3A_2 = arith.constant 0 : index
    %get3A_3 = arith.constant 0 : index
    %get3A_4 = vector.load %arg3[%get3A_2, %get3A_3] : memref<512x128xf32, #tpu.memory_space<vmem>>, vector<512x128xf32>
    %slice3A_5 = vector.extract_strided_slice %get3A_4 {offsets = [0, 0], sizes = [512, 1], strides = [1, 1]} : vector<512x128xf32> to vector<512x1xf32>
    %add3A = arith.addf %slice3A, %slice3A_5 : vector<512x1xf32>
    %add3A_6 = arith.constant 1.000000e+00 : f32
    %add3A_7 = vector.broadcast %add3A_6 : f32 to vector<512x1xf32>
    %add3A_8 = arith.addf %add3A, %add3A_7 : vector<512x1xf32>
    %rsqrt3A = math.rsqrt %add3A_8 : vector<512x1xf32>
    %get3A_9 = arith.constant 0 : index
    %get3A_10 = arith.constant 0 : index
    %get3A_11 = vector.load %arg1[%get3A_9, %get3A_10] : memref<512x256xf32, #tpu.memory_space<vmem>>, vector<512x256xf32>
    %mul3A = vector.broadcast %rsqrt3A : vector<512x1xf32> to vector<512x256xf32>
    %mul3A_12 = arith.mulf %get3A_11, %mul3A : vector<512x256xf32>
    %slice3A_13 = vector.extract_strided_slice %mul3A_12 {offsets = [0, 0], sizes = [512, 128], strides = [1, 1]} : vector<512x256xf32> to vector<512x128xf32>
    %swap3A = arith.constant 0 : index
    %swap3A_14 = arith.constant 0 : index
    %swap3A_15 = vector.load %arg4[%swap3A, %swap3A_14] : memref<512x128xf32, #tpu.memory_space<vmem>>, vector<512x128xf32>
    tpu.vector_store %arg4[%swap3A, %swap3A_14], %slice3A_13 {strides = array<i32>} : memref<512x128xf32, #tpu.memory_space<vmem>>, vector<512x128xf32>,
    %slice3A_16 = vector.extract_strided_slice %mul3A_12 {offsets = [0, 128], sizes = [512, 128], strides = [1, 1]} : vector<512x256xf32> to vector<512x128xf32>
    %swap3A_17 = arith.constant 0 : index
    %swap3A_18 = arith.constant 0 : index
    %swap3A_19 = vector.load %arg5[%swap3A_17, %swap3A_18] : memref<512x128xf32, #tpu.memory_space<vmem>>, vector<512x128xf32>
    tpu.vector_store %arg5[%swap3A_17, %swap3A_18], %slice3A_16 {strides = array<i32>} : memref<512x128xf32, #tpu.memory_space<vmem>>, vector<512x128xf32>,
    %broadcast_in_dim3A = vector.shape_cast %rsqrt3A : vector<512x1xf32> to vector<512x1xf32>
    %broadcast_in_dim3A_20 = vector.broadcast %broadcast_in_dim3A : vector<512x1xf32> to vector<512x16xf32>
    %swap3A_21 = arith.constant 0 : index
    %swap3A_22 = arith.constant 0 : index
    %swap3A_23 = vector.load %arg6[%swap3A_21, %swap3A_22] : memref<512x16xf32, #tpu.memory_space<vmem>>, vector<512x16xf32>
    tpu.vector_store %arg6[%swap3A_21, %swap3A_22], %broadcast_in_dim3A_20 {strides = array<i32>} : memref<512x16xf32, #tpu.memory_space<vmem>>, vector<512x16xf32>,
    return
  }
  func.func @transform_0(%arg0: i32) -> (i32, i32) {
    %c0_i32 = arith.constant 0 : i32
    %c0_i32_0 = arith.constant 0 : i32
    return %arg0, %c0_i32 : i32, i32
  }
  func.func @transform_1(%arg0: i32) -> (i32, i32) {
    %c0_i32 = arith.constant 0 : i32
    %c0_i32_0 = arith.constant 0 : i32
    return %arg0, %c0_i32 : i32, i32
  }
  func.func @transform_2(%arg0: i32) -> (i32, i32) {
    %c0_i32 = arith.constant 0 : i32
    %c0_i32_0 = arith.constant 0 : i32
    return %arg0, %c0_i32 : i32, i32
  }
  func.func @transform_3(%arg0: i32) -> (i32, i32) {
    %c0_i32 = arith.constant 0 : i32
    %c0_i32_0 = arith.constant 0 : i32
    return %arg0, %c0_i32 : i32, i32
  }
  func.func @transform_4(%arg0: i32) -> (i32, i32) {
    %c0_i32 = arith.constant 0 : i32
    %c0_i32_0 = arith.constant 0 : i32
    return %arg0, %c0_i32 : i32, i32
  }
  func.func @transform_5(%arg0: i32) -> (i32, i32) {
    %c0_i32 = arith.constant 0 : i32
    %c0_i32_0 = arith.constant 0 : i32
    return %arg0, %c0_i32 : i32, i32
  }
}

module attributes {stable_mosaic.version = 14 : i64} {
  func.func @_layer2_body(%arg0: i32, %arg1: memref<512x128xf32, #tpu.memory_space<vmem>>, %arg2: memref<512x128xf32, #tpu.memory_space<vmem>>, %arg3: memref<512x128xf32, #tpu.memory_space<vmem>>, %arg4: memref<512x128xf32, #tpu.memory_space<vmem>>, %arg5: memref<512x16xf32, #tpu.memory_space<vmem>>, %arg6: memref<1x256xf32, #tpu.memory_space<vmem>>, %arg7: memref<256x256xf32, #tpu.memory_space<vmem>>, %arg8: memref<512x128xf32, #tpu.memory_space<vmem>>, %arg9: memref<512x128xf32, #tpu.memory_space<vmem>>) attributes {dimension_semantics = [#tpu.dimension_semantics<arbitrary>], iteration_bounds = array<i64: 20>, scalar_prefetch = 0 : i64, scratch_operands = 0 : i64, tpu.core_type = #tpu.core_type<tc>, window_params = [{transform_indices = @transform_0, window_bounds = array<i64: 512, 128>}, {transform_indices = @transform_1, window_bounds = array<i64: 512, 128>}, {transform_indices = @transform_2, window_bounds = array<i64: 512, 128>}, {transform_indices = @transform_3, window_bounds = array<i64: 512, 128>}, {transform_indices = @transform_4, window_bounds = array<i64: 512, 16>}, {pipeline_mode = #tpu.pipeline_mode<synchronous>, transform_indices = @transform_5, window_bounds = array<i64: 1, 256>}, {pipeline_mode = #tpu.pipeline_mode<synchronous>, transform_indices = @transform_6, window_bounds = array<i64: 256, 256>}, {transform_indices = @transform_7, window_bounds = array<i64: 512, 128>}, {transform_indices = @transform_8, window_bounds = array<i64: 512, 128>}]} {
    %get3A = arith.constant 0 : index
    %get3A_0 = arith.constant 0 : index
    %get3A_1 = vector.load %arg5[%get3A, %get3A_0] : memref<512x16xf32, #tpu.memory_space<vmem>>, vector<512x16xf32>
    %slice3A = vector.extract_strided_slice %get3A_1 {offsets = [0, 0], sizes = [512, 1], strides = [1, 1]} : vector<512x16xf32> to vector<512x1xf32>
    %get3A_2 = arith.constant 0 : index
    %get3A_3 = arith.constant 0 : index
    %get3A_4 = vector.load %arg1[%get3A_2, %get3A_3] : memref<512x128xf32, #tpu.memory_space<vmem>>, vector<512x128xf32>
    %get3A_5 = arith.constant 0 : index
    %get3A_6 = arith.constant 0 : index
    %get3A_7 = vector.load %arg3[%get3A_5, %get3A_6] : memref<512x128xf32, #tpu.memory_space<vmem>>, vector<512x128xf32>
    %add3A = arith.addf %get3A_4, %get3A_7 : vector<512x128xf32>
    %get3A_8 = arith.constant 0 : index
    %get3A_9 = arith.constant 0 : index
    %get3A_10 = vector.load %arg2[%get3A_8, %get3A_9] : memref<512x128xf32, #tpu.memory_space<vmem>>, vector<512x128xf32>
    %get3A_11 = arith.constant 0 : index
    %get3A_12 = arith.constant 0 : index
    %get3A_13 = vector.load %arg4[%get3A_11, %get3A_12] : memref<512x128xf32, #tpu.memory_space<vmem>>, vector<512x128xf32>
    %add3A_14 = arith.addf %get3A_10, %get3A_13 : vector<512x128xf32>
    %concatenate3A = tpu.concatenate %add3A, %add3A_14 in 1 : vector<512x128xf32>, vector<512x128xf32> -> vector<512x256xf32>
    %mul3A = vector.broadcast %slice3A : vector<512x1xf32> to vector<512x256xf32>
    %mul3A_15 = arith.mulf %concatenate3A, %mul3A : vector<512x256xf32>
    %get3A_16 = arith.constant 0 : index
    %get3A_17 = arith.constant 0 : index
    %get3A_18 = vector.load %arg6[%get3A_16, %get3A_17] : memref<1x256xf32, #tpu.memory_space<vmem>>, vector<1x256xf32>
    %add3A_19 = vector.broadcast %get3A_18 : vector<1x256xf32> to vector<512x256xf32>
    %add3A_20 = arith.addf %mul3A_15, %add3A_19 : vector<512x256xf32>
    %max3A = arith.constant 0.000000e+00 : f32
    %max3A_21 = vector.broadcast %max3A : f32 to vector<512x256xf32>
    %max3A_22 = arith.maximumf %add3A_20, %max3A_21 : vector<512x256xf32>
    %get3A_23 = arith.constant 0 : index
    %get3A_24 = arith.constant 0 : index
    %get3A_25 = vector.load %arg7[%get3A_23, %get3A_24] : memref<256x256xf32, #tpu.memory_space<vmem>>, vector<256x256xf32>
    %dot_general3A = arith.constant dense<0.000000e+00> : vector<512x256xf32>
    %dot_general3A_26 = tpu.matmul %max3A_22, %get3A_25, %dot_general3A {dimension_numbers = #tpu.dot_dimension_numbers<[1], [0], [0], [1], [0, 0, 1, 1], [], []>, transpose_lhs_hint = false} : vector<512x256xf32>, vector<256x256xf32>, vector<512x256xf32> -> vector<512x256xf32>
    %mul3A_27 = vector.broadcast %slice3A : vector<512x1xf32> to vector<512x256xf32>
    %mul3A_28 = arith.mulf %dot_general3A_26, %mul3A_27 : vector<512x256xf32>
    %slice3A_29 = vector.extract_strided_slice %mul3A_28 {offsets = [0, 0], sizes = [512, 128], strides = [1, 1]} : vector<512x256xf32> to vector<512x128xf32>
    %swap3A = arith.constant 0 : index
    %swap3A_30 = arith.constant 0 : index
    %swap3A_31 = vector.load %arg8[%swap3A, %swap3A_30] : memref<512x128xf32, #tpu.memory_space<vmem>>, vector<512x128xf32>
    tpu.vector_store %arg8[%swap3A, %swap3A_30], %slice3A_29 {strides = array<i32>} : memref<512x128xf32, #tpu.memory_space<vmem>>, vector<512x128xf32>,
    %slice3A_32 = vector.extract_strided_slice %mul3A_28 {offsets = [0, 128], sizes = [512, 128], strides = [1, 1]} : vector<512x256xf32> to vector<512x128xf32>
    %swap3A_33 = arith.constant 0 : index
    %swap3A_34 = arith.constant 0 : index
    %swap3A_35 = vector.load %arg9[%swap3A_33, %swap3A_34] : memref<512x128xf32, #tpu.memory_space<vmem>>, vector<512x128xf32>
    tpu.vector_store %arg9[%swap3A_33, %swap3A_34], %slice3A_32 {strides = array<i32>} : memref<512x128xf32, #tpu.memory_space<vmem>>, vector<512x128xf32>,
    return
  }
  func.func @transform_0(%arg0: i32) -> (i32, i32) {
    %c0_i32 = arith.constant 0 : i32
    %c0_i32_0 = arith.constant 0 : i32
    return %arg0, %c0_i32 : i32, i32
  }
  func.func @transform_1(%arg0: i32) -> (i32, i32) {
    %c0_i32 = arith.constant 0 : i32
    %c0_i32_0 = arith.constant 0 : i32
    return %arg0, %c0_i32 : i32, i32
  }
  func.func @transform_2(%arg0: i32) -> (i32, i32) {
    %c0_i32 = arith.constant 0 : i32
    %c0_i32_0 = arith.constant 0 : i32
    return %arg0, %c0_i32 : i32, i32
  }
  func.func @transform_3(%arg0: i32) -> (i32, i32) {
    %c0_i32 = arith.constant 0 : i32
    %c0_i32_0 = arith.constant 0 : i32
    return %arg0, %c0_i32 : i32, i32
  }
  func.func @transform_4(%arg0: i32) -> (i32, i32) {
    %c0_i32 = arith.constant 0 : i32
    %c0_i32_0 = arith.constant 0 : i32
    return %arg0, %c0_i32 : i32, i32
  }
  func.func @transform_5(%arg0: i32) -> (i32, i32) {
    %c0_i32 = arith.constant 0 : i32
    %c0_i32_0 = arith.constant 0 : i32
    %c0_i32_1 = arith.constant 0 : i32
    return %c0_i32, %c0_i32_0 : i32, i32
  }
  func.func @transform_6(%arg0: i32) -> (i32, i32) {
    %c0_i32 = arith.constant 0 : i32
    %c0_i32_0 = arith.constant 0 : i32
    %c0_i32_1 = arith.constant 0 : i32
    return %c0_i32, %c0_i32_0 : i32, i32
  }
  func.func @transform_7(%arg0: i32) -> (i32, i32) {
    %c0_i32 = arith.constant 0 : i32
    %c0_i32_0 = arith.constant 0 : i32
    return %arg0, %c0_i32 : i32, i32
  }
  func.func @transform_8(%arg0: i32) -> (i32, i32) {
    %c0_i32 = arith.constant 0 : i32
    %c0_i32_0 = arith.constant 0 : i32
    return %arg0, %c0_i32 : i32, i32
  }
}

module attributes {stable_mosaic.version = 14 : i64} {
  func.func @_final_body(%arg0: i32, %arg1: memref<512x128xf32, #tpu.memory_space<vmem>>, %arg2: memref<512x128xf32, #tpu.memory_space<vmem>>, %arg3: memref<512x128xf32, #tpu.memory_space<vmem>>, %arg4: memref<512x128xf32, #tpu.memory_space<vmem>>, %arg5: memref<512x16xf32, #tpu.memory_space<vmem>>, %arg6: memref<1x256xf32, #tpu.memory_space<vmem>>, %arg7: memref<512x256xf32, #tpu.memory_space<vmem>>) attributes {dimension_semantics = [#tpu.dimension_semantics<arbitrary>], iteration_bounds = array<i64: 20>, scalar_prefetch = 0 : i64, scratch_operands = 0 : i64, tpu.core_type = #tpu.core_type<tc>, window_params = [{transform_indices = @transform_0, window_bounds = array<i64: 512, 128>}, {transform_indices = @transform_1, window_bounds = array<i64: 512, 128>}, {transform_indices = @transform_2, window_bounds = array<i64: 512, 128>}, {transform_indices = @transform_3, window_bounds = array<i64: 512, 128>}, {transform_indices = @transform_4, window_bounds = array<i64: 512, 16>}, {pipeline_mode = #tpu.pipeline_mode<synchronous>, transform_indices = @transform_5, window_bounds = array<i64: 1, 256>}, {transform_indices = @transform_6, window_bounds = array<i64: 512, 256>}]} {
    %get3A = arith.constant 0 : index
    %get3A_0 = arith.constant 0 : index
    %get3A_1 = vector.load %arg5[%get3A, %get3A_0] : memref<512x16xf32, #tpu.memory_space<vmem>>, vector<512x16xf32>
    %slice3A = vector.extract_strided_slice %get3A_1 {offsets = [0, 0], sizes = [512, 1], strides = [1, 1]} : vector<512x16xf32> to vector<512x1xf32>
    %get3A_2 = arith.constant 0 : index
    %get3A_3 = arith.constant 0 : index
    %get3A_4 = vector.load %arg1[%get3A_2, %get3A_3] : memref<512x128xf32, #tpu.memory_space<vmem>>, vector<512x128xf32>
    %get3A_5 = arith.constant 0 : index
    %get3A_6 = arith.constant 0 : index
    %get3A_7 = vector.load %arg3[%get3A_5, %get3A_6] : memref<512x128xf32, #tpu.memory_space<vmem>>, vector<512x128xf32>
    %add3A = arith.addf %get3A_4, %get3A_7 : vector<512x128xf32>
    %get3A_8 = arith.constant 0 : index
    %get3A_9 = arith.constant 0 : index
    %get3A_10 = vector.load %arg2[%get3A_8, %get3A_9] : memref<512x128xf32, #tpu.memory_space<vmem>>, vector<512x128xf32>
    %get3A_11 = arith.constant 0 : index
    %get3A_12 = arith.constant 0 : index
    %get3A_13 = vector.load %arg4[%get3A_11, %get3A_12] : memref<512x128xf32, #tpu.memory_space<vmem>>, vector<512x128xf32>
    %add3A_14 = arith.addf %get3A_10, %get3A_13 : vector<512x128xf32>
    %concatenate3A = tpu.concatenate %add3A, %add3A_14 in 1 : vector<512x128xf32>, vector<512x128xf32> -> vector<512x256xf32>
    %mul3A = vector.broadcast %slice3A : vector<512x1xf32> to vector<512x256xf32>
    %mul3A_15 = arith.mulf %concatenate3A, %mul3A : vector<512x256xf32>
    %get3A_16 = arith.constant 0 : index
    %get3A_17 = arith.constant 0 : index
    %get3A_18 = vector.load %arg6[%get3A_16, %get3A_17] : memref<1x256xf32, #tpu.memory_space<vmem>>, vector<1x256xf32>
    %add3A_19 = vector.broadcast %get3A_18 : vector<1x256xf32> to vector<512x256xf32>
    %add3A_20 = arith.addf %mul3A_15, %add3A_19 : vector<512x256xf32>
    %swap3A = arith.constant 0 : index
    %swap3A_21 = arith.constant 0 : index
    %swap3A_22 = vector.load %arg7[%swap3A, %swap3A_21] : memref<512x256xf32, #tpu.memory_space<vmem>>, vector<512x256xf32>
    tpu.vector_store %arg7[%swap3A, %swap3A_21], %add3A_20 {strides = array<i32>} : memref<512x256xf32, #tpu.memory_space<vmem>>, vector<512x256xf32>,
    return
  }
  func.func @transform_0(%arg0: i32) -> (i32, i32) {
    %c0_i32 = arith.constant 0 : i32
    %c0_i32_0 = arith.constant 0 : i32
    return %arg0, %c0_i32 : i32, i32
  }
  func.func @transform_1(%arg0: i32) -> (i32, i32) {
    %c0_i32 = arith.constant 0 : i32
    %c0_i32_0 = arith.constant 0 : i32
    return %arg0, %c0_i32 : i32, i32
  }
  func.func @transform_2(%arg0: i32) -> (i32, i32) {
    %c0_i32 = arith.constant 0 : i32
    %c0_i32_0 = arith.constant 0 : i32
    return %arg0, %c0_i32 : i32, i32
  }
  func.func @transform_3(%arg0: i32) -> (i32, i32) {
    %c0_i32 = arith.constant 0 : i32
    %c0_i32_0 = arith.constant 0 : i32
    return %arg0, %c0_i32 : i32, i32
  }
  func.func @transform_4(%arg0: i32) -> (i32, i32) {
    %c0_i32 = arith.constant 0 : i32
    %c0_i32_0 = arith.constant 0 : i32
    return %arg0, %c0_i32 : i32, i32
  }
  func.func @transform_5(%arg0: i32) -> (i32, i32) {
    %c0_i32 = arith.constant 0 : i32
    %c0_i32_0 = arith.constant 0 : i32
    %c0_i32_1 = arith.constant 0 : i32
    return %c0_i32, %c0_i32_0 : i32, i32
  }
  func.func @transform_6(%arg0: i32) -> (i32, i32) {
    %c0_i32 = arith.constant 0 : i32
    %c0_i32_0 = arith.constant 0 : i32
    return %arg0, %c0_i32 : i32, i32
  }
}

</mosaic_0001>

<sc_bundles>
// kernel: gcn_sc_agg.11.cloned.1.call-start
scs
__scs_entry_jumppad:
0x0: {  	(pc) =	sbr.rel $0x88, $3  }
0x1: {  	(tag) =	ssettag $0x0;
	lr =	simm.s32 $0x1  }
0x2: {  	[smem:$0x3F9B] =	sst lr;
	_ =	strace $0xD0000000  }
0x3: {  	_ = 	snop  }
0x4: {  	_ = 	snop  }
0x5: {  	_ = 	snop  }
0x6: {  	_ = 	snop  }
0x7: {  	_ = 	snop  }
__scs_overlays_trampoline_lowered:
0x8: {  	[smem:$0x3FAA] =	sst s0  }
0x9: {  	[smem:$0x3FAB] =	sst s1  }
0xa: {  	[smem:$0x3FAC] =	sst s2  }
0xb: {  	[smem:$0x3FAD] =	sst s3  }
0xc: {  	[smem:$0x3FAE] =	sst s4  }
0xd: {  	[smem:$0x3FAF] =	sst s5  }
0xe: {  	[smem:$0x3FB0] =	sst s6  }
0xf: {  	[smem:$0x3FB1] =	sst s7  }
0x10: {  	[smem:$0x3FB2] =	sst s8  }
0x11: {  	[smem:$0x3FB3] =	sst s9;
	s0 =	simm.s32 @!p0 $0x0  }
0x12: {  	s1 =	sld [smem:$0x3F99];
	s0 =	simm.s32 @p0 $0x1  }
0x13: {  	[smem:$0x3FB4] =	sst s0;
	s0 =	simm.s32 @!p1 $0x0  }
0x14: {  	s2 =	sld [smem:$0x3F98];
	s0 =	simm.s32 @p1 $0x1  }
0x15: {  	[smem:$0x3FB5] =	sst s0;
	s0 =	simm.s32 @!p2 $0x0  }
0x16: {  	s3 =	sld [smem:$0x3FDB];
	s0 =	simm.s32 @p2 $0x1  }
0x17: {  	s4 =	simm.s32 $0x1BF5;
	[smem:$0x3FB7] =	sst s0  }
0x18: {  	s0 =	sld [smem:$0x3F9A];
	_ =	swait.ge [sflag:s4], $0x0  }
0x19: {  	s7 =	sld [smem:$0x3F9B]  }
0x1a: {  	s8 =	sadd.s32 $0xFFFFE003, lr  }
0x1b: {  	s9 =	sadd.s32 $0xFFFFFEF7, lr;
	s5 =	simm.s32 $0xFFFFFFFF;
	p2 =	slt.u32 s8, $0xFFFFF086  }
0x1c: {  	p1 =	slt.u32 s9, $0xF7A;
	s5 =	simm.s32 @!p2 $0x0  }
0x1d: {  	s5 =	simm.s32 @p1 $0x1;
	p0 =	seq.s32 s7, s2  }
0x1e: {  	s7 =	smul.u32 @!p0 $0xF7A, s2;
	p2 =	seq.s32 @!p0 s5, $0x0  }
0x1f: {  	s9 =	smul.u32 $0xF7A, s1;
	s8 =	simm.s32 @!p0 $0x1BF5;
	p2 =	por !p2, p0  }
0x20: {  	[sflag:s8] =	ssyncset.s32 @!p0 $0xFFFFF086;
	s6 =	sadd.s32 @!p0 s3, s7;
	s7 =	simm.s32 @!p0 $0x108  }
0x21: {  	s3 =	sadd.s32 s3, s9;
	s6 =	sadd.s32 @!p0 $0x88, s6;
	s7 =	simm.s32 @p2 $0x1082  }
0x22: {  	[simem:s7], [sflag:s8] =	dma.local @!p0 [hbm:s6], $0xF7A  }
0x23: {  	s9 =	sor.u32 $0xD0000000, s2;
	s6 =	simm.s32 $0x108;
	_ =	swait.ge @!p0 [sflag:s8], $0x0  }
0x24: {  	s3 =	sadd.s32 $0x88, s3;
	s6 =	simm.s32 @!p1 $0x1082;
	[sflag:s4] =	ssyncset.s32 $0xFFFFF086  }
0x25: {  	[simem:s6], [sflag:s4] =	dma.local [hbm:s3], $0xF7A  }
0x26: {  	[smem:$0x3F9B] =	sst s1;
	(tag) =	ssettag s2;
	_ =	strace s9  }
0x27: {  	s1 =	sld [smem:$0x3FAB]  }
0x28: {  	s2 =	sld [smem:$0x3FAC]  }
0x29: {  	s4 =	sld [smem:$0x3FAE]  }
0x2a: {  	p0 =	seq.s32 s5, $0x0;
	s5 =	sld [smem:$0x3FAF]  }
0x2b: {  	s6 =	sld [smem:$0x3FB0]  }
0x2c: {  	s7 =	sld [smem:$0x3FB1]  }
0x2d: {  	s3 =	simm.s32 $0x108;
	s8 =	sld [smem:$0x3FB2]  }
0x2e: {  	s3 =	simm.s32 @!p0 $0x1082;
	s9 =	sld [smem:$0x3FB3]  }
0x2f: {  	lr =	sadd.s32 s0, s3;
	s0 =	sld [smem:$0x3FAA]  }
0x30: {  	s3 =	sld [smem:$0x3FAD]  }
0x31: {  	[smem:$0x3FB6] =	sst s10  }
0x32: {  	s10 =	sld [smem:$0x3FB4];
	_ =	sdelay $0x3  }
0x33: {  	p0 =	seq.s32 s10, $0x1;
	s10 =	sld [smem:$0x3FB6];
	_ =	sdelay $0x3  }
0x34: {  	[smem:$0x3FB6] =	sst s10  }
0x35: {  	s10 =	sld [smem:$0x3FB5];
	_ =	sdelay $0x3  }
0x36: {  	p1 =	seq.s32 s10, $0x1;
	s10 =	sld [smem:$0x3FB6];
	_ =	sdelay $0x3  }
0x37: {  	[smem:$0x3FB6] =	sst s10  }
0x38: {  	s10 =	sld [smem:$0x3FB7]  }
0x39: {  	_ = 	snop;
	(pc) =	sbr.ind lr, $3  }
0x3a: {  	_ = 	snop  }
0x3b: {  	_ = 	snop  }
0x3c: {  	p2 =	seq.s32 s10, $0x1;
	s10 =	sld [smem:$0x3FB6]  }
0x3d: {  	_ =	shalt  }
0x3e: {  	_ =	shalt  }
0x3f: {  	_ =	shalt  }
0x40: {  	_ =	shalt  }
0x41: {  	_ =	shalt  }
0x42: {  	_ =	shalt  }
0x43: {  	_ =	shalt  }
0x44: {  	_ =	shalt  }
0x45: {  	_ =	shalt  }
0x46: {  	_ =	shalt  }
0x47: {  	_ =	shalt  }
0x48: {  	_ =	shalt  }
0x49: {  	_ =	shalt  }
0x4a: {  	_ =	shalt  }
0x4b: {  	_ =	shalt  }
0x4c: {  	_ =	shalt  }
0x4d: {  	_ =	shalt  }
0x4e: {  	_ =	shalt  }
0x4f: {  	_ =	shalt  }
0x50: {  	_ =	shalt  }
0x51: {  	_ =	shalt  }
0x52: {  	_ =	shalt  }
0x53: {  	_ =	shalt  }
0x54: {  	_ =	shalt  }
0x55: {  	_ =	shalt  }
0x56: {  	_ =	shalt  }
0x57: {  	_ =	shalt  }
0x58: {  	_ =	shalt  }
0x59: {  	_ =	shalt  }
0x5a: {  	_ =	shalt  }
0x5b: {  	_ =	shalt  }
0x5c: {  	_ =	shalt  }
0x5d: {  	_ =	shalt  }
0x5e: {  	_ =	shalt  }
0x5f: {  	_ =	shalt  }
0x60: {  	_ =	shalt  }
0x61: {  	_ =	shalt  }
0x62: {  	_ =	shalt  }
0x63: {  	_ =	shalt  }
0x64: {  	_ =	shalt  }
0x65: {  	_ =	shalt  }
0x66: {  	_ =	shalt  }
0x67: {  	_ =	shalt  }
0x68: {  	_ =	shalt  }
0x69: {  	_ =	shalt  }
0x6a: {  	_ =	shalt  }
0x6b: {  	_ =	shalt  }
0x6c: {  	_ =	shalt  }
0x6d: {  	_ =	shalt  }
0x6e: {  	_ =	shalt  }
0x6f: {  	_ =	shalt  }
0x70: {  	_ =	shalt  }
0x71: {  	_ =	shalt  }
0x72: {  	_ =	shalt  }
0x73: {  	_ =	shalt  }
0x74: {  	_ =	shalt  }
0x75: {  	_ =	shalt  }
0x76: {  	_ =	shalt  }
0x77: {  	_ =	shalt  }
0x78: {  	_ =	shalt  }
0x79: {  	_ =	shalt  }
0x7a: {  	_ =	shalt  }
0x7b: {  	_ =	shalt  }
0x7c: {  	_ =	shalt  }
0x7d: {  	_ =	shalt  }
0x7e: {  	_ =	shalt  }
0x7f: {  	_ =	shalt  }
0x80: {  	_ =	shalt  }
0x81: {  	_ =	shalt  }
0x82: {  	_ =	shalt  }
0x83: {  	_ =	shalt  }
0x84: {  	_ =	shalt  }
0x85: {  	_ =	shalt  }
0x86: {  	_ =	shalt  }
0x87: {  	_ =	shalt  }
.Lfunc_end0:
.L_simem_size_0:
called_computation.2_lowered:
.L_overlay_start_0:
0x88: {  	s2 =	sld [smem:$0x3FD9]  }
0x89: {  	s3 =	sld [smem:$0x3FFE];
	_ =	sdelay $0x1  }
0x8a: {  	s1 =	srdreg.scid  }
0x8b: {  	s0 =	sand.u32 $0x1, s1  }
0x8c: {  	s17 =	sshll.u32 s0, $0xA;
	s2 =	sadd.s32 s3, s2  }
0x8d: {  	s2 =	sadd.s32 s2, s17  }
0x8e: {  	[smem:$0x3FC2] =	sst s2  }
0x8f: {  	_ = 	snop  }
0x90: {  	s2 =	sld [smem:$0x3FD0];
	(tm) =	ssettm $0x1  }
0x91: {  	s18 =	sld [smem:$0x3FFB];
	_ =	sdelay $0x3  }
0x92: {  	_ =	strace s18  }
0x93: {  	s3 =	sld [smem:$0x3FFC];
	_ =	sdelay $0x3  }
0x94: {  	_ =	strace s3  }
0x95: {  	s3 =	sld [smem:$0x3FFD];
	_ =	sdelay $0x3  }
0x96: {  	_ =	strace s3  }
0x97: {  	_ =	strace $0x8FFFFFFF  }
0x98: {  	s19 =	sld [smem:$0x3FDB];
	_ =	sdelay $0x1  }
0x99: {  	s4 =	simm.s32 $_scs_section_size  }
0x9a: {  	s5 =	simm.s32 $_size__tile_overlayer_lowered;
	s6 =	simm.s32 $_tile_overlayer_lowered  }
0x9b: {  	s22 =	simm.s32 $0x1BFF;
	s21 =	sshll.u32 s6, $0x1;
	s3 =	sadd.s32 s4, s19  }
0x9c: {  	s7 =	simm.s32 $0x0;
	s20 =	sshll.u32 s5, $0x1;
	s5 =	sadd.s32 s21, s3  }
0x9d: {  	[timem:s7], [sflag:s22] =	dma.local [hbm:s5], s20  }
0x9e: {  	_ =	swait.ge [sflag:s22], s20  }
0x9f: {  	s4 =	ssub.s32 $0x0, s20;
	[sflag:s22] =	ssyncset.done $0x0  }
0xa0: {  	[sflag:s22] =	ssyncadd.s32 s4;
	_ =	sdelay $0x1  }
0xa1: {  	s23 =	simm.s32 $0x1B8B  }
0xa2: {  	_ =	swait.ge [sflag:s23], $0x1  }
0xa3: {  	[sflag:s23] =	ssyncset.done $0x0  }
0xa4: {  	s25 =	simm.s32 $0x1B8E;
	s24 =	sld [smem:$0x3FFE];
	[sflag:s23] =	ssyncadd.s32 $0xFFFFFFFF  }
0xa5: {  	s26 =	simm.s32 $execute0_lowered;
	[smem:$0x3FD2] =	sst s25  }
0xa6: {  	s5 =	sshll.u32 s26, $0x1;
	_ =	strace $0x8000004C;
	[dreg:$0x1] =	wrdreg $0xFFFFFFFF  }
0xa7: {  	s28 =	simm.s32 $_size_execute0_lowered;
	s3 =	sadd.s32 s3, s5;
	[dreg:$0x0] =	wrdreg $0x0  }
0xa8: {  	s5 =	sshll.u32 s28, $0x1;
	[dreg:$0x2] =	wrdreg s3  }
0xa9: {  	[dreg:$0x3] =	wrdreg s5  }
0xaa: {  	[dreg:$0x4] =	wrdreg $0xC0  }
0xab: {  	_ =	task [dreg:s7], $0x5FFFF  }
0xac: {  	[dreg:$0x1] =	wrdreg $0xFFFFFFFF  }
0xad: {  	[dreg:$0x0] =	wrdreg $0x60  }
0xae: {  	[dreg:$0x2] =	wrdreg s24  }
0xaf: {  	[dreg:$0x3] =	wrdreg s2  }
0xb0: {  	[dreg:$0x4] =	wrdreg $0xA8800  }
0xb1: {  	[dreg:$0x5] =	wrdreg $0x9  }
0xb2: {  	_ =	task.clear_ibuf [dreg:s7], $0x6FFFF;
	_ =	strace $0x9000004C  }
0xb3: {  	s29 =	simm.s32 $0x9;
	_ =	strace $0x8000004E  }
0xb4: {  	_ =	swait.ge [sflag:s29], $0x1  }
0xb5: {  	[sflag:s29] =	ssyncadd.s32 $0xFFFFFFFF  }
0xb6: {  	_ =	strace $0x9000004E  }
0xb7: {  	_ =	sfence  }
0xb8: {  	s30 =	sld [smem:$0x0];
	_ =	sdelay $0x2  }
0xb9: {  	s31 =	sshll.u32 s1, $0xD;
	s1 =	sshrl.u32 s1, $0x2  }
0xba: {  	s3 =	sand.u32 $0x4000, s31;
	s1 =	sadd.s32 s1, s30  }
0xbb: {  	s0 =	sor.u32 s3, s0;
	s1 =	sshll.u32 s1, $0x11  }
0xbc: {  	s0 =	sor.u32 s1, s0  }
0xbd: {  	s0 =	sadd.s32 $0x8F2B, s0  }
0xbe: {  	[sflag:s0] =	ssyncadd.remote.s32 $0x1  }
0xbf: {  	_ =	sfence.sel $0xFFFF  }
0xc0: {  	[dreg:$0x0] =	wrdreg $0xFFFFFFFF;
	(pc) =	sbr.abs _section_cstart, $3  }
0xc1: {  	[dreg:$0x1] =	wrdreg $0xFFFFFFFF  }
0xc2: {  	_ =	task.clear_ibuf [dreg:s7], $0x2FFFF;
	_ =	strace $0x9FFFFFFF  }
0xc3: {  	(tm) =	ssettm $0x7FFFFFFF  }
tec
execute0_lowered:
.L_overlay_start_1:
0x0: {  	(tag) =	ssettag $0x1  }
0x1: {  	s0 =	rddreg [dreg:$0x0]  }
0x2: {  	s2 =	rddreg [dreg:$0x1]  }
0x3: {  	s1 =	rddreg [dreg:$0x2]  }
0x4: {  	s17 =	simm.s32 $0x0;
	s18 =	stileid.u32;
	s7 =	srdreg.scid  }
0x5: {  	s22 =	simm.s32 $0x80;
	s28 =	simm.s32 $0x1380;
	s29 =	simm.s32 $0x2700  }
0x6: {  	s30 =	simm.s32 $0x2780;
	s31 =	simm.s32 $0x0;
	[smem:$0x7FF] =	sst s17  }
0x7: {  	s3 =	sadd.s32 $0x11400, s0;
	s5 =	sadd.s32 $0x38600, s0;
	s4 =	sadd.s32 $0x9A00, s0  }
0x8: {  	s13 =	sadd.s32 $0x4A00, s0;
	s6 =	sadd.s32 $0xEC00, s0;
	s14 =	smul.u32 $0x2800, s18  }
0x9: {  	s21 =	sand.u32 $0x1, s7;
	s8 =	sshll.u32 s18, $0x1;
	s9 =	smul.u32 $0x50000, s18  }
0xa: {  	s7 =	sadd.s32 $0xEA00, s0;
	s12 =	smul.u32 $0x500, s18;
	s26 =	sshll.u32 s18, $0x6  }
0xb: {  	s18 =	simm.s32 $0x3;
	_ =	strace $0x8000004D;
	s8 =	sor.u32 s21, s8  }
0xc: {  	s10 =	ssub.s32 $0x2, s21;
	p0 =	seq.s32 s21, $0x1;
	s19 =	sor.u32 $0x1C03, s26  }
0xd: {  	p1 =	sne.s32 s21, $0x0;
	s21 =	simm.s32 $0x1400;
	s26 =	simm.s32 $0x2  }
0xe: {  	s0 =	sadd.s32 s14, s0;
	s11 =	smul.u32 $0x280, s8;
	s23 =	sshrl.u32 s10, $0x1  }
0xf: {  	s9 =	sshrl.u32 s9, $0x2;
	s15 =	sshrl.u32 s14, $0x3;
	s25 =	sadd.s32 s4, s12  }
0x10: {  	s14 =	sadd.s32 s2, s14;
	p2 =	por !p0, !p0;
	s16 =	ssub.s32 s10, s23  }
.Ltmp0:
0x11: {  	s8 =	sadd.s32 s9, s1;
	[dreg:$0x5] =	wrdreg s25;
	(pc) =	sbr.rel .LBB2_1-.Ltmp0, $4  }
0x12: {  	s15 =	sadd.s32 $0x280, s15;
	s23 =	simm.s32 $0x2800;
	s25 =	simm.s32 $0x1  }
0x13: {  	s24 =	sadd.s32 s13, s11;
	s11 =	sadd.s32 s13, s12;
	s12 =	sadd.s32 s4, s15  }
0x14: {  	s13 =	sadd.s32 s13, s15;
	s15 =	sadd.s32 $0x86A00, s0;
	s16 =	smax.u32 s16, $0x1  }
0x15: {  	s20 =	sshrl.u32 s8, $0x3;
	[dreg:$0x4] =	wrdreg s24;
	s24 =	simm.s32 $0x6800  }
.LBB2_16:
0x16: {  	s2 =	sadd.s32 $0x80, s0;
	[sflag:s18] =	ssyncadd.s32 $0xFFFFC000  }
0x17: {  	[tilespmem:s24], [sflag:$0x2] =	stream.indirect.gather [hbm4b:s5+s22], $0x80, s2, s22, $0xb8;
	[tilespmem:$0x1E880] =	vst v63  }
0x18: {  	_ =	swait.ge [sflag:s25], $0x4000  }
0x19: {  	[sflag:s25] =	ssyncset.done $0x0  }
0x1a: {  	s4 =	sadd.s32 $0x1400, s0;
	[sflag:s25] =	ssyncadd.s32 $0xFFFFC000  }
0x1b: {  	[spmem:s1] =	stream.indirect.scatter.add.f32 [tilespmem:s23], [sflag:$0x3], $0x80, s4, s22, $0xb8;
	[tilespmem:$0x1E880] =	vst v63  }
0x1c: {  	_ =	swait.ge [sflag:s18], $0x4000  }
0x1d: {  	[sflag:s18] =	ssyncset.done $0x0  }
0x1e: {  	s9 =	sadd.s32 $0x100, s0;
	[sflag:s18] =	ssyncadd.s32 $0xFFFFC000  }
0x1f: {  	[tilespmem:s23], [sflag:$0x1] =	stream.indirect.gather [hbm4b:s5+s22], $0x80, s9, s22, $0xb8;
	[tilespmem:$0x1E880] =	vst v63  }
0x20: {  	_ =	swait.ge [sflag:s26], $0x4000  }
0x21: {  	[sflag:s26] =	ssyncset.done $0x0  }
0x22: {  	s10 =	sadd.s32 $0x1480, s0;
	[sflag:s26] =	ssyncadd.s32 $0xFFFFC000  }
0x23: {  	[spmem:s1] =	stream.indirect.scatter.add.f32 [tilespmem:s24], [sflag:$0x3], $0x80, s10, s22, $0xb8;
	[tilespmem:$0x1E880] =	vst v63  }
0x24: {  	_ =	swait.ge [sflag:s18], $0x4000  }
0x25: {  	[sflag:s18] =	ssyncset.done $0x0  }
0x26: {  	[sflag:s18] =	ssyncadd.s32 $0xFFFFC000  }
0x27: {  	[tilespmem:s24], [sflag:$0x2] =	stream.indirect.gather [hbm4b:s5+s22], $0x80, s28, s22, $0xb8;
	[tilespmem:$0x1E880] =	vst v63  }
0x28: {  	_ =	swait.ge [sflag:s25], $0x4000  }
0x29: {  	[sflag:s25] =	ssyncset.done $0x0  }
0x2a: {  	[sflag:s25] =	ssyncadd.s32 $0xFFFFC000  }
0x2b: {  	[spmem:s1] =	stream.indirect.scatter.add.f32 [tilespmem:s23], [sflag:$0x3], $0x80, s29, s22, $0xb8;
	[tilespmem:$0x1E880] =	vst v63  }
0x2c: {  	_ =	swait.ge [sflag:s18], $0x4000  }
0x2d: {  	[sflag:s18] =	ssyncset.done $0x0  }
0x2e: {  	[sflag:s18] =	ssyncadd.s32 $0xFFFFC000  }
0x2f: {  	_ =	swait.ge [sflag:s26], $0x4000  }
0x30: {  	[sflag:s26] =	ssyncset.done $0x0  }
0x31: {  	[sflag:s26] =	ssyncadd.s32 $0xFFFFC000  }
0x32: {  	[spmem:s1] =	stream.indirect.scatter.add.f32 [tilespmem:s24], [sflag:$0x3], $0x80, s30, s22, $0xb8;
	[tilespmem:$0x1E880] =	vst v63  }
0x33: {  	_ =	swait.ge [sflag:s18], $0x4000  }
0x34: {  	[sflag:s18] =	ssyncset.done $0x0  }
0x35: {  	[sflag:s18] =	ssyncadd.s32 $0xFFFFC000  }
.LBB2_17:
0x36: {  	[bflag:$0x0] =	sbarrier.arrive $0xFFFF;
	s0 =	sshrl.u32 @!p1 s8, $0x3  }
0x37: {  	[hbm:s14], [sflag:s19] =	dma.local @!p1 [spmem:s0], $0x2800  }
0x38: {  	s0 =	simm.s32 @!p1 $0x3  }
0x39: {  	_ =	swait.ge @!p1 [sflag:s0], $0x2800  }
0x3a: {  	s31 =	sadd.s32 $0x1, s31;
	[sflag:s0] =	ssyncset.done @!p1 $0x0  }
0x3b: {  	p3 =	sne.s32 s31, s16;
	[sflag:s0] =	ssyncadd.s32 @!p1 $0xFFFFD800;
	s0 =	sshrl.u32 @p0 s8, $0x3  }
0x3c: {  	[hbm:s15], [sflag:s19] =	dma.local @p0 [spmem:s0], $0x2800  }
.Ltmp1:
0x3d: {  	_ = 	snop;
	(pc) =	sbr.rel @!p3 .LBB2_18-.Ltmp1, $4  }
0x3e: {  	s0 =	simm.s32 @p0 $0x3  }
0x3f: {  	_ =	swait.ge @p0 [sflag:s0], $0x2800  }
0x40: {  	[sflag:s0] =	ssyncset.done @p0 $0x0  }
0x41: {  	[sflag:s0] =	ssyncadd.s32 @p0 $0xFFFFD800  }
.LBB2_1:
0x42: {  	s0 =	simm.s32 $0xA800  }
0x43: {  	[tilespmem:s0], [sflag:$0x3] =	stream.linear.gather [hbm4b:s7+s17], $0x80, $0x38;
	[tilespmem:$0x1E880] =	vst v63  }
0x44: {  	_ =	swait.ge [sflag:s18], $0x80  }
0x45: {  	[sflag:s18] =	ssyncset.done $0x0  }
0x46: {  	[sflag:s18] =	ssyncadd.s32 $0xFFFFFF80  }
0x47: {  	[spmem:s20], [sflag:s19] =	dma.local [hbm:s6], $0x2800  }
0x48: {  	_ =	swait.ge [sflag:s18], $0x2800  }
0x49: {  	[sflag:s18] =	ssyncset.done $0x0  }
0x4a: {  	[sflag:s18] =	ssyncadd.s32 $0xFFFFD800  }
0x4b: {  	[bflag:$0x0] =	sbarrier.arrive $0xFFFF  }
0x4c: {  	v0 =	vld [tilespmem:$0xA800];
	_ =	sdelay $0x4  }
0x4d: {  	(v2sf) =	vpush v0, $0x0;
	_ =	sdelay $0xe  }
0x4e: {  	s0 =	spop (v2sf)  }
0x4f: {  	p3 =	sne.s32 s0, $0x1  }
.Ltmp2:
0x50: {  	_ = 	snop;
	(pc) =	sbr.rel @!p3 .LBB2_2-.Ltmp2, $1  }
0x51: {  	_ =	sdelay $0x3  }
.Ltmp3:
0x52: {  	(pc) =	sbr.rel @p1 .LBB2_11-.Ltmp3, $1  }
0x53: {  	_ =	sdelay $0x3  }
0x54: {  	s2 =	simm.s32 $0x0;
	s4 =	rddreg [dreg:$0x5]  }
0x55: {  	[tilespmem:s2], [sflag:$0x3] =	stream.linear.gather [hbm4b:s4+s2], $0x1400, $0x38;
	[tilespmem:$0x1E880] =	vst v63  }
0x56: {  	_ =	swait.ge [sflag:s18], $0x1400  }
0x57: {  	[sflag:s18] =	ssyncset.done $0x0  }
0x58: {  	[sflag:s18] =	ssyncadd.s32 $0xFFFFEC00  }
0x59: {  	[tilespmem:s21], [sflag:$0x3] =	stream.linear.gather [hbm4b:s11+s2], $0x1400, $0x38;
	[tilespmem:$0x1E880] =	vst v63  }
0x5a: {  	_ =	swait.ge [sflag:s18], $0x1400  }
0x5b: {  	[sflag:s18] =	ssyncset.done $0x0  }
0x5c: {  	[sflag:s18] =	ssyncadd.s32 $0xFFFFEC00  }
0x5d: {  	[tilespmem:s23], [sflag:$0x1] =	stream.indirect.gather [hbm4b:s3+s22], $0x80, s2, s22, $0xb8;
	[tilespmem:$0x1E880] =	vst v63  }
0x5e: {  	s4 =	simm.s32 $0x80  }
0x5f: {  	[tilespmem:s24], [sflag:$0x2] =	stream.indirect.gather [hbm4b:s3+s22], $0x80, s4, s22, $0xb8;
	[tilespmem:$0x1E880] =	vst v63  }
0x60: {  	_ =	swait.ge [sflag:s25], $0x4000  }
0x61: {  	[sflag:s25] =	ssyncset.done $0x0  }
0x62: {  	s9 =	simm.s32 $0x1400;
	[sflag:s25] =	ssyncadd.s32 $0xFFFFC000  }
0x63: {  	[spmem:s1] =	stream.indirect.scatter.add.f32 [tilespmem:s23], [sflag:$0x3], $0x80, s9, s22, $0xb8;
	[tilespmem:$0x1E880] =	vst v63  }
0x64: {  	_ =	swait.ge [sflag:s18], $0x4000  }
0x65: {  	[sflag:s18] =	ssyncset.done $0x0  }
0x66: {  	s10 =	simm.s32 $0x100;
	[sflag:s18] =	ssyncadd.s32 $0xFFFFC000  }
0x67: {  	[tilespmem:s23], [sflag:$0x1] =	stream.indirect.gather [hbm4b:s3+s22], $0x80, s10, s22, $0xb8;
	[tilespmem:$0x1E880] =	vst v63  }
0x68: {  	_ =	swait.ge [sflag:s26], $0x4000  }
0x69: {  	[sflag:s26] =	ssyncset.done $0x0  }
0x6a: {  	s17 =	simm.s32 $0x1480;
	[sflag:s26] =	ssyncadd.s32 $0xFFFFC000  }
0x6b: {  	[spmem:s1] =	stream.indirect.scatter.add.f32 [tilespmem:s24], [sflag:$0x3], $0x80, s17, s22, $0xb8;
	[tilespmem:$0x1E880] =	vst v63  }
0x6c: {  	_ =	swait.ge [sflag:s18], $0x4000  }
0x6d: {  	s2 =	simm.s32 $0x800;
	s4 =	simm.s32 $0x100;
	[sflag:s18] =	ssyncset.done $0x0  }
.LBB2_7:
0x6e: {  	s17 =	sadd.s32 $0x80, s4  }
0x6f: {  	[sflag:s18] =	ssyncadd.s32 $0xFFFFC000;
	s9 =	smov.u32 s2;
	s10 =	sadd.s32 $0x400, s2  }
0x70: {  	[tilespmem:s24], [sflag:$0x2] =	stream.indirect.gather [hbm4b:s3+s22], $0x80, s17, s22, $0xb8;
	[tilespmem:$0x1E880] =	vst v63  }
0x71: {  	p3 =	sne.s32 s2, $0x4800;
	_ =	swait.ge [sflag:s25], $0x4000  }
0x72: {  	[sflag:s25] =	ssyncset.done $0x0  }
0x73: {  	s2 =	sadd.s32 $0x1400, s4;
	[sflag:s25] =	ssyncadd.s32 $0xFFFFC000  }
0x74: {  	[spmem:s1] =	stream.indirect.scatter.add.f32 [tilespmem:s23], [sflag:$0x3], $0x80, s2, s22, $0xb8;
	[tilespmem:$0x1E880] =	vst v63  }
0x75: {  	_ =	swait.ge [sflag:s18], $0x4000  }
0x76: {  	[sflag:s18] =	ssyncset.done $0x0  }
0x77: {  	s2 =	sadd.s32 $0x100, s4;
	[sflag:s18] =	ssyncadd.s32 $0xFFFFC000  }
0x78: {  	[tilespmem:s23], [sflag:$0x1] =	stream.indirect.gather [hbm4b:s3+s22], $0x80, s2, s22, $0xb8;
	[tilespmem:$0x1E880] =	vst v63  }
0x79: {  	_ =	swait.ge [sflag:s26], $0x4000  }
.Ltmp4:
0x7a: {  	[sflag:s26] =	ssyncset.done $0x0;
	(pc) =	sbr.rel @p3 .LBB2_7-.Ltmp4, $4  }
0x7b: {  	s2 =	sadd.s32 $0x1480, s4;
	[sflag:s26] =	ssyncadd.s32 $0xFFFFC000  }
0x7c: {  	[spmem:s1] =	stream.indirect.scatter.add.f32 [tilespmem:s24], [sflag:$0x3], $0x80, s2, s22, $0xb8;
	[tilespmem:$0x1E880] =	vst v63  }
0x7d: {  	_ =	swait.ge [sflag:s18], $0x4000  }
0x7e: {  	s4 =	sshra.s32 s9, $0x2;
	s2 =	smov.u32 s10;
	[sflag:s18] =	ssyncset.done $0x0  }
0x7f: {  	s2 =	sadd.s32 $0x80, s4;
	[sflag:s18] =	ssyncadd.s32 $0xFFFFC000  }
0x80: {  	[tilespmem:s24], [sflag:$0x2] =	stream.indirect.gather [hbm4b:s3+s22], $0x80, s2, s22, $0xb8;
	[tilespmem:$0x1E880] =	vst v63  }
0x81: {  	_ =	swait.ge [sflag:s25], $0x4000  }
0x82: {  	[sflag:s25] =	ssyncset.done $0x0  }
0x83: {  	s17 =	sadd.s32 $0x1400, s4;
	[sflag:s25] =	ssyncadd.s32 $0xFFFFC000  }
0x84: {  	[spmem:s1] =	stream.indirect.scatter.add.f32 [tilespmem:s23], [sflag:$0x3], $0x80, s17, s22, $0xb8;
	[tilespmem:$0x1E880] =	vst v63  }
0x85: {  	_ =	swait.ge [sflag:s18], $0x4000  }
0x86: {  	[sflag:s18] =	ssyncset.done $0x0  }
0x87: {  	s9 =	sadd.s32 $0x100, s4;
	[sflag:s18] =	ssyncadd.s32 $0xFFFFC000  }
0x88: {  	[tilespmem:s23], [sflag:$0x1] =	stream.indirect.gather [hbm4b:s3+s22], $0x80, s9, s22, $0xb8;
	[tilespmem:$0x1E880] =	vst v63  }
0x89: {  	_ =	swait.ge [sflag:s26], $0x4000  }
0x8a: {  	[sflag:s26] =	ssyncset.done $0x0  }
0x8b: {  	s10 =	sadd.s32 $0x1480, s4;
	[sflag:s26] =	ssyncadd.s32 $0xFFFFC000  }
0x8c: {  	[spmem:s1] =	stream.indirect.scatter.add.f32 [tilespmem:s24], [sflag:$0x3], $0x80, s10, s22, $0xb8;
	[tilespmem:$0x1E880] =	vst v63  }
0x8d: {  	_ =	swait.ge [sflag:s18], $0x4000  }
0x8e: {  	[sflag:s18] =	ssyncset.done $0x0  }
0x8f: {  	[sflag:s18] =	ssyncadd.s32 $0xFFFFC000  }
0x90: {  	[tilespmem:s24], [sflag:$0x2] =	stream.indirect.gather [hbm4b:s3+s22], $0x80, s28, s22, $0xb8;
	[tilespmem:$0x1E880] =	vst v63  }
0x91: {  	_ =	swait.ge [sflag:s25], $0x4000  }
0x92: {  	[sflag:s25] =	ssyncset.done $0x0  }
0x93: {  	[sflag:s25] =	ssyncadd.s32 $0xFFFFC000  }
0x94: {  	[spmem:s1] =	stream.indirect.scatter.add.f32 [tilespmem:s23], [sflag:$0x3], $0x80, s29, s22, $0xb8;
	[tilespmem:$0x1E880] =	vst v63  }
0x95: {  	_ =	swait.ge [sflag:s18], $0x4000  }
0x96: {  	[sflag:s18] =	ssyncset.done $0x0  }
0x97: {  	[sflag:s18] =	ssyncadd.s32 $0xFFFFC000  }
0x98: {  	_ =	swait.ge [sflag:s26], $0x4000  }
0x99: {  	[sflag:s26] =	ssyncset.done $0x0  }
0x9a: {  	[sflag:s26] =	ssyncadd.s32 $0xFFFFC000  }
0x9b: {  	[spmem:s1] =	stream.indirect.scatter.add.f32 [tilespmem:s24], [sflag:$0x3], $0x80, s30, s22, $0xb8;
	[tilespmem:$0x1E880] =	vst v63  }
0x9c: {  	_ =	swait.ge [sflag:s18], $0x4000  }
0x9d: {  	[sflag:s18] =	ssyncset.done $0x0  }
0x9e: {  	s17 =	simm.s32 $0x0;
	[sflag:s18] =	ssyncadd.s32 $0xFFFFC000  }
0x9f: {  	[tilespmem:s17], [sflag:$0x3] =	stream.linear.gather [hbm4b:s12+s17], $0x1400, $0x38;
	[tilespmem:$0x1E880] =	vst v63  }
0xa0: {  	_ =	swait.ge [sflag:s18], $0x1400  }
0xa1: {  	[sflag:s18] =	ssyncset.done $0x0  }
0xa2: {  	[sflag:s18] =	ssyncadd.s32 $0xFFFFEC00  }
0xa3: {  	[tilespmem:s21], [sflag:$0x3] =	stream.linear.gather [hbm4b:s13+s17], $0x1400, $0x38;
	[tilespmem:$0x1E880] =	vst v63  }
0xa4: {  	_ =	swait.ge [sflag:s18], $0x1400  }
0xa5: {  	[sflag:s18] =	ssyncset.done $0x0  }
0xa6: {  	[sflag:s18] =	ssyncadd.s32 $0xFFFFEC00  }
0xa7: {  	[tilespmem:s23], [sflag:$0x1] =	stream.indirect.gather [hbm4b:s3+s22], $0x80, s17, s22, $0xb8;
	[tilespmem:$0x1E880] =	vst v63  }
0xa8: {  	s4 =	simm.s32 $0x80  }
0xa9: {  	[tilespmem:s24], [sflag:$0x2] =	stream.indirect.gather [hbm4b:s3+s22], $0x80, s4, s22, $0xb8;
	[tilespmem:$0x1E880] =	vst v63  }
0xaa: {  	_ =	swait.ge [sflag:s25], $0x4000  }
0xab: {  	[sflag:s25] =	ssyncset.done $0x0  }
0xac: {  	s9 =	simm.s32 $0x1400;
	[sflag:s25] =	ssyncadd.s32 $0xFFFFC000  }
0xad: {  	[spmem:s1] =	stream.indirect.scatter.add.f32 [tilespmem:s23], [sflag:$0x3], $0x80, s9, s22, $0xb8;
	[tilespmem:$0x1E880] =	vst v63  }
0xae: {  	_ =	swait.ge [sflag:s18], $0x4000  }
0xaf: {  	[sflag:s18] =	ssyncset.done $0x0  }
0xb0: {  	s10 =	simm.s32 $0x100;
	[sflag:s18] =	ssyncadd.s32 $0xFFFFC000  }
0xb1: {  	[tilespmem:s23], [sflag:$0x1] =	stream.indirect.gather [hbm4b:s3+s22], $0x80, s10, s22, $0xb8;
	[tilespmem:$0x1E880] =	vst v63  }
0xb2: {  	_ =	swait.ge [sflag:s26], $0x4000  }
0xb3: {  	[sflag:s26] =	ssyncset.done $0x0  }
0xb4: {  	s17 =	simm.s32 $0x1480;
	[sflag:s26] =	ssyncadd.s32 $0xFFFFC000  }
0xb5: {  	[spmem:s1] =	stream.indirect.scatter.add.f32 [tilespmem:s24], [sflag:$0x3], $0x80, s17, s22, $0xb8;
	[tilespmem:$0x1E880] =	vst v63  }
0xb6: {  	_ =	swait.ge [sflag:s18], $0x4000  }
0xb7: {  	s2 =	simm.s32 $0x800;
	s4 =	simm.s32 $0x100;
	[sflag:s18] =	ssyncset.done $0x0  }
.LBB2_9:
0xb8: {  	s9 =	sadd.s32 $0x80, s4  }
0xb9: {  	[sflag:s18] =	ssyncadd.s32 $0xFFFFC000;
	s10 =	smov.u32 s2;
	s17 =	sadd.s32 $0x400, s2  }
0xba: {  	[tilespmem:s24], [sflag:$0x2] =	stream.indirect.gather [hbm4b:s3+s22], $0x80, s9, s22, $0xb8;
	[tilespmem:$0x1E880] =	vst v63  }
0xbb: {  	p3 =	sne.s32 s2, $0x4800;
	_ =	swait.ge [sflag:s25], $0x4000  }
0xbc: {  	[sflag:s25] =	ssyncset.done $0x0  }
0xbd: {  	s2 =	sadd.s32 $0x1400, s4;
	[sflag:s25] =	ssyncadd.s32 $0xFFFFC000  }
0xbe: {  	[spmem:s1] =	stream.indirect.scatter.add.f32 [tilespmem:s23], [sflag:$0x3], $0x80, s2, s22, $0xb8;
	[tilespmem:$0x1E880] =	vst v63  }
0xbf: {  	_ =	swait.ge [sflag:s18], $0x4000  }
0xc0: {  	[sflag:s18] =	ssyncset.done $0x0  }
0xc1: {  	s2 =	sadd.s32 $0x100, s4;
	[sflag:s18] =	ssyncadd.s32 $0xFFFFC000  }
0xc2: {  	[tilespmem:s23], [sflag:$0x1] =	stream.indirect.gather [hbm4b:s3+s22], $0x80, s2, s22, $0xb8;
	[tilespmem:$0x1E880] =	vst v63  }
0xc3: {  	_ =	swait.ge [sflag:s26], $0x4000  }
.Ltmp5:
0xc4: {  	[sflag:s26] =	ssyncset.done $0x0;
	(pc) =	sbr.rel @p3 .LBB2_9-.Ltmp5, $4  }
0xc5: {  	s2 =	sadd.s32 $0x1480, s4;
	[sflag:s26] =	ssyncadd.s32 $0xFFFFC000  }
0xc6: {  	[spmem:s1] =	stream.indirect.scatter.add.f32 [tilespmem:s24], [sflag:$0x3], $0x80, s2, s22, $0xb8;
	[tilespmem:$0x1E880] =	vst v63  }
0xc7: {  	_ =	swait.ge [sflag:s18], $0x4000  }
0xc8: {  	s4 =	sshra.s32 s10, $0x2;
	s2 =	smov.u32 s17;
	[sflag:s18] =	ssyncset.done $0x0  }
0xc9: {  	s2 =	sadd.s32 $0x80, s4;
	[sflag:s18] =	ssyncadd.s32 $0xFFFFC000  }
0xca: {  	[tilespmem:s24], [sflag:$0x2] =	stream.indirect.gather [hbm4b:s3+s22], $0x80, s2, s22, $0xb8;
	[tilespmem:$0x1E880] =	vst v63  }
0xcb: {  	_ =	swait.ge [sflag:s25], $0x4000  }
0xcc: {  	[sflag:s25] =	ssyncset.done $0x0  }
0xcd: {  	s9 =	sadd.s32 $0x1400, s4;
	[sflag:s25] =	ssyncadd.s32 $0xFFFFC000  }
0xce: {  	[spmem:s1] =	stream.indirect.scatter.add.f32 [tilespmem:s23], [sflag:$0x3], $0x80, s9, s22, $0xb8;
	[tilespmem:$0x1E880] =	vst v63  }
0xcf: {  	_ =	swait.ge [sflag:s18], $0x4000  }
0xd0: {  	[sflag:s18] =	ssyncset.done $0x0  }
0xd1: {  	s10 =	sadd.s32 $0x100, s4;
	[sflag:s18] =	ssyncadd.s32 $0xFFFFC000  }
0xd2: {  	[tilespmem:s23], [sflag:$0x1] =	stream.indirect.gather [hbm4b:s3+s22], $0x80, s10, s22, $0xb8;
	[tilespmem:$0x1E880] =	vst v63  }
0xd3: {  	_ =	swait.ge [sflag:s26], $0x4000  }
0xd4: {  	[sflag:s26] =	ssyncset.done $0x0  }
0xd5: {  	s17 =	sadd.s32 $0x1480, s4;
	[sflag:s26] =	ssyncadd.s32 $0xFFFFC000  }
0xd6: {  	[spmem:s1] =	stream.indirect.scatter.add.f32 [tilespmem:s24], [sflag:$0x3], $0x80, s17, s22, $0xb8;
	[tilespmem:$0x1E880] =	vst v63  }
0xd7: {  	_ =	swait.ge [sflag:s18], $0x4000  }
0xd8: {  	[sflag:s18] =	ssyncset.done $0x0  }
0xd9: {  	[sflag:s18] =	ssyncadd.s32 $0xFFFFC000  }
0xda: {  	[tilespmem:s24], [sflag:$0x2] =	stream.indirect.gather [hbm4b:s3+s22], $0x80, s28, s22, $0xb8;
	[tilespmem:$0x1E880] =	vst v63  }
0xdb: {  	_ =	swait.ge [sflag:s25], $0x4000  }
0xdc: {  	[sflag:s25] =	ssyncset.done $0x0  }
0xdd: {  	[sflag:s25] =	ssyncadd.s32 $0xFFFFC000  }
0xde: {  	[spmem:s1] =	stream.indirect.scatter.add.f32 [tilespmem:s23], [sflag:$0x3], $0x80, s29, s22, $0xb8;
	[tilespmem:$0x1E880] =	vst v63  }
0xdf: {  	_ =	swait.ge [sflag:s18], $0x4000  }
0xe0: {  	[sflag:s18] =	ssyncset.done $0x0  }
0xe1: {  	[sflag:s18] =	ssyncadd.s32 $0xFFFFC000  }
0xe2: {  	_ =	swait.ge [sflag:s26], $0x4000  }
0xe3: {  	[sflag:s26] =	ssyncset.done $0x0  }
.Ltmp6:
0xe4: {  	[sflag:s26] =	ssyncadd.s32 $0xFFFFC000;
	(pc) =	sbr.rel .LBB2_11-.Ltmp6, $4  }
0xe5: {  	[spmem:s1] =	stream.indirect.scatter.add.f32 [tilespmem:s24], [sflag:$0x3], $0x80, s30, s22, $0xb8;
	[tilespmem:$0x1E880] =	vst v63  }
0xe6: {  	_ =	swait.ge [sflag:s18], $0x4000  }
0xe7: {  	[sflag:s18] =	ssyncset.done $0x0  }
0xe8: {  	s17 =	simm.s32 $0x0;
	[sflag:s18] =	ssyncadd.s32 $0xFFFFC000  }
.LBB2_2:
0xe9: {  	s2 =	simm.s32 $0x0  }
0xea: {  	[tilespmem:s23], [sflag:$0x3] =	stream.linear.gather [hbm4b:s3+s2], $0x4000, $0x38;
	[tilespmem:$0x1E880] =	vst v63  }
0xeb: {  	_ =	swait.ge [sflag:s18], $0x4000  }
0xec: {  	[sflag:s18] =	ssyncset.done $0x0  }
0xed: {  	s4 =	rddreg [dreg:$0x4];
	[sflag:s18] =	ssyncadd.s32 $0xFFFFC000  }
0xee: {  	[tilespmem:s21], [sflag:$0x3] =	stream.linear.gather [hbm4b:s4+s2], $0x1400, $0x38;
	[tilespmem:$0x1E880] =	vst v63  }
0xef: {  	_ =	swait.ge [sflag:s18], $0x1400  }
0xf0: {  	[sflag:s18] =	ssyncset.done $0x0  }
0xf1: {  	s10 =	simm.s32 $0x1400;
	[sflag:s18] =	ssyncadd.s32 $0xFFFFEC00  }
0xf2: {  	[spmem:s1] =	stream.indirect.scatter.add.f32 [tilespmem:s23], [sflag:$0x3], $0x80, s10, s22, $0xb8;
	[tilespmem:$0x1E880] =	vst v63  }
0xf3: {  	s4 =	simm.s32 $0x200;
	_ =	swait.ge [sflag:s18], $0x4000  }
.LBB2_3:
0xf4: {  	s2 =	sshra.s32 s4, $0x2;
	[sflag:s18] =	ssyncset.done $0x0;
	p3 =	seq.s32 s4, $0x4E00  }
.Ltmp7:
0xf5: {  	s2 =	sadd.s32 $0x1400, s2;
	[sflag:s18] =	ssyncadd.s32 $0xFFFFC000;
	(pc) =	sbr.rel @!p3 .LBB2_3-.Ltmp7, $3  }
0xf6: {  	[spmem:s1] =	stream.indirect.scatter.add.f32 [tilespmem:s23], [sflag:$0x3], $0x80, s2, s22, $0xb8;
	[tilespmem:$0x1E880] =	vst v63  }
0xf7: {  	s4 =	sadd.s32 $0x200, s4;
	_ =	sdelay $0x1  }
0xf8: {  	_ =	swait.ge [sflag:s18], $0x4000  }
0xf9: {  	[sflag:s18] =	ssyncset.done $0x0  }
0xfa: {  	[sflag:s18] =	ssyncadd.s32 $0xFFFFC000  }
.LBB2_11:
0xfb: {  	p3 =	seq.s32 s0, $0x1  }
0xfc: {  	p3 =	por p3, p2  }
.Ltmp8:
0xfd: {  	_ = 	snop;
	(pc) =	sbr.rel @p3 .LBB2_17-.Ltmp8, $1  }
0xfe: {  	_ =	sdelay $0x3  }
0xff: {  	s0 =	simm.s32 $0x0;
	s2 =	rddreg [dreg:$0x5]  }
0x100: {  	[tilespmem:s0], [sflag:$0x3] =	stream.linear.gather [hbm4b:s2+s0], $0x1400, $0x38;
	[tilespmem:$0x1E880] =	vst v63  }
0x101: {  	_ =	swait.ge [sflag:s18], $0x1400  }
0x102: {  	[sflag:s18] =	ssyncset.done $0x0  }
0x103: {  	[sflag:s18] =	ssyncadd.s32 $0xFFFFEC00  }
0x104: {  	[tilespmem:s21], [sflag:$0x3] =	stream.linear.gather [hbm4b:s11+s0], $0x1400, $0x38;
	[tilespmem:$0x1E880] =	vst v63  }
0x105: {  	_ =	swait.ge [sflag:s18], $0x1400  }
0x106: {  	[sflag:s18] =	ssyncset.done $0x0  }
0x107: {  	[sflag:s18] =	ssyncadd.s32 $0xFFFFEC00  }
0x108: {  	[tilespmem:s23], [sflag:$0x1] =	stream.indirect.gather [hbm4b:s5+s22], $0x80, s0, s22, $0xb8;
	[tilespmem:$0x1E880] =	vst v63  }
0x109: {  	s2 =	simm.s32 $0x80  }
0x10a: {  	[tilespmem:s24], [sflag:$0x2] =	stream.indirect.gather [hbm4b:s5+s22], $0x80, s2, s22, $0xb8;
	[tilespmem:$0x1E880] =	vst v63  }
0x10b: {  	_ =	swait.ge [sflag:s25], $0x4000  }
0x10c: {  	[sflag:s25] =	ssyncset.done $0x0  }
0x10d: {  	s4 =	simm.s32 $0x1400;
	[sflag:s25] =	ssyncadd.s32 $0xFFFFC000  }
0x10e: {  	[spmem:s1] =	stream.indirect.scatter.add.f32 [tilespmem:s23], [sflag:$0x3], $0x80, s4, s22, $0xb8;
	[tilespmem:$0x1E880] =	vst v63  }
0x10f: {  	_ =	swait.ge [sflag:s18], $0x4000  }
0x110: {  	[sflag:s18] =	ssyncset.done $0x0  }
0x111: {  	s9 =	simm.s32 $0x100;
	[sflag:s18] =	ssyncadd.s32 $0xFFFFC000  }
0x112: {  	[tilespmem:s23], [sflag:$0x1] =	stream.indirect.gather [hbm4b:s5+s22], $0x80, s9, s22, $0xb8;
	[tilespmem:$0x1E880] =	vst v63  }
0x113: {  	_ =	swait.ge [sflag:s26], $0x4000  }
0x114: {  	[sflag:s26] =	ssyncset.done $0x0  }
0x115: {  	s10 =	simm.s32 $0x1480;
	[sflag:s26] =	ssyncadd.s32 $0xFFFFC000  }
0x116: {  	[spmem:s1] =	stream.indirect.scatter.add.f32 [tilespmem:s24], [sflag:$0x3], $0x80, s10, s22, $0xb8;
	[tilespmem:$0x1E880] =	vst v63  }
0x117: {  	_ =	swait.ge [sflag:s18], $0x4000  }
0x118: {  	s0 =	simm.s32 $0x100;
	s2 =	simm.s32 $0x800;
	[sflag:s18] =	ssyncset.done $0x0  }
.LBB2_13:
0x119: {  	s4 =	sadd.s32 $0x80, s0  }
0x11a: {  	[sflag:s18] =	ssyncadd.s32 $0xFFFFC000;
	s9 =	smov.u32 s2;
	s10 =	sadd.s32 $0x400, s2  }
0x11b: {  	[tilespmem:s24], [sflag:$0x2] =	stream.indirect.gather [hbm4b:s5+s22], $0x80, s4, s22, $0xb8;
	[tilespmem:$0x1E880] =	vst v63  }
0x11c: {  	p3 =	sne.s32 s2, $0x4800;
	_ =	swait.ge [sflag:s25], $0x4000  }
0x11d: {  	[sflag:s25] =	ssyncset.done $0x0  }
0x11e: {  	s2 =	sadd.s32 $0x1400, s0;
	[sflag:s25] =	ssyncadd.s32 $0xFFFFC000  }
0x11f: {  	[spmem:s1] =	stream.indirect.scatter.add.f32 [tilespmem:s23], [sflag:$0x3], $0x80, s2, s22, $0xb8;
	[tilespmem:$0x1E880] =	vst v63  }
0x120: {  	_ =	swait.ge [sflag:s18], $0x4000  }
0x121: {  	[sflag:s18] =	ssyncset.done $0x0  }
0x122: {  	s2 =	sadd.s32 $0x100, s0;
	[sflag:s18] =	ssyncadd.s32 $0xFFFFC000  }
0x123: {  	[tilespmem:s23], [sflag:$0x1] =	stream.indirect.gather [hbm4b:s5+s22], $0x80, s2, s22, $0xb8;
	[tilespmem:$0x1E880] =	vst v63  }
0x124: {  	_ =	swait.ge [sflag:s26], $0x4000  }
.Ltmp9:
0x125: {  	[sflag:s26] =	ssyncset.done $0x0;
	(pc) =	sbr.rel @p3 .LBB2_13-.Ltmp9, $4  }
0x126: {  	s0 =	sadd.s32 $0x1480, s0;
	[sflag:s26] =	ssyncadd.s32 $0xFFFFC000  }
0x127: {  	[spmem:s1] =	stream.indirect.scatter.add.f32 [tilespmem:s24], [sflag:$0x3], $0x80, s0, s22, $0xb8;
	[tilespmem:$0x1E880] =	vst v63  }
0x128: {  	_ =	swait.ge [sflag:s18], $0x4000  }
0x129: {  	s2 =	smov.u32 s10;
	s0 =	sshra.s32 s9, $0x2;
	[sflag:s18] =	ssyncset.done $0x0  }
0x12a: {  	s2 =	sadd.s32 $0x80, s0;
	[sflag:s18] =	ssyncadd.s32 $0xFFFFC000  }
0x12b: {  	[tilespmem:s24], [sflag:$0x2] =	stream.indirect.gather [hbm4b:s5+s22], $0x80, s2, s22, $0xb8;
	[tilespmem:$0x1E880] =	vst v63  }
0x12c: {  	_ =	swait.ge [sflag:s25], $0x4000  }
0x12d: {  	[sflag:s25] =	ssyncset.done $0x0  }
0x12e: {  	s10 =	sadd.s32 $0x1400, s0;
	[sflag:s25] =	ssyncadd.s32 $0xFFFFC000  }
0x12f: {  	[spmem:s1] =	stream.indirect.scatter.add.f32 [tilespmem:s23], [sflag:$0x3], $0x80, s10, s22, $0xb8;
	[tilespmem:$0x1E880] =	vst v63  }
0x130: {  	_ =	swait.ge [sflag:s18], $0x4000  }
0x131: {  	[sflag:s18] =	ssyncset.done $0x0  }
0x132: {  	s4 =	sadd.s32 $0x100, s0;
	[sflag:s18] =	ssyncadd.s32 $0xFFFFC000  }
0x133: {  	[tilespmem:s23], [sflag:$0x1] =	stream.indirect.gather [hbm4b:s5+s22], $0x80, s4, s22, $0xb8;
	[tilespmem:$0x1E880] =	vst v63  }
0x134: {  	_ =	swait.ge [sflag:s26], $0x4000  }
0x135: {  	[sflag:s26] =	ssyncset.done $0x0  }
0x136: {  	s9 =	sadd.s32 $0x1480, s0;
	[sflag:s26] =	ssyncadd.s32 $0xFFFFC000  }
0x137: {  	[spmem:s1] =	stream.indirect.scatter.add.f32 [tilespmem:s24], [sflag:$0x3], $0x80, s9, s22, $0xb8;
	[tilespmem:$0x1E880] =	vst v63  }
0x138: {  	_ =	swait.ge [sflag:s18], $0x4000  }
0x139: {  	[sflag:s18] =	ssyncset.done $0x0  }
0x13a: {  	[sflag:s18] =	ssyncadd.s32 $0xFFFFC000  }
0x13b: {  	[tilespmem:s24], [sflag:$0x2] =	stream.indirect.gather [hbm4b:s5+s22], $0x80, s28, s22, $0xb8;
	[tilespmem:$0x1E880] =	vst v63  }
0x13c: {  	_ =	swait.ge [sflag:s25], $0x4000  }
0x13d: {  	[sflag:s25] =	ssyncset.done $0x0  }
0x13e: {  	[sflag:s25] =	ssyncadd.s32 $0xFFFFC000  }
0x13f: {  	[spmem:s1] =	stream.indirect.scatter.add.f32 [tilespmem:s23], [sflag:$0x3], $0x80, s29, s22, $0xb8;
	[tilespmem:$0x1E880] =	vst v63  }
0x140: {  	_ =	swait.ge [sflag:s18], $0x4000  }
0x141: {  	[sflag:s18] =	ssyncset.done $0x0  }
0x142: {  	[sflag:s18] =	ssyncadd.s32 $0xFFFFC000  }
0x143: {  	_ =	swait.ge [sflag:s26], $0x4000  }
0x144: {  	[sflag:s26] =	ssyncset.done $0x0  }
0x145: {  	[sflag:s26] =	ssyncadd.s32 $0xFFFFC000  }
0x146: {  	[spmem:s1] =	stream.indirect.scatter.add.f32 [tilespmem:s24], [sflag:$0x3], $0x80, s30, s22, $0xb8;
	[tilespmem:$0x1E880] =	vst v63  }
0x147: {  	_ =	swait.ge [sflag:s18], $0x4000  }
0x148: {  	[sflag:s18] =	ssyncset.done $0x0  }
0x149: {  	s10 =	simm.s32 $0x0;
	[sflag:s18] =	ssyncadd.s32 $0xFFFFC000  }
0x14a: {  	[tilespmem:s10], [sflag:$0x3] =	stream.linear.gather [hbm4b:s12+s10], $0x1400, $0x38;
	[tilespmem:$0x1E880] =	vst v63  }
0x14b: {  	_ =	swait.ge [sflag:s18], $0x1400  }
0x14c: {  	[sflag:s18] =	ssyncset.done $0x0  }
0x14d: {  	[sflag:s18] =	ssyncadd.s32 $0xFFFFEC00  }
0x14e: {  	[tilespmem:s21], [sflag:$0x3] =	stream.linear.gather [hbm4b:s13+s10], $0x1400, $0x38;
	[tilespmem:$0x1E880] =	vst v63  }
0x14f: {  	_ =	swait.ge [sflag:s18], $0x1400  }
0x150: {  	[sflag:s18] =	ssyncset.done $0x0  }
0x151: {  	[sflag:s18] =	ssyncadd.s32 $0xFFFFEC00  }
0x152: {  	[tilespmem:s23], [sflag:$0x1] =	stream.indirect.gather [hbm4b:s5+s22], $0x80, s10, s22, $0xb8;
	[tilespmem:$0x1E880] =	vst v63  }
0x153: {  	s2 =	simm.s32 $0x80  }
0x154: {  	[tilespmem:s24], [sflag:$0x2] =	stream.indirect.gather [hbm4b:s5+s22], $0x80, s2, s22, $0xb8;
	[tilespmem:$0x1E880] =	vst v63  }
0x155: {  	_ =	swait.ge [sflag:s25], $0x4000  }
0x156: {  	[sflag:s25] =	ssyncset.done $0x0  }
0x157: {  	s4 =	simm.s32 $0x1400;
	[sflag:s25] =	ssyncadd.s32 $0xFFFFC000  }
0x158: {  	[spmem:s1] =	stream.indirect.scatter.add.f32 [tilespmem:s23], [sflag:$0x3], $0x80, s4, s22, $0xb8;
	[tilespmem:$0x1E880] =	vst v63  }
0x159: {  	_ =	swait.ge [sflag:s18], $0x4000  }
0x15a: {  	[sflag:s18] =	ssyncset.done $0x0  }
0x15b: {  	s9 =	simm.s32 $0x100;
	[sflag:s18] =	ssyncadd.s32 $0xFFFFC000  }
0x15c: {  	[tilespmem:s23], [sflag:$0x1] =	stream.indirect.gather [hbm4b:s5+s22], $0x80, s9, s22, $0xb8;
	[tilespmem:$0x1E880] =	vst v63  }
0x15d: {  	_ =	swait.ge [sflag:s26], $0x4000  }
0x15e: {  	[sflag:s26] =	ssyncset.done $0x0  }
0x15f: {  	s10 =	simm.s32 $0x1480;
	[sflag:s26] =	ssyncadd.s32 $0xFFFFC000  }
0x160: {  	[spmem:s1] =	stream.indirect.scatter.add.f32 [tilespmem:s24], [sflag:$0x3], $0x80, s10, s22, $0xb8;
	[tilespmem:$0x1E880] =	vst v63  }
0x161: {  	_ =	swait.ge [sflag:s18], $0x4000  }
0x162: {  	s0 =	simm.s32 $0x100;
	s2 =	simm.s32 $0x800;
	[sflag:s18] =	ssyncset.done $0x0  }
.LBB2_15:
0x163: {  	s4 =	sadd.s32 $0x80, s0  }
0x164: {  	[sflag:s18] =	ssyncadd.s32 $0xFFFFC000;
	s9 =	smov.u32 s2;
	s10 =	sadd.s32 $0x400, s2  }
0x165: {  	[tilespmem:s24], [sflag:$0x2] =	stream.indirect.gather [hbm4b:s5+s22], $0x80, s4, s22, $0xb8;
	[tilespmem:$0x1E880] =	vst v63  }
0x166: {  	p3 =	sne.s32 s2, $0x4800;
	_ =	swait.ge [sflag:s25], $0x4000  }
0x167: {  	[sflag:s25] =	ssyncset.done $0x0  }
0x168: {  	s2 =	sadd.s32 $0x1400, s0;
	[sflag:s25] =	ssyncadd.s32 $0xFFFFC000  }
0x169: {  	[spmem:s1] =	stream.indirect.scatter.add.f32 [tilespmem:s23], [sflag:$0x3], $0x80, s2, s22, $0xb8;
	[tilespmem:$0x1E880] =	vst v63  }
0x16a: {  	_ =	swait.ge [sflag:s18], $0x4000  }
0x16b: {  	[sflag:s18] =	ssyncset.done $0x0  }
0x16c: {  	s2 =	sadd.s32 $0x100, s0;
	[sflag:s18] =	ssyncadd.s32 $0xFFFFC000  }
0x16d: {  	[tilespmem:s23], [sflag:$0x1] =	stream.indirect.gather [hbm4b:s5+s22], $0x80, s2, s22, $0xb8;
	[tilespmem:$0x1E880] =	vst v63  }
0x16e: {  	_ =	swait.ge [sflag:s26], $0x4000  }
.Ltmp10:
0x16f: {  	[sflag:s26] =	ssyncset.done $0x0;
	(pc) =	sbr.rel @p3 .LBB2_15-.Ltmp10, $4  }
0x170: {  	s0 =	sadd.s32 $0x1480, s0;
	[sflag:s26] =	ssyncadd.s32 $0xFFFFC000  }
0x171: {  	[spmem:s1] =	stream.indirect.scatter.add.f32 [tilespmem:s24], [sflag:$0x3], $0x80, s0, s22, $0xb8;
	[tilespmem:$0x1E880] =	vst v63  }
0x172: {  	_ =	swait.ge [sflag:s18], $0x4000  }
0x173: {  	s2 =	smov.u32 s10;
	s0 =	sshra.s32 s9, $0x2;
	[sflag:s18] =	ssyncset.done $0x0  }
.Ltmp11:
0x174: {  	_ = 	snop;
	(pc) =	sbr.rel .LBB2_16-.Ltmp11, $1  }
0x175: {  	_ =	sdelay $0x3  }
.LBB2_18:
0x176: {  	_ =	sfence.sel $0x180000  }
0x177: {  	[bflag:$0x0] =	sbarrier.arrive $0xFFFF  }
0x178: {  	_ =	strace $0x9000004D  }
0x179: {  	s0 =	stileid.u32;
	[bflag:$0x2] =	sbarrier.arrive $0xFFFF  }
0x17a: {  	p0 =	sne.s32 s0, $0x0;
	s0 =	rddreg [dreg:$0x3]  }
0x17b: {  	s0 =	sadd.s32 @!p0 $0x100000, s0  }
0x17c: {  	[sflag:s0] =	ssyncadd.tile.s32 @!p0 $0x1;
	_ =	shalt  }
.Lfunc_end2:
_tile_overlayer_lowered:
.L_overlay_start_2:
0x17d: {  	(tag) =	ssettag $0x2  }
0x17e: {  	s0 =	rddreg [dreg:$0x0];
	s2 =	stileid.u32  }
0x17f: {  	s1 =	rddreg [dreg:$0x1];
	p0 =	sne.s32 s2, $0x0  }
0x180: {  	s3 =	rddreg [dreg:$0x2];
	[bflag:$0x3] =	sbarrier.arrive $0xFFFF;
	s2 =	simm.s32 @!p0 $0x1C03  }
0x181: {  	[timem:s3], [sflag:s2] =	dma.local @!p0 [hbm:s0], s1  }
0x182: {  	s0 =	simm.s32 @!p0 $0x3  }
0x183: {  	_ =	swait.ge @!p0 [sflag:s0], s1  }
0x184: {  	s1 =	ssub.s32 @!p0 $0x0, s1;
	[sflag:s0] =	ssyncset.done @!p0 $0x0  }
0x185: {  	[sflag:s0] =	ssyncadd.s32 @!p0 s1  }
0x186: {  	[bflag:$0x3] =	sbarrier.arrive $0xFFFF  }
0x187: {  	_ =	shalt  }

// kernel: gcn_sc_agg.5.cloned.1.call-start
scs
__scs_entry_jumppad:
0x0: {  	(pc) =	sbr.rel $0x88, $3  }
0x1: {  	(tag) =	ssettag $0x0;
	lr =	simm.s32 $0x1  }
0x2: {  	[smem:$0x3F9B] =	sst lr;
	_ =	strace $0xD0000000  }
0x3: {  	_ = 	snop  }
0x4: {  	_ = 	snop  }
0x5: {  	_ = 	snop  }
0x6: {  	_ = 	snop  }
0x7: {  	_ = 	snop  }
__scs_overlays_trampoline_lowered:
0x8: {  	[smem:$0x3FAA] =	sst s0  }
0x9: {  	[smem:$0x3FAB] =	sst s1  }
0xa: {  	[smem:$0x3FAC] =	sst s2  }
0xb: {  	[smem:$0x3FAD] =	sst s3  }
0xc: {  	[smem:$0x3FAE] =	sst s4  }
0xd: {  	[smem:$0x3FAF] =	sst s5  }
0xe: {  	[smem:$0x3FB0] =	sst s6  }
0xf: {  	[smem:$0x3FB1] =	sst s7  }
0x10: {  	[smem:$0x3FB2] =	sst s8  }
0x11: {  	[smem:$0x3FB3] =	sst s9;
	s0 =	simm.s32 @!p0 $0x0  }
0x12: {  	s1 =	sld [smem:$0x3F99];
	s0 =	simm.s32 @p0 $0x1  }
0x13: {  	[smem:$0x3FB4] =	sst s0;
	s0 =	simm.s32 @!p1 $0x0  }
0x14: {  	s2 =	sld [smem:$0x3F98];
	s0 =	simm.s32 @p1 $0x1  }
0x15: {  	[smem:$0x3FB5] =	sst s0;
	s0 =	simm.s32 @!p2 $0x0  }
0x16: {  	s3 =	sld [smem:$0x3FDB];
	s0 =	simm.s32 @p2 $0x1  }
0x17: {  	s4 =	simm.s32 $0x1BF5;
	[smem:$0x3FB7] =	sst s0  }
0x18: {  	s0 =	sld [smem:$0x3F9A];
	_ =	swait.ge [sflag:s4], $0x0  }
0x19: {  	s7 =	sld [smem:$0x3F9B]  }
0x1a: {  	s8 =	sadd.s32 $0xFFFFE003, lr  }
0x1b: {  	s9 =	sadd.s32 $0xFFFFFEF7, lr;
	s5 =	simm.s32 $0xFFFFFFFF;
	p2 =	slt.u32 s8, $0xFFFFF086  }
0x1c: {  	p1 =	slt.u32 s9, $0xF7A;
	s5 =	simm.s32 @!p2 $0x0  }
0x1d: {  	s5 =	simm.s32 @p1 $0x1;
	p0 =	seq.s32 s7, s2  }
0x1e: {  	s7 =	smul.u32 @!p0 $0xF7A, s2;
	p2 =	seq.s32 @!p0 s5, $0x0  }
0x1f: {  	s9 =	smul.u32 $0xF7A, s1;
	s8 =	simm.s32 @!p0 $0x1BF5;
	p2 =	por !p2, p0  }
0x20: {  	[sflag:s8] =	ssyncset.s32 @!p0 $0xFFFFF086;
	s6 =	sadd.s32 @!p0 s3, s7;
	s7 =	simm.s32 @!p0 $0x108  }
0x21: {  	s3 =	sadd.s32 s3, s9;
	s6 =	sadd.s32 @!p0 $0x88, s6;
	s7 =	simm.s32 @p2 $0x1082  }
0x22: {  	[simem:s7], [sflag:s8] =	dma.local @!p0 [hbm:s6], $0xF7A  }
0x23: {  	s9 =	sor.u32 $0xD0000000, s2;
	s6 =	simm.s32 $0x108;
	_ =	swait.ge @!p0 [sflag:s8], $0x0  }
0x24: {  	s3 =	sadd.s32 $0x88, s3;
	s6 =	simm.s32 @!p1 $0x1082;
	[sflag:s4] =	ssyncset.s32 $0xFFFFF086  }
0x25: {  	[simem:s6], [sflag:s4] =	dma.local [hbm:s3], $0xF7A  }
0x26: {  	[smem:$0x3F9B] =	sst s1;
	(tag) =	ssettag s2;
	_ =	strace s9  }
0x27: {  	s1 =	sld [smem:$0x3FAB]  }
0x28: {  	s2 =	sld [smem:$0x3FAC]  }
0x29: {  	s4 =	sld [smem:$0x3FAE]  }
0x2a: {  	p0 =	seq.s32 s5, $0x0;
	s5 =	sld [smem:$0x3FAF]  }
0x2b: {  	s6 =	sld [smem:$0x3FB0]  }
0x2c: {  	s7 =	sld [smem:$0x3FB1]  }
0x2d: {  	s3 =	simm.s32 $0x108;
	s8 =	sld [smem:$0x3FB2]  }
0x2e: {  	s3 =	simm.s32 @!p0 $0x1082;
	s9 =	sld [smem:$0x3FB3]  }
0x2f: {  	lr =	sadd.s32 s0, s3;
	s0 =	sld [smem:$0x3FAA]  }
0x30: {  	s3 =	sld [smem:$0x3FAD]  }
0x31: {  	[smem:$0x3FB6] =	sst s10  }
0x32: {  	s10 =	sld [smem:$0x3FB4];
	_ =	sdelay $0x3  }
0x33: {  	p0 =	seq.s32 s10, $0x1;
	s10 =	sld [smem:$0x3FB6];
	_ =	sdelay $0x3  }
0x34: {  	[smem:$0x3FB6] =	sst s10  }
0x35: {  	s10 =	sld [smem:$0x3FB5];
	_ =	sdelay $0x3  }
0x36: {  	p1 =	seq.s32 s10, $0x1;
	s10 =	sld [smem:$0x3FB6];
	_ =	sdelay $0x3  }
0x37: {  	[smem:$0x3FB6] =	sst s10  }
0x38: {  	s10 =	sld [smem:$0x3FB7]  }
0x39: {  	_ = 	snop;
	(pc) =	sbr.ind lr, $3  }
0x3a: {  	_ = 	snop  }
0x3b: {  	_ = 	snop  }
0x3c: {  	p2 =	seq.s32 s10, $0x1;
	s10 =	sld [smem:$0x3FB6]  }
0x3d: {  	_ =	shalt  }
0x3e: {  	_ =	shalt  }
0x3f: {  	_ =	shalt  }
0x40: {  	_ =	shalt  }
0x41: {  	_ =	shalt  }
0x42: {  	_ =	shalt  }
0x43: {  	_ =	shalt  }
0x44: {  	_ =	shalt  }
0x45: {  	_ =	shalt  }
0x46: {  	_ =	shalt  }
0x47: {  	_ =	shalt  }
0x48: {  	_ =	shalt  }
0x49: {  	_ =	shalt  }
0x4a: {  	_ =	shalt  }
0x4b: {  	_ =	shalt  }
0x4c: {  	_ =	shalt  }
0x4d: {  	_ =	shalt  }
0x4e: {  	_ =	shalt  }
0x4f: {  	_ =	shalt  }
0x50: {  	_ =	shalt  }
0x51: {  	_ =	shalt  }
0x52: {  	_ =	shalt  }
0x53: {  	_ =	shalt  }
0x54: {  	_ =	shalt  }
0x55: {  	_ =	shalt  }
0x56: {  	_ =	shalt  }
0x57: {  	_ =	shalt  }
0x58: {  	_ =	shalt  }
0x59: {  	_ =	shalt  }
0x5a: {  	_ =	shalt  }
0x5b: {  	_ =	shalt  }
0x5c: {  	_ =	shalt  }
0x5d: {  	_ =	shalt  }
0x5e: {  	_ =	shalt  }
0x5f: {  	_ =	shalt  }
0x60: {  	_ =	shalt  }
0x61: {  	_ =	shalt  }
0x62: {  	_ =	shalt  }
0x63: {  	_ =	shalt  }
0x64: {  	_ =	shalt  }
0x65: {  	_ =	shalt  }
0x66: {  	_ =	shalt  }
0x67: {  	_ =	shalt  }
0x68: {  	_ =	shalt  }
0x69: {  	_ =	shalt  }
0x6a: {  	_ =	shalt  }
0x6b: {  	_ =	shalt  }
0x6c: {  	_ =	shalt  }
0x6d: {  	_ =	shalt  }
0x6e: {  	_ =	shalt  }
0x6f: {  	_ =	shalt  }
0x70: {  	_ =	shalt  }
0x71: {  	_ =	shalt  }
0x72: {  	_ =	shalt  }
0x73: {  	_ =	shalt  }
0x74: {  	_ =	shalt  }
0x75: {  	_ =	shalt  }
0x76: {  	_ =	shalt  }
0x77: {  	_ =	shalt  }
0x78: {  	_ =	shalt  }
0x79: {  	_ =	shalt  }
0x7a: {  	_ =	shalt  }
0x7b: {  	_ =	shalt  }
0x7c: {  	_ =	shalt  }
0x7d: {  	_ =	shalt  }
0x7e: {  	_ =	shalt  }
0x7f: {  	_ =	shalt  }
0x80: {  	_ =	shalt  }
0x81: {  	_ =	shalt  }
0x82: {  	_ =	shalt  }
0x83: {  	_ =	shalt  }
0x84: {  	_ =	shalt  }
0x85: {  	_ =	shalt  }
0x86: {  	_ =	shalt  }
0x87: {  	_ =	shalt  }
.Lfunc_end0:
.L_simem_size_0:
called_computation_lowered:
.L_overlay_start_0:
0x88: {  	s2 =	sld [smem:$0x3FD9]  }
0x89: {  	s3 =	sld [smem:$0x3FFE];
	_ =	sdelay $0x1  }
0x8a: {  	s1 =	srdreg.scid  }
0x8b: {  	s0 =	sand.u32 $0x1, s1  }
0x8c: {  	s16 =	sshll.u32 s0, $0xA;
	s2 =	sadd.s32 s3, s2  }
0x8d: {  	s2 =	sadd.s32 s2, s16  }
0x8e: {  	[smem:$0x3FC2] =	sst s2  }
0x8f: {  	_ = 	snop  }
0x90: {  	(tm) =	ssettm $0x1  }
0x91: {  	s17 =	sld [smem:$0x3FFB];
	_ =	sdelay $0x3  }
0x92: {  	_ =	strace s17  }
0x93: {  	s2 =	sld [smem:$0x3FFC];
	_ =	sdelay $0x3  }
0x94: {  	_ =	strace s2  }
0x95: {  	s2 =	sld [smem:$0x3FFD];
	_ =	sdelay $0x3  }
0x96: {  	_ =	strace s2  }
0x97: {  	_ =	strace $0x8FFFFFFF  }
0x98: {  	s18 =	sld [smem:$0x3FDB];
	_ =	sdelay $0x1  }
0x99: {  	s19 =	simm.s32 $_scs_section_size  }
0x9a: {  	s4 =	simm.s32 $_size__tile_overlayer_lowered;
	s5 =	simm.s32 $_tile_overlayer_lowered  }
0x9b: {  	s22 =	simm.s32 $0x1BFF;
	s21 =	sshll.u32 s5, $0x1;
	s2 =	sadd.s32 s19, s18  }
0x9c: {  	s6 =	simm.s32 $0x0;
	s20 =	sshll.u32 s4, $0x1;
	s4 =	sadd.s32 s21, s2  }
0x9d: {  	[timem:s6], [sflag:s22] =	dma.local [hbm:s4], s20  }
0x9e: {  	_ =	swait.ge [sflag:s22], s20  }
0x9f: {  	s3 =	ssub.s32 $0x0, s20;
	[sflag:s22] =	ssyncset.done $0x0  }
0xa0: {  	[sflag:s22] =	ssyncadd.s32 s3;
	_ =	sdelay $0x1  }
0xa1: {  	s23 =	simm.s32 $0x1B8B  }
0xa2: {  	_ =	swait.ge [sflag:s23], $0x1  }
0xa3: {  	[sflag:s23] =	ssyncset.done $0x0  }
0xa4: {  	s25 =	simm.s32 $0x1B8E;
	s24 =	sld [smem:$0x3FFE];
	[sflag:s23] =	ssyncadd.s32 $0xFFFFFFFF  }
0xa5: {  	s26 =	simm.s32 $execute0_lowered;
	[smem:$0x3FD2] =	sst s25  }
0xa6: {  	s4 =	sshll.u32 s26, $0x1;
	_ =	strace $0x80000046;
	[dreg:$0x1] =	wrdreg $0xFFFFFFFF  }
0xa7: {  	s28 =	simm.s32 $_size_execute0_lowered;
	s2 =	sadd.s32 s2, s4;
	[dreg:$0x0] =	wrdreg $0x0  }
0xa8: {  	s4 =	sshll.u32 s28, $0x1;
	[dreg:$0x2] =	wrdreg s2  }
0xa9: {  	[dreg:$0x3] =	wrdreg s4  }
0xaa: {  	[dreg:$0x4] =	wrdreg $0xC0  }
0xab: {  	_ =	task [dreg:s6], $0x5FFFF  }
0xac: {  	[dreg:$0x1] =	wrdreg $0xFFFFFFFF  }
0xad: {  	[dreg:$0x0] =	wrdreg $0x60  }
0xae: {  	[dreg:$0x2] =	wrdreg s24  }
0xaf: {  	[dreg:$0x3] =	wrdreg $0xA8800  }
0xb0: {  	[dreg:$0x4] =	wrdreg $0x9  }
0xb1: {  	_ =	task.clear_ibuf [dreg:s6], $0x5FFFF;
	_ =	strace $0x90000046  }
0xb2: {  	s29 =	simm.s32 $0x9;
	_ =	strace $0x80000048  }
0xb3: {  	_ =	swait.ge [sflag:s29], $0x1  }
0xb4: {  	[sflag:s29] =	ssyncadd.s32 $0xFFFFFFFF  }
0xb5: {  	_ =	strace $0x90000048  }
0xb6: {  	_ =	sfence  }
0xb7: {  	s30 =	sld [smem:$0x0];
	_ =	sdelay $0x2  }
0xb8: {  	s31 =	sshll.u32 s1, $0xD;
	s1 =	sshrl.u32 s1, $0x2  }
0xb9: {  	s3 =	sand.u32 $0x4000, s31;
	s1 =	sadd.s32 s1, s30  }
0xba: {  	s0 =	sor.u32 s3, s0;
	s1 =	sshll.u32 s1, $0x11  }
0xbb: {  	s0 =	sor.u32 s1, s0  }
0xbc: {  	s0 =	sadd.s32 $0x8F2B, s0  }
0xbd: {  	[sflag:s0] =	ssyncadd.remote.s32 $0x1  }
0xbe: {  	_ =	sfence.sel $0xFFFF  }
0xbf: {  	[dreg:$0x0] =	wrdreg $0xFFFFFFFF;
	(pc) =	sbr.abs _section_cstart, $3  }
0xc0: {  	[dreg:$0x1] =	wrdreg $0xFFFFFFFF  }
0xc1: {  	_ =	task.clear_ibuf [dreg:s6], $0x2FFFF;
	_ =	strace $0x9FFFFFFF  }
0xc2: {  	(tm) =	ssettm $0x7FFFFFFF  }
0xc3: {  	_ =	shalt  }
tec
execute0_lowered:
.L_overlay_start_1:
0x0: {  	(tag) =	ssettag $0x1  }
0x1: {  	s0 =	rddreg [dreg:$0x0]  }
0x2: {  	s1 =	rddreg [dreg:$0x1];
	s2 =	simm.s32 $0x0  }
0x3: {  	s23 =	stileid.u32;
	s6 =	srdreg.scid;
	s17 =	simm.s32 $0x3  }
0x4: {  	s21 =	simm.s32 $0x80;
	s22 =	simm.s32 $0x2800;
	s28 =	simm.s32 $0x2700  }
0x5: {  	s29 =	simm.s32 $0x2780;
	s30 =	simm.s32 $0x0;
	[smem:$0x7FF] =	sst s2  }
0x6: {  	s4 =	sadd.s32 $0x11400, s0;
	s3 =	sadd.s32 $0x9A00, s0;
	s12 =	sadd.s32 $0x4A00, s0  }
0x7: {  	s5 =	sadd.s32 $0xEC00, s0;
	s8 =	smul.u32 $0x2800, s23;
	s20 =	sand.u32 $0x1, s6  }
0x8: {  	s7 =	sshll.u32 s23, $0x1;
	s6 =	sadd.s32 $0xEA00, s0;
	s9 =	smul.u32 $0x50000, s23  }
0x9: {  	s13 =	smul.u32 $0x500, s23;
	s31 =	sshll.u32 s23, $0x6;
	s23 =	simm.s32 $0x6800  }
0xa: {  	_ =	strace $0x80000047;
	s7 =	sor.u32 s20, s7;
	s10 =	ssub.s32 $0x2, s20  }
0xb: {  	p0 =	seq.s32 s20, $0x1;
	s18 =	sor.u32 $0x1C03, s31;
	p1 =	sne.s32 s20, $0x0  }
0xc: {  	s20 =	simm.s32 $0x1400;
	s0 =	sadd.s32 s8, s0;
	s11 =	smul.u32 $0x280, s7  }
0xd: {  	s24 =	sshrl.u32 s10, $0x1;
	s9 =	sshrl.u32 s9, $0x2;
	s25 =	sshrl.u32 s8, $0x3  }
0xe: {  	p2 =	por !p0, !p0;
	s15 =	ssub.s32 s10, s24;
	s7 =	sadd.s32 s9, s1  }
.Ltmp0:
0xf: {  	s9 =	sadd.s32 s3, s13;
	s14 =	sadd.s32 $0x280, s25;
	(pc) =	sbr.rel .LBB2_1-.Ltmp0, $4  }
0x10: {  	s10 =	sadd.s32 s12, s13;
	s13 =	sadd.s32 $0x38600, s0;
	s24 =	simm.s32 $0x1  }
0x11: {  	s25 =	simm.s32 $0x2;
	s26 =	sadd.s32 s12, s11;
	s11 =	sadd.s32 s3, s14  }
0x12: {  	s12 =	sadd.s32 s12, s14;
	s14 =	sadd.s32 $0x60600, s0;
	s15 =	smax.u32 s15, $0x1  }
0x13: {  	s19 =	sshrl.u32 s7, $0x3;
	[dreg:$0x3] =	wrdreg s26;
	s26 =	simm.s32 $0x1380  }
.LBB2_16:
0x14: {  	s2 =	sadd.s32 $0x80, s0;
	[sflag:s17] =	ssyncadd.s32 $0xFFFFC000  }
0x15: {  	[tilespmem:s23], [sflag:$0x2] =	stream.indirect.gather [hbm4b:s4+s21], $0x80, s2, s21, $0xb8;
	[tilespmem:$0x1E880] =	vst v63  }
0x16: {  	_ =	swait.ge [sflag:s24], $0x4000  }
0x17: {  	[sflag:s24] =	ssyncset.done $0x0  }
0x18: {  	s8 =	sadd.s32 $0x1400, s0;
	[sflag:s24] =	ssyncadd.s32 $0xFFFFC000  }
0x19: {  	[spmem:s1] =	stream.indirect.scatter.add.f32 [tilespmem:s22], [sflag:$0x3], $0x80, s8, s21, $0xb8;
	[tilespmem:$0x1E880] =	vst v63  }
0x1a: {  	_ =	swait.ge [sflag:s17], $0x4000  }
0x1b: {  	[sflag:s17] =	ssyncset.done $0x0  }
0x1c: {  	s16 =	sadd.s32 $0x100, s0;
	[sflag:s17] =	ssyncadd.s32 $0xFFFFC000  }
0x1d: {  	[tilespmem:s22], [sflag:$0x1] =	stream.indirect.gather [hbm4b:s4+s21], $0x80, s16, s21, $0xb8;
	[tilespmem:$0x1E880] =	vst v63  }
0x1e: {  	_ =	swait.ge [sflag:s25], $0x4000  }
0x1f: {  	[sflag:s25] =	ssyncset.done $0x0  }
0x20: {  	s31 =	sadd.s32 $0x1480, s0;
	[sflag:s25] =	ssyncadd.s32 $0xFFFFC000  }
0x21: {  	[spmem:s1] =	stream.indirect.scatter.add.f32 [tilespmem:s23], [sflag:$0x3], $0x80, s31, s21, $0xb8;
	[tilespmem:$0x1E880] =	vst v63  }
0x22: {  	_ =	swait.ge [sflag:s17], $0x4000  }
0x23: {  	[sflag:s17] =	ssyncset.done $0x0  }
0x24: {  	[sflag:s17] =	ssyncadd.s32 $0xFFFFC000  }
0x25: {  	[tilespmem:s23], [sflag:$0x2] =	stream.indirect.gather [hbm4b:s4+s21], $0x80, s26, s21, $0xb8;
	[tilespmem:$0x1E880] =	vst v63  }
0x26: {  	_ =	swait.ge [sflag:s24], $0x4000  }
0x27: {  	[sflag:s24] =	ssyncset.done $0x0  }
0x28: {  	[sflag:s24] =	ssyncadd.s32 $0xFFFFC000  }
0x29: {  	[spmem:s1] =	stream.indirect.scatter.add.f32 [tilespmem:s22], [sflag:$0x3], $0x80, s28, s21, $0xb8;
	[tilespmem:$0x1E880] =	vst v63  }
0x2a: {  	_ =	swait.ge [sflag:s17], $0x4000  }
0x2b: {  	[sflag:s17] =	ssyncset.done $0x0  }
0x2c: {  	[sflag:s17] =	ssyncadd.s32 $0xFFFFC000  }
0x2d: {  	_ =	swait.ge [sflag:s25], $0x4000  }
0x2e: {  	[sflag:s25] =	ssyncset.done $0x0  }
0x2f: {  	[sflag:s25] =	ssyncadd.s32 $0xFFFFC000  }
0x30: {  	[spmem:s1] =	stream.indirect.scatter.add.f32 [tilespmem:s23], [sflag:$0x3], $0x80, s29, s21, $0xb8;
	[tilespmem:$0x1E880] =	vst v63  }
0x31: {  	_ =	swait.ge [sflag:s17], $0x4000  }
0x32: {  	[sflag:s17] =	ssyncset.done $0x0  }
0x33: {  	[sflag:s17] =	ssyncadd.s32 $0xFFFFC000  }
.LBB2_17:
0x34: {  	[bflag:$0x0] =	sbarrier.arrive $0xFFFF;
	s0 =	sshrl.u32 @!p1 s7, $0x3  }
0x35: {  	[hbm:s13], [sflag:s18] =	dma.local @!p1 [spmem:s0], $0x2800  }
0x36: {  	s0 =	simm.s32 @!p1 $0x3  }
0x37: {  	_ =	swait.ge @!p1 [sflag:s0], $0x2800  }
0x38: {  	s30 =	sadd.s32 $0x1, s30;
	[sflag:s0] =	ssyncset.done @!p1 $0x0  }
0x39: {  	p3 =	sne.s32 s30, s15;
	[sflag:s0] =	ssyncadd.s32 @!p1 $0xFFFFD800;
	s0 =	sshrl.u32 @p0 s7, $0x3  }
0x3a: {  	[hbm:s14], [sflag:s18] =	dma.local @p0 [spmem:s0], $0x2800  }
.Ltmp1:
0x3b: {  	_ = 	snop;
	(pc) =	sbr.rel @!p3 .LBB2_18-.Ltmp1, $4  }
0x3c: {  	s0 =	simm.s32 @p0 $0x3  }
0x3d: {  	_ =	swait.ge @p0 [sflag:s0], $0x2800  }
0x3e: {  	[sflag:s0] =	ssyncset.done @p0 $0x0  }
0x3f: {  	[sflag:s0] =	ssyncadd.s32 @p0 $0xFFFFD800  }
.LBB2_1:
0x40: {  	s0 =	simm.s32 $0x0;
	s2 =	simm.s32 $0xA800  }
0x41: {  	[tilespmem:s2], [sflag:$0x3] =	stream.linear.gather [hbm4b:s6+s0], $0x80, $0x38;
	[tilespmem:$0x1E880] =	vst v63  }
0x42: {  	_ =	swait.ge [sflag:s17], $0x80  }
0x43: {  	[sflag:s17] =	ssyncset.done $0x0  }
0x44: {  	[sflag:s17] =	ssyncadd.s32 $0xFFFFFF80  }
0x45: {  	[spmem:s19], [sflag:s18] =	dma.local [hbm:s5], $0x2800  }
0x46: {  	_ =	swait.ge [sflag:s17], $0x2800  }
0x47: {  	[sflag:s17] =	ssyncset.done $0x0  }
0x48: {  	[sflag:s17] =	ssyncadd.s32 $0xFFFFD800  }
0x49: {  	[bflag:$0x0] =	sbarrier.arrive $0xFFFF  }
0x4a: {  	v0 =	vld [tilespmem:$0xA800];
	_ =	sdelay $0x4  }
0x4b: {  	(v2sf) =	vpush v0, $0x0;
	_ =	sdelay $0xe  }
0x4c: {  	s31 =	spop (v2sf)  }
0x4d: {  	p3 =	sne.s32 s31, $0x1  }
.Ltmp2:
0x4e: {  	_ = 	snop;
	(pc) =	sbr.rel @!p3 .LBB2_2-.Ltmp2, $1  }
0x4f: {  	_ =	sdelay $0x3  }
.Ltmp3:
0x50: {  	(pc) =	sbr.rel @p1 .LBB2_11-.Ltmp3, $1  }
0x51: {  	_ =	sdelay $0x3  }
0x52: {  	s0 =	simm.s32 $0x0  }
0x53: {  	[tilespmem:s0], [sflag:$0x3] =	stream.linear.gather [hbm4b:s9+s0], $0x1400, $0x38;
	[tilespmem:$0x1E880] =	vst v63  }
0x54: {  	_ =	swait.ge [sflag:s17], $0x1400  }
0x55: {  	[sflag:s17] =	ssyncset.done $0x0  }
0x56: {  	[sflag:s17] =	ssyncadd.s32 $0xFFFFEC00  }
0x57: {  	[tilespmem:s20], [sflag:$0x3] =	stream.linear.gather [hbm4b:s10+s0], $0x1400, $0x38;
	[tilespmem:$0x1E880] =	vst v63  }
0x58: {  	_ =	swait.ge [sflag:s17], $0x1400  }
0x59: {  	[sflag:s17] =	ssyncset.done $0x0  }
0x5a: {  	[sflag:s17] =	ssyncadd.s32 $0xFFFFEC00  }
0x5b: {  	[tilespmem:s22], [sflag:$0x1] =	stream.indirect.gather [hbm4b:s4+s21], $0x80, s0, s21, $0xb8;
	[tilespmem:$0x1E880] =	vst v63  }
0x5c: {  	s2 =	simm.s32 $0x80  }
0x5d: {  	[tilespmem:s23], [sflag:$0x2] =	stream.indirect.gather [hbm4b:s4+s21], $0x80, s2, s21, $0xb8;
	[tilespmem:$0x1E880] =	vst v63  }
0x5e: {  	_ =	swait.ge [sflag:s24], $0x4000  }
0x5f: {  	[sflag:s24] =	ssyncset.done $0x0  }
0x60: {  	s3 =	simm.s32 $0x1400;
	[sflag:s24] =	ssyncadd.s32 $0xFFFFC000  }
0x61: {  	[spmem:s1] =	stream.indirect.scatter.add.f32 [tilespmem:s22], [sflag:$0x3], $0x80, s3, s21, $0xb8;
	[tilespmem:$0x1E880] =	vst v63  }
0x62: {  	_ =	swait.ge [sflag:s17], $0x4000  }
0x63: {  	[sflag:s17] =	ssyncset.done $0x0  }
0x64: {  	s8 =	simm.s32 $0x100;
	[sflag:s17] =	ssyncadd.s32 $0xFFFFC000  }
0x65: {  	[tilespmem:s22], [sflag:$0x1] =	stream.indirect.gather [hbm4b:s4+s21], $0x80, s8, s21, $0xb8;
	[tilespmem:$0x1E880] =	vst v63  }
0x66: {  	_ =	swait.ge [sflag:s25], $0x4000  }
0x67: {  	[sflag:s25] =	ssyncset.done $0x0  }
0x68: {  	s16 =	simm.s32 $0x1480;
	[sflag:s25] =	ssyncadd.s32 $0xFFFFC000  }
0x69: {  	[spmem:s1] =	stream.indirect.scatter.add.f32 [tilespmem:s23], [sflag:$0x3], $0x80, s16, s21, $0xb8;
	[tilespmem:$0x1E880] =	vst v63  }
0x6a: {  	_ =	swait.ge [sflag:s17], $0x4000  }
0x6b: {  	s0 =	simm.s32 $0x100;
	s3 =	simm.s32 $0x800;
	[sflag:s17] =	ssyncset.done $0x0  }
.LBB2_7:
0x6c: {  	s2 =	sadd.s32 $0x80, s0  }
0x6d: {  	[sflag:s17] =	ssyncadd.s32 $0xFFFFC000;
	s16 =	smov.u32 s3;
	s8 =	sadd.s32 $0x400, s3  }
0x6e: {  	[tilespmem:s23], [sflag:$0x2] =	stream.indirect.gather [hbm4b:s4+s21], $0x80, s2, s21, $0xb8;
	[tilespmem:$0x1E880] =	vst v63  }
0x6f: {  	p3 =	sne.s32 s3, $0x4800;
	_ =	swait.ge [sflag:s24], $0x4000  }
0x70: {  	[sflag:s24] =	ssyncset.done $0x0  }
0x71: {  	s2 =	sadd.s32 $0x1400, s0;
	[sflag:s24] =	ssyncadd.s32 $0xFFFFC000  }
0x72: {  	[spmem:s1] =	stream.indirect.scatter.add.f32 [tilespmem:s22], [sflag:$0x3], $0x80, s2, s21, $0xb8;
	[tilespmem:$0x1E880] =	vst v63  }
0x73: {  	_ =	swait.ge [sflag:s17], $0x4000  }
0x74: {  	[sflag:s17] =	ssyncset.done $0x0  }
0x75: {  	s2 =	sadd.s32 $0x100, s0;
	[sflag:s17] =	ssyncadd.s32 $0xFFFFC000  }
0x76: {  	[tilespmem:s22], [sflag:$0x1] =	stream.indirect.gather [hbm4b:s4+s21], $0x80, s2, s21, $0xb8;
	[tilespmem:$0x1E880] =	vst v63  }
0x77: {  	_ =	swait.ge [sflag:s25], $0x4000  }
.Ltmp4:
0x78: {  	[sflag:s25] =	ssyncset.done $0x0;
	(pc) =	sbr.rel @p3 .LBB2_7-.Ltmp4, $4  }
0x79: {  	s0 =	sadd.s32 $0x1480, s0;
	[sflag:s25] =	ssyncadd.s32 $0xFFFFC000  }
0x7a: {  	[spmem:s1] =	stream.indirect.scatter.add.f32 [tilespmem:s23], [sflag:$0x3], $0x80, s0, s21, $0xb8;
	[tilespmem:$0x1E880] =	vst v63  }
0x7b: {  	_ =	swait.ge [sflag:s17], $0x4000  }
0x7c: {  	s3 =	smov.u32 s8;
	s0 =	sshra.s32 s16, $0x2;
	[sflag:s17] =	ssyncset.done $0x0  }
0x7d: {  	s2 =	sadd.s32 $0x80, s0;
	[sflag:s17] =	ssyncadd.s32 $0xFFFFC000  }
0x7e: {  	[tilespmem:s23], [sflag:$0x2] =	stream.indirect.gather [hbm4b:s4+s21], $0x80, s2, s21, $0xb8;
	[tilespmem:$0x1E880] =	vst v63  }
0x7f: {  	_ =	swait.ge [sflag:s24], $0x4000  }
0x80: {  	[sflag:s24] =	ssyncset.done $0x0  }
0x81: {  	s16 =	sadd.s32 $0x1400, s0;
	[sflag:s24] =	ssyncadd.s32 $0xFFFFC000  }
0x82: {  	[spmem:s1] =	stream.indirect.scatter.add.f32 [tilespmem:s22], [sflag:$0x3], $0x80, s16, s21, $0xb8;
	[tilespmem:$0x1E880] =	vst v63  }
0x83: {  	_ =	swait.ge [sflag:s17], $0x4000  }
0x84: {  	[sflag:s17] =	ssyncset.done $0x0  }
0x85: {  	s3 =	sadd.s32 $0x100, s0;
	[sflag:s17] =	ssyncadd.s32 $0xFFFFC000  }
0x86: {  	[tilespmem:s22], [sflag:$0x1] =	stream.indirect.gather [hbm4b:s4+s21], $0x80, s3, s21, $0xb8;
	[tilespmem:$0x1E880] =	vst v63  }
0x87: {  	_ =	swait.ge [sflag:s25], $0x4000  }
0x88: {  	[sflag:s25] =	ssyncset.done $0x0  }
0x89: {  	s8 =	sadd.s32 $0x1480, s0;
	[sflag:s25] =	ssyncadd.s32 $0xFFFFC000  }
0x8a: {  	[spmem:s1] =	stream.indirect.scatter.add.f32 [tilespmem:s23], [sflag:$0x3], $0x80, s8, s21, $0xb8;
	[tilespmem:$0x1E880] =	vst v63  }
0x8b: {  	_ =	swait.ge [sflag:s17], $0x4000  }
0x8c: {  	[sflag:s17] =	ssyncset.done $0x0  }
0x8d: {  	[sflag:s17] =	ssyncadd.s32 $0xFFFFC000  }
0x8e: {  	[tilespmem:s23], [sflag:$0x2] =	stream.indirect.gather [hbm4b:s4+s21], $0x80, s26, s21, $0xb8;
	[tilespmem:$0x1E880] =	vst v63  }
0x8f: {  	_ =	swait.ge [sflag:s24], $0x4000  }
0x90: {  	[sflag:s24] =	ssyncset.done $0x0  }
0x91: {  	[sflag:s24] =	ssyncadd.s32 $0xFFFFC000  }
0x92: {  	[spmem:s1] =	stream.indirect.scatter.add.f32 [tilespmem:s22], [sflag:$0x3], $0x80, s28, s21, $0xb8;
	[tilespmem:$0x1E880] =	vst v63  }
0x93: {  	_ =	swait.ge [sflag:s17], $0x4000  }
0x94: {  	[sflag:s17] =	ssyncset.done $0x0  }
0x95: {  	[sflag:s17] =	ssyncadd.s32 $0xFFFFC000  }
0x96: {  	_ =	swait.ge [sflag:s25], $0x4000  }
0x97: {  	[sflag:s25] =	ssyncset.done $0x0  }
0x98: {  	[sflag:s25] =	ssyncadd.s32 $0xFFFFC000  }
0x99: {  	[spmem:s1] =	stream.indirect.scatter.add.f32 [tilespmem:s23], [sflag:$0x3], $0x80, s29, s21, $0xb8;
	[tilespmem:$0x1E880] =	vst v63  }
0x9a: {  	_ =	swait.ge [sflag:s17], $0x4000  }
0x9b: {  	[sflag:s17] =	ssyncset.done $0x0  }
0x9c: {  	s16 =	simm.s32 $0x0;
	[sflag:s17] =	ssyncadd.s32 $0xFFFFC000  }
0x9d: {  	[tilespmem:s16], [sflag:$0x3] =	stream.linear.gather [hbm4b:s11+s16], $0x1400, $0x38;
	[tilespmem:$0x1E880] =	vst v63  }
0x9e: {  	_ =	swait.ge [sflag:s17], $0x1400  }
0x9f: {  	[sflag:s17] =	ssyncset.done $0x0  }
0xa0: {  	[sflag:s17] =	ssyncadd.s32 $0xFFFFEC00  }
0xa1: {  	[tilespmem:s20], [sflag:$0x3] =	stream.linear.gather [hbm4b:s12+s16], $0x1400, $0x38;
	[tilespmem:$0x1E880] =	vst v63  }
0xa2: {  	_ =	swait.ge [sflag:s17], $0x1400  }
0xa3: {  	[sflag:s17] =	ssyncset.done $0x0  }
0xa4: {  	[sflag:s17] =	ssyncadd.s32 $0xFFFFEC00  }
0xa5: {  	[tilespmem:s22], [sflag:$0x1] =	stream.indirect.gather [hbm4b:s4+s21], $0x80, s16, s21, $0xb8;
	[tilespmem:$0x1E880] =	vst v63  }
0xa6: {  	s2 =	simm.s32 $0x80  }
0xa7: {  	[tilespmem:s23], [sflag:$0x2] =	stream.indirect.gather [hbm4b:s4+s21], $0x80, s2, s21, $0xb8;
	[tilespmem:$0x1E880] =	vst v63  }
0xa8: {  	_ =	swait.ge [sflag:s24], $0x4000  }
0xa9: {  	[sflag:s24] =	ssyncset.done $0x0  }
0xaa: {  	s3 =	simm.s32 $0x1400;
	[sflag:s24] =	ssyncadd.s32 $0xFFFFC000  }
0xab: {  	[spmem:s1] =	stream.indirect.scatter.add.f32 [tilespmem:s22], [sflag:$0x3], $0x80, s3, s21, $0xb8;
	[tilespmem:$0x1E880] =	vst v63  }
0xac: {  	_ =	swait.ge [sflag:s17], $0x4000  }
0xad: {  	[sflag:s17] =	ssyncset.done $0x0  }
0xae: {  	s8 =	simm.s32 $0x100;
	[sflag:s17] =	ssyncadd.s32 $0xFFFFC000  }
0xaf: {  	[tilespmem:s22], [sflag:$0x1] =	stream.indirect.gather [hbm4b:s4+s21], $0x80, s8, s21, $0xb8;
	[tilespmem:$0x1E880] =	vst v63  }
0xb0: {  	_ =	swait.ge [sflag:s25], $0x4000  }
0xb1: {  	[sflag:s25] =	ssyncset.done $0x0  }
0xb2: {  	s16 =	simm.s32 $0x1480;
	[sflag:s25] =	ssyncadd.s32 $0xFFFFC000  }
0xb3: {  	[spmem:s1] =	stream.indirect.scatter.add.f32 [tilespmem:s23], [sflag:$0x3], $0x80, s16, s21, $0xb8;
	[tilespmem:$0x1E880] =	vst v63  }
0xb4: {  	_ =	swait.ge [sflag:s17], $0x4000  }
0xb5: {  	s0 =	simm.s32 $0x100;
	s3 =	simm.s32 $0x800;
	[sflag:s17] =	ssyncset.done $0x0  }
.LBB2_9:
0xb6: {  	s2 =	sadd.s32 $0x80, s0  }
0xb7: {  	[sflag:s17] =	ssyncadd.s32 $0xFFFFC000;
	s8 =	smov.u32 s3;
	s16 =	sadd.s32 $0x400, s3  }
0xb8: {  	[tilespmem:s23], [sflag:$0x2] =	stream.indirect.gather [hbm4b:s4+s21], $0x80, s2, s21, $0xb8;
	[tilespmem:$0x1E880] =	vst v63  }
0xb9: {  	p3 =	sne.s32 s3, $0x4800;
	_ =	swait.ge [sflag:s24], $0x4000  }
0xba: {  	[sflag:s24] =	ssyncset.done $0x0  }
0xbb: {  	s2 =	sadd.s32 $0x1400, s0;
	[sflag:s24] =	ssyncadd.s32 $0xFFFFC000  }
0xbc: {  	[spmem:s1] =	stream.indirect.scatter.add.f32 [tilespmem:s22], [sflag:$0x3], $0x80, s2, s21, $0xb8;
	[tilespmem:$0x1E880] =	vst v63  }
0xbd: {  	_ =	swait.ge [sflag:s17], $0x4000  }
0xbe: {  	[sflag:s17] =	ssyncset.done $0x0  }
0xbf: {  	s2 =	sadd.s32 $0x100, s0;
	[sflag:s17] =	ssyncadd.s32 $0xFFFFC000  }
0xc0: {  	[tilespmem:s22], [sflag:$0x1] =	stream.indirect.gather [hbm4b:s4+s21], $0x80, s2, s21, $0xb8;
	[tilespmem:$0x1E880] =	vst v63  }
0xc1: {  	_ =	swait.ge [sflag:s25], $0x4000  }
.Ltmp5:
0xc2: {  	[sflag:s25] =	ssyncset.done $0x0;
	(pc) =	sbr.rel @p3 .LBB2_9-.Ltmp5, $4  }
0xc3: {  	s0 =	sadd.s32 $0x1480, s0;
	[sflag:s25] =	ssyncadd.s32 $0xFFFFC000  }
0xc4: {  	[spmem:s1] =	stream.indirect.scatter.add.f32 [tilespmem:s23], [sflag:$0x3], $0x80, s0, s21, $0xb8;
	[tilespmem:$0x1E880] =	vst v63  }
0xc5: {  	_ =	swait.ge [sflag:s17], $0x4000  }
0xc6: {  	s3 =	smov.u32 s16;
	s0 =	sshra.s32 s8, $0x2;
	[sflag:s17] =	ssyncset.done $0x0  }
0xc7: {  	s2 =	sadd.s32 $0x80, s0;
	[sflag:s17] =	ssyncadd.s32 $0xFFFFC000  }
0xc8: {  	[tilespmem:s23], [sflag:$0x2] =	stream.indirect.gather [hbm4b:s4+s21], $0x80, s2, s21, $0xb8;
	[tilespmem:$0x1E880] =	vst v63  }
0xc9: {  	_ =	swait.ge [sflag:s24], $0x4000  }
0xca: {  	[sflag:s24] =	ssyncset.done $0x0  }
0xcb: {  	s3 =	sadd.s32 $0x1400, s0;
	[sflag:s24] =	ssyncadd.s32 $0xFFFFC000  }
0xcc: {  	[spmem:s1] =	stream.indirect.scatter.add.f32 [tilespmem:s22], [sflag:$0x3], $0x80, s3, s21, $0xb8;
	[tilespmem:$0x1E880] =	vst v63  }
0xcd: {  	_ =	swait.ge [sflag:s17], $0x4000  }
0xce: {  	[sflag:s17] =	ssyncset.done $0x0  }
0xcf: {  	s8 =	sadd.s32 $0x100, s0;
	[sflag:s17] =	ssyncadd.s32 $0xFFFFC000  }
0xd0: {  	[tilespmem:s22], [sflag:$0x1] =	stream.indirect.gather [hbm4b:s4+s21], $0x80, s8, s21, $0xb8;
	[tilespmem:$0x1E880] =	vst v63  }
0xd1: {  	_ =	swait.ge [sflag:s25], $0x4000  }
0xd2: {  	[sflag:s25] =	ssyncset.done $0x0  }
0xd3: {  	s16 =	sadd.s32 $0x1480, s0;
	[sflag:s25] =	ssyncadd.s32 $0xFFFFC000  }
0xd4: {  	[spmem:s1] =	stream.indirect.scatter.add.f32 [tilespmem:s23], [sflag:$0x3], $0x80, s16, s21, $0xb8;
	[tilespmem:$0x1E880] =	vst v63  }
0xd5: {  	_ =	swait.ge [sflag:s17], $0x4000  }
0xd6: {  	[sflag:s17] =	ssyncset.done $0x0  }
0xd7: {  	[sflag:s17] =	ssyncadd.s32 $0xFFFFC000  }
0xd8: {  	[tilespmem:s23], [sflag:$0x2] =	stream.indirect.gather [hbm4b:s4+s21], $0x80, s26, s21, $0xb8;
	[tilespmem:$0x1E880] =	vst v63  }
0xd9: {  	_ =	swait.ge [sflag:s24], $0x4000  }
0xda: {  	[sflag:s24] =	ssyncset.done $0x0  }
0xdb: {  	[sflag:s24] =	ssyncadd.s32 $0xFFFFC000  }
0xdc: {  	[spmem:s1] =	stream.indirect.scatter.add.f32 [tilespmem:s22], [sflag:$0x3], $0x80, s28, s21, $0xb8;
	[tilespmem:$0x1E880] =	vst v63  }
0xdd: {  	_ =	swait.ge [sflag:s17], $0x4000  }
0xde: {  	[sflag:s17] =	ssyncset.done $0x0  }
0xdf: {  	[sflag:s17] =	ssyncadd.s32 $0xFFFFC000  }
0xe0: {  	_ =	swait.ge [sflag:s25], $0x4000  }
0xe1: {  	[sflag:s25] =	ssyncset.done $0x0  }
.Ltmp6:
0xe2: {  	[sflag:s25] =	ssyncadd.s32 $0xFFFFC000;
	(pc) =	sbr.rel .LBB2_11-.Ltmp6, $4  }
0xe3: {  	[spmem:s1] =	stream.indirect.scatter.add.f32 [tilespmem:s23], [sflag:$0x3], $0x80, s29, s21, $0xb8;
	[tilespmem:$0x1E880] =	vst v63  }
0xe4: {  	_ =	swait.ge [sflag:s17], $0x4000  }
0xe5: {  	[sflag:s17] =	ssyncset.done $0x0  }
0xe6: {  	[sflag:s17] =	ssyncadd.s32 $0xFFFFC000  }
.LBB2_2:
0xe7: {  	s0 =	simm.s32 $0x0  }
0xe8: {  	[tilespmem:s22], [sflag:$0x3] =	stream.linear.gather [hbm4b:s4+s0], $0x4000, $0x38;
	[tilespmem:$0x1E880] =	vst v63  }
0xe9: {  	_ =	swait.ge [sflag:s17], $0x4000  }
0xea: {  	[sflag:s17] =	ssyncset.done $0x0  }
0xeb: {  	s2 =	rddreg [dreg:$0x3];
	[sflag:s17] =	ssyncadd.s32 $0xFFFFC000  }
0xec: {  	[tilespmem:s20], [sflag:$0x3] =	stream.linear.gather [hbm4b:s2+s0], $0x1400, $0x38;
	[tilespmem:$0x1E880] =	vst v63  }
0xed: {  	_ =	swait.ge [sflag:s17], $0x1400  }
0xee: {  	[sflag:s17] =	ssyncset.done $0x0  }
0xef: {  	s16 =	simm.s32 $0x1400;
	[sflag:s17] =	ssyncadd.s32 $0xFFFFEC00  }
0xf0: {  	[spmem:s1] =	stream.indirect.scatter.add.f32 [tilespmem:s22], [sflag:$0x3], $0x80, s16, s21, $0xb8;
	[tilespmem:$0x1E880] =	vst v63  }
0xf1: {  	s0 =	simm.s32 $0x200;
	_ =	swait.ge [sflag:s17], $0x4000  }
.LBB2_3:
0xf2: {  	s3 =	sshra.s32 s0, $0x2;
	[sflag:s17] =	ssyncset.done $0x0;
	p3 =	seq.s32 s0, $0x4E00  }
.Ltmp7:
0xf3: {  	s3 =	sadd.s32 $0x1400, s3;
	[sflag:s17] =	ssyncadd.s32 $0xFFFFC000;
	(pc) =	sbr.rel @!p3 .LBB2_3-.Ltmp7, $3  }
0xf4: {  	[spmem:s1] =	stream.indirect.scatter.add.f32 [tilespmem:s22], [sflag:$0x3], $0x80, s3, s21, $0xb8;
	[tilespmem:$0x1E880] =	vst v63  }
0xf5: {  	s0 =	sadd.s32 $0x200, s0;
	_ =	sdelay $0x1  }
0xf6: {  	_ =	swait.ge [sflag:s17], $0x4000  }
0xf7: {  	[sflag:s17] =	ssyncset.done $0x0  }
0xf8: {  	[sflag:s17] =	ssyncadd.s32 $0xFFFFC000  }
.LBB2_11:
0xf9: {  	p3 =	seq.s32 s31, $0x1  }
0xfa: {  	p3 =	por p3, p2  }
.Ltmp8:
0xfb: {  	_ = 	snop;
	(pc) =	sbr.rel @p3 .LBB2_17-.Ltmp8, $1  }
0xfc: {  	_ =	sdelay $0x3  }
0xfd: {  	s0 =	simm.s32 $0x0  }
0xfe: {  	[tilespmem:s0], [sflag:$0x3] =	stream.linear.gather [hbm4b:s9+s0], $0x1400, $0x38;
	[tilespmem:$0x1E880] =	vst v63  }
0xff: {  	_ =	swait.ge [sflag:s17], $0x1400  }
0x100: {  	[sflag:s17] =	ssyncset.done $0x0  }
0x101: {  	[sflag:s17] =	ssyncadd.s32 $0xFFFFEC00  }
0x102: {  	[tilespmem:s20], [sflag:$0x3] =	stream.linear.gather [hbm4b:s10+s0], $0x1400, $0x38;
	[tilespmem:$0x1E880] =	vst v63  }
0x103: {  	_ =	swait.ge [sflag:s17], $0x1400  }
0x104: {  	[sflag:s17] =	ssyncset.done $0x0  }
0x105: {  	[sflag:s17] =	ssyncadd.s32 $0xFFFFEC00  }
0x106: {  	[tilespmem:s22], [sflag:$0x1] =	stream.indirect.gather [hbm4b:s4+s21], $0x80, s0, s21, $0xb8;
	[tilespmem:$0x1E880] =	vst v63  }
0x107: {  	s3 =	simm.s32 $0x80  }
0x108: {  	[tilespmem:s23], [sflag:$0x2] =	stream.indirect.gather [hbm4b:s4+s21], $0x80, s3, s21, $0xb8;
	[tilespmem:$0x1E880] =	vst v63  }
0x109: {  	_ =	swait.ge [sflag:s24], $0x4000  }
0x10a: {  	[sflag:s24] =	ssyncset.done $0x0  }
0x10b: {  	s8 =	simm.s32 $0x1400;
	[sflag:s24] =	ssyncadd.s32 $0xFFFFC000  }
0x10c: {  	[spmem:s1] =	stream.indirect.scatter.add.f32 [tilespmem:s22], [sflag:$0x3], $0x80, s8, s21, $0xb8;
	[tilespmem:$0x1E880] =	vst v63  }
0x10d: {  	_ =	swait.ge [sflag:s17], $0x4000  }
0x10e: {  	[sflag:s17] =	ssyncset.done $0x0  }
0x10f: {  	s16 =	simm.s32 $0x100;
	[sflag:s17] =	ssyncadd.s32 $0xFFFFC000  }
0x110: {  	[tilespmem:s22], [sflag:$0x1] =	stream.indirect.gather [hbm4b:s4+s21], $0x80, s16, s21, $0xb8;
	[tilespmem:$0x1E880] =	vst v63  }
0x111: {  	_ =	swait.ge [sflag:s25], $0x4000  }
0x112: {  	[sflag:s25] =	ssyncset.done $0x0  }
0x113: {  	s31 =	simm.s32 $0x1480;
	[sflag:s25] =	ssyncadd.s32 $0xFFFFC000  }
0x114: {  	[spmem:s1] =	stream.indirect.scatter.add.f32 [tilespmem:s23], [sflag:$0x3], $0x80, s31, s21, $0xb8;
	[tilespmem:$0x1E880] =	vst v63  }
0x115: {  	_ =	swait.ge [sflag:s17], $0x4000  }
0x116: {  	s0 =	simm.s32 $0x100;
	s3 =	simm.s32 $0x800;
	[sflag:s17] =	ssyncset.done $0x0  }
.LBB2_13:
0x117: {  	s2 =	sadd.s32 $0x80, s0  }
0x118: {  	[sflag:s17] =	ssyncadd.s32 $0xFFFFC000;
	s8 =	smov.u32 s3;
	s16 =	sadd.s32 $0x400, s3  }
0x119: {  	[tilespmem:s23], [sflag:$0x2] =	stream.indirect.gather [hbm4b:s4+s21], $0x80, s2, s21, $0xb8;
	[tilespmem:$0x1E880] =	vst v63  }
0x11a: {  	p3 =	sne.s32 s3, $0x4800;
	_ =	swait.ge [sflag:s24], $0x4000  }
0x11b: {  	[sflag:s24] =	ssyncset.done $0x0  }
0x11c: {  	s2 =	sadd.s32 $0x1400, s0;
	[sflag:s24] =	ssyncadd.s32 $0xFFFFC000  }
0x11d: {  	[spmem:s1] =	stream.indirect.scatter.add.f32 [tilespmem:s22], [sflag:$0x3], $0x80, s2, s21, $0xb8;
	[tilespmem:$0x1E880] =	vst v63  }
0x11e: {  	_ =	swait.ge [sflag:s17], $0x4000  }
0x11f: {  	[sflag:s17] =	ssyncset.done $0x0  }
0x120: {  	s2 =	sadd.s32 $0x100, s0;
	[sflag:s17] =	ssyncadd.s32 $0xFFFFC000  }
0x121: {  	[tilespmem:s22], [sflag:$0x1] =	stream.indirect.gather [hbm4b:s4+s21], $0x80, s2, s21, $0xb8;
	[tilespmem:$0x1E880] =	vst v63  }
0x122: {  	_ =	swait.ge [sflag:s25], $0x4000  }
.Ltmp9:
0x123: {  	[sflag:s25] =	ssyncset.done $0x0;
	(pc) =	sbr.rel @p3 .LBB2_13-.Ltmp9, $4  }
0x124: {  	s0 =	sadd.s32 $0x1480, s0;
	[sflag:s25] =	ssyncadd.s32 $0xFFFFC000  }
0x125: {  	[spmem:s1] =	stream.indirect.scatter.add.f32 [tilespmem:s23], [sflag:$0x3], $0x80, s0, s21, $0xb8;
	[tilespmem:$0x1E880] =	vst v63  }
0x126: {  	_ =	swait.ge [sflag:s17], $0x4000  }
0x127: {  	s3 =	smov.u32 s16;
	s0 =	sshra.s32 s8, $0x2;
	[sflag:s17] =	ssyncset.done $0x0  }
0x128: {  	s2 =	sadd.s32 $0x80, s0;
	[sflag:s17] =	ssyncadd.s32 $0xFFFFC000  }
0x129: {  	[tilespmem:s23], [sflag:$0x2] =	stream.indirect.gather [hbm4b:s4+s21], $0x80, s2, s21, $0xb8;
	[tilespmem:$0x1E880] =	vst v63  }
0x12a: {  	_ =	swait.ge [sflag:s24], $0x4000  }
0x12b: {  	[sflag:s24] =	ssyncset.done $0x0  }
0x12c: {  	s8 =	sadd.s32 $0x1400, s0;
	[sflag:s24] =	ssyncadd.s32 $0xFFFFC000  }
0x12d: {  	[spmem:s1] =	stream.indirect.scatter.add.f32 [tilespmem:s22], [sflag:$0x3], $0x80, s8, s21, $0xb8;
	[tilespmem:$0x1E880] =	vst v63  }
0x12e: {  	_ =	swait.ge [sflag:s17], $0x4000  }
0x12f: {  	[sflag:s17] =	ssyncset.done $0x0  }
0x130: {  	s16 =	sadd.s32 $0x100, s0;
	[sflag:s17] =	ssyncadd.s32 $0xFFFFC000  }
0x131: {  	[tilespmem:s22], [sflag:$0x1] =	stream.indirect.gather [hbm4b:s4+s21], $0x80, s16, s21, $0xb8;
	[tilespmem:$0x1E880] =	vst v63  }
0x132: {  	_ =	swait.ge [sflag:s25], $0x4000  }
0x133: {  	[sflag:s25] =	ssyncset.done $0x0  }
0x134: {  	s31 =	sadd.s32 $0x1480, s0;
	[sflag:s25] =	ssyncadd.s32 $0xFFFFC000  }
0x135: {  	[spmem:s1] =	stream.indirect.scatter.add.f32 [tilespmem:s23], [sflag:$0x3], $0x80, s31, s21, $0xb8;
	[tilespmem:$0x1E880] =	vst v63  }
0x136: {  	_ =	swait.ge [sflag:s17], $0x4000  }
0x137: {  	[sflag:s17] =	ssyncset.done $0x0  }
0x138: {  	[sflag:s17] =	ssyncadd.s32 $0xFFFFC000  }
0x139: {  	[tilespmem:s23], [sflag:$0x2] =	stream.indirect.gather [hbm4b:s4+s21], $0x80, s26, s21, $0xb8;
	[tilespmem:$0x1E880] =	vst v63  }
0x13a: {  	_ =	swait.ge [sflag:s24], $0x4000  }
0x13b: {  	[sflag:s24] =	ssyncset.done $0x0  }
0x13c: {  	[sflag:s24] =	ssyncadd.s32 $0xFFFFC000  }
0x13d: {  	[spmem:s1] =	stream.indirect.scatter.add.f32 [tilespmem:s22], [sflag:$0x3], $0x80, s28, s21, $0xb8;
	[tilespmem:$0x1E880] =	vst v63  }
0x13e: {  	_ =	swait.ge [sflag:s17], $0x4000  }
0x13f: {  	[sflag:s17] =	ssyncset.done $0x0  }
0x140: {  	[sflag:s17] =	ssyncadd.s32 $0xFFFFC000  }
0x141: {  	_ =	swait.ge [sflag:s25], $0x4000  }
0x142: {  	[sflag:s25] =	ssyncset.done $0x0  }
0x143: {  	[sflag:s25] =	ssyncadd.s32 $0xFFFFC000  }
0x144: {  	[spmem:s1] =	stream.indirect.scatter.add.f32 [tilespmem:s23], [sflag:$0x3], $0x80, s29, s21, $0xb8;
	[tilespmem:$0x1E880] =	vst v63  }
0x145: {  	_ =	swait.ge [sflag:s17], $0x4000  }
0x146: {  	[sflag:s17] =	ssyncset.done $0x0  }
0x147: {  	s2 =	simm.s32 $0x0;
	[sflag:s17] =	ssyncadd.s32 $0xFFFFC000  }
0x148: {  	[tilespmem:s2], [sflag:$0x3] =	stream.linear.gather [hbm4b:s11+s2], $0x1400, $0x38;
	[tilespmem:$0x1E880] =	vst v63  }
0x149: {  	_ =	swait.ge [sflag:s17], $0x1400  }
0x14a: {  	[sflag:s17] =	ssyncset.done $0x0  }
0x14b: {  	[sflag:s17] =	ssyncadd.s32 $0xFFFFEC00  }
0x14c: {  	[tilespmem:s20], [sflag:$0x3] =	stream.linear.gather [hbm4b:s12+s2], $0x1400, $0x38;
	[tilespmem:$0x1E880] =	vst v63  }
0x14d: {  	_ =	swait.ge [sflag:s17], $0x1400  }
0x14e: {  	[sflag:s17] =	ssyncset.done $0x0  }
0x14f: {  	[sflag:s17] =	ssyncadd.s32 $0xFFFFEC00  }
0x150: {  	[tilespmem:s22], [sflag:$0x1] =	stream.indirect.gather [hbm4b:s4+s21], $0x80, s2, s21, $0xb8;
	[tilespmem:$0x1E880] =	vst v63  }
0x151: {  	s3 =	simm.s32 $0x80  }
0x152: {  	[tilespmem:s23], [sflag:$0x2] =	stream.indirect.gather [hbm4b:s4+s21], $0x80, s3, s21, $0xb8;
	[tilespmem:$0x1E880] =	vst v63  }
0x153: {  	_ =	swait.ge [sflag:s24], $0x4000  }
0x154: {  	[sflag:s24] =	ssyncset.done $0x0  }
0x155: {  	s8 =	simm.s32 $0x1400;
	[sflag:s24] =	ssyncadd.s32 $0xFFFFC000  }
0x156: {  	[spmem:s1] =	stream.indirect.scatter.add.f32 [tilespmem:s22], [sflag:$0x3], $0x80, s8, s21, $0xb8;
	[tilespmem:$0x1E880] =	vst v63  }
0x157: {  	_ =	swait.ge [sflag:s17], $0x4000  }
0x158: {  	[sflag:s17] =	ssyncset.done $0x0  }
0x159: {  	s16 =	simm.s32 $0x100;
	[sflag:s17] =	ssyncadd.s32 $0xFFFFC000  }
0x15a: {  	[tilespmem:s22], [sflag:$0x1] =	stream.indirect.gather [hbm4b:s4+s21], $0x80, s16, s21, $0xb8;
	[tilespmem:$0x1E880] =	vst v63  }
0x15b: {  	_ =	swait.ge [sflag:s25], $0x4000  }
0x15c: {  	[sflag:s25] =	ssyncset.done $0x0  }
0x15d: {  	s31 =	simm.s32 $0x1480;
	[sflag:s25] =	ssyncadd.s32 $0xFFFFC000  }
0x15e: {  	[spmem:s1] =	stream.indirect.scatter.add.f32 [tilespmem:s23], [sflag:$0x3], $0x80, s31, s21, $0xb8;
	[tilespmem:$0x1E880] =	vst v63  }
0x15f: {  	_ =	swait.ge [sflag:s17], $0x4000  }
0x160: {  	s0 =	simm.s32 $0x100;
	s3 =	simm.s32 $0x800;
	[sflag:s17] =	ssyncset.done $0x0  }
.LBB2_15:
0x161: {  	s2 =	sadd.s32 $0x80, s0  }
0x162: {  	[sflag:s17] =	ssyncadd.s32 $0xFFFFC000;
	s8 =	smov.u32 s3;
	s16 =	sadd.s32 $0x400, s3  }
0x163: {  	[tilespmem:s23], [sflag:$0x2] =	stream.indirect.gather [hbm4b:s4+s21], $0x80, s2, s21, $0xb8;
	[tilespmem:$0x1E880] =	vst v63  }
0x164: {  	p3 =	sne.s32 s3, $0x4800;
	_ =	swait.ge [sflag:s24], $0x4000  }
0x165: {  	[sflag:s24] =	ssyncset.done $0x0  }
0x166: {  	s2 =	sadd.s32 $0x1400, s0;
	[sflag:s24] =	ssyncadd.s32 $0xFFFFC000  }
0x167: {  	[spmem:s1] =	stream.indirect.scatter.add.f32 [tilespmem:s22], [sflag:$0x3], $0x80, s2, s21, $0xb8;
	[tilespmem:$0x1E880] =	vst v63  }
0x168: {  	_ =	swait.ge [sflag:s17], $0x4000  }
0x169: {  	[sflag:s17] =	ssyncset.done $0x0  }
0x16a: {  	s2 =	sadd.s32 $0x100, s0;
	[sflag:s17] =	ssyncadd.s32 $0xFFFFC000  }
0x16b: {  	[tilespmem:s22], [sflag:$0x1] =	stream.indirect.gather [hbm4b:s4+s21], $0x80, s2, s21, $0xb8;
	[tilespmem:$0x1E880] =	vst v63  }
0x16c: {  	_ =	swait.ge [sflag:s25], $0x4000  }
.Ltmp10:
0x16d: {  	[sflag:s25] =	ssyncset.done $0x0;
	(pc) =	sbr.rel @p3 .LBB2_15-.Ltmp10, $4  }
0x16e: {  	s0 =	sadd.s32 $0x1480, s0;
	[sflag:s25] =	ssyncadd.s32 $0xFFFFC000  }
0x16f: {  	[spmem:s1] =	stream.indirect.scatter.add.f32 [tilespmem:s23], [sflag:$0x3], $0x80, s0, s21, $0xb8;
	[tilespmem:$0x1E880] =	vst v63  }
0x170: {  	_ =	swait.ge [sflag:s17], $0x4000  }
0x171: {  	s3 =	smov.u32 s16;
	s0 =	sshra.s32 s8, $0x2;
	[sflag:s17] =	ssyncset.done $0x0  }
.Ltmp11:
0x172: {  	_ = 	snop;
	(pc) =	sbr.rel .LBB2_16-.Ltmp11, $1  }
0x173: {  	_ =	sdelay $0x3  }
.LBB2_18:
0x174: {  	_ =	sfence.sel $0x180000  }
0x175: {  	[bflag:$0x0] =	sbarrier.arrive $0xFFFF  }
0x176: {  	_ =	strace $0x90000047  }
0x177: {  	s0 =	stileid.u32;
	[bflag:$0x2] =	sbarrier.arrive $0xFFFF  }
0x178: {  	p0 =	sne.s32 s0, $0x0;
	s0 =	rddreg [dreg:$0x2]  }
0x179: {  	s0 =	sadd.s32 @!p0 $0x100000, s0  }
0x17a: {  	[sflag:s0] =	ssyncadd.tile.s32 @!p0 $0x1;
	_ =	shalt  }
.Lfunc_end2:
_tile_overlayer_lowered:
.L_overlay_start_2:
0x17b: {  	(tag) =	ssettag $0x2  }
0x17c: {  	s0 =	rddreg [dreg:$0x0];
	s2 =	stileid.u32  }
0x17d: {  	s1 =	rddreg [dreg:$0x1];
	p0 =	sne.s32 s2, $0x0  }
0x17e: {  	s3 =	rddreg [dreg:$0x2];
	[bflag:$0x3] =	sbarrier.arrive $0xFFFF;
	s2 =	simm.s32 @!p0 $0x1C03  }
0x17f: {  	[timem:s3], [sflag:s2] =	dma.local @!p0 [hbm:s0], s1  }
0x180: {  	s0 =	simm.s32 @!p0 $0x3  }
0x181: {  	_ =	swait.ge @!p0 [sflag:s0], s1  }
0x182: {  	s1 =	ssub.s32 @!p0 $0x0, s1;
	[sflag:s0] =	ssyncset.done @!p0 $0x0  }
0x183: {  	[sflag:s0] =	ssyncadd.s32 @!p0 s1  }
0x184: {  	[bflag:$0x3] =	sbarrier.arrive $0xFFFF  }
0x185: {  	_ =	shalt  }

// kernel: gcn_sc_agg.8.cloned.1.call-start
scs
__scs_entry_jumppad:
0x0: {  	(pc) =	sbr.rel $0x88, $3  }
0x1: {  	(tag) =	ssettag $0x0;
	lr =	simm.s32 $0x1  }
0x2: {  	[smem:$0x3F9B] =	sst lr;
	_ =	strace $0xD0000000  }
0x3: {  	_ = 	snop  }
0x4: {  	_ = 	snop  }
0x5: {  	_ = 	snop  }
0x6: {  	_ = 	snop  }
0x7: {  	_ = 	snop  }
__scs_overlays_trampoline_lowered:
0x8: {  	[smem:$0x3FAA] =	sst s0  }
0x9: {  	[smem:$0x3FAB] =	sst s1  }
0xa: {  	[smem:$0x3FAC] =	sst s2  }
0xb: {  	[smem:$0x3FAD] =	sst s3  }
0xc: {  	[smem:$0x3FAE] =	sst s4  }
0xd: {  	[smem:$0x3FAF] =	sst s5  }
0xe: {  	[smem:$0x3FB0] =	sst s6  }
0xf: {  	[smem:$0x3FB1] =	sst s7  }
0x10: {  	[smem:$0x3FB2] =	sst s8  }
0x11: {  	[smem:$0x3FB3] =	sst s9;
	s0 =	simm.s32 @!p0 $0x0  }
0x12: {  	s1 =	sld [smem:$0x3F99];
	s0 =	simm.s32 @p0 $0x1  }
0x13: {  	[smem:$0x3FB4] =	sst s0;
	s0 =	simm.s32 @!p1 $0x0  }
0x14: {  	s2 =	sld [smem:$0x3F98];
	s0 =	simm.s32 @p1 $0x1  }
0x15: {  	[smem:$0x3FB5] =	sst s0;
	s0 =	simm.s32 @!p2 $0x0  }
0x16: {  	s3 =	sld [smem:$0x3FDB];
	s0 =	simm.s32 @p2 $0x1  }
0x17: {  	s4 =	simm.s32 $0x1BF5;
	[smem:$0x3FB7] =	sst s0  }
0x18: {  	s0 =	sld [smem:$0x3F9A];
	_ =	swait.ge [sflag:s4], $0x0  }
0x19: {  	s7 =	sld [smem:$0x3F9B]  }
0x1a: {  	s8 =	sadd.s32 $0xFFFFE003, lr  }
0x1b: {  	s9 =	sadd.s32 $0xFFFFFEF7, lr;
	s5 =	simm.s32 $0xFFFFFFFF;
	p2 =	slt.u32 s8, $0xFFFFF086  }
0x1c: {  	p1 =	slt.u32 s9, $0xF7A;
	s5 =	simm.s32 @!p2 $0x0  }
0x1d: {  	s5 =	simm.s32 @p1 $0x1;
	p0 =	seq.s32 s7, s2  }
0x1e: {  	s7 =	smul.u32 @!p0 $0xF7A, s2;
	p2 =	seq.s32 @!p0 s5, $0x0  }
0x1f: {  	s9 =	smul.u32 $0xF7A, s1;
	s8 =	simm.s32 @!p0 $0x1BF5;
	p2 =	por !p2, p0  }
0x20: {  	[sflag:s8] =	ssyncset.s32 @!p0 $0xFFFFF086;
	s6 =	sadd.s32 @!p0 s3, s7;
	s7 =	simm.s32 @!p0 $0x108  }
0x21: {  	s3 =	sadd.s32 s3, s9;
	s6 =	sadd.s32 @!p0 $0x88, s6;
	s7 =	simm.s32 @p2 $0x1082  }
0x22: {  	[simem:s7], [sflag:s8] =	dma.local @!p0 [hbm:s6], $0xF7A  }
0x23: {  	s9 =	sor.u32 $0xD0000000, s2;
	s6 =	simm.s32 $0x108;
	_ =	swait.ge @!p0 [sflag:s8], $0x0  }
0x24: {  	s3 =	sadd.s32 $0x88, s3;
	s6 =	simm.s32 @!p1 $0x1082;
	[sflag:s4] =	ssyncset.s32 $0xFFFFF086  }
0x25: {  	[simem:s6], [sflag:s4] =	dma.local [hbm:s3], $0xF7A  }
0x26: {  	[smem:$0x3F9B] =	sst s1;
	(tag) =	ssettag s2;
	_ =	strace s9  }
0x27: {  	s1 =	sld [smem:$0x3FAB]  }
0x28: {  	s2 =	sld [smem:$0x3FAC]  }
0x29: {  	s4 =	sld [smem:$0x3FAE]  }
0x2a: {  	p0 =	seq.s32 s5, $0x0;
	s5 =	sld [smem:$0x3FAF]  }
0x2b: {  	s6 =	sld [smem:$0x3FB0]  }
0x2c: {  	s7 =	sld [smem:$0x3FB1]  }
0x2d: {  	s3 =	simm.s32 $0x108;
	s8 =	sld [smem:$0x3FB2]  }
0x2e: {  	s3 =	simm.s32 @!p0 $0x1082;
	s9 =	sld [smem:$0x3FB3]  }
0x2f: {  	lr =	sadd.s32 s0, s3;
	s0 =	sld [smem:$0x3FAA]  }
0x30: {  	s3 =	sld [smem:$0x3FAD]  }
0x31: {  	[smem:$0x3FB6] =	sst s10  }
0x32: {  	s10 =	sld [smem:$0x3FB4];
	_ =	sdelay $0x3  }
0x33: {  	p0 =	seq.s32 s10, $0x1;
	s10 =	sld [smem:$0x3FB6];
	_ =	sdelay $0x3  }
0x34: {  	[smem:$0x3FB6] =	sst s10  }
0x35: {  	s10 =	sld [smem:$0x3FB5];
	_ =	sdelay $0x3  }
0x36: {  	p1 =	seq.s32 s10, $0x1;
	s10 =	sld [smem:$0x3FB6];
	_ =	sdelay $0x3  }
0x37: {  	[smem:$0x3FB6] =	sst s10  }
0x38: {  	s10 =	sld [smem:$0x3FB7]  }
0x39: {  	_ = 	snop;
	(pc) =	sbr.ind lr, $3  }
0x3a: {  	_ = 	snop  }
0x3b: {  	_ = 	snop  }
0x3c: {  	p2 =	seq.s32 s10, $0x1;
	s10 =	sld [smem:$0x3FB6]  }
0x3d: {  	_ =	shalt  }
0x3e: {  	_ =	shalt  }
0x3f: {  	_ =	shalt  }
0x40: {  	_ =	shalt  }
0x41: {  	_ =	shalt  }
0x42: {  	_ =	shalt  }
0x43: {  	_ =	shalt  }
0x44: {  	_ =	shalt  }
0x45: {  	_ =	shalt  }
0x46: {  	_ =	shalt  }
0x47: {  	_ =	shalt  }
0x48: {  	_ =	shalt  }
0x49: {  	_ =	shalt  }
0x4a: {  	_ =	shalt  }
0x4b: {  	_ =	shalt  }
0x4c: {  	_ =	shalt  }
0x4d: {  	_ =	shalt  }
0x4e: {  	_ =	shalt  }
0x4f: {  	_ =	shalt  }
0x50: {  	_ =	shalt  }
0x51: {  	_ =	shalt  }
0x52: {  	_ =	shalt  }
0x53: {  	_ =	shalt  }
0x54: {  	_ =	shalt  }
0x55: {  	_ =	shalt  }
0x56: {  	_ =	shalt  }
0x57: {  	_ =	shalt  }
0x58: {  	_ =	shalt  }
0x59: {  	_ =	shalt  }
0x5a: {  	_ =	shalt  }
0x5b: {  	_ =	shalt  }
0x5c: {  	_ =	shalt  }
0x5d: {  	_ =	shalt  }
0x5e: {  	_ =	shalt  }
0x5f: {  	_ =	shalt  }
0x60: {  	_ =	shalt  }
0x61: {  	_ =	shalt  }
0x62: {  	_ =	shalt  }
0x63: {  	_ =	shalt  }
0x64: {  	_ =	shalt  }
0x65: {  	_ =	shalt  }
0x66: {  	_ =	shalt  }
0x67: {  	_ =	shalt  }
0x68: {  	_ =	shalt  }
0x69: {  	_ =	shalt  }
0x6a: {  	_ =	shalt  }
0x6b: {  	_ =	shalt  }
0x6c: {  	_ =	shalt  }
0x6d: {  	_ =	shalt  }
0x6e: {  	_ =	shalt  }
0x6f: {  	_ =	shalt  }
0x70: {  	_ =	shalt  }
0x71: {  	_ =	shalt  }
0x72: {  	_ =	shalt  }
0x73: {  	_ =	shalt  }
0x74: {  	_ =	shalt  }
0x75: {  	_ =	shalt  }
0x76: {  	_ =	shalt  }
0x77: {  	_ =	shalt  }
0x78: {  	_ =	shalt  }
0x79: {  	_ =	shalt  }
0x7a: {  	_ =	shalt  }
0x7b: {  	_ =	shalt  }
0x7c: {  	_ =	shalt  }
0x7d: {  	_ =	shalt  }
0x7e: {  	_ =	shalt  }
0x7f: {  	_ =	shalt  }
0x80: {  	_ =	shalt  }
0x81: {  	_ =	shalt  }
0x82: {  	_ =	shalt  }
0x83: {  	_ =	shalt  }
0x84: {  	_ =	shalt  }
0x85: {  	_ =	shalt  }
0x86: {  	_ =	shalt  }
0x87: {  	_ =	shalt  }
.Lfunc_end0:
.L_simem_size_0:
called_computation.1_lowered:
.L_overlay_start_0:
0x88: {  	s2 =	sld [smem:$0x3FD9]  }
0x89: {  	s3 =	sld [smem:$0x3FFE];
	_ =	sdelay $0x1  }
0x8a: {  	s1 =	srdreg.scid  }
0x8b: {  	s0 =	sand.u32 $0x1, s1  }
0x8c: {  	s17 =	sshll.u32 s0, $0xA;
	s2 =	sadd.s32 s3, s2  }
0x8d: {  	s2 =	sadd.s32 s2, s17  }
0x8e: {  	[smem:$0x3FC2] =	sst s2  }
0x8f: {  	_ = 	snop  }
0x90: {  	s2 =	sld [smem:$0x3FD0];
	(tm) =	ssettm $0x1  }
0x91: {  	s18 =	sld [smem:$0x3FFB];
	_ =	sdelay $0x3  }
0x92: {  	_ =	strace s18  }
0x93: {  	s3 =	sld [smem:$0x3FFC];
	_ =	sdelay $0x3  }
0x94: {  	_ =	strace s3  }
0x95: {  	s3 =	sld [smem:$0x3FFD];
	_ =	sdelay $0x3  }
0x96: {  	_ =	strace s3  }
0x97: {  	_ =	strace $0x8FFFFFFF  }
0x98: {  	s19 =	sld [smem:$0x3FDB];
	_ =	sdelay $0x1  }
0x99: {  	s4 =	simm.s32 $_scs_section_size  }
0x9a: {  	s5 =	simm.s32 $_size__tile_overlayer_lowered;
	s6 =	simm.s32 $_tile_overlayer_lowered  }
0x9b: {  	s22 =	simm.s32 $0x1BFF;
	s21 =	sshll.u32 s6, $0x1;
	s3 =	sadd.s32 s4, s19  }
0x9c: {  	s7 =	simm.s32 $0x0;
	s20 =	sshll.u32 s5, $0x1;
	s5 =	sadd.s32 s21, s3  }
0x9d: {  	[timem:s7], [sflag:s22] =	dma.local [hbm:s5], s20  }
0x9e: {  	_ =	swait.ge [sflag:s22], s20  }
0x9f: {  	s4 =	ssub.s32 $0x0, s20;
	[sflag:s22] =	ssyncset.done $0x0  }
0xa0: {  	[sflag:s22] =	ssyncadd.s32 s4;
	_ =	sdelay $0x1  }
0xa1: {  	s23 =	simm.s32 $0x1B8B  }
0xa2: {  	_ =	swait.ge [sflag:s23], $0x1  }
0xa3: {  	[sflag:s23] =	ssyncset.done $0x0  }
0xa4: {  	s25 =	simm.s32 $0x1B8E;
	s24 =	sld [smem:$0x3FFE];
	[sflag:s23] =	ssyncadd.s32 $0xFFFFFFFF  }
0xa5: {  	s26 =	simm.s32 $execute0_lowered;
	[smem:$0x3FD2] =	sst s25  }
0xa6: {  	s5 =	sshll.u32 s26, $0x1;
	_ =	strace $0x80000049;
	[dreg:$0x1] =	wrdreg $0xFFFFFFFF  }
0xa7: {  	s28 =	simm.s32 $_size_execute0_lowered;
	s3 =	sadd.s32 s3, s5;
	[dreg:$0x0] =	wrdreg $0x0  }
0xa8: {  	s5 =	sshll.u32 s28, $0x1;
	[dreg:$0x2] =	wrdreg s3  }
0xa9: {  	[dreg:$0x3] =	wrdreg s5  }
0xaa: {  	[dreg:$0x4] =	wrdreg $0xC0  }
0xab: {  	_ =	task [dreg:s7], $0x5FFFF  }
0xac: {  	[dreg:$0x1] =	wrdreg $0xFFFFFFFF  }
0xad: {  	[dreg:$0x0] =	wrdreg $0x60  }
0xae: {  	[dreg:$0x2] =	wrdreg s24  }
0xaf: {  	[dreg:$0x3] =	wrdreg s2  }
0xb0: {  	[dreg:$0x4] =	wrdreg $0xA8800  }
0xb1: {  	[dreg:$0x5] =	wrdreg $0x9  }
0xb2: {  	_ =	task.clear_ibuf [dreg:s7], $0x6FFFF;
	_ =	strace $0x90000049  }
0xb3: {  	s29 =	simm.s32 $0x9;
	_ =	strace $0x8000004B  }
0xb4: {  	_ =	swait.ge [sflag:s29], $0x1  }
0xb5: {  	[sflag:s29] =	ssyncadd.s32 $0xFFFFFFFF  }
0xb6: {  	_ =	strace $0x9000004B  }
0xb7: {  	_ =	sfence  }
0xb8: {  	s30 =	sld [smem:$0x0];
	_ =	sdelay $0x2  }
0xb9: {  	s31 =	sshll.u32 s1, $0xD;
	s1 =	sshrl.u32 s1, $0x2  }
0xba: {  	s3 =	sand.u32 $0x4000, s31;
	s1 =	sadd.s32 s1, s30  }
0xbb: {  	s0 =	sor.u32 s3, s0;
	s1 =	sshll.u32 s1, $0x11  }
0xbc: {  	s0 =	sor.u32 s1, s0  }
0xbd: {  	s0 =	sadd.s32 $0x8F2B, s0  }
0xbe: {  	[sflag:s0] =	ssyncadd.remote.s32 $0x1  }
0xbf: {  	_ =	sfence.sel $0xFFFF  }
0xc0: {  	[dreg:$0x0] =	wrdreg $0xFFFFFFFF;
	(pc) =	sbr.abs _section_cstart, $3  }
0xc1: {  	[dreg:$0x1] =	wrdreg $0xFFFFFFFF  }
0xc2: {  	_ =	task.clear_ibuf [dreg:s7], $0x2FFFF;
	_ =	strace $0x9FFFFFFF  }
0xc3: {  	(tm) =	ssettm $0x7FFFFFFF  }
tec
execute0_lowered:
.L_overlay_start_1:
0x0: {  	(tag) =	ssettag $0x1  }
0x1: {  	s0 =	rddreg [dreg:$0x0]  }
0x2: {  	s2 =	rddreg [dreg:$0x1]  }
0x3: {  	s1 =	rddreg [dreg:$0x2]  }
0x4: {  	s17 =	simm.s32 $0x0;
	s18 =	stileid.u32;
	s7 =	srdreg.scid  }
0x5: {  	s22 =	simm.s32 $0x80;
	s28 =	simm.s32 $0x1380;
	s29 =	simm.s32 $0x2700  }
0x6: {  	s30 =	simm.s32 $0x2780;
	s31 =	simm.s32 $0x0;
	[smem:$0x7FF] =	sst s17  }
0x7: {  	s3 =	sadd.s32 $0x11400, s0;
	s5 =	sadd.s32 $0x38600, s0;
	s4 =	sadd.s32 $0x9A00, s0  }
0x8: {  	s13 =	sadd.s32 $0x4A00, s0;
	s6 =	sadd.s32 $0xEC00, s0;
	s14 =	smul.u32 $0x2800, s18  }
0x9: {  	s21 =	sand.u32 $0x1, s7;
	s8 =	sshll.u32 s18, $0x1;
	s9 =	smul.u32 $0x50000, s18  }
0xa: {  	s7 =	sadd.s32 $0xEA00, s0;
	s12 =	smul.u32 $0x500, s18;
	s26 =	sshll.u32 s18, $0x6  }
0xb: {  	s18 =	simm.s32 $0x3;
	_ =	strace $0x8000004A;
	s8 =	sor.u32 s21, s8  }
0xc: {  	s10 =	ssub.s32 $0x2, s21;
	p0 =	seq.s32 s21, $0x1;
	s19 =	sor.u32 $0x1C03, s26  }
0xd: {  	p1 =	sne.s32 s21, $0x0;
	s21 =	simm.s32 $0x1400;
	s26 =	simm.s32 $0x2  }
0xe: {  	s0 =	sadd.s32 s14, s0;
	s11 =	smul.u32 $0x280, s8;
	s23 =	sshrl.u32 s10, $0x1  }
0xf: {  	s9 =	sshrl.u32 s9, $0x2;
	s15 =	sshrl.u32 s14, $0x3;
	s25 =	sadd.s32 s4, s12  }
0x10: {  	s14 =	sadd.s32 s2, s14;
	p2 =	por !p0, !p0;
	s16 =	ssub.s32 s10, s23  }
.Ltmp0:
0x11: {  	s8 =	sadd.s32 s9, s1;
	[dreg:$0x5] =	wrdreg s25;
	(pc) =	sbr.rel .LBB2_1-.Ltmp0, $4  }
0x12: {  	s15 =	sadd.s32 $0x280, s15;
	s23 =	simm.s32 $0x2800;
	s25 =	simm.s32 $0x1  }
0x13: {  	s24 =	sadd.s32 s13, s11;
	s11 =	sadd.s32 s13, s12;
	s12 =	sadd.s32 s4, s15  }
0x14: {  	s13 =	sadd.s32 s13, s15;
	s15 =	sadd.s32 $0x86A00, s0;
	s16 =	smax.u32 s16, $0x1  }
0x15: {  	s20 =	sshrl.u32 s8, $0x3;
	[dreg:$0x4] =	wrdreg s24;
	s24 =	simm.s32 $0x6800  }
.LBB2_16:
0x16: {  	s2 =	sadd.s32 $0x80, s0;
	[sflag:s18] =	ssyncadd.s32 $0xFFFFC000  }
0x17: {  	[tilespmem:s24], [sflag:$0x2] =	stream.indirect.gather [hbm4b:s5+s22], $0x80, s2, s22, $0xb8;
	[tilespmem:$0x1E880] =	vst v63  }
0x18: {  	_ =	swait.ge [sflag:s25], $0x4000  }
0x19: {  	[sflag:s25] =	ssyncset.done $0x0  }
0x1a: {  	s4 =	sadd.s32 $0x1400, s0;
	[sflag:s25] =	ssyncadd.s32 $0xFFFFC000  }
0x1b: {  	[spmem:s1] =	stream.indirect.scatter.add.f32 [tilespmem:s23], [sflag:$0x3], $0x80, s4, s22, $0xb8;
	[tilespmem:$0x1E880] =	vst v63  }
0x1c: {  	_ =	swait.ge [sflag:s18], $0x4000  }
0x1d: {  	[sflag:s18] =	ssyncset.done $0x0  }
0x1e: {  	s9 =	sadd.s32 $0x100, s0;
	[sflag:s18] =	ssyncadd.s32 $0xFFFFC000  }
0x1f: {  	[tilespmem:s23], [sflag:$0x1] =	stream.indirect.gather [hbm4b:s5+s22], $0x80, s9, s22, $0xb8;
	[tilespmem:$0x1E880] =	vst v63  }
0x20: {  	_ =	swait.ge [sflag:s26], $0x4000  }
0x21: {  	[sflag:s26] =	ssyncset.done $0x0  }
0x22: {  	s10 =	sadd.s32 $0x1480, s0;
	[sflag:s26] =	ssyncadd.s32 $0xFFFFC000  }
0x23: {  	[spmem:s1] =	stream.indirect.scatter.add.f32 [tilespmem:s24], [sflag:$0x3], $0x80, s10, s22, $0xb8;
	[tilespmem:$0x1E880] =	vst v63  }
0x24: {  	_ =	swait.ge [sflag:s18], $0x4000  }
0x25: {  	[sflag:s18] =	ssyncset.done $0x0  }
0x26: {  	[sflag:s18] =	ssyncadd.s32 $0xFFFFC000  }
0x27: {  	[tilespmem:s24], [sflag:$0x2] =	stream.indirect.gather [hbm4b:s5+s22], $0x80, s28, s22, $0xb8;
	[tilespmem:$0x1E880] =	vst v63  }
0x28: {  	_ =	swait.ge [sflag:s25], $0x4000  }
0x29: {  	[sflag:s25] =	ssyncset.done $0x0  }
0x2a: {  	[sflag:s25] =	ssyncadd.s32 $0xFFFFC000  }
0x2b: {  	[spmem:s1] =	stream.indirect.scatter.add.f32 [tilespmem:s23], [sflag:$0x3], $0x80, s29, s22, $0xb8;
	[tilespmem:$0x1E880] =	vst v63  }
0x2c: {  	_ =	swait.ge [sflag:s18], $0x4000  }
0x2d: {  	[sflag:s18] =	ssyncset.done $0x0  }
0x2e: {  	[sflag:s18] =	ssyncadd.s32 $0xFFFFC000  }
0x2f: {  	_ =	swait.ge [sflag:s26], $0x4000  }
0x30: {  	[sflag:s26] =	ssyncset.done $0x0  }
0x31: {  	[sflag:s26] =	ssyncadd.s32 $0xFFFFC000  }
0x32: {  	[spmem:s1] =	stream.indirect.scatter.add.f32 [tilespmem:s24], [sflag:$0x3], $0x80, s30, s22, $0xb8;
	[tilespmem:$0x1E880] =	vst v63  }
0x33: {  	_ =	swait.ge [sflag:s18], $0x4000  }
0x34: {  	[sflag:s18] =	ssyncset.done $0x0  }
0x35: {  	[sflag:s18] =	ssyncadd.s32 $0xFFFFC000  }
.LBB2_17:
0x36: {  	[bflag:$0x0] =	sbarrier.arrive $0xFFFF;
	s0 =	sshrl.u32 @!p1 s8, $0x3  }
0x37: {  	[hbm:s14], [sflag:s19] =	dma.local @!p1 [spmem:s0], $0x2800  }
0x38: {  	s0 =	simm.s32 @!p1 $0x3  }
0x39: {  	_ =	swait.ge @!p1 [sflag:s0], $0x2800  }
0x3a: {  	s31 =	sadd.s32 $0x1, s31;
	[sflag:s0] =	ssyncset.done @!p1 $0x0  }
0x3b: {  	p3 =	sne.s32 s31, s16;
	[sflag:s0] =	ssyncadd.s32 @!p1 $0xFFFFD800;
	s0 =	sshrl.u32 @p0 s8, $0x3  }
0x3c: {  	[hbm:s15], [sflag:s19] =	dma.local @p0 [spmem:s0], $0x2800  }
.Ltmp1:
0x3d: {  	_ = 	snop;
	(pc) =	sbr.rel @!p3 .LBB2_18-.Ltmp1, $4  }
0x3e: {  	s0 =	simm.s32 @p0 $0x3  }
0x3f: {  	_ =	swait.ge @p0 [sflag:s0], $0x2800  }
0x40: {  	[sflag:s0] =	ssyncset.done @p0 $0x0  }
0x41: {  	[sflag:s0] =	ssyncadd.s32 @p0 $0xFFFFD800  }
.LBB2_1:
0x42: {  	s0 =	simm.s32 $0xA800  }
0x43: {  	[tilespmem:s0], [sflag:$0x3] =	stream.linear.gather [hbm4b:s7+s17], $0x80, $0x38;
	[tilespmem:$0x1E880] =	vst v63  }
0x44: {  	_ =	swait.ge [sflag:s18], $0x80  }
0x45: {  	[sflag:s18] =	ssyncset.done $0x0  }
0x46: {  	[sflag:s18] =	ssyncadd.s32 $0xFFFFFF80  }
0x47: {  	[spmem:s20], [sflag:s19] =	dma.local [hbm:s6], $0x2800  }
0x48: {  	_ =	swait.ge [sflag:s18], $0x2800  }
0x49: {  	[sflag:s18] =	ssyncset.done $0x0  }
0x4a: {  	[sflag:s18] =	ssyncadd.s32 $0xFFFFD800  }
0x4b: {  	[bflag:$0x0] =	sbarrier.arrive $0xFFFF  }
0x4c: {  	v0 =	vld [tilespmem:$0xA800];
	_ =	sdelay $0x4  }
0x4d: {  	(v2sf) =	vpush v0, $0x0;
	_ =	sdelay $0xe  }
0x4e: {  	s0 =	spop (v2sf)  }
0x4f: {  	p3 =	sne.s32 s0, $0x1  }
.Ltmp2:
0x50: {  	_ = 	snop;
	(pc) =	sbr.rel @!p3 .LBB2_2-.Ltmp2, $1  }
0x51: {  	_ =	sdelay $0x3  }
.Ltmp3:
0x52: {  	(pc) =	sbr.rel @p1 .LBB2_11-.Ltmp3, $1  }
0x53: {  	_ =	sdelay $0x3  }
0x54: {  	s2 =	simm.s32 $0x0;
	s4 =	rddreg [dreg:$0x5]  }
0x55: {  	[tilespmem:s2], [sflag:$0x3] =	stream.linear.gather [hbm4b:s4+s2], $0x1400, $0x38;
	[tilespmem:$0x1E880] =	vst v63  }
0x56: {  	_ =	swait.ge [sflag:s18], $0x1400  }
0x57: {  	[sflag:s18] =	ssyncset.done $0x0  }
0x58: {  	[sflag:s18] =	ssyncadd.s32 $0xFFFFEC00  }
0x59: {  	[tilespmem:s21], [sflag:$0x3] =	stream.linear.gather [hbm4b:s11+s2], $0x1400, $0x38;
	[tilespmem:$0x1E880] =	vst v63  }
0x5a: {  	_ =	swait.ge [sflag:s18], $0x1400  }
0x5b: {  	[sflag:s18] =	ssyncset.done $0x0  }
0x5c: {  	[sflag:s18] =	ssyncadd.s32 $0xFFFFEC00  }
0x5d: {  	[tilespmem:s23], [sflag:$0x1] =	stream.indirect.gather [hbm4b:s3+s22], $0x80, s2, s22, $0xb8;
	[tilespmem:$0x1E880] =	vst v63  }
0x5e: {  	s4 =	simm.s32 $0x80  }
0x5f: {  	[tilespmem:s24], [sflag:$0x2] =	stream.indirect.gather [hbm4b:s3+s22], $0x80, s4, s22, $0xb8;
	[tilespmem:$0x1E880] =	vst v63  }
0x60: {  	_ =	swait.ge [sflag:s25], $0x4000  }
0x61: {  	[sflag:s25] =	ssyncset.done $0x0  }
0x62: {  	s9 =	simm.s32 $0x1400;
	[sflag:s25] =	ssyncadd.s32 $0xFFFFC000  }
0x63: {  	[spmem:s1] =	stream.indirect.scatter.add.f32 [tilespmem:s23], [sflag:$0x3], $0x80, s9, s22, $0xb8;
	[tilespmem:$0x1E880] =	vst v63  }
0x64: {  	_ =	swait.ge [sflag:s18], $0x4000  }
0x65: {  	[sflag:s18] =	ssyncset.done $0x0  }
0x66: {  	s10 =	simm.s32 $0x100;
	[sflag:s18] =	ssyncadd.s32 $0xFFFFC000  }
0x67: {  	[tilespmem:s23], [sflag:$0x1] =	stream.indirect.gather [hbm4b:s3+s22], $0x80, s10, s22, $0xb8;
	[tilespmem:$0x1E880] =	vst v63  }
0x68: {  	_ =	swait.ge [sflag:s26], $0x4000  }
0x69: {  	[sflag:s26] =	ssyncset.done $0x0  }
0x6a: {  	s17 =	simm.s32 $0x1480;
	[sflag:s26] =	ssyncadd.s32 $0xFFFFC000  }
0x6b: {  	[spmem:s1] =	stream.indirect.scatter.add.f32 [tilespmem:s24], [sflag:$0x3], $0x80, s17, s22, $0xb8;
	[tilespmem:$0x1E880] =	vst v63  }
0x6c: {  	_ =	swait.ge [sflag:s18], $0x4000  }
0x6d: {  	s2 =	simm.s32 $0x800;
	s4 =	simm.s32 $0x100;
	[sflag:s18] =	ssyncset.done $0x0  }
.LBB2_7:
0x6e: {  	s17 =	sadd.s32 $0x80, s4  }
0x6f: {  	[sflag:s18] =	ssyncadd.s32 $0xFFFFC000;
	s9 =	smov.u32 s2;
	s10 =	sadd.s32 $0x400, s2  }
0x70: {  	[tilespmem:s24], [sflag:$0x2] =	stream.indirect.gather [hbm4b:s3+s22], $0x80, s17, s22, $0xb8;
	[tilespmem:$0x1E880] =	vst v63  }
0x71: {  	p3 =	sne.s32 s2, $0x4800;
	_ =	swait.ge [sflag:s25], $0x4000  }
0x72: {  	[sflag:s25] =	ssyncset.done $0x0  }
0x73: {  	s2 =	sadd.s32 $0x1400, s4;
	[sflag:s25] =	ssyncadd.s32 $0xFFFFC000  }
0x74: {  	[spmem:s1] =	stream.indirect.scatter.add.f32 [tilespmem:s23], [sflag:$0x3], $0x80, s2, s22, $0xb8;
	[tilespmem:$0x1E880] =	vst v63  }
0x75: {  	_ =	swait.ge [sflag:s18], $0x4000  }
0x76: {  	[sflag:s18] =	ssyncset.done $0x0  }
0x77: {  	s2 =	sadd.s32 $0x100, s4;
	[sflag:s18] =	ssyncadd.s32 $0xFFFFC000  }
0x78: {  	[tilespmem:s23], [sflag:$0x1] =	stream.indirect.gather [hbm4b:s3+s22], $0x80, s2, s22, $0xb8;
	[tilespmem:$0x1E880] =	vst v63  }
0x79: {  	_ =	swait.ge [sflag:s26], $0x4000  }
.Ltmp4:
0x7a: {  	[sflag:s26] =	ssyncset.done $0x0;
	(pc) =	sbr.rel @p3 .LBB2_7-.Ltmp4, $4  }
0x7b: {  	s2 =	sadd.s32 $0x1480, s4;
	[sflag:s26] =	ssyncadd.s32 $0xFFFFC000  }
0x7c: {  	[spmem:s1] =	stream.indirect.scatter.add.f32 [tilespmem:s24], [sflag:$0x3], $0x80, s2, s22, $0xb8;
	[tilespmem:$0x1E880] =	vst v63  }
0x7d: {  	_ =	swait.ge [sflag:s18], $0x4000  }
0x7e: {  	s4 =	sshra.s32 s9, $0x2;
	s2 =	smov.u32 s10;
	[sflag:s18] =	ssyncset.done $0x0  }
0x7f: {  	s2 =	sadd.s32 $0x80, s4;
	[sflag:s18] =	ssyncadd.s32 $0xFFFFC000  }
0x80: {  	[tilespmem:s24], [sflag:$0x2] =	stream.indirect.gather [hbm4b:s3+s22], $0x80, s2, s22, $0xb8;
	[tilespmem:$0x1E880] =	vst v63  }
0x81: {  	_ =	swait.ge [sflag:s25], $0x4000  }
0x82: {  	[sflag:s25] =	ssyncset.done $0x0  }
0x83: {  	s17 =	sadd.s32 $0x1400, s4;
	[sflag:s25] =	ssyncadd.s32 $0xFFFFC000  }
0x84: {  	[spmem:s1] =	stream.indirect.scatter.add.f32 [tilespmem:s23], [sflag:$0x3], $0x80, s17, s22, $0xb8;
	[tilespmem:$0x1E880] =	vst v63  }
0x85: {  	_ =	swait.ge [sflag:s18], $0x4000  }
0x86: {  	[sflag:s18] =	ssyncset.done $0x0  }
0x87: {  	s9 =	sadd.s32 $0x100, s4;
	[sflag:s18] =	ssyncadd.s32 $0xFFFFC000  }
0x88: {  	[tilespmem:s23], [sflag:$0x1] =	stream.indirect.gather [hbm4b:s3+s22], $0x80, s9, s22, $0xb8;
	[tilespmem:$0x1E880] =	vst v63  }
0x89: {  	_ =	swait.ge [sflag:s26], $0x4000  }
0x8a: {  	[sflag:s26] =	ssyncset.done $0x0  }
0x8b: {  	s10 =	sadd.s32 $0x1480, s4;
	[sflag:s26] =	ssyncadd.s32 $0xFFFFC000  }
0x8c: {  	[spmem:s1] =	stream.indirect.scatter.add.f32 [tilespmem:s24], [sflag:$0x3], $0x80, s10, s22, $0xb8;
	[tilespmem:$0x1E880] =	vst v63  }
0x8d: {  	_ =	swait.ge [sflag:s18], $0x4000  }
0x8e: {  	[sflag:s18] =	ssyncset.done $0x0  }
0x8f: {  	[sflag:s18] =	ssyncadd.s32 $0xFFFFC000  }
0x90: {  	[tilespmem:s24], [sflag:$0x2] =	stream.indirect.gather [hbm4b:s3+s22], $0x80, s28, s22, $0xb8;
	[tilespmem:$0x1E880] =	vst v63  }
0x91: {  	_ =	swait.ge [sflag:s25], $0x4000  }
0x92: {  	[sflag:s25] =	ssyncset.done $0x0  }
0x93: {  	[sflag:s25] =	ssyncadd.s32 $0xFFFFC000  }
0x94: {  	[spmem:s1] =	stream.indirect.scatter.add.f32 [tilespmem:s23], [sflag:$0x3], $0x80, s29, s22, $0xb8;
	[tilespmem:$0x1E880] =	vst v63  }
0x95: {  	_ =	swait.ge [sflag:s18], $0x4000  }
0x96: {  	[sflag:s18] =	ssyncset.done $0x0  }
0x97: {  	[sflag:s18] =	ssyncadd.s32 $0xFFFFC000  }
0x98: {  	_ =	swait.ge [sflag:s26], $0x4000  }
0x99: {  	[sflag:s26] =	ssyncset.done $0x0  }
0x9a: {  	[sflag:s26] =	ssyncadd.s32 $0xFFFFC000  }
0x9b: {  	[spmem:s1] =	stream.indirect.scatter.add.f32 [tilespmem:s24], [sflag:$0x3], $0x80, s30, s22, $0xb8;
	[tilespmem:$0x1E880] =	vst v63  }
0x9c: {  	_ =	swait.ge [sflag:s18], $0x4000  }
0x9d: {  	[sflag:s18] =	ssyncset.done $0x0  }
0x9e: {  	s17 =	simm.s32 $0x0;
	[sflag:s18] =	ssyncadd.s32 $0xFFFFC000  }
0x9f: {  	[tilespmem:s17], [sflag:$0x3] =	stream.linear.gather [hbm4b:s12+s17], $0x1400, $0x38;
	[tilespmem:$0x1E880] =	vst v63  }
0xa0: {  	_ =	swait.ge [sflag:s18], $0x1400  }
0xa1: {  	[sflag:s18] =	ssyncset.done $0x0  }
0xa2: {  	[sflag:s18] =	ssyncadd.s32 $0xFFFFEC00  }
0xa3: {  	[tilespmem:s21], [sflag:$0x3] =	stream.linear.gather [hbm4b:s13+s17], $0x1400, $0x38;
	[tilespmem:$0x1E880] =	vst v63  }
0xa4: {  	_ =	swait.ge [sflag:s18], $0x1400  }
0xa5: {  	[sflag:s18] =	ssyncset.done $0x0  }
0xa6: {  	[sflag:s18] =	ssyncadd.s32 $0xFFFFEC00  }
0xa7: {  	[tilespmem:s23], [sflag:$0x1] =	stream.indirect.gather [hbm4b:s3+s22], $0x80, s17, s22, $0xb8;
	[tilespmem:$0x1E880] =	vst v63  }
0xa8: {  	s4 =	simm.s32 $0x80  }
0xa9: {  	[tilespmem:s24], [sflag:$0x2] =	stream.indirect.gather [hbm4b:s3+s22], $0x80, s4, s22, $0xb8;
	[tilespmem:$0x1E880] =	vst v63  }
0xaa: {  	_ =	swait.ge [sflag:s25], $0x4000  }
0xab: {  	[sflag:s25] =	ssyncset.done $0x0  }
0xac: {  	s9 =	simm.s32 $0x1400;
	[sflag:s25] =	ssyncadd.s32 $0xFFFFC000  }
0xad: {  	[spmem:s1] =	stream.indirect.scatter.add.f32 [tilespmem:s23], [sflag:$0x3], $0x80, s9, s22, $0xb8;
	[tilespmem:$0x1E880] =	vst v63  }
0xae: {  	_ =	swait.ge [sflag:s18], $0x4000  }
0xaf: {  	[sflag:s18] =	ssyncset.done $0x0  }
0xb0: {  	s10 =	simm.s32 $0x100;
	[sflag:s18] =	ssyncadd.s32 $0xFFFFC000  }
0xb1: {  	[tilespmem:s23], [sflag:$0x1] =	stream.indirect.gather [hbm4b:s3+s22], $0x80, s10, s22, $0xb8;
	[tilespmem:$0x1E880] =	vst v63  }
0xb2: {  	_ =	swait.ge [sflag:s26], $0x4000  }
0xb3: {  	[sflag:s26] =	ssyncset.done $0x0  }
0xb4: {  	s17 =	simm.s32 $0x1480;
	[sflag:s26] =	ssyncadd.s32 $0xFFFFC000  }
0xb5: {  	[spmem:s1] =	stream.indirect.scatter.add.f32 [tilespmem:s24], [sflag:$0x3], $0x80, s17, s22, $0xb8;
	[tilespmem:$0x1E880] =	vst v63  }
0xb6: {  	_ =	swait.ge [sflag:s18], $0x4000  }
0xb7: {  	s2 =	simm.s32 $0x800;
	s4 =	simm.s32 $0x100;
	[sflag:s18] =	ssyncset.done $0x0  }
.LBB2_9:
0xb8: {  	s9 =	sadd.s32 $0x80, s4  }
0xb9: {  	[sflag:s18] =	ssyncadd.s32 $0xFFFFC000;
	s10 =	smov.u32 s2;
	s17 =	sadd.s32 $0x400, s2  }
0xba: {  	[tilespmem:s24], [sflag:$0x2] =	stream.indirect.gather [hbm4b:s3+s22], $0x80, s9, s22, $0xb8;
	[tilespmem:$0x1E880] =	vst v63  }
0xbb: {  	p3 =	sne.s32 s2, $0x4800;
	_ =	swait.ge [sflag:s25], $0x4000  }
0xbc: {  	[sflag:s25] =	ssyncset.done $0x0  }
0xbd: {  	s2 =	sadd.s32 $0x1400, s4;
	[sflag:s25] =	ssyncadd.s32 $0xFFFFC000  }
0xbe: {  	[spmem:s1] =	stream.indirect.scatter.add.f32 [tilespmem:s23], [sflag:$0x3], $0x80, s2, s22, $0xb8;
	[tilespmem:$0x1E880] =	vst v63  }
0xbf: {  	_ =	swait.ge [sflag:s18], $0x4000  }
0xc0: {  	[sflag:s18] =	ssyncset.done $0x0  }
0xc1: {  	s2 =	sadd.s32 $0x100, s4;
	[sflag:s18] =	ssyncadd.s32 $0xFFFFC000  }
0xc2: {  	[tilespmem:s23], [sflag:$0x1] =	stream.indirect.gather [hbm4b:s3+s22], $0x80, s2, s22, $0xb8;
	[tilespmem:$0x1E880] =	vst v63  }
0xc3: {  	_ =	swait.ge [sflag:s26], $0x4000  }
.Ltmp5:
0xc4: {  	[sflag:s26] =	ssyncset.done $0x0;
	(pc) =	sbr.rel @p3 .LBB2_9-.Ltmp5, $4  }
0xc5: {  	s2 =	sadd.s32 $0x1480, s4;
	[sflag:s26] =	ssyncadd.s32 $0xFFFFC000  }
0xc6: {  	[spmem:s1] =	stream.indirect.scatter.add.f32 [tilespmem:s24], [sflag:$0x3], $0x80, s2, s22, $0xb8;
	[tilespmem:$0x1E880] =	vst v63  }
0xc7: {  	_ =	swait.ge [sflag:s18], $0x4000  }
0xc8: {  	s4 =	sshra.s32 s10, $0x2;
	s2 =	smov.u32 s17;
	[sflag:s18] =	ssyncset.done $0x0  }
0xc9: {  	s2 =	sadd.s32 $0x80, s4;
	[sflag:s18] =	ssyncadd.s32 $0xFFFFC000  }
0xca: {  	[tilespmem:s24], [sflag:$0x2] =	stream.indirect.gather [hbm4b:s3+s22], $0x80, s2, s22, $0xb8;
	[tilespmem:$0x1E880] =	vst v63  }
0xcb: {  	_ =	swait.ge [sflag:s25], $0x4000  }
0xcc: {  	[sflag:s25] =	ssyncset.done $0x0  }
0xcd: {  	s9 =	sadd.s32 $0x1400, s4;
	[sflag:s25] =	ssyncadd.s32 $0xFFFFC000  }
0xce: {  	[spmem:s1] =	stream.indirect.scatter.add.f32 [tilespmem:s23], [sflag:$0x3], $0x80, s9, s22, $0xb8;
	[tilespmem:$0x1E880] =	vst v63  }
0xcf: {  	_ =	swait.ge [sflag:s18], $0x4000  }
0xd0: {  	[sflag:s18] =	ssyncset.done $0x0  }
0xd1: {  	s10 =	sadd.s32 $0x100, s4;
	[sflag:s18] =	ssyncadd.s32 $0xFFFFC000  }
0xd2: {  	[tilespmem:s23], [sflag:$0x1] =	stream.indirect.gather [hbm4b:s3+s22], $0x80, s10, s22, $0xb8;
	[tilespmem:$0x1E880] =	vst v63  }
0xd3: {  	_ =	swait.ge [sflag:s26], $0x4000  }
0xd4: {  	[sflag:s26] =	ssyncset.done $0x0  }
0xd5: {  	s17 =	sadd.s32 $0x1480, s4;
	[sflag:s26] =	ssyncadd.s32 $0xFFFFC000  }
0xd6: {  	[spmem:s1] =	stream.indirect.scatter.add.f32 [tilespmem:s24], [sflag:$0x3], $0x80, s17, s22, $0xb8;
	[tilespmem:$0x1E880] =	vst v63  }
0xd7: {  	_ =	swait.ge [sflag:s18], $0x4000  }
0xd8: {  	[sflag:s18] =	ssyncset.done $0x0  }
0xd9: {  	[sflag:s18] =	ssyncadd.s32 $0xFFFFC000  }
0xda: {  	[tilespmem:s24], [sflag:$0x2] =	stream.indirect.gather [hbm4b:s3+s22], $0x80, s28, s22, $0xb8;
	[tilespmem:$0x1E880] =	vst v63  }
0xdb: {  	_ =	swait.ge [sflag:s25], $0x4000  }
0xdc: {  	[sflag:s25] =	ssyncset.done $0x0  }
0xdd: {  	[sflag:s25] =	ssyncadd.s32 $0xFFFFC000  }
0xde: {  	[spmem:s1] =	stream.indirect.scatter.add.f32 [tilespmem:s23], [sflag:$0x3], $0x80, s29, s22, $0xb8;
	[tilespmem:$0x1E880] =	vst v63  }
0xdf: {  	_ =	swait.ge [sflag:s18], $0x4000  }
0xe0: {  	[sflag:s18] =	ssyncset.done $0x0  }
0xe1: {  	[sflag:s18] =	ssyncadd.s32 $0xFFFFC000  }
0xe2: {  	_ =	swait.ge [sflag:s26], $0x4000  }
0xe3: {  	[sflag:s26] =	ssyncset.done $0x0  }
.Ltmp6:
0xe4: {  	[sflag:s26] =	ssyncadd.s32 $0xFFFFC000;
	(pc) =	sbr.rel .LBB2_11-.Ltmp6, $4  }
0xe5: {  	[spmem:s1] =	stream.indirect.scatter.add.f32 [tilespmem:s24], [sflag:$0x3], $0x80, s30, s22, $0xb8;
	[tilespmem:$0x1E880] =	vst v63  }
0xe6: {  	_ =	swait.ge [sflag:s18], $0x4000  }
0xe7: {  	[sflag:s18] =	ssyncset.done $0x0  }
0xe8: {  	s17 =	simm.s32 $0x0;
	[sflag:s18] =	ssyncadd.s32 $0xFFFFC000  }
.LBB2_2:
0xe9: {  	s2 =	simm.s32 $0x0  }
0xea: {  	[tilespmem:s23], [sflag:$0x3] =	stream.linear.gather [hbm4b:s3+s2], $0x4000, $0x38;
	[tilespmem:$0x1E880] =	vst v63  }
0xeb: {  	_ =	swait.ge [sflag:s18], $0x4000  }
0xec: {  	[sflag:s18] =	ssyncset.done $0x0  }
0xed: {  	s4 =	rddreg [dreg:$0x4];
	[sflag:s18] =	ssyncadd.s32 $0xFFFFC000  }
0xee: {  	[tilespmem:s21], [sflag:$0x3] =	stream.linear.gather [hbm4b:s4+s2], $0x1400, $0x38;
	[tilespmem:$0x1E880] =	vst v63  }
0xef: {  	_ =	swait.ge [sflag:s18], $0x1400  }
0xf0: {  	[sflag:s18] =	ssyncset.done $0x0  }
0xf1: {  	s10 =	simm.s32 $0x1400;
	[sflag:s18] =	ssyncadd.s32 $0xFFFFEC00  }
0xf2: {  	[spmem:s1] =	stream.indirect.scatter.add.f32 [tilespmem:s23], [sflag:$0x3], $0x80, s10, s22, $0xb8;
	[tilespmem:$0x1E880] =	vst v63  }
0xf3: {  	s4 =	simm.s32 $0x200;
	_ =	swait.ge [sflag:s18], $0x4000  }
.LBB2_3:
0xf4: {  	s2 =	sshra.s32 s4, $0x2;
	[sflag:s18] =	ssyncset.done $0x0;
	p3 =	seq.s32 s4, $0x4E00  }
.Ltmp7:
0xf5: {  	s2 =	sadd.s32 $0x1400, s2;
	[sflag:s18] =	ssyncadd.s32 $0xFFFFC000;
	(pc) =	sbr.rel @!p3 .LBB2_3-.Ltmp7, $3  }
0xf6: {  	[spmem:s1] =	stream.indirect.scatter.add.f32 [tilespmem:s23], [sflag:$0x3], $0x80, s2, s22, $0xb8;
	[tilespmem:$0x1E880] =	vst v63  }
0xf7: {  	s4 =	sadd.s32 $0x200, s4;
	_ =	sdelay $0x1  }
0xf8: {  	_ =	swait.ge [sflag:s18], $0x4000  }
0xf9: {  	[sflag:s18] =	ssyncset.done $0x0  }
0xfa: {  	[sflag:s18] =	ssyncadd.s32 $0xFFFFC000  }
.LBB2_11:
0xfb: {  	p3 =	seq.s32 s0, $0x1  }
0xfc: {  	p3 =	por p3, p2  }
.Ltmp8:
0xfd: {  	_ = 	snop;
	(pc) =	sbr.rel @p3 .LBB2_17-.Ltmp8, $1  }
0xfe: {  	_ =	sdelay $0x3  }
0xff: {  	s0 =	simm.s32 $0x0;
	s2 =	rddreg [dreg:$0x5]  }
0x100: {  	[tilespmem:s0], [sflag:$0x3] =	stream.linear.gather [hbm4b:s2+s0], $0x1400, $0x38;
	[tilespmem:$0x1E880] =	vst v63  }
0x101: {  	_ =	swait.ge [sflag:s18], $0x1400  }
0x102: {  	[sflag:s18] =	ssyncset.done $0x0  }
0x103: {  	[sflag:s18] =	ssyncadd.s32 $0xFFFFEC00  }
0x104: {  	[tilespmem:s21], [sflag:$0x3] =	stream.linear.gather [hbm4b:s11+s0], $0x1400, $0x38;
	[tilespmem:$0x1E880] =	vst v63  }
0x105: {  	_ =	swait.ge [sflag:s18], $0x1400  }
0x106: {  	[sflag:s18] =	ssyncset.done $0x0  }
0x107: {  	[sflag:s18] =	ssyncadd.s32 $0xFFFFEC00  }
0x108: {  	[tilespmem:s23], [sflag:$0x1] =	stream.indirect.gather [hbm4b:s5+s22], $0x80, s0, s22, $0xb8;
	[tilespmem:$0x1E880] =	vst v63  }
0x109: {  	s2 =	simm.s32 $0x80  }
0x10a: {  	[tilespmem:s24], [sflag:$0x2] =	stream.indirect.gather [hbm4b:s5+s22], $0x80, s2, s22, $0xb8;
	[tilespmem:$0x1E880] =	vst v63  }
0x10b: {  	_ =	swait.ge [sflag:s25], $0x4000  }
0x10c: {  	[sflag:s25] =	ssyncset.done $0x0  }
0x10d: {  	s4 =	simm.s32 $0x1400;
	[sflag:s25] =	ssyncadd.s32 $0xFFFFC000  }
0x10e: {  	[spmem:s1] =	stream.indirect.scatter.add.f32 [tilespmem:s23], [sflag:$0x3], $0x80, s4, s22, $0xb8;
	[tilespmem:$0x1E880] =	vst v63  }
0x10f: {  	_ =	swait.ge [sflag:s18], $0x4000  }
0x110: {  	[sflag:s18] =	ssyncset.done $0x0  }
0x111: {  	s9 =	simm.s32 $0x100;
	[sflag:s18] =	ssyncadd.s32 $0xFFFFC000  }
0x112: {  	[tilespmem:s23], [sflag:$0x1] =	stream.indirect.gather [hbm4b:s5+s22], $0x80, s9, s22, $0xb8;
	[tilespmem:$0x1E880] =	vst v63  }
0x113: {  	_ =	swait.ge [sflag:s26], $0x4000  }
0x114: {  	[sflag:s26] =	ssyncset.done $0x0  }
0x115: {  	s10 =	simm.s32 $0x1480;
	[sflag:s26] =	ssyncadd.s32 $0xFFFFC000  }
0x116: {  	[spmem:s1] =	stream.indirect.scatter.add.f32 [tilespmem:s24], [sflag:$0x3], $0x80, s10, s22, $0xb8;
	[tilespmem:$0x1E880] =	vst v63  }
0x117: {  	_ =	swait.ge [sflag:s18], $0x4000  }
0x118: {  	s0 =	simm.s32 $0x100;
	s2 =	simm.s32 $0x800;
	[sflag:s18] =	ssyncset.done $0x0  }
.LBB2_13:
0x119: {  	s4 =	sadd.s32 $0x80, s0  }
0x11a: {  	[sflag:s18] =	ssyncadd.s32 $0xFFFFC000;
	s9 =	smov.u32 s2;
	s10 =	sadd.s32 $0x400, s2  }
0x11b: {  	[tilespmem:s24], [sflag:$0x2] =	stream.indirect.gather [hbm4b:s5+s22], $0x80, s4, s22, $0xb8;
	[tilespmem:$0x1E880] =	vst v63  }
0x11c: {  	p3 =	sne.s32 s2, $0x4800;
	_ =	swait.ge [sflag:s25], $0x4000  }
0x11d: {  	[sflag:s25] =	ssyncset.done $0x0  }
0x11e: {  	s2 =	sadd.s32 $0x1400, s0;
	[sflag:s25] =	ssyncadd.s32 $0xFFFFC000  }
0x11f: {  	[spmem:s1] =	stream.indirect.scatter.add.f32 [tilespmem:s23], [sflag:$0x3], $0x80, s2, s22, $0xb8;
	[tilespmem:$0x1E880] =	vst v63  }
0x120: {  	_ =	swait.ge [sflag:s18], $0x4000  }
0x121: {  	[sflag:s18] =	ssyncset.done $0x0  }
0x122: {  	s2 =	sadd.s32 $0x100, s0;
	[sflag:s18] =	ssyncadd.s32 $0xFFFFC000  }
0x123: {  	[tilespmem:s23], [sflag:$0x1] =	stream.indirect.gather [hbm4b:s5+s22], $0x80, s2, s22, $0xb8;
	[tilespmem:$0x1E880] =	vst v63  }
0x124: {  	_ =	swait.ge [sflag:s26], $0x4000  }
.Ltmp9:
0x125: {  	[sflag:s26] =	ssyncset.done $0x0;
	(pc) =	sbr.rel @p3 .LBB2_13-.Ltmp9, $4  }
0x126: {  	s0 =	sadd.s32 $0x1480, s0;
	[sflag:s26] =	ssyncadd.s32 $0xFFFFC000  }
0x127: {  	[spmem:s1] =	stream.indirect.scatter.add.f32 [tilespmem:s24], [sflag:$0x3], $0x80, s0, s22, $0xb8;
	[tilespmem:$0x1E880] =	vst v63  }
0x128: {  	_ =	swait.ge [sflag:s18], $0x4000  }
0x129: {  	s2 =	smov.u32 s10;
	s0 =	sshra.s32 s9, $0x2;
	[sflag:s18] =	ssyncset.done $0x0  }
0x12a: {  	s2 =	sadd.s32 $0x80, s0;
	[sflag:s18] =	ssyncadd.s32 $0xFFFFC000  }
0x12b: {  	[tilespmem:s24], [sflag:$0x2] =	stream.indirect.gather [hbm4b:s5+s22], $0x80, s2, s22, $0xb8;
	[tilespmem:$0x1E880] =	vst v63  }
0x12c: {  	_ =	swait.ge [sflag:s25], $0x4000  }
0x12d: {  	[sflag:s25] =	ssyncset.done $0x0  }
0x12e: {  	s10 =	sadd.s32 $0x1400, s0;
	[sflag:s25] =	ssyncadd.s32 $0xFFFFC000  }
0x12f: {  	[spmem:s1] =	stream.indirect.scatter.add.f32 [tilespmem:s23], [sflag:$0x3], $0x80, s10, s22, $0xb8;
	[tilespmem:$0x1E880] =	vst v63  }
0x130: {  	_ =	swait.ge [sflag:s18], $0x4000  }
0x131: {  	[sflag:s18] =	ssyncset.done $0x0  }
0x132: {  	s4 =	sadd.s32 $0x100, s0;
	[sflag:s18] =	ssyncadd.s32 $0xFFFFC000  }
0x133: {  	[tilespmem:s23], [sflag:$0x1] =	stream.indirect.gather [hbm4b:s5+s22], $0x80, s4, s22, $0xb8;
	[tilespmem:$0x1E880] =	vst v63  }
0x134: {  	_ =	swait.ge [sflag:s26], $0x4000  }
0x135: {  	[sflag:s26] =	ssyncset.done $0x0  }
0x136: {  	s9 =	sadd.s32 $0x1480, s0;
	[sflag:s26] =	ssyncadd.s32 $0xFFFFC000  }
0x137: {  	[spmem:s1] =	stream.indirect.scatter.add.f32 [tilespmem:s24], [sflag:$0x3], $0x80, s9, s22, $0xb8;
	[tilespmem:$0x1E880] =	vst v63  }
0x138: {  	_ =	swait.ge [sflag:s18], $0x4000  }
0x139: {  	[sflag:s18] =	ssyncset.done $0x0  }
0x13a: {  	[sflag:s18] =	ssyncadd.s32 $0xFFFFC000  }
0x13b: {  	[tilespmem:s24], [sflag:$0x2] =	stream.indirect.gather [hbm4b:s5+s22], $0x80, s28, s22, $0xb8;
	[tilespmem:$0x1E880] =	vst v63  }
0x13c: {  	_ =	swait.ge [sflag:s25], $0x4000  }
0x13d: {  	[sflag:s25] =	ssyncset.done $0x0  }
0x13e: {  	[sflag:s25] =	ssyncadd.s32 $0xFFFFC000  }
0x13f: {  	[spmem:s1] =	stream.indirect.scatter.add.f32 [tilespmem:s23], [sflag:$0x3], $0x80, s29, s22, $0xb8;
	[tilespmem:$0x1E880] =	vst v63  }
0x140: {  	_ =	swait.ge [sflag:s18], $0x4000  }
0x141: {  	[sflag:s18] =	ssyncset.done $0x0  }
0x142: {  	[sflag:s18] =	ssyncadd.s32 $0xFFFFC000  }
0x143: {  	_ =	swait.ge [sflag:s26], $0x4000  }
0x144: {  	[sflag:s26] =	ssyncset.done $0x0  }
0x145: {  	[sflag:s26] =	ssyncadd.s32 $0xFFFFC000  }
0x146: {  	[spmem:s1] =	stream.indirect.scatter.add.f32 [tilespmem:s24], [sflag:$0x3], $0x80, s30, s22, $0xb8;
	[tilespmem:$0x1E880] =	vst v63  }
0x147: {  	_ =	swait.ge [sflag:s18], $0x4000  }
0x148: {  	[sflag:s18] =	ssyncset.done $0x0  }
0x149: {  	s10 =	simm.s32 $0x0;
	[sflag:s18] =	ssyncadd.s32 $0xFFFFC000  }
0x14a: {  	[tilespmem:s10], [sflag:$0x3] =	stream.linear.gather [hbm4b:s12+s10], $0x1400, $0x38;
	[tilespmem:$0x1E880] =	vst v63  }
0x14b: {  	_ =	swait.ge [sflag:s18], $0x1400  }
0x14c: {  	[sflag:s18] =	ssyncset.done $0x0  }
0x14d: {  	[sflag:s18] =	ssyncadd.s32 $0xFFFFEC00  }
0x14e: {  	[tilespmem:s21], [sflag:$0x3] =	stream.linear.gather [hbm4b:s13+s10], $0x1400, $0x38;
	[tilespmem:$0x1E880] =	vst v63  }
0x14f: {  	_ =	swait.ge [sflag:s18], $0x1400  }
0x150: {  	[sflag:s18] =	ssyncset.done $0x0  }
0x151: {  	[sflag:s18] =	ssyncadd.s32 $0xFFFFEC00  }
0x152: {  	[tilespmem:s23], [sflag:$0x1] =	stream.indirect.gather [hbm4b:s5+s22], $0x80, s10, s22, $0xb8;
	[tilespmem:$0x1E880] =	vst v63  }
0x153: {  	s2 =	simm.s32 $0x80  }
0x154: {  	[tilespmem:s24], [sflag:$0x2] =	stream.indirect.gather [hbm4b:s5+s22], $0x80, s2, s22, $0xb8;
	[tilespmem:$0x1E880] =	vst v63  }
0x155: {  	_ =	swait.ge [sflag:s25], $0x4000  }
0x156: {  	[sflag:s25] =	ssyncset.done $0x0  }
0x157: {  	s4 =	simm.s32 $0x1400;
	[sflag:s25] =	ssyncadd.s32 $0xFFFFC000  }
0x158: {  	[spmem:s1] =	stream.indirect.scatter.add.f32 [tilespmem:s23], [sflag:$0x3], $0x80, s4, s22, $0xb8;
	[tilespmem:$0x1E880] =	vst v63  }
0x159: {  	_ =	swait.ge [sflag:s18], $0x4000  }
0x15a: {  	[sflag:s18] =	ssyncset.done $0x0  }
0x15b: {  	s9 =	simm.s32 $0x100;
	[sflag:s18] =	ssyncadd.s32 $0xFFFFC000  }
0x15c: {  	[tilespmem:s23], [sflag:$0x1] =	stream.indirect.gather [hbm4b:s5+s22], $0x80, s9, s22, $0xb8;
	[tilespmem:$0x1E880] =	vst v63  }
0x15d: {  	_ =	swait.ge [sflag:s26], $0x4000  }
0x15e: {  	[sflag:s26] =	ssyncset.done $0x0  }
0x15f: {  	s10 =	simm.s32 $0x1480;
	[sflag:s26] =	ssyncadd.s32 $0xFFFFC000  }
0x160: {  	[spmem:s1] =	stream.indirect.scatter.add.f32 [tilespmem:s24], [sflag:$0x3], $0x80, s10, s22, $0xb8;
	[tilespmem:$0x1E880] =	vst v63  }
0x161: {  	_ =	swait.ge [sflag:s18], $0x4000  }
0x162: {  	s0 =	simm.s32 $0x100;
	s2 =	simm.s32 $0x800;
	[sflag:s18] =	ssyncset.done $0x0  }
.LBB2_15:
0x163: {  	s4 =	sadd.s32 $0x80, s0  }
0x164: {  	[sflag:s18] =	ssyncadd.s32 $0xFFFFC000;
	s9 =	smov.u32 s2;
	s10 =	sadd.s32 $0x400, s2  }
0x165: {  	[tilespmem:s24], [sflag:$0x2] =	stream.indirect.gather [hbm4b:s5+s22], $0x80, s4, s22, $0xb8;
	[tilespmem:$0x1E880] =	vst v63  }
0x166: {  	p3 =	sne.s32 s2, $0x4800;
	_ =	swait.ge [sflag:s25], $0x4000  }
0x167: {  	[sflag:s25] =	ssyncset.done $0x0  }
0x168: {  	s2 =	sadd.s32 $0x1400, s0;
	[sflag:s25] =	ssyncadd.s32 $0xFFFFC000  }
0x169: {  	[spmem:s1] =	stream.indirect.scatter.add.f32 [tilespmem:s23], [sflag:$0x3], $0x80, s2, s22, $0xb8;
	[tilespmem:$0x1E880] =	vst v63  }
0x16a: {  	_ =	swait.ge [sflag:s18], $0x4000  }
0x16b: {  	[sflag:s18] =	ssyncset.done $0x0  }
0x16c: {  	s2 =	sadd.s32 $0x100, s0;
	[sflag:s18] =	ssyncadd.s32 $0xFFFFC000  }
0x16d: {  	[tilespmem:s23], [sflag:$0x1] =	stream.indirect.gather [hbm4b:s5+s22], $0x80, s2, s22, $0xb8;
	[tilespmem:$0x1E880] =	vst v63  }
0x16e: {  	_ =	swait.ge [sflag:s26], $0x4000  }
.Ltmp10:
0x16f: {  	[sflag:s26] =	ssyncset.done $0x0;
	(pc) =	sbr.rel @p3 .LBB2_15-.Ltmp10, $4  }
0x170: {  	s0 =	sadd.s32 $0x1480, s0;
	[sflag:s26] =	ssyncadd.s32 $0xFFFFC000  }
0x171: {  	[spmem:s1] =	stream.indirect.scatter.add.f32 [tilespmem:s24], [sflag:$0x3], $0x80, s0, s22, $0xb8;
	[tilespmem:$0x1E880] =	vst v63  }
0x172: {  	_ =	swait.ge [sflag:s18], $0x4000  }
0x173: {  	s2 =	smov.u32 s10;
	s0 =	sshra.s32 s9, $0x2;
	[sflag:s18] =	ssyncset.done $0x0  }
.Ltmp11:
0x174: {  	_ = 	snop;
	(pc) =	sbr.rel .LBB2_16-.Ltmp11, $1  }
0x175: {  	_ =	sdelay $0x3  }
.LBB2_18:
0x176: {  	_ =	sfence.sel $0x180000  }
0x177: {  	[bflag:$0x0] =	sbarrier.arrive $0xFFFF  }
0x178: {  	_ =	strace $0x9000004A  }
0x179: {  	s0 =	stileid.u32;
	[bflag:$0x2] =	sbarrier.arrive $0xFFFF  }
0x17a: {  	p0 =	sne.s32 s0, $0x0;
	s0 =	rddreg [dreg:$0x3]  }
0x17b: {  	s0 =	sadd.s32 @!p0 $0x100000, s0  }
0x17c: {  	[sflag:s0] =	ssyncadd.tile.s32 @!p0 $0x1;
	_ =	shalt  }
.Lfunc_end2:
_tile_overlayer_lowered:
.L_overlay_start_2:
0x17d: {  	(tag) =	ssettag $0x2  }
0x17e: {  	s0 =	rddreg [dreg:$0x0];
	s2 =	stileid.u32  }
0x17f: {  	s1 =	rddreg [dreg:$0x1];
	p0 =	sne.s32 s2, $0x0  }
0x180: {  	s3 =	rddreg [dreg:$0x2];
	[bflag:$0x3] =	sbarrier.arrive $0xFFFF;
	s2 =	simm.s32 @!p0 $0x1C03  }
0x181: {  	[timem:s3], [sflag:s2] =	dma.local @!p0 [hbm:s0], s1  }
0x182: {  	s0 =	simm.s32 @!p0 $0x3  }
0x183: {  	_ =	swait.ge @!p0 [sflag:s0], s1  }
0x184: {  	s1 =	ssub.s32 @!p0 $0x0, s1;
	[sflag:s0] =	ssyncset.done @!p0 $0x0  }
0x185: {  	[sflag:s0] =	ssyncadd.s32 @!p0 s1  }
0x186: {  	[bflag:$0x3] =	sbarrier.arrive $0xFFFF  }
0x187: {  	_ =	shalt  }

</sc_bundles>
